<compile_context>
chip_gen: v7x
topology: tpu7x:2x2x1
jax: 0.10.2.dev20260603
libtpu: 0.0.44.dev20260713+nightly
codegen_flags: <defaults>
</compile_context>

<pallas_src>
import functools

import jax
import jax.numpy as jnp
from jax import lax
from jax.experimental import pallas as pl
from jax.experimental.pallas import tpu as pltpu
from jax.experimental.pallas import tpu_sc as plsc

N = 10000
E = 320000
H = 128
SEQ = 12

NC = 2
NS = 16
NW = NC * NS
EPT = 10240
E_PAD = NW * EPT
NH = 2
EPH = E_PAD // NH
EPTH = EPT // NH
CG = 256
CS = 256
RPS = N // NS

RB = 1000
EB = 2048

_f32 = jnp.float32



@functools.cache
def _sc_kernels():
    mesh = plsc.VectorSubcoreMesh(core_axis_name="c", subcore_axis_name="s",
                                  num_cores=NC, num_subcores=NS)

    NCH = EPTH // 128

    def make_gather(h):
        @functools.partial(
            pl.kernel,
            out_type=(jax.ShapeDtypeStruct((EPH, H), _f32),
                      jax.ShapeDtypeStruct((EPH, H), _f32)),
            mesh=mesh,
            scratch_types=(
                pltpu.VMEM((1, 128), jnp.int32),
                pltpu.VMEM((1, 128), jnp.int32),
                pltpu.VMEM((128, H), _f32),
                pltpu.VMEM((128, H), _f32),
                pltpu.VMEM_SHARED((N, H), _f32),
                pltpu.SemaphoreType.DMA,
                pltpu.SemaphoreType.DMA,
                pltpu.SemaphoreType.DMA,
                pltpu.SemaphoreType.DMA,
                pltpu.SemaphoreType.DMA,
                pltpu.SemaphoreType.DMA,
            ),
        )
        def _sc_gather(t_hbm, dst_hbm, src_hbm, td_hbm, ts_hbm,
                       ib0, ib1, r0, r1, tab,
                       is0, is1, gs0, gs1, ws0, ws1):
            c = lax.axis_index("c")
            s = lax.axis_index("s")
            wid = s * NC + c
            row0 = h * (EPH // 128) + wid * NCH

            @pl.when(s == 0)
            def _stage():
                pltpu.sync_copy(t_hbm, tab)
            plsc.subcore_barrier()

            pltpu.sync_copy(dst_hbm.at[pl.ds(row0, 1)], ib0)
            pltpu.sync_copy(src_hbm.at[pl.ds(row0, 1)], ib1)

            lanes = ((dst_hbm, td_hbm, ib0, r0, is0, gs0, ws0),
                     (src_hbm, ts_hbm, ib1, r1, is1, gs1, ws1))

            def body(g, carry):
                eoff = wid * EPTH + g * 128
                for (ih, oh, ib, rv, isem, gsem, wsem) in lanes:
                    @pl.when(g >= 1)
                    def _wait_prev():
                        pltpu.make_async_copy(
                            ih.at[pl.ds(0, 1)], ib, isem).wait()
                        pltpu.make_async_copy(
                            rv, oh.at[pl.ds(0, 128)], wsem).wait()
                    pltpu.async_copy(tab.at[ib.at[0]], rv, gsem).wait()

                    @pl.when(g + 1 < NCH)
                    def _next_idx():
                        pltpu.async_copy(
                            ih.at[pl.ds(row0 + g + 1, 1)], ib, isem)
                    pltpu.async_copy(rv, oh.at[pl.ds(eoff, 128)], wsem)
                return carry

            lax.fori_loop(0, NCH, body, 0)
            pltpu.make_async_copy(r0, td_hbm.at[pl.ds(0, 128)], ws0).wait()
            pltpu.make_async_copy(r1, ts_hbm.at[pl.ds(0, 128)], ws1).wait()

        return _sc_gather

    def make_scatter(h):
        @functools.partial(
            pl.kernel,
            out_type=jax.ShapeDtypeStruct((2 * N, H), _f32),
            mesh=mesh,
            scratch_types=(
                pltpu.VMEM((1, 128), jnp.int32),
                pltpu.VMEM((1, 128), jnp.int32),
                pltpu.VMEM((128, H), _f32),
                pltpu.VMEM((128, H), _f32),
                pltpu.VMEM_SHARED((N, H), _f32),
                pltpu.SemaphoreType.DMA,
                pltpu.SemaphoreType.DMA,
                pltpu.SemaphoreType.DMA,
                pltpu.SemaphoreType.DMA,
            ),
        )
        def _sc_scatter(y_hbm, dst_hbm, zeros_hbm, out_hbm,
                        ib0, ib1, y0, y1, accum, is0, is1, ys0, ys1):
            c = lax.axis_index("c")
            s = lax.axis_index("s")
            wid = s * NC + c
            row0 = h * (EPH // 128) + wid * NCH

            @pl.when(s == 0)
            def _zero():
                pltpu.sync_copy(zeros_hbm, accum)
            plsc.subcore_barrier()

            pltpu.sync_copy(dst_hbm.at[pl.ds(row0, 1)], ib0)
            pltpu.sync_copy(y_hbm.at[pl.ds(wid * EPTH, 128)], y0)

            bufs = ((ib0, y0, is0, ys0), (ib1, y1, is1, ys1))

            def outer(gg, carry):
                for b in (0, 1):
                    ib, yv, isem, ysem = bufs[b]
                    nib, nyv, nisem, nysem = bufs[1 - b]
                    g = gg * 2 + b

                    @pl.when(g >= 1)
                    def _wait_loads():
                        pltpu.make_async_copy(
                            dst_hbm.at[pl.ds(0, 1)], ib, isem).wait()
                        pltpu.make_async_copy(
                            y_hbm.at[pl.ds(0, 128)], yv, ysem).wait()

                    @pl.when(g + 1 < NCH)
                    def _next_loads():
                        pltpu.async_copy(
                            dst_hbm.at[pl.ds(row0 + g + 1, 1)], nib, nisem)
                        pltpu.async_copy(
                            y_hbm.at[pl.ds(wid * EPTH + (g + 1) * 128, 128)],
                            nyv, nysem)

                    pltpu.sync_copy(yv, accum.at[ib.at[0]], add=True)
                return carry

            lax.fori_loop(0, NCH // 2, outer, 0)
            plsc.subcore_barrier()

            @pl.when(s == 0)
            def _writeback():
                pltpu.sync_copy(accum, out_hbm.at[pl.ds(c * N, N)])

        return _sc_scatter

    return ([make_gather(h) for h in range(NH)],
            [make_scatter(h) for h in range(NH)])



def _full2(shape):
    return pl.BlockSpec(shape, lambda i: (0, 0))


def _rows(shape):
    return pl.BlockSpec(shape, lambda i: (i, 0))


def _dot(a, b):
    return jnp.dot(a, b, preferred_element_type=_f32)


def _dotx(a, b):
    return jnp.dot(a, b, preferred_element_type=_f32,
                   precision=lax.Precision.HIGHEST)


def _encode_body(x_ref, win_ref, bin_ref, wt10_ref, bt10_ref, wt20_ref,
                 bt20_ref, wt11_ref, bt11_ref, wt21_ref, bt21_ref,
                 wpq_ref, h_ref, t_ref):
    h = _dotx(x_ref[0], win_ref[0:H, :])
    for k in range(1, SEQ):
        h = h + _dotx(x_ref[k], win_ref[k * H:(k + 1) * H, :])
    h = h + bin_ref[...]
    h = _dotx(jax.nn.relu(_dotx(h, wt10_ref[...]) + bt10_ref[...]),
             wt20_ref[...]) + bt20_ref[...]
    h = _dotx(jax.nn.relu(_dotx(h, wt11_ref[...]) + bt11_ref[...]),
             wt21_ref[...]) + bt21_ref[...]
    h_ref[...] = h
    t_ref[...] = _dotx(h, wpq_ref[...])


def _tc_encode(xt, W_in, b_in, Wt1_0, bt1_0, Wt2_0, bt2_0,
               Wt1_1, bt1_1, Wt2_1, bt2_1, Wpq):
    return pl.pallas_call(
        _encode_body,
        grid=(N // RB,),
        in_specs=[
            pl.BlockSpec((SEQ, RB, H), lambda i: (0, i, 0)),
            _full2((SEQ * H, H)), _full2((1, H)),
            _full2((H, H)), _full2((1, H)), _full2((H, H)), _full2((1, H)),
            _full2((H, H)), _full2((1, H)), _full2((H, H)), _full2((1, H)),
            _full2((H, H)),
        ],
        out_specs=[_rows((RB, H)), _rows((RB, H))],
        out_shape=[jax.ShapeDtypeStruct((N, H), _f32),
                   jax.ShapeDtypeStruct((N, H), _f32)],
    )(xt, W_in, b_in.reshape(1, H), Wt1_0, bt1_0.reshape(1, H),
      Wt2_0, bt2_0.reshape(1, H), Wt1_1, bt1_1.reshape(1, H),
      Wt2_1, bt2_1.reshape(1, H), Wpq)


def _idx_body(ei_ref, dst_ref, src_ref):
    z = jnp.zeros((E_PAD // 128 - E // 128, 128), jnp.int32)
    dst_ref[...] = jnp.concatenate([ei_ref[1], z], axis=0)
    src_ref[...] = jnp.concatenate([ei_ref[0], z], axis=0)


def _tc_idx(ei3):
    return pl.pallas_call(
        _idx_body,
        out_shape=[jax.ShapeDtypeStruct((E_PAD // 128, 128), jnp.int32),
                   jax.ShapeDtypeStruct((E_PAD // 128, 128), jnp.int32)],
    )(ei3)


def _make_edge_body(row0):
    def _edge_body(td_ref, ts_ref, bm1_ref, wm2_ref, bm2_ref, wg_ref,
                   bg_ref, y_ref):
        t = td_ref[:, :64] + ts_ref[:, 64:] + bm1_ref[...]
        m1 = t * jax.nn.sigmoid(t)
        m = _dot(m1, wm2_ref[...]) + bm2_ref[...]
        m = m * jax.nn.sigmoid(m)
        g = jax.nn.sigmoid(
            jnp.sum(m * wg_ref[...], axis=1, keepdims=True) + bg_ref[...])
        y = g * m
        if row0 + EPH > E:
            rows = (row0 + pl.program_id(0) * EB
                    + lax.broadcasted_iota(jnp.int32, (EB, 1), 0))
            y = jnp.where(rows < E, y, 0.0)
        y_ref[...] = y
    return _edge_body


def _tc_edge(row0, td, ts, bm1, Wm2, bm2, Wg, bg):
    return pl.pallas_call(
        _make_edge_body(row0),
        grid=(EPH // EB,),
        in_specs=[
            _rows((EB, H)), _rows((EB, H)),
            _full2((1, 64)), _full2((64, H)), _full2((1, H)),
            _full2((1, H)), _full2((1, 1)),
        ],
        out_specs=_rows((EB, H)),
        out_shape=jax.ShapeDtypeStruct((EPH, H), _f32),
    )(td, ts, bm1.reshape(1, 64), Wm2, bm2.reshape(1, H),
      Wg.reshape(1, H), bg.reshape(1, 1))


def _update_mid_body(*refs):
    (h_ref, wu1a_ref, wu1b_ref, bu1_ref, wu2_ref, bu2_ref, wpq_ref,
     h2_ref, t_ref) = refs[2 * NH:]
    agg = refs[0][...]
    for r in refs[1:2 * NH]:
        agg = agg + r[...]
    h = h_ref[...]
    u = _dotx(agg, wu1a_ref[...]) + _dotx(h, wu1b_ref[...]) + bu1_ref[...]
    u = u * jax.nn.sigmoid(u)
    h2 = _dotx(u, wu2_ref[...]) + bu2_ref[...] + h
    h2_ref[...] = h2
    t_ref[...] = _dotx(h2, wpq_ref[...])


def _partial_specs():
    specs = []
    for _ in range(NH):
        specs.append(_rows((RB, H)))
        specs.append(pl.BlockSpec((RB, H), lambda i: (i + N // RB, 0)))
    return specs


def _partial_args(ps):
    args = []
    for p in ps:
        args.extend((p, p))
    return args


def _tc_update_mid(ps, h, Wu1a, Wu1b, bu1, Wu2, bu2, Wpq):
    return pl.pallas_call(
        _update_mid_body,
        grid=(N // RB,),
        in_specs=_partial_specs() + [
            _rows((RB, H)),
            _full2((H, H)), _full2((H, H)), _full2((1, H)),
            _full2((H, H)), _full2((1, H)),
            _full2((H, H)),
        ],
        out_specs=[_rows((RB, H)), _rows((RB, H))],
        out_shape=[jax.ShapeDtypeStruct((N, H), _f32),
                   jax.ShapeDtypeStruct((N, H), _f32)],
    )(*_partial_args(ps), h, Wu1a, Wu1b, bu1.reshape(1, H), Wu2,
      bu2.reshape(1, H), Wpq)


def _update_final_body(*refs):
    (h_ref, wu1a_ref, wu1b_ref, bu1_ref, wu2_ref, bu2_ref, lng_ref,
     lnb_ref, wout_ref, bout_ref, o_ref) = refs[2 * NH:]
    agg = refs[0][...]
    for r in refs[1:2 * NH]:
        agg = agg + r[...]
    h = h_ref[...]
    u = _dotx(agg, wu1a_ref[...]) + _dotx(h, wu1b_ref[...]) + bu1_ref[...]
    u = u * jax.nn.sigmoid(u)
    h2 = _dotx(u, wu2_ref[...]) + bu2_ref[...] + h
    mu = jnp.mean(h2, axis=1, keepdims=True)
    var = jnp.mean((h2 - mu) ** 2, axis=1, keepdims=True)
    hn = ((h2 - mu) / jnp.sqrt(var + 1e-5)) * lng_ref[...] + lnb_ref[...]
    o_ref[...] = (jnp.sum(hn * wout_ref[...], axis=1, keepdims=True)
                  + bout_ref[...])


def _tc_update_final(ps, h, Wu1a, Wu1b, bu1, Wu2, bu2,
                     ln_g, ln_b, W_out, b_out):
    return pl.pallas_call(
        _update_final_body,
        grid=(N // RB,),
        in_specs=_partial_specs() + [
            _rows((RB, H)),
            _full2((H, H)), _full2((H, H)), _full2((1, H)),
            _full2((H, H)), _full2((1, H)),
            _full2((1, H)), _full2((1, H)), _full2((1, H)), _full2((1, 1)),
        ],
        out_specs=_rows((RB, 1)),
        out_shape=jax.ShapeDtypeStruct((N, 1), _f32),
    )(*_partial_args(ps), h, Wu1a, Wu1b, bu1.reshape(1, H), Wu2,
      bu2.reshape(1, H), ln_g.reshape(1, H), ln_b.reshape(1, H),
      W_out.reshape(1, H), b_out.reshape(1, 1))



def kernel(x, edge_index, W_in, b_in, Wt1_0, bt1_0, Wt2_0, bt2_0,
           Wt1_1, bt1_1, Wt2_1, bt2_1,
           Wm1_0, bm1_0, Wm2_0, bm2_0, Wg_0, bg_0, Wu1_0, bu1_0, Wu2_0, bu2_0,
           Wm1_1, bm1_1, Wm2_1, bm2_1, Wg_1, bg_1, Wu1_1, bu1_1, Wu2_1, bu2_1,
           ln_g, ln_b, W_out, b_out):
    ei3 = edge_index.reshape(2, E // 128, 128)
    dst_p, src_p = _tc_idx(ei3)
    zeros_nh = jnp.zeros((N, H), _f32)
    Wpq_0 = jnp.concatenate([Wm1_0[:H], Wm1_0[H:]], axis=1)
    Wpq_1 = jnp.concatenate([Wm1_1[:H], Wm1_1[H:]], axis=1)

    blocks = [
        (bm1_0, Wm2_0, bm2_0, Wg_0, bg_0, Wu1_0, bu1_0, Wu2_0, bu2_0),
        (bm1_1, Wm2_1, bm2_1, Wg_1, bg_1, Wu1_1, bu1_1, Wu2_1, bu2_1),
    ]

    h, t = _tc_encode(x.transpose(1, 0, 2), W_in, b_in,
                      Wt1_0, bt1_0, Wt2_0, bt2_0,
                      Wt1_1, bt1_1, Wt2_1, bt2_1, Wpq_0)

    gathers, scatters = _sc_kernels()
    for i in (0, 1):
        (bm1, Wm2, bm2, Wg, bg, Wu1, bu1, Wu2, bu2) = blocks[i]
        ps = []
        for hh in range(NH):
            td, ts = gathers[hh](t, dst_p, src_p)
            y = _tc_edge(hh * EPH, td, ts, bm1, Wm2, bm2, Wg, bg)
            ps.append(scatters[hh](y, dst_p, zeros_nh))
        if i == 0:
            h, t = _tc_update_mid(ps, h, Wu1[:H], Wu1[H:], bu1,
                                  Wu2, bu2, Wpq_1)
        else:
            out = _tc_update_final(ps, h, Wu1[:H], Wu1[H:], bu1,
                                   Wu2, bu2, ln_g, ln_b, W_out, b_out)
    return out[:, 0]

# --- scband reference (transcript-rebuilt; emitter-appended) ---
"""Pipeline reference for scband-ggnadapter-28295244546287 (READ-ONLY COPY).

The authoritative reference and input builder live on the scoring server;
editing this copy changes nothing except your own understanding.
"""

import jax, jax.numpy as jnp
import numpy as np

N = 10000
E = 320000
H = 128
SEQ = 12

def _lin(key, fan_in, fan_out):
    k1, k2 = jax.random.split(key)
    lim = 1.0 / np.sqrt(fan_in)
    W = jax.random.uniform(k1, (fan_in, fan_out), minval=-lim, maxval=lim, dtype=jnp.float32)
    b = jax.random.uniform(k2, (fan_out,), minval=-lim, maxval=lim, dtype=jnp.float32)
    return W, b

def setup_inputs(seed=0):
    key = jax.random.key(seed)
    ks = jax.random.split(key, 24)
    inp = {}
    inp["x"] = jax.random.normal(ks[0], (N, SEQ, H), dtype=jnp.float32)
    inp["edge_index"] = jax.random.randint(ks[1], (2, E), 0, N, dtype=jnp.int32)
    inp["W_in"], inp["b_in"] = _lin(ks[2], H * SEQ, H)
    kc = 3
    for i in range(2):
        inp["Wt1_%d" % i], inp["bt1_%d" % i] = _lin(ks[kc], H, H); kc += 1
        inp["Wt2_%d" % i], inp["bt2_%d" % i] = _lin(ks[kc], H, H); kc += 1
    for i in range(2):
        inp["Wm1_%d" % i], inp["bm1_%d" % i] = _lin(ks[kc], 2 * H, H // 2); kc += 1
        inp["Wm2_%d" % i], inp["bm2_%d" % i] = _lin(ks[kc], H // 2, H); kc += 1
        inp["Wg_%d" % i], inp["bg_%d" % i] = _lin(ks[kc], H, 1); kc += 1
        inp["Wu1_%d" % i], inp["bu1_%d" % i] = _lin(ks[kc], 2 * H, H); kc += 1
        inp["Wu2_%d" % i], inp["bu2_%d" % i] = _lin(ks[kc], H, H); kc += 1
    inp["ln_g"] = jnp.ones((H,), dtype=jnp.float32)
    inp["ln_b"] = jnp.zeros((H,), dtype=jnp.float32)
    inp["W_out"], inp["b_out"] = _lin(ks[kc], H, 1)
    return inp

def _forward(x, edge_index, p):
    n = x.shape[0]
    # input encoder over flattened temporal window
    h = x.reshape(n, -1) @ p["W_in"] + p["b_in"]
    # temporal MLP blocks: Linear -> ReLU -> Linear
    for i in range(2):
        h = jax.nn.relu(h @ p["Wt1_%d" % i] + p["bt1_%d" % i]) @ p["Wt2_%d" % i] + p["bt2_%d" % i]
    src = edge_index[0]
    dst = edge_index[1]
    # GatedGraphNetwork spatial blocks (tsl, aggr='add', activation=silu, identity skip)
    for i in range(2):
        x_j = h[src]
        x_i = h[dst]
        m = jax.nn.silu(jnp.concatenate([x_i, x_j], axis=-1) @ p["Wm1_%d" % i] + p["bm1_%d" % i])
        m = jax.nn.silu(m @ p["Wm2_%d" % i] + p["bm2_%d" % i])
        gate = jax.nn.sigmoid(m @ p["Wg_%d" % i] + p["bg_%d" % i])
        agg = jax.ops.segment_sum(gate * m, dst, num_segments=n)
        h = jax.nn.silu(jnp.concatenate([agg, h], axis=-1) @ p["Wu1_%d" % i] + p["bu1_%d" % i]) @ p["Wu2_%d" % i] + p["bu2_%d" % i] + h
    # LayerNorm (biased variance, eps=1e-5, like torch)
    mu = jnp.mean(h, axis=-1, keepdims=True)
    var = jnp.var(h, axis=-1, keepdims=True)
    hn = (h - mu) / jnp.sqrt(var + 1e-5) * p["ln_g"] + p["ln_b"]
    out = hn @ p["W_out"] + p["b_out"]
    return out[:, 0]

def reference(x, edge_index, W_in, b_in,
              Wt1_0, bt1_0, Wt2_0, bt2_0,
              Wt1_1, bt1_1, Wt2_1, bt2_1,
              Wm1_0, bm1_0, Wm2_0, bm2_0, Wg_0, bg_0, Wu1_0, bu1_0, Wu2_0, bu2_0,
              Wm1_1, bm1_1, Wm2_1, bm2_1, Wg_1, bg_1, Wu1_1, bu1_1, Wu2_1, bu2_1,
              ln_g, ln_b, W_out, b_out):
    p = dict(locals())
    p.pop("x")
    p.pop("edge_index")
    return _forward(x, edge_index, p)

if __name__ == "__main__":
    import jax
    _d = setup_inputs()
    print(jax.jit(kernel)(*tuple(_d.values())))

</pallas_src>

<mosaic_0001>
#map = affine_map<(d0, d1) -> (0, 0)>
module attributes {stable_mosaic.version = 14 : i64} {
  func.func @_sc_gather(%arg0: i32, %arg1: i32, %arg2: memref<10000x128xf32, #tpu.memory_space<hbm>>, %arg3: memref<2560x128xi32, #tpu.memory_space<hbm>>, %arg4: memref<2560x128xi32, #tpu.memory_space<hbm>>, %arg5: memref<163840x128xf32, #tpu.memory_space<hbm>>, %arg6: memref<163840x128xf32, #tpu.memory_space<hbm>>, %arg7: memref<1x128xi32, #tpu.memory_space<vmem>>, %arg8: memref<1x128xi32, #tpu.memory_space<vmem>>, %arg9: memref<128x128xf32, #tpu.memory_space<vmem>>, %arg10: memref<128x128xf32, #tpu.memory_space<vmem>>, %arg11: memref<10000x128xf32, #tpu.memory_space<vmem_shared>>, %arg12: memref<!tpu.dma_semaphore, #tpu.memory_space<semaphore_mem>>, %arg13: memref<!tpu.dma_semaphore, #tpu.memory_space<semaphore_mem>>, %arg14: memref<!tpu.dma_semaphore, #tpu.memory_space<semaphore_mem>>, %arg15: memref<!tpu.dma_semaphore, #tpu.memory_space<semaphore_mem>>, %arg16: memref<!tpu.dma_semaphore, #tpu.memory_space<semaphore_mem>>, %arg17: memref<!tpu.dma_semaphore, #tpu.memory_space<semaphore_mem>>) attributes {dimension_semantics = [#tpu.dimension_semantics<core_parallel>, #tpu.dimension_semantics<subcore_parallel>], iteration_bounds = array<i64: 2, 16>, scalar_prefetch = 0 : i64, scratch_operands = 11 : i64, tpu.core_type = #tpu.core_type<sc_vector_subcore>, window_params = [{transform_indices = #map}, {transform_indices = #map}, {transform_indices = #map}, {transform_indices = #map}, {transform_indices = #map}]} {
    %mul3A = arith.constant 2 : i32
    %mul3A_0 = arith.muli %arg1, %mul3A : i32
    %add3A = arith.addi %mul3A_0, %arg0 : i32
    %mul3A_1 = arith.constant 40 : i32
    %mul3A_2 = arith.muli %add3A, %mul3A_1 : i32
    %add3A_3 = arith.constant 1280 : i32
    %add3A_4 = arith.addi %add3A_3, %mul3A_2 : i32
    %eq3A = arith.constant 0 : i32
    %eq3A_5 = arith.cmpi eq, %arg1, %eq3A : i32
    %convert_element_type3A = arith.extui %eq3A_5 : i1 to i32
    %cond3A = arith.constant 0 : i32
    %cond3A_6 = arith.cmpi ne, %convert_element_type3A, %cond3A : i32
    scf.if %cond3A_6 {
      "tpu.region"() ({
        %run_scoped3A = tpu.sem_alloc : memref<!tpu.dma_semaphore, #tpu.memory_space<semaphore_mem>>
        tpu.enqueue_dma source(%arg2 : memref<10000x128xf32, #tpu.memory_space<hbm>>) target(%arg11 : memref<10000x128xf32, #tpu.memory_space<vmem_shared>>) target_semaphore(%run_scoped3A : memref<!tpu.dma_semaphore, #tpu.memory_space<semaphore_mem>>)
        tpu.wait_dma2 semaphore(%run_scoped3A : memref<!tpu.dma_semaphore, #tpu.memory_space<semaphore_mem>>) src(%arg2 : memref<10000x128xf32, #tpu.memory_space<hbm>>) dst(%arg11 : memref<10000x128xf32, #tpu.memory_space<vmem_shared>>)
        tpu.yield
      }) : () -> ()
    } else {
    }
    %barrier3A = arith.constant 0 : index
    tpu.barrier barrier_id(%barrier3A)
    "tpu.region"() ({
      %run_scoped3A = tpu.sem_alloc : memref<!tpu.dma_semaphore, #tpu.memory_space<semaphore_mem>>
      %dma_start3A = arith.constant 0 : i32
      %dma_start3A_23 = tpu.memref_slice %arg3[%add3A_4, %dma_start3A] : memref<2560x128xi32, #tpu.memory_space<hbm>> -> memref<1x128xi32, #tpu.memory_space<hbm>>
      %dma_start3A_24 = arith.constant 0 : i32
      %dma_start3A_25 = tpu.memref_slice %arg3[%add3A_4, %dma_start3A_24] : memref<2560x128xi32, #tpu.memory_space<hbm>> -> memref<1x128xi32, #tpu.memory_space<hbm>>
      tpu.enqueue_dma source(%dma_start3A_25 : memref<1x128xi32, #tpu.memory_space<hbm>>) target(%arg7 : memref<1x128xi32, #tpu.memory_space<vmem>>) target_semaphore(%run_scoped3A : memref<!tpu.dma_semaphore, #tpu.memory_space<semaphore_mem>>)
      %dma_wait3A_26 = arith.constant 0 : i32
      %dma_wait3A_27 = tpu.memref_slice %arg3[%add3A_4, %dma_wait3A_26] : memref<2560x128xi32, #tpu.memory_space<hbm>> -> memref<1x128xi32, #tpu.memory_space<hbm>>
      %dma_wait3A_28 = arith.constant 0 : i32
      %dma_wait3A_29 = tpu.memref_slice %arg3[%add3A_4, %dma_wait3A_28] : memref<2560x128xi32, #tpu.memory_space<hbm>> -> memref<1x128xi32, #tpu.memory_space<hbm>>
      tpu.wait_dma2 semaphore(%run_scoped3A : memref<!tpu.dma_semaphore, #tpu.memory_space<semaphore_mem>>) src(%dma_wait3A_29 : memref<1x128xi32, #tpu.memory_space<hbm>>) dst(%arg7 : memref<1x128xi32, #tpu.memory_space<vmem>>)
      tpu.yield
    }) : () -> ()
    "tpu.region"() ({
      %run_scoped3A = tpu.sem_alloc : memref<!tpu.dma_semaphore, #tpu.memory_space<semaphore_mem>>
      %dma_start3A = arith.constant 0 : i32
      %dma_start3A_23 = tpu.memref_slice %arg4[%add3A_4, %dma_start3A] : memref<2560x128xi32, #tpu.memory_space<hbm>> -> memref<1x128xi32, #tpu.memory_space<hbm>>
      %dma_start3A_24 = arith.constant 0 : i32
      %dma_start3A_25 = tpu.memref_slice %arg4[%add3A_4, %dma_start3A_24] : memref<2560x128xi32, #tpu.memory_space<hbm>> -> memref<1x128xi32, #tpu.memory_space<hbm>>
      tpu.enqueue_dma source(%dma_start3A_25 : memref<1x128xi32, #tpu.memory_space<hbm>>) target(%arg8 : memref<1x128xi32, #tpu.memory_space<vmem>>) target_semaphore(%run_scoped3A : memref<!tpu.dma_semaphore, #tpu.memory_space<semaphore_mem>>)
      %dma_wait3A_26 = arith.constant 0 : i32
      %dma_wait3A_27 = tpu.memref_slice %arg4[%add3A_4, %dma_wait3A_26] : memref<2560x128xi32, #tpu.memory_space<hbm>> -> memref<1x128xi32, #tpu.memory_space<hbm>>
      %dma_wait3A_28 = arith.constant 0 : i32
      %dma_wait3A_29 = tpu.memref_slice %arg4[%add3A_4, %dma_wait3A_28] : memref<2560x128xi32, #tpu.memory_space<hbm>> -> memref<1x128xi32, #tpu.memory_space<hbm>>
      tpu.wait_dma2 semaphore(%run_scoped3A : memref<!tpu.dma_semaphore, #tpu.memory_space<semaphore_mem>>) src(%dma_wait3A_29 : memref<1x128xi32, #tpu.memory_space<hbm>>) dst(%arg8 : memref<1x128xi32, #tpu.memory_space<vmem>>)
      tpu.yield
    }) : () -> ()
    %scan3A = arith.constant 0 : i32
    %scan3A_7 = arith.constant 0 : i32
    %scan3A_8 = arith.constant 40 : i32
    %scan3A_9 = arith.addi %scan3A_7, %scan3A_8 : i32
    %scan3A_10 = arith.constant 1 : i32
    scf.for %scan3A_23 = %scan3A_7 to %scan3A_9 step %scan3A_10  : i32 {
      %mul3A_24 = arith.constant 5120 : i32
      %mul3A_25 = arith.muli %add3A, %mul3A_24 : i32
      %mul3A_26 = arith.constant 128 : i32
      %mul3A_27 = arith.muli %scan3A_23, %mul3A_26 : i32
      %add3A_28 = arith.addi %mul3A_25, %mul3A_27 : i32
      %ge3A = arith.constant 1 : i32
      %ge3A_29 = arith.cmpi sge, %scan3A_23, %ge3A : i32
      %convert_element_type3A_30 = arith.extui %ge3A_29 : i1 to i32
      %cond3A_31 = arith.constant 0 : i32
      %cond3A_32 = arith.cmpi ne, %convert_element_type3A_30, %cond3A_31 : i32
      scf.if %cond3A_32 {
        %dma_wait3A_86 = arith.constant 0 : i32
        %dma_wait3A_87 = arith.constant 0 : i32
        %dma_wait3A_88 = tpu.memref_slice %arg3[%dma_wait3A_86, %dma_wait3A_87] : memref<2560x128xi32, #tpu.memory_space<hbm>> -> memref<1x128xi32, #tpu.memory_space<hbm>>
        %dma_wait3A_89 = arith.constant 0 : i32
        %dma_wait3A_90 = arith.constant 0 : i32
        %dma_wait3A_91 = tpu.memref_slice %arg3[%dma_wait3A_89, %dma_wait3A_90] : memref<2560x128xi32, #tpu.memory_space<hbm>> -> memref<1x128xi32, #tpu.memory_space<hbm>>
        tpu.wait_dma2 semaphore(%arg12 : memref<!tpu.dma_semaphore, #tpu.memory_space<semaphore_mem>>) src(%dma_wait3A_91 : memref<1x128xi32, #tpu.memory_space<hbm>>) dst(%arg7 : memref<1x128xi32, #tpu.memory_space<vmem>>)
        %dma_wait3A_92 = arith.constant 0 : i32
        %dma_wait3A_93 = arith.constant 0 : i32
        %dma_wait3A_94 = tpu.memref_slice %arg5[%dma_wait3A_92, %dma_wait3A_93] : memref<163840x128xf32, #tpu.memory_space<hbm>> -> memref<128x128xf32, #tpu.memory_space<hbm>>
        %dma_wait3A_95 = arith.constant 0 : i32
        %dma_wait3A_96 = arith.constant 0 : i32
        %dma_wait3A_97 = tpu.memref_slice %arg5[%dma_wait3A_95, %dma_wait3A_96] : memref<163840x128xf32, #tpu.memory_space<hbm>> -> memref<128x128xf32, #tpu.memory_space<hbm>>
        tpu.wait_dma2 semaphore(%arg16 : memref<!tpu.dma_semaphore, #tpu.memory_space<semaphore_mem>>) src(%arg9 : memref<128x128xf32, #tpu.memory_space<vmem>>) dst(%dma_wait3A_97 : memref<128x128xf32, #tpu.memory_space<hbm>>)
      } else {
      }
      %dma_start3A = arith.constant 0 : i32
      %dma_start3A_33 = arith.constant 0 : i32
      %dma_start3A_34 = tpu.memref_slice %arg7[%dma_start3A, %dma_start3A_33] : memref<1x128xi32, #tpu.memory_space<vmem>> -> memref<1x128xi32, #tpu.memory_space<vmem>>
      %dma_start3A_35 = tpu.memref_squeeze %dma_start3A_34 : memref<1x128xi32, #tpu.memory_space<vmem>> -> memref<128xi32, #tpu.memory_space<vmem>>
      %dma_start3A_36 = arith.constant 0 : i32
      %dma_start3A_37 = arith.constant 0 : i32
      %dma_start3A_38 = tpu.memref_slice %arg11[%dma_start3A_36, %dma_start3A_37] : memref<10000x128xf32, #tpu.memory_space<vmem_shared>> -> memref<10000x128xf32, #tpu.memory_space<vmem_shared>>
      tpu.enqueue_indirect_dma source(%dma_start3A_38 : memref<10000x128xf32, #tpu.memory_space<vmem_shared>>) target(%arg9 : memref<128x128xf32, #tpu.memory_space<vmem>>) offsets(%dma_start3A_35 : memref<128xi32, #tpu.memory_space<vmem>>) semaphore(%arg14 : memref<!tpu.dma_semaphore, #tpu.memory_space<semaphore_mem>>)
      %dma_wait3A_39 = arith.constant 0 : i32
      %dma_wait3A_40 = arith.constant 0 : i32
      %dma_wait3A_41 = tpu.memref_slice %arg7[%dma_wait3A_39, %dma_wait3A_40] : memref<1x128xi32, #tpu.memory_space<vmem>> -> memref<1x128xi32, #tpu.memory_space<vmem>>
      %dma_wait3A_42 = tpu.memref_squeeze %dma_wait3A_41 : memref<1x128xi32, #tpu.memory_space<vmem>> -> memref<128xi32, #tpu.memory_space<vmem>>
      %dma_wait3A_43 = arith.constant 0 : i32
      %dma_wait3A_44 = arith.constant 0 : i32
      %dma_wait3A_45 = tpu.memref_slice %arg11[%dma_wait3A_43, %dma_wait3A_44] : memref<10000x128xf32, #tpu.memory_space<vmem_shared>> -> memref<10000x128xf32, #tpu.memory_space<vmem_shared>>
      tpu.wait_indirect_dma semaphore(%arg14 : memref<!tpu.dma_semaphore, #tpu.memory_space<semaphore_mem>>) src(%dma_wait3A_45 : memref<10000x128xf32, #tpu.memory_space<vmem_shared>>) dst(%arg9 : memref<128x128xf32, #tpu.memory_space<vmem>>)
      %add3A_46 = arith.constant 1 : i32
      %add3A_47 = arith.addi %scan3A_23, %add3A_46 : i32
      %lt3A = arith.constant 40 : i32
      %lt3A_48 = arith.cmpi slt, %add3A_47, %lt3A : i32
      %convert_element_type3A_49 = arith.extui %lt3A_48 : i1 to i32
      %cond3A_50 = arith.constant 0 : i32
      %cond3A_51 = arith.cmpi ne, %convert_element_type3A_49, %cond3A_50 : i32
      scf.if %cond3A_51 {
        %add3A_86 = arith.addi %add3A_4, %scan3A_23 : i32
        %add3A_87 = arith.constant 1 : i32
        %add3A_88 = arith.addi %add3A_86, %add3A_87 : i32
        %dma_start3A_89 = arith.constant 0 : i32
        %dma_start3A_90 = tpu.memref_slice %arg3[%add3A_88, %dma_start3A_89] : memref<2560x128xi32, #tpu.memory_space<hbm>> -> memref<1x128xi32, #tpu.memory_space<hbm>>
        %dma_start3A_91 = arith.constant 0 : i32
        %dma_start3A_92 = tpu.memref_slice %arg3[%add3A_88, %dma_start3A_91] : memref<2560x128xi32, #tpu.memory_space<hbm>> -> memref<1x128xi32, #tpu.memory_space<hbm>>
        tpu.enqueue_dma source(%dma_start3A_92 : memref<1x128xi32, #tpu.memory_space<hbm>>) target(%arg7 : memref<1x128xi32, #tpu.memory_space<vmem>>) target_semaphore(%arg12 : memref<!tpu.dma_semaphore, #tpu.memory_space<semaphore_mem>>)
      } else {
      }
      %dma_start3A_52 = arith.constant 0 : i32
      %dma_start3A_53 = tpu.memref_slice %arg5[%add3A_28, %dma_start3A_52] : memref<163840x128xf32, #tpu.memory_space<hbm>> -> memref<128x128xf32, #tpu.memory_space<hbm>>
      %dma_start3A_54 = arith.constant 0 : i32
      %dma_start3A_55 = tpu.memref_slice %arg5[%add3A_28, %dma_start3A_54] : memref<163840x128xf32, #tpu.memory_space<hbm>> -> memref<128x128xf32, #tpu.memory_space<hbm>>
      tpu.enqueue_dma source(%arg9 : memref<128x128xf32, #tpu.memory_space<vmem>>) target(%dma_start3A_55 : memref<128x128xf32, #tpu.memory_space<hbm>>) target_semaphore(%arg16 : memref<!tpu.dma_semaphore, #tpu.memory_space<semaphore_mem>>)
      %ge3A_56 = arith.constant 1 : i32
      %ge3A_57 = arith.cmpi sge, %scan3A_23, %ge3A_56 : i32
      %convert_element_type3A_58 = arith.extui %ge3A_57 : i1 to i32
      %cond3A_59 = arith.constant 0 : i32
      %cond3A_60 = arith.cmpi ne, %convert_element_type3A_58, %cond3A_59 : i32
      scf.if %cond3A_60 {
        %dma_wait3A_86 = arith.constant 0 : i32
        %dma_wait3A_87 = arith.constant 0 : i32
        %dma_wait3A_88 = tpu.memref_slice %arg4[%dma_wait3A_86, %dma_wait3A_87] : memref<2560x128xi32, #tpu.memory_space<hbm>> -> memref<1x128xi32, #tpu.memory_space<hbm>>
        %dma_wait3A_89 = arith.constant 0 : i32
        %dma_wait3A_90 = arith.constant 0 : i32
        %dma_wait3A_91 = tpu.memref_slice %arg4[%dma_wait3A_89, %dma_wait3A_90] : memref<2560x128xi32, #tpu.memory_space<hbm>> -> memref<1x128xi32, #tpu.memory_space<hbm>>
        tpu.wait_dma2 semaphore(%arg13 : memref<!tpu.dma_semaphore, #tpu.memory_space<semaphore_mem>>) src(%dma_wait3A_91 : memref<1x128xi32, #tpu.memory_space<hbm>>) dst(%arg8 : memref<1x128xi32, #tpu.memory_space<vmem>>)
        %dma_wait3A_92 = arith.constant 0 : i32
        %dma_wait3A_93 = arith.constant 0 : i32
        %dma_wait3A_94 = tpu.memref_slice %arg6[%dma_wait3A_92, %dma_wait3A_93] : memref<163840x128xf32, #tpu.memory_space<hbm>> -> memref<128x128xf32, #tpu.memory_space<hbm>>
        %dma_wait3A_95 = arith.constant 0 : i32
        %dma_wait3A_96 = arith.constant 0 : i32
        %dma_wait3A_97 = tpu.memref_slice %arg6[%dma_wait3A_95, %dma_wait3A_96] : memref<163840x128xf32, #tpu.memory_space<hbm>> -> memref<128x128xf32, #tpu.memory_space<hbm>>
        tpu.wait_dma2 semaphore(%arg17 : memref<!tpu.dma_semaphore, #tpu.memory_space<semaphore_mem>>) src(%arg10 : memref<128x128xf32, #tpu.memory_space<vmem>>) dst(%dma_wait3A_97 : memref<128x128xf32, #tpu.memory_space<hbm>>)
      } else {
      }
      %dma_start3A_61 = arith.constant 0 : i32
      %dma_start3A_62 = arith.constant 0 : i32
      %dma_start3A_63 = tpu.memref_slice %arg8[%dma_start3A_61, %dma_start3A_62] : memref<1x128xi32, #tpu.memory_space<vmem>> -> memref<1x128xi32, #tpu.memory_space<vmem>>
      %dma_start3A_64 = tpu.memref_squeeze %dma_start3A_63 : memref<1x128xi32, #tpu.memory_space<vmem>> -> memref<128xi32, #tpu.memory_space<vmem>>
      %dma_start3A_65 = arith.constant 0 : i32
      %dma_start3A_66 = arith.constant 0 : i32
      %dma_start3A_67 = tpu.memref_slice %arg11[%dma_start3A_65, %dma_start3A_66] : memref<10000x128xf32, #tpu.memory_space<vmem_shared>> -> memref<10000x128xf32, #tpu.memory_space<vmem_shared>>
      tpu.enqueue_indirect_dma source(%dma_start3A_67 : memref<10000x128xf32, #tpu.memory_space<vmem_shared>>) target(%arg10 : memref<128x128xf32, #tpu.memory_space<vmem>>) offsets(%dma_start3A_64 : memref<128xi32, #tpu.memory_space<vmem>>) semaphore(%arg15 : memref<!tpu.dma_semaphore, #tpu.memory_space<semaphore_mem>>)
      %dma_wait3A_68 = arith.constant 0 : i32
      %dma_wait3A_69 = arith.constant 0 : i32
      %dma_wait3A_70 = tpu.memref_slice %arg8[%dma_wait3A_68, %dma_wait3A_69] : memref<1x128xi32, #tpu.memory_space<vmem>> -> memref<1x128xi32, #tpu.memory_space<vmem>>
      %dma_wait3A_71 = tpu.memref_squeeze %dma_wait3A_70 : memref<1x128xi32, #tpu.memory_space<vmem>> -> memref<128xi32, #tpu.memory_space<vmem>>
      %dma_wait3A_72 = arith.constant 0 : i32
      %dma_wait3A_73 = arith.constant 0 : i32
      %dma_wait3A_74 = tpu.memref_slice %arg11[%dma_wait3A_72, %dma_wait3A_73] : memref<10000x128xf32, #tpu.memory_space<vmem_shared>> -> memref<10000x128xf32, #tpu.memory_space<vmem_shared>>
      tpu.wait_indirect_dma semaphore(%arg15 : memref<!tpu.dma_semaphore, #tpu.memory_space<semaphore_mem>>) src(%dma_wait3A_74 : memref<10000x128xf32, #tpu.memory_space<vmem_shared>>) dst(%arg10 : memref<128x128xf32, #tpu.memory_space<vmem>>)
      %add3A_75 = arith.constant 1 : i32
      %add3A_76 = arith.addi %scan3A_23, %add3A_75 : i32
      %lt3A_77 = arith.constant 40 : i32
      %lt3A_78 = arith.cmpi slt, %add3A_76, %lt3A_77 : i32
      %convert_element_type3A_79 = arith.extui %lt3A_78 : i1 to i32
      %cond3A_80 = arith.constant 0 : i32
      %cond3A_81 = arith.cmpi ne, %convert_element_type3A_79, %cond3A_80 : i32
      scf.if %cond3A_81 {
        %add3A_86 = arith.addi %add3A_4, %scan3A_23 : i32
        %add3A_87 = arith.constant 1 : i32
        %add3A_88 = arith.addi %add3A_86, %add3A_87 : i32
        %dma_start3A_89 = arith.constant 0 : i32
        %dma_start3A_90 = tpu.memref_slice %arg4[%add3A_88, %dma_start3A_89] : memref<2560x128xi32, #tpu.memory_space<hbm>> -> memref<1x128xi32, #tpu.memory_space<hbm>>
        %dma_start3A_91 = arith.constant 0 : i32
        %dma_start3A_92 = tpu.memref_slice %arg4[%add3A_88, %dma_start3A_91] : memref<2560x128xi32, #tpu.memory_space<hbm>> -> memref<1x128xi32, #tpu.memory_space<hbm>>
        tpu.enqueue_dma source(%dma_start3A_92 : memref<1x128xi32, #tpu.memory_space<hbm>>) target(%arg8 : memref<1x128xi32, #tpu.memory_space<vmem>>) target_semaphore(%arg13 : memref<!tpu.dma_semaphore, #tpu.memory_space<semaphore_mem>>)
      } else {
      }
      %dma_start3A_82 = arith.constant 0 : i32
      %dma_start3A_83 = tpu.memref_slice %arg6[%add3A_28, %dma_start3A_82] : memref<163840x128xf32, #tpu.memory_space<hbm>> -> memref<128x128xf32, #tpu.memory_space<hbm>>
      %dma_start3A_84 = arith.constant 0 : i32
      %dma_start3A_85 = tpu.memref_slice %arg6[%add3A_28, %dma_start3A_84] : memref<163840x128xf32, #tpu.memory_space<hbm>> -> memref<128x128xf32, #tpu.memory_space<hbm>>
      tpu.enqueue_dma source(%arg10 : memref<128x128xf32, #tpu.memory_space<vmem>>) target(%dma_start3A_85 : memref<128x128xf32, #tpu.memory_space<hbm>>) target_semaphore(%arg17 : memref<!tpu.dma_semaphore, #tpu.memory_space<semaphore_mem>>)
    }
    %scan3A_11 = arith.constant 40 : i32
    %dma_wait3A = arith.constant 0 : i32
    %dma_wait3A_12 = arith.constant 0 : i32
    %dma_wait3A_13 = tpu.memref_slice %arg5[%dma_wait3A, %dma_wait3A_12] : memref<163840x128xf32, #tpu.memory_space<hbm>> -> memref<128x128xf32, #tpu.memory_space<hbm>>
    %dma_wait3A_14 = arith.constant 0 : i32
    %dma_wait3A_15 = arith.constant 0 : i32
    %dma_wait3A_16 = tpu.memref_slice %arg5[%dma_wait3A_14, %dma_wait3A_15] : memref<163840x128xf32, #tpu.memory_space<hbm>> -> memref<128x128xf32, #tpu.memory_space<hbm>>
    tpu.wait_dma2 semaphore(%arg16 : memref<!tpu.dma_semaphore, #tpu.memory_space<semaphore_mem>>) src(%arg9 : memref<128x128xf32, #tpu.memory_space<vmem>>) dst(%dma_wait3A_16 : memref<128x128xf32, #tpu.memory_space<hbm>>)
    %dma_wait3A_17 = arith.constant 0 : i32
    %dma_wait3A_18 = arith.constant 0 : i32
    %dma_wait3A_19 = tpu.memref_slice %arg6[%dma_wait3A_17, %dma_wait3A_18] : memref<163840x128xf32, #tpu.memory_space<hbm>> -> memref<128x128xf32, #tpu.memory_space<hbm>>
    %dma_wait3A_20 = arith.constant 0 : i32
    %dma_wait3A_21 = arith.constant 0 : i32
    %dma_wait3A_22 = tpu.memref_slice %arg6[%dma_wait3A_20, %dma_wait3A_21] : memref<163840x128xf32, #tpu.memory_space<hbm>> -> memref<128x128xf32, #tpu.memory_space<hbm>>
    tpu.wait_dma2 semaphore(%arg17 : memref<!tpu.dma_semaphore, #tpu.memory_space<semaphore_mem>>) src(%arg10 : memref<128x128xf32, #tpu.memory_space<vmem>>) dst(%dma_wait3A_22 : memref<128x128xf32, #tpu.memory_space<hbm>>)
    return
  }
}

#map = affine_map<(d0, d1) -> (0, 0)>
module attributes {stable_mosaic.version = 14 : i64} {
  func.func @_sc_gather(%arg0: i32, %arg1: i32, %arg2: memref<10000x128xf32, #tpu.memory_space<hbm>>, %arg3: memref<2560x128xi32, #tpu.memory_space<hbm>>, %arg4: memref<2560x128xi32, #tpu.memory_space<hbm>>, %arg5: memref<163840x128xf32, #tpu.memory_space<hbm>>, %arg6: memref<163840x128xf32, #tpu.memory_space<hbm>>, %arg7: memref<1x128xi32, #tpu.memory_space<vmem>>, %arg8: memref<1x128xi32, #tpu.memory_space<vmem>>, %arg9: memref<128x128xf32, #tpu.memory_space<vmem>>, %arg10: memref<128x128xf32, #tpu.memory_space<vmem>>, %arg11: memref<10000x128xf32, #tpu.memory_space<vmem_shared>>, %arg12: memref<!tpu.dma_semaphore, #tpu.memory_space<semaphore_mem>>, %arg13: memref<!tpu.dma_semaphore, #tpu.memory_space<semaphore_mem>>, %arg14: memref<!tpu.dma_semaphore, #tpu.memory_space<semaphore_mem>>, %arg15: memref<!tpu.dma_semaphore, #tpu.memory_space<semaphore_mem>>, %arg16: memref<!tpu.dma_semaphore, #tpu.memory_space<semaphore_mem>>, %arg17: memref<!tpu.dma_semaphore, #tpu.memory_space<semaphore_mem>>) attributes {dimension_semantics = [#tpu.dimension_semantics<core_parallel>, #tpu.dimension_semantics<subcore_parallel>], iteration_bounds = array<i64: 2, 16>, scalar_prefetch = 0 : i64, scratch_operands = 11 : i64, tpu.core_type = #tpu.core_type<sc_vector_subcore>, window_params = [{transform_indices = #map}, {transform_indices = #map}, {transform_indices = #map}, {transform_indices = #map}, {transform_indices = #map}]} {
    %mul3A = arith.constant 2 : i32
    %mul3A_0 = arith.muli %arg1, %mul3A : i32
    %add3A = arith.addi %mul3A_0, %arg0 : i32
    %mul3A_1 = arith.constant 40 : i32
    %mul3A_2 = arith.muli %add3A, %mul3A_1 : i32
    %add3A_3 = arith.constant 0 : i32
    %add3A_4 = arith.addi %add3A_3, %mul3A_2 : i32
    %eq3A = arith.constant 0 : i32
    %eq3A_5 = arith.cmpi eq, %arg1, %eq3A : i32
    %convert_element_type3A = arith.extui %eq3A_5 : i1 to i32
    %cond3A = arith.constant 0 : i32
    %cond3A_6 = arith.cmpi ne, %convert_element_type3A, %cond3A : i32
    scf.if %cond3A_6 {
      "tpu.region"() ({
        %run_scoped3A = tpu.sem_alloc : memref<!tpu.dma_semaphore, #tpu.memory_space<semaphore_mem>>
        tpu.enqueue_dma source(%arg2 : memref<10000x128xf32, #tpu.memory_space<hbm>>) target(%arg11 : memref<10000x128xf32, #tpu.memory_space<vmem_shared>>) target_semaphore(%run_scoped3A : memref<!tpu.dma_semaphore, #tpu.memory_space<semaphore_mem>>)
        tpu.wait_dma2 semaphore(%run_scoped3A : memref<!tpu.dma_semaphore, #tpu.memory_space<semaphore_mem>>) src(%arg2 : memref<10000x128xf32, #tpu.memory_space<hbm>>) dst(%arg11 : memref<10000x128xf32, #tpu.memory_space<vmem_shared>>)
        tpu.yield
      }) : () -> ()
    } else {
    }
    %barrier3A = arith.constant 0 : index
    tpu.barrier barrier_id(%barrier3A)
    "tpu.region"() ({
      %run_scoped3A = tpu.sem_alloc : memref<!tpu.dma_semaphore, #tpu.memory_space<semaphore_mem>>
      %dma_start3A = arith.constant 0 : i32
      %dma_start3A_23 = tpu.memref_slice %arg3[%add3A_4, %dma_start3A] : memref<2560x128xi32, #tpu.memory_space<hbm>> -> memref<1x128xi32, #tpu.memory_space<hbm>>
      %dma_start3A_24 = arith.constant 0 : i32
      %dma_start3A_25 = tpu.memref_slice %arg3[%add3A_4, %dma_start3A_24] : memref<2560x128xi32, #tpu.memory_space<hbm>> -> memref<1x128xi32, #tpu.memory_space<hbm>>
      tpu.enqueue_dma source(%dma_start3A_25 : memref<1x128xi32, #tpu.memory_space<hbm>>) target(%arg7 : memref<1x128xi32, #tpu.memory_space<vmem>>) target_semaphore(%run_scoped3A : memref<!tpu.dma_semaphore, #tpu.memory_space<semaphore_mem>>)
      %dma_wait3A_26 = arith.constant 0 : i32
      %dma_wait3A_27 = tpu.memref_slice %arg3[%add3A_4, %dma_wait3A_26] : memref<2560x128xi32, #tpu.memory_space<hbm>> -> memref<1x128xi32, #tpu.memory_space<hbm>>
      %dma_wait3A_28 = arith.constant 0 : i32
      %dma_wait3A_29 = tpu.memref_slice %arg3[%add3A_4, %dma_wait3A_28] : memref<2560x128xi32, #tpu.memory_space<hbm>> -> memref<1x128xi32, #tpu.memory_space<hbm>>
      tpu.wait_dma2 semaphore(%run_scoped3A : memref<!tpu.dma_semaphore, #tpu.memory_space<semaphore_mem>>) src(%dma_wait3A_29 : memref<1x128xi32, #tpu.memory_space<hbm>>) dst(%arg7 : memref<1x128xi32, #tpu.memory_space<vmem>>)
      tpu.yield
    }) : () -> ()
    "tpu.region"() ({
      %run_scoped3A = tpu.sem_alloc : memref<!tpu.dma_semaphore, #tpu.memory_space<semaphore_mem>>
      %dma_start3A = arith.constant 0 : i32
      %dma_start3A_23 = tpu.memref_slice %arg4[%add3A_4, %dma_start3A] : memref<2560x128xi32, #tpu.memory_space<hbm>> -> memref<1x128xi32, #tpu.memory_space<hbm>>
      %dma_start3A_24 = arith.constant 0 : i32
      %dma_start3A_25 = tpu.memref_slice %arg4[%add3A_4, %dma_start3A_24] : memref<2560x128xi32, #tpu.memory_space<hbm>> -> memref<1x128xi32, #tpu.memory_space<hbm>>
      tpu.enqueue_dma source(%dma_start3A_25 : memref<1x128xi32, #tpu.memory_space<hbm>>) target(%arg8 : memref<1x128xi32, #tpu.memory_space<vmem>>) target_semaphore(%run_scoped3A : memref<!tpu.dma_semaphore, #tpu.memory_space<semaphore_mem>>)
      %dma_wait3A_26 = arith.constant 0 : i32
      %dma_wait3A_27 = tpu.memref_slice %arg4[%add3A_4, %dma_wait3A_26] : memref<2560x128xi32, #tpu.memory_space<hbm>> -> memref<1x128xi32, #tpu.memory_space<hbm>>
      %dma_wait3A_28 = arith.constant 0 : i32
      %dma_wait3A_29 = tpu.memref_slice %arg4[%add3A_4, %dma_wait3A_28] : memref<2560x128xi32, #tpu.memory_space<hbm>> -> memref<1x128xi32, #tpu.memory_space<hbm>>
      tpu.wait_dma2 semaphore(%run_scoped3A : memref<!tpu.dma_semaphore, #tpu.memory_space<semaphore_mem>>) src(%dma_wait3A_29 : memref<1x128xi32, #tpu.memory_space<hbm>>) dst(%arg8 : memref<1x128xi32, #tpu.memory_space<vmem>>)
      tpu.yield
    }) : () -> ()
    %scan3A = arith.constant 0 : i32
    %scan3A_7 = arith.constant 0 : i32
    %scan3A_8 = arith.constant 40 : i32
    %scan3A_9 = arith.addi %scan3A_7, %scan3A_8 : i32
    %scan3A_10 = arith.constant 1 : i32
    scf.for %scan3A_23 = %scan3A_7 to %scan3A_9 step %scan3A_10  : i32 {
      %mul3A_24 = arith.constant 5120 : i32
      %mul3A_25 = arith.muli %add3A, %mul3A_24 : i32
      %mul3A_26 = arith.constant 128 : i32
      %mul3A_27 = arith.muli %scan3A_23, %mul3A_26 : i32
      %add3A_28 = arith.addi %mul3A_25, %mul3A_27 : i32
      %ge3A = arith.constant 1 : i32
      %ge3A_29 = arith.cmpi sge, %scan3A_23, %ge3A : i32
      %convert_element_type3A_30 = arith.extui %ge3A_29 : i1 to i32
      %cond3A_31 = arith.constant 0 : i32
      %cond3A_32 = arith.cmpi ne, %convert_element_type3A_30, %cond3A_31 : i32
      scf.if %cond3A_32 {
        %dma_wait3A_86 = arith.constant 0 : i32
        %dma_wait3A_87 = arith.constant 0 : i32
        %dma_wait3A_88 = tpu.memref_slice %arg3[%dma_wait3A_86, %dma_wait3A_87] : memref<2560x128xi32, #tpu.memory_space<hbm>> -> memref<1x128xi32, #tpu.memory_space<hbm>>
        %dma_wait3A_89 = arith.constant 0 : i32
        %dma_wait3A_90 = arith.constant 0 : i32
        %dma_wait3A_91 = tpu.memref_slice %arg3[%dma_wait3A_89, %dma_wait3A_90] : memref<2560x128xi32, #tpu.memory_space<hbm>> -> memref<1x128xi32, #tpu.memory_space<hbm>>
        tpu.wait_dma2 semaphore(%arg12 : memref<!tpu.dma_semaphore, #tpu.memory_space<semaphore_mem>>) src(%dma_wait3A_91 : memref<1x128xi32, #tpu.memory_space<hbm>>) dst(%arg7 : memref<1x128xi32, #tpu.memory_space<vmem>>)
        %dma_wait3A_92 = arith.constant 0 : i32
        %dma_wait3A_93 = arith.constant 0 : i32
        %dma_wait3A_94 = tpu.memref_slice %arg5[%dma_wait3A_92, %dma_wait3A_93] : memref<163840x128xf32, #tpu.memory_space<hbm>> -> memref<128x128xf32, #tpu.memory_space<hbm>>
        %dma_wait3A_95 = arith.constant 0 : i32
        %dma_wait3A_96 = arith.constant 0 : i32
        %dma_wait3A_97 = tpu.memref_slice %arg5[%dma_wait3A_95, %dma_wait3A_96] : memref<163840x128xf32, #tpu.memory_space<hbm>> -> memref<128x128xf32, #tpu.memory_space<hbm>>
        tpu.wait_dma2 semaphore(%arg16 : memref<!tpu.dma_semaphore, #tpu.memory_space<semaphore_mem>>) src(%arg9 : memref<128x128xf32, #tpu.memory_space<vmem>>) dst(%dma_wait3A_97 : memref<128x128xf32, #tpu.memory_space<hbm>>)
      } else {
      }
      %dma_start3A = arith.constant 0 : i32
      %dma_start3A_33 = arith.constant 0 : i32
      %dma_start3A_34 = tpu.memref_slice %arg7[%dma_start3A, %dma_start3A_33] : memref<1x128xi32, #tpu.memory_space<vmem>> -> memref<1x128xi32, #tpu.memory_space<vmem>>
      %dma_start3A_35 = tpu.memref_squeeze %dma_start3A_34 : memref<1x128xi32, #tpu.memory_space<vmem>> -> memref<128xi32, #tpu.memory_space<vmem>>
      %dma_start3A_36 = arith.constant 0 : i32
      %dma_start3A_37 = arith.constant 0 : i32
      %dma_start3A_38 = tpu.memref_slice %arg11[%dma_start3A_36, %dma_start3A_37] : memref<10000x128xf32, #tpu.memory_space<vmem_shared>> -> memref<10000x128xf32, #tpu.memory_space<vmem_shared>>
      tpu.enqueue_indirect_dma source(%dma_start3A_38 : memref<10000x128xf32, #tpu.memory_space<vmem_shared>>) target(%arg9 : memref<128x128xf32, #tpu.memory_space<vmem>>) offsets(%dma_start3A_35 : memref<128xi32, #tpu.memory_space<vmem>>) semaphore(%arg14 : memref<!tpu.dma_semaphore, #tpu.memory_space<semaphore_mem>>)
      %dma_wait3A_39 = arith.constant 0 : i32
      %dma_wait3A_40 = arith.constant 0 : i32
      %dma_wait3A_41 = tpu.memref_slice %arg7[%dma_wait3A_39, %dma_wait3A_40] : memref<1x128xi32, #tpu.memory_space<vmem>> -> memref<1x128xi32, #tpu.memory_space<vmem>>
      %dma_wait3A_42 = tpu.memref_squeeze %dma_wait3A_41 : memref<1x128xi32, #tpu.memory_space<vmem>> -> memref<128xi32, #tpu.memory_space<vmem>>
      %dma_wait3A_43 = arith.constant 0 : i32
      %dma_wait3A_44 = arith.constant 0 : i32
      %dma_wait3A_45 = tpu.memref_slice %arg11[%dma_wait3A_43, %dma_wait3A_44] : memref<10000x128xf32, #tpu.memory_space<vmem_shared>> -> memref<10000x128xf32, #tpu.memory_space<vmem_shared>>
      tpu.wait_indirect_dma semaphore(%arg14 : memref<!tpu.dma_semaphore, #tpu.memory_space<semaphore_mem>>) src(%dma_wait3A_45 : memref<10000x128xf32, #tpu.memory_space<vmem_shared>>) dst(%arg9 : memref<128x128xf32, #tpu.memory_space<vmem>>)
      %add3A_46 = arith.constant 1 : i32
      %add3A_47 = arith.addi %scan3A_23, %add3A_46 : i32
      %lt3A = arith.constant 40 : i32
      %lt3A_48 = arith.cmpi slt, %add3A_47, %lt3A : i32
      %convert_element_type3A_49 = arith.extui %lt3A_48 : i1 to i32
      %cond3A_50 = arith.constant 0 : i32
      %cond3A_51 = arith.cmpi ne, %convert_element_type3A_49, %cond3A_50 : i32
      scf.if %cond3A_51 {
        %add3A_86 = arith.addi %add3A_4, %scan3A_23 : i32
        %add3A_87 = arith.constant 1 : i32
        %add3A_88 = arith.addi %add3A_86, %add3A_87 : i32
        %dma_start3A_89 = arith.constant 0 : i32
        %dma_start3A_90 = tpu.memref_slice %arg3[%add3A_88, %dma_start3A_89] : memref<2560x128xi32, #tpu.memory_space<hbm>> -> memref<1x128xi32, #tpu.memory_space<hbm>>
        %dma_start3A_91 = arith.constant 0 : i32
        %dma_start3A_92 = tpu.memref_slice %arg3[%add3A_88, %dma_start3A_91] : memref<2560x128xi32, #tpu.memory_space<hbm>> -> memref<1x128xi32, #tpu.memory_space<hbm>>
        tpu.enqueue_dma source(%dma_start3A_92 : memref<1x128xi32, #tpu.memory_space<hbm>>) target(%arg7 : memref<1x128xi32, #tpu.memory_space<vmem>>) target_semaphore(%arg12 : memref<!tpu.dma_semaphore, #tpu.memory_space<semaphore_mem>>)
      } else {
      }
      %dma_start3A_52 = arith.constant 0 : i32
      %dma_start3A_53 = tpu.memref_slice %arg5[%add3A_28, %dma_start3A_52] : memref<163840x128xf32, #tpu.memory_space<hbm>> -> memref<128x128xf32, #tpu.memory_space<hbm>>
      %dma_start3A_54 = arith.constant 0 : i32
      %dma_start3A_55 = tpu.memref_slice %arg5[%add3A_28, %dma_start3A_54] : memref<163840x128xf32, #tpu.memory_space<hbm>> -> memref<128x128xf32, #tpu.memory_space<hbm>>
      tpu.enqueue_dma source(%arg9 : memref<128x128xf32, #tpu.memory_space<vmem>>) target(%dma_start3A_55 : memref<128x128xf32, #tpu.memory_space<hbm>>) target_semaphore(%arg16 : memref<!tpu.dma_semaphore, #tpu.memory_space<semaphore_mem>>)
      %ge3A_56 = arith.constant 1 : i32
      %ge3A_57 = arith.cmpi sge, %scan3A_23, %ge3A_56 : i32
      %convert_element_type3A_58 = arith.extui %ge3A_57 : i1 to i32
      %cond3A_59 = arith.constant 0 : i32
      %cond3A_60 = arith.cmpi ne, %convert_element_type3A_58, %cond3A_59 : i32
      scf.if %cond3A_60 {
        %dma_wait3A_86 = arith.constant 0 : i32
        %dma_wait3A_87 = arith.constant 0 : i32
        %dma_wait3A_88 = tpu.memref_slice %arg4[%dma_wait3A_86, %dma_wait3A_87] : memref<2560x128xi32, #tpu.memory_space<hbm>> -> memref<1x128xi32, #tpu.memory_space<hbm>>
        %dma_wait3A_89 = arith.constant 0 : i32
        %dma_wait3A_90 = arith.constant 0 : i32
        %dma_wait3A_91 = tpu.memref_slice %arg4[%dma_wait3A_89, %dma_wait3A_90] : memref<2560x128xi32, #tpu.memory_space<hbm>> -> memref<1x128xi32, #tpu.memory_space<hbm>>
        tpu.wait_dma2 semaphore(%arg13 : memref<!tpu.dma_semaphore, #tpu.memory_space<semaphore_mem>>) src(%dma_wait3A_91 : memref<1x128xi32, #tpu.memory_space<hbm>>) dst(%arg8 : memref<1x128xi32, #tpu.memory_space<vmem>>)
        %dma_wait3A_92 = arith.constant 0 : i32
        %dma_wait3A_93 = arith.constant 0 : i32
        %dma_wait3A_94 = tpu.memref_slice %arg6[%dma_wait3A_92, %dma_wait3A_93] : memref<163840x128xf32, #tpu.memory_space<hbm>> -> memref<128x128xf32, #tpu.memory_space<hbm>>
        %dma_wait3A_95 = arith.constant 0 : i32
        %dma_wait3A_96 = arith.constant 0 : i32
        %dma_wait3A_97 = tpu.memref_slice %arg6[%dma_wait3A_95, %dma_wait3A_96] : memref<163840x128xf32, #tpu.memory_space<hbm>> -> memref<128x128xf32, #tpu.memory_space<hbm>>
        tpu.wait_dma2 semaphore(%arg17 : memref<!tpu.dma_semaphore, #tpu.memory_space<semaphore_mem>>) src(%arg10 : memref<128x128xf32, #tpu.memory_space<vmem>>) dst(%dma_wait3A_97 : memref<128x128xf32, #tpu.memory_space<hbm>>)
      } else {
      }
      %dma_start3A_61 = arith.constant 0 : i32
      %dma_start3A_62 = arith.constant 0 : i32
      %dma_start3A_63 = tpu.memref_slice %arg8[%dma_start3A_61, %dma_start3A_62] : memref<1x128xi32, #tpu.memory_space<vmem>> -> memref<1x128xi32, #tpu.memory_space<vmem>>
      %dma_start3A_64 = tpu.memref_squeeze %dma_start3A_63 : memref<1x128xi32, #tpu.memory_space<vmem>> -> memref<128xi32, #tpu.memory_space<vmem>>
      %dma_start3A_65 = arith.constant 0 : i32
      %dma_start3A_66 = arith.constant 0 : i32
      %dma_start3A_67 = tpu.memref_slice %arg11[%dma_start3A_65, %dma_start3A_66] : memref<10000x128xf32, #tpu.memory_space<vmem_shared>> -> memref<10000x128xf32, #tpu.memory_space<vmem_shared>>
      tpu.enqueue_indirect_dma source(%dma_start3A_67 : memref<10000x128xf32, #tpu.memory_space<vmem_shared>>) target(%arg10 : memref<128x128xf32, #tpu.memory_space<vmem>>) offsets(%dma_start3A_64 : memref<128xi32, #tpu.memory_space<vmem>>) semaphore(%arg15 : memref<!tpu.dma_semaphore, #tpu.memory_space<semaphore_mem>>)
      %dma_wait3A_68 = arith.constant 0 : i32
      %dma_wait3A_69 = arith.constant 0 : i32
      %dma_wait3A_70 = tpu.memref_slice %arg8[%dma_wait3A_68, %dma_wait3A_69] : memref<1x128xi32, #tpu.memory_space<vmem>> -> memref<1x128xi32, #tpu.memory_space<vmem>>
      %dma_wait3A_71 = tpu.memref_squeeze %dma_wait3A_70 : memref<1x128xi32, #tpu.memory_space<vmem>> -> memref<128xi32, #tpu.memory_space<vmem>>
      %dma_wait3A_72 = arith.constant 0 : i32
      %dma_wait3A_73 = arith.constant 0 : i32
      %dma_wait3A_74 = tpu.memref_slice %arg11[%dma_wait3A_72, %dma_wait3A_73] : memref<10000x128xf32, #tpu.memory_space<vmem_shared>> -> memref<10000x128xf32, #tpu.memory_space<vmem_shared>>
      tpu.wait_indirect_dma semaphore(%arg15 : memref<!tpu.dma_semaphore, #tpu.memory_space<semaphore_mem>>) src(%dma_wait3A_74 : memref<10000x128xf32, #tpu.memory_space<vmem_shared>>) dst(%arg10 : memref<128x128xf32, #tpu.memory_space<vmem>>)
      %add3A_75 = arith.constant 1 : i32
      %add3A_76 = arith.addi %scan3A_23, %add3A_75 : i32
      %lt3A_77 = arith.constant 40 : i32
      %lt3A_78 = arith.cmpi slt, %add3A_76, %lt3A_77 : i32
      %convert_element_type3A_79 = arith.extui %lt3A_78 : i1 to i32
      %cond3A_80 = arith.constant 0 : i32
      %cond3A_81 = arith.cmpi ne, %convert_element_type3A_79, %cond3A_80 : i32
      scf.if %cond3A_81 {
        %add3A_86 = arith.addi %add3A_4, %scan3A_23 : i32
        %add3A_87 = arith.constant 1 : i32
        %add3A_88 = arith.addi %add3A_86, %add3A_87 : i32
        %dma_start3A_89 = arith.constant 0 : i32
        %dma_start3A_90 = tpu.memref_slice %arg4[%add3A_88, %dma_start3A_89] : memref<2560x128xi32, #tpu.memory_space<hbm>> -> memref<1x128xi32, #tpu.memory_space<hbm>>
        %dma_start3A_91 = arith.constant 0 : i32
        %dma_start3A_92 = tpu.memref_slice %arg4[%add3A_88, %dma_start3A_91] : memref<2560x128xi32, #tpu.memory_space<hbm>> -> memref<1x128xi32, #tpu.memory_space<hbm>>
        tpu.enqueue_dma source(%dma_start3A_92 : memref<1x128xi32, #tpu.memory_space<hbm>>) target(%arg8 : memref<1x128xi32, #tpu.memory_space<vmem>>) target_semaphore(%arg13 : memref<!tpu.dma_semaphore, #tpu.memory_space<semaphore_mem>>)
      } else {
      }
      %dma_start3A_82 = arith.constant 0 : i32
      %dma_start3A_83 = tpu.memref_slice %arg6[%add3A_28, %dma_start3A_82] : memref<163840x128xf32, #tpu.memory_space<hbm>> -> memref<128x128xf32, #tpu.memory_space<hbm>>
      %dma_start3A_84 = arith.constant 0 : i32
      %dma_start3A_85 = tpu.memref_slice %arg6[%add3A_28, %dma_start3A_84] : memref<163840x128xf32, #tpu.memory_space<hbm>> -> memref<128x128xf32, #tpu.memory_space<hbm>>
      tpu.enqueue_dma source(%arg10 : memref<128x128xf32, #tpu.memory_space<vmem>>) target(%dma_start3A_85 : memref<128x128xf32, #tpu.memory_space<hbm>>) target_semaphore(%arg17 : memref<!tpu.dma_semaphore, #tpu.memory_space<semaphore_mem>>)
    }
    %scan3A_11 = arith.constant 40 : i32
    %dma_wait3A = arith.constant 0 : i32
    %dma_wait3A_12 = arith.constant 0 : i32
    %dma_wait3A_13 = tpu.memref_slice %arg5[%dma_wait3A, %dma_wait3A_12] : memref<163840x128xf32, #tpu.memory_space<hbm>> -> memref<128x128xf32, #tpu.memory_space<hbm>>
    %dma_wait3A_14 = arith.constant 0 : i32
    %dma_wait3A_15 = arith.constant 0 : i32
    %dma_wait3A_16 = tpu.memref_slice %arg5[%dma_wait3A_14, %dma_wait3A_15] : memref<163840x128xf32, #tpu.memory_space<hbm>> -> memref<128x128xf32, #tpu.memory_space<hbm>>
    tpu.wait_dma2 semaphore(%arg16 : memref<!tpu.dma_semaphore, #tpu.memory_space<semaphore_mem>>) src(%arg9 : memref<128x128xf32, #tpu.memory_space<vmem>>) dst(%dma_wait3A_16 : memref<128x128xf32, #tpu.memory_space<hbm>>)
    %dma_wait3A_17 = arith.constant 0 : i32
    %dma_wait3A_18 = arith.constant 0 : i32
    %dma_wait3A_19 = tpu.memref_slice %arg6[%dma_wait3A_17, %dma_wait3A_18] : memref<163840x128xf32, #tpu.memory_space<hbm>> -> memref<128x128xf32, #tpu.memory_space<hbm>>
    %dma_wait3A_20 = arith.constant 0 : i32
    %dma_wait3A_21 = arith.constant 0 : i32
    %dma_wait3A_22 = tpu.memref_slice %arg6[%dma_wait3A_20, %dma_wait3A_21] : memref<163840x128xf32, #tpu.memory_space<hbm>> -> memref<128x128xf32, #tpu.memory_space<hbm>>
    tpu.wait_dma2 semaphore(%arg17 : memref<!tpu.dma_semaphore, #tpu.memory_space<semaphore_mem>>) src(%arg10 : memref<128x128xf32, #tpu.memory_space<vmem>>) dst(%dma_wait3A_22 : memref<128x128xf32, #tpu.memory_space<hbm>>)
    return
  }
}

#map = affine_map<(d0, d1) -> (0, 0)>
module attributes {stable_mosaic.version = 14 : i64} {
  func.func @_sc_scatter(%arg0: i32, %arg1: i32, %arg2: memref<163840x128xf32, #tpu.memory_space<hbm>>, %arg3: memref<2560x128xi32, #tpu.memory_space<hbm>>, %arg4: memref<10000x128xf32, #tpu.memory_space<hbm>>, %arg5: memref<20000x128xf32, #tpu.memory_space<hbm>>, %arg6: memref<1x128xi32, #tpu.memory_space<vmem>>, %arg7: memref<1x128xi32, #tpu.memory_space<vmem>>, %arg8: memref<128x128xf32, #tpu.memory_space<vmem>>, %arg9: memref<128x128xf32, #tpu.memory_space<vmem>>, %arg10: memref<10000x128xf32, #tpu.memory_space<vmem_shared>>, %arg11: memref<!tpu.dma_semaphore, #tpu.memory_space<semaphore_mem>>, %arg12: memref<!tpu.dma_semaphore, #tpu.memory_space<semaphore_mem>>, %arg13: memref<!tpu.dma_semaphore, #tpu.memory_space<semaphore_mem>>, %arg14: memref<!tpu.dma_semaphore, #tpu.memory_space<semaphore_mem>>) attributes {dimension_semantics = [#tpu.dimension_semantics<core_parallel>, #tpu.dimension_semantics<subcore_parallel>], iteration_bounds = array<i64: 2, 16>, scalar_prefetch = 0 : i64, scratch_operands = 9 : i64, tpu.core_type = #tpu.core_type<sc_vector_subcore>, window_params = [{transform_indices = #map}, {transform_indices = #map}, {transform_indices = #map}, {transform_indices = #map}]} {
    %mul3A = arith.constant 2 : i32
    %mul3A_0 = arith.muli %arg1, %mul3A : i32
    %add3A = arith.addi %mul3A_0, %arg0 : i32
    %mul3A_1 = arith.constant 40 : i32
    %mul3A_2 = arith.muli %add3A, %mul3A_1 : i32
    %add3A_3 = arith.constant 1280 : i32
    %add3A_4 = arith.addi %add3A_3, %mul3A_2 : i32
    %eq3A = arith.constant 0 : i32
    %eq3A_5 = arith.cmpi eq, %arg1, %eq3A : i32
    %convert_element_type3A = arith.extui %eq3A_5 : i1 to i32
    %cond3A = arith.constant 0 : i32
    %cond3A_6 = arith.cmpi ne, %convert_element_type3A, %cond3A : i32
    scf.if %cond3A_6 {
      "tpu.region"() ({
        %run_scoped3A = tpu.sem_alloc : memref<!tpu.dma_semaphore, #tpu.memory_space<semaphore_mem>>
        tpu.enqueue_dma source(%arg4 : memref<10000x128xf32, #tpu.memory_space<hbm>>) target(%arg10 : memref<10000x128xf32, #tpu.memory_space<vmem_shared>>) target_semaphore(%run_scoped3A : memref<!tpu.dma_semaphore, #tpu.memory_space<semaphore_mem>>)
        tpu.wait_dma2 semaphore(%run_scoped3A : memref<!tpu.dma_semaphore, #tpu.memory_space<semaphore_mem>>) src(%arg4 : memref<10000x128xf32, #tpu.memory_space<hbm>>) dst(%arg10 : memref<10000x128xf32, #tpu.memory_space<vmem_shared>>)
        tpu.yield
      }) : () -> ()
    } else {
    }
    %barrier3A = arith.constant 0 : index
    tpu.barrier barrier_id(%barrier3A)
    "tpu.region"() ({
      %run_scoped3A = tpu.sem_alloc : memref<!tpu.dma_semaphore, #tpu.memory_space<semaphore_mem>>
      %dma_start3A = arith.constant 0 : i32
      %dma_start3A_20 = tpu.memref_slice %arg3[%add3A_4, %dma_start3A] : memref<2560x128xi32, #tpu.memory_space<hbm>> -> memref<1x128xi32, #tpu.memory_space<hbm>>
      %dma_start3A_21 = arith.constant 0 : i32
      %dma_start3A_22 = tpu.memref_slice %arg3[%add3A_4, %dma_start3A_21] : memref<2560x128xi32, #tpu.memory_space<hbm>> -> memref<1x128xi32, #tpu.memory_space<hbm>>
      tpu.enqueue_dma source(%dma_start3A_22 : memref<1x128xi32, #tpu.memory_space<hbm>>) target(%arg6 : memref<1x128xi32, #tpu.memory_space<vmem>>) target_semaphore(%run_scoped3A : memref<!tpu.dma_semaphore, #tpu.memory_space<semaphore_mem>>)
      %dma_wait3A = arith.constant 0 : i32
      %dma_wait3A_23 = tpu.memref_slice %arg3[%add3A_4, %dma_wait3A] : memref<2560x128xi32, #tpu.memory_space<hbm>> -> memref<1x128xi32, #tpu.memory_space<hbm>>
      %dma_wait3A_24 = arith.constant 0 : i32
      %dma_wait3A_25 = tpu.memref_slice %arg3[%add3A_4, %dma_wait3A_24] : memref<2560x128xi32, #tpu.memory_space<hbm>> -> memref<1x128xi32, #tpu.memory_space<hbm>>
      tpu.wait_dma2 semaphore(%run_scoped3A : memref<!tpu.dma_semaphore, #tpu.memory_space<semaphore_mem>>) src(%dma_wait3A_25 : memref<1x128xi32, #tpu.memory_space<hbm>>) dst(%arg6 : memref<1x128xi32, #tpu.memory_space<vmem>>)
      tpu.yield
    }) : () -> ()
    %mul3A_7 = arith.constant 5120 : i32
    %mul3A_8 = arith.muli %add3A, %mul3A_7 : i32
    "tpu.region"() ({
      %run_scoped3A = tpu.sem_alloc : memref<!tpu.dma_semaphore, #tpu.memory_space<semaphore_mem>>
      %dma_start3A = arith.constant 0 : i32
      %dma_start3A_20 = tpu.memref_slice %arg2[%mul3A_8, %dma_start3A] : memref<163840x128xf32, #tpu.memory_space<hbm>> -> memref<128x128xf32, #tpu.memory_space<hbm>>
      %dma_start3A_21 = arith.constant 0 : i32
      %dma_start3A_22 = tpu.memref_slice %arg2[%mul3A_8, %dma_start3A_21] : memref<163840x128xf32, #tpu.memory_space<hbm>> -> memref<128x128xf32, #tpu.memory_space<hbm>>
      tpu.enqueue_dma source(%dma_start3A_22 : memref<128x128xf32, #tpu.memory_space<hbm>>) target(%arg8 : memref<128x128xf32, #tpu.memory_space<vmem>>) target_semaphore(%run_scoped3A : memref<!tpu.dma_semaphore, #tpu.memory_space<semaphore_mem>>)
      %dma_wait3A = arith.constant 0 : i32
      %dma_wait3A_23 = tpu.memref_slice %arg2[%mul3A_8, %dma_wait3A] : memref<163840x128xf32, #tpu.memory_space<hbm>> -> memref<128x128xf32, #tpu.memory_space<hbm>>
      %dma_wait3A_24 = arith.constant 0 : i32
      %dma_wait3A_25 = tpu.memref_slice %arg2[%mul3A_8, %dma_wait3A_24] : memref<163840x128xf32, #tpu.memory_space<hbm>> -> memref<128x128xf32, #tpu.memory_space<hbm>>
      tpu.wait_dma2 semaphore(%run_scoped3A : memref<!tpu.dma_semaphore, #tpu.memory_space<semaphore_mem>>) src(%dma_wait3A_25 : memref<128x128xf32, #tpu.memory_space<hbm>>) dst(%arg8 : memref<128x128xf32, #tpu.memory_space<vmem>>)
      tpu.yield
    }) : () -> ()
    %scan3A = arith.constant 0 : i32
    %scan3A_9 = arith.constant 0 : i32
    %scan3A_10 = arith.constant 20 : i32
    %scan3A_11 = arith.addi %scan3A_9, %scan3A_10 : i32
    %scan3A_12 = arith.constant 1 : i32
    scf.for %scan3A_20 = %scan3A_9 to %scan3A_11 step %scan3A_12  : i32 {
      %mul3A_21 = arith.constant 2 : i32
      %mul3A_22 = arith.muli %scan3A_20, %mul3A_21 : i32
      %add3A_23 = arith.constant 0 : i32
      %add3A_24 = arith.addi %mul3A_22, %add3A_23 : i32
      %ge3A = arith.constant 1 : i32
      %ge3A_25 = arith.cmpi sge, %add3A_24, %ge3A : i32
      %convert_element_type3A_26 = arith.extui %ge3A_25 : i1 to i32
      %cond3A_27 = arith.constant 0 : i32
      %cond3A_28 = arith.cmpi ne, %convert_element_type3A_26, %cond3A_27 : i32
      scf.if %cond3A_28 {
        %dma_wait3A = arith.constant 0 : i32
        %dma_wait3A_52 = arith.constant 0 : i32
        %dma_wait3A_53 = tpu.memref_slice %arg3[%dma_wait3A, %dma_wait3A_52] : memref<2560x128xi32, #tpu.memory_space<hbm>> -> memref<1x128xi32, #tpu.memory_space<hbm>>
        %dma_wait3A_54 = arith.constant 0 : i32
        %dma_wait3A_55 = arith.constant 0 : i32
        %dma_wait3A_56 = tpu.memref_slice %arg3[%dma_wait3A_54, %dma_wait3A_55] : memref<2560x128xi32, #tpu.memory_space<hbm>> -> memref<1x128xi32, #tpu.memory_space<hbm>>
        tpu.wait_dma2 semaphore(%arg11 : memref<!tpu.dma_semaphore, #tpu.memory_space<semaphore_mem>>) src(%dma_wait3A_56 : memref<1x128xi32, #tpu.memory_space<hbm>>) dst(%arg6 : memref<1x128xi32, #tpu.memory_space<vmem>>)
        %dma_wait3A_57 = arith.constant 0 : i32
        %dma_wait3A_58 = arith.constant 0 : i32
        %dma_wait3A_59 = tpu.memref_slice %arg2[%dma_wait3A_57, %dma_wait3A_58] : memref<163840x128xf32, #tpu.memory_space<hbm>> -> memref<128x128xf32, #tpu.memory_space<hbm>>
        %dma_wait3A_60 = arith.constant 0 : i32
        %dma_wait3A_61 = arith.constant 0 : i32
        %dma_wait3A_62 = tpu.memref_slice %arg2[%dma_wait3A_60, %dma_wait3A_61] : memref<163840x128xf32, #tpu.memory_space<hbm>> -> memref<128x128xf32, #tpu.memory_space<hbm>>
        tpu.wait_dma2 semaphore(%arg13 : memref<!tpu.dma_semaphore, #tpu.memory_space<semaphore_mem>>) src(%dma_wait3A_62 : memref<128x128xf32, #tpu.memory_space<hbm>>) dst(%arg8 : memref<128x128xf32, #tpu.memory_space<vmem>>)
      } else {
      }
      %add3A_29 = arith.constant 1 : i32
      %add3A_30 = arith.addi %add3A_24, %add3A_29 : i32
      %lt3A = arith.constant 40 : i32
      %lt3A_31 = arith.cmpi slt, %add3A_30, %lt3A : i32
      %convert_element_type3A_32 = arith.extui %lt3A_31 : i1 to i32
      %cond3A_33 = arith.constant 0 : i32
      %cond3A_34 = arith.cmpi ne, %convert_element_type3A_32, %cond3A_33 : i32
      scf.if %cond3A_34 {
        %add3A_52 = arith.addi %add3A_4, %add3A_24 : i32
        %add3A_53 = arith.constant 1 : i32
        %add3A_54 = arith.addi %add3A_52, %add3A_53 : i32
        %dma_start3A = arith.constant 0 : i32
        %dma_start3A_55 = tpu.memref_slice %arg3[%add3A_54, %dma_start3A] : memref<2560x128xi32, #tpu.memory_space<hbm>> -> memref<1x128xi32, #tpu.memory_space<hbm>>
        %dma_start3A_56 = arith.constant 0 : i32
        %dma_start3A_57 = tpu.memref_slice %arg3[%add3A_54, %dma_start3A_56] : memref<2560x128xi32, #tpu.memory_space<hbm>> -> memref<1x128xi32, #tpu.memory_space<hbm>>
        tpu.enqueue_dma source(%dma_start3A_57 : memref<1x128xi32, #tpu.memory_space<hbm>>) target(%arg7 : memref<1x128xi32, #tpu.memory_space<vmem>>) target_semaphore(%arg12 : memref<!tpu.dma_semaphore, #tpu.memory_space<semaphore_mem>>)
        %mul3A_58 = arith.constant 5120 : i32
        %mul3A_59 = arith.muli %add3A, %mul3A_58 : i32
        %add3A_60 = arith.constant 1 : i32
        %add3A_61 = arith.addi %add3A_24, %add3A_60 : i32
        %mul3A_62 = arith.constant 128 : i32
        %mul3A_63 = arith.muli %add3A_61, %mul3A_62 : i32
        %add3A_64 = arith.addi %mul3A_59, %mul3A_63 : i32
        %dma_start3A_65 = arith.constant 0 : i32
        %dma_start3A_66 = tpu.memref_slice %arg2[%add3A_64, %dma_start3A_65] : memref<163840x128xf32, #tpu.memory_space<hbm>> -> memref<128x128xf32, #tpu.memory_space<hbm>>
        %dma_start3A_67 = arith.constant 0 : i32
        %dma_start3A_68 = tpu.memref_slice %arg2[%add3A_64, %dma_start3A_67] : memref<163840x128xf32, #tpu.memory_space<hbm>> -> memref<128x128xf32, #tpu.memory_space<hbm>>
        tpu.enqueue_dma source(%dma_start3A_68 : memref<128x128xf32, #tpu.memory_space<hbm>>) target(%arg9 : memref<128x128xf32, #tpu.memory_space<vmem>>) target_semaphore(%arg14 : memref<!tpu.dma_semaphore, #tpu.memory_space<semaphore_mem>>)
      } else {
      }
      %run_scoped3A = arith.constant 0 : i32
      "tpu.region"() ({
        %run_scoped3A_52 = tpu.sem_alloc : memref<!tpu.dma_semaphore, #tpu.memory_space<semaphore_mem>>
        %dma_start3A = arith.constant 0 : i32
        %dma_start3A_53 = tpu.memref_slice %arg6[%run_scoped3A, %dma_start3A] : memref<1x128xi32, #tpu.memory_space<vmem>> -> memref<1x128xi32, #tpu.memory_space<vmem>>
        %dma_start3A_54 = tpu.memref_squeeze %dma_start3A_53 : memref<1x128xi32, #tpu.memory_space<vmem>> -> memref<128xi32, #tpu.memory_space<vmem>>
        %dma_start3A_55 = arith.constant 0 : i32
        %dma_start3A_56 = arith.constant 0 : i32
        %dma_start3A_57 = tpu.memref_slice %arg10[%dma_start3A_55, %dma_start3A_56] : memref<10000x128xf32, #tpu.memory_space<vmem_shared>> -> memref<10000x128xf32, #tpu.memory_space<vmem_shared>>
        tpu.enqueue_indirect_dma source(%arg8 : memref<128x128xf32, #tpu.memory_space<vmem>>) target(%dma_start3A_57 : memref<10000x128xf32, #tpu.memory_space<vmem_shared>>) offsets(%dma_start3A_54 : memref<128xi32, #tpu.memory_space<vmem>>) semaphore(%run_scoped3A_52 : memref<!tpu.dma_semaphore, #tpu.memory_space<semaphore_mem>>) {add = true}
        %dma_wait3A = arith.constant 0 : i32
        %dma_wait3A_58 = tpu.memref_slice %arg6[%run_scoped3A, %dma_wait3A] : memref<1x128xi32, #tpu.memory_space<vmem>> -> memref<1x128xi32, #tpu.memory_space<vmem>>
        %dma_wait3A_59 = tpu.memref_squeeze %dma_wait3A_58 : memref<1x128xi32, #tpu.memory_space<vmem>> -> memref<128xi32, #tpu.memory_space<vmem>>
        %dma_wait3A_60 = arith.constant 0 : i32
        %dma_wait3A_61 = arith.constant 0 : i32
        %dma_wait3A_62 = tpu.memref_slice %arg10[%dma_wait3A_60, %dma_wait3A_61] : memref<10000x128xf32, #tpu.memory_space<vmem_shared>> -> memref<10000x128xf32, #tpu.memory_space<vmem_shared>>
        tpu.wait_indirect_dma semaphore(%run_scoped3A_52 : memref<!tpu.dma_semaphore, #tpu.memory_space<semaphore_mem>>) src(%arg8 : memref<128x128xf32, #tpu.memory_space<vmem>>) dst(%dma_wait3A_62 : memref<10000x128xf32, #tpu.memory_space<vmem_shared>>)
        tpu.yield
      }) : () -> ()
      %mul3A_35 = arith.constant 2 : i32
      %mul3A_36 = arith.muli %scan3A_20, %mul3A_35 : i32
      %add3A_37 = arith.constant 1 : i32
      %add3A_38 = arith.addi %mul3A_36, %add3A_37 : i32
      %ge3A_39 = arith.constant 1 : i32
      %ge3A_40 = arith.cmpi sge, %add3A_38, %ge3A_39 : i32
      %convert_element_type3A_41 = arith.extui %ge3A_40 : i1 to i32
      %cond3A_42 = arith.constant 0 : i32
      %cond3A_43 = arith.cmpi ne, %convert_element_type3A_41, %cond3A_42 : i32
      scf.if %cond3A_43 {
        %dma_wait3A = arith.constant 0 : i32
        %dma_wait3A_52 = arith.constant 0 : i32
        %dma_wait3A_53 = tpu.memref_slice %arg3[%dma_wait3A, %dma_wait3A_52] : memref<2560x128xi32, #tpu.memory_space<hbm>> -> memref<1x128xi32, #tpu.memory_space<hbm>>
        %dma_wait3A_54 = arith.constant 0 : i32
        %dma_wait3A_55 = arith.constant 0 : i32
        %dma_wait3A_56 = tpu.memref_slice %arg3[%dma_wait3A_54, %dma_wait3A_55] : memref<2560x128xi32, #tpu.memory_space<hbm>> -> memref<1x128xi32, #tpu.memory_space<hbm>>
        tpu.wait_dma2 semaphore(%arg12 : memref<!tpu.dma_semaphore, #tpu.memory_space<semaphore_mem>>) src(%dma_wait3A_56 : memref<1x128xi32, #tpu.memory_space<hbm>>) dst(%arg7 : memref<1x128xi32, #tpu.memory_space<vmem>>)
        %dma_wait3A_57 = arith.constant 0 : i32
        %dma_wait3A_58 = arith.constant 0 : i32
        %dma_wait3A_59 = tpu.memref_slice %arg2[%dma_wait3A_57, %dma_wait3A_58] : memref<163840x128xf32, #tpu.memory_space<hbm>> -> memref<128x128xf32, #tpu.memory_space<hbm>>
        %dma_wait3A_60 = arith.constant 0 : i32
        %dma_wait3A_61 = arith.constant 0 : i32
        %dma_wait3A_62 = tpu.memref_slice %arg2[%dma_wait3A_60, %dma_wait3A_61] : memref<163840x128xf32, #tpu.memory_space<hbm>> -> memref<128x128xf32, #tpu.memory_space<hbm>>
        tpu.wait_dma2 semaphore(%arg14 : memref<!tpu.dma_semaphore, #tpu.memory_space<semaphore_mem>>) src(%dma_wait3A_62 : memref<128x128xf32, #tpu.memory_space<hbm>>) dst(%arg9 : memref<128x128xf32, #tpu.memory_space<vmem>>)
      } else {
      }
      %add3A_44 = arith.constant 1 : i32
      %add3A_45 = arith.addi %add3A_38, %add3A_44 : i32
      %lt3A_46 = arith.constant 40 : i32
      %lt3A_47 = arith.cmpi slt, %add3A_45, %lt3A_46 : i32
      %convert_element_type3A_48 = arith.extui %lt3A_47 : i1 to i32
      %cond3A_49 = arith.constant 0 : i32
      %cond3A_50 = arith.cmpi ne, %convert_element_type3A_48, %cond3A_49 : i32
      scf.if %cond3A_50 {
        %add3A_52 = arith.addi %add3A_4, %add3A_38 : i32
        %add3A_53 = arith.constant 1 : i32
        %add3A_54 = arith.addi %add3A_52, %add3A_53 : i32
        %dma_start3A = arith.constant 0 : i32
        %dma_start3A_55 = tpu.memref_slice %arg3[%add3A_54, %dma_start3A] : memref<2560x128xi32, #tpu.memory_space<hbm>> -> memref<1x128xi32, #tpu.memory_space<hbm>>
        %dma_start3A_56 = arith.constant 0 : i32
        %dma_start3A_57 = tpu.memref_slice %arg3[%add3A_54, %dma_start3A_56] : memref<2560x128xi32, #tpu.memory_space<hbm>> -> memref<1x128xi32, #tpu.memory_space<hbm>>
        tpu.enqueue_dma source(%dma_start3A_57 : memref<1x128xi32, #tpu.memory_space<hbm>>) target(%arg6 : memref<1x128xi32, #tpu.memory_space<vmem>>) target_semaphore(%arg11 : memref<!tpu.dma_semaphore, #tpu.memory_space<semaphore_mem>>)
        %mul3A_58 = arith.constant 5120 : i32
        %mul3A_59 = arith.muli %add3A, %mul3A_58 : i32
        %add3A_60 = arith.constant 1 : i32
        %add3A_61 = arith.addi %add3A_38, %add3A_60 : i32
        %mul3A_62 = arith.constant 128 : i32
        %mul3A_63 = arith.muli %add3A_61, %mul3A_62 : i32
        %add3A_64 = arith.addi %mul3A_59, %mul3A_63 : i32
        %dma_start3A_65 = arith.constant 0 : i32
        %dma_start3A_66 = tpu.memref_slice %arg2[%add3A_64, %dma_start3A_65] : memref<163840x128xf32, #tpu.memory_space<hbm>> -> memref<128x128xf32, #tpu.memory_space<hbm>>
        %dma_start3A_67 = arith.constant 0 : i32
        %dma_start3A_68 = tpu.memref_slice %arg2[%add3A_64, %dma_start3A_67] : memref<163840x128xf32, #tpu.memory_space<hbm>> -> memref<128x128xf32, #tpu.memory_space<hbm>>
        tpu.enqueue_dma source(%dma_start3A_68 : memref<128x128xf32, #tpu.memory_space<hbm>>) target(%arg8 : memref<128x128xf32, #tpu.memory_space<vmem>>) target_semaphore(%arg13 : memref<!tpu.dma_semaphore, #tpu.memory_space<semaphore_mem>>)
      } else {
      }
      %run_scoped3A_51 = arith.constant 0 : i32
      "tpu.region"() ({
        %run_scoped3A_52 = tpu.sem_alloc : memref<!tpu.dma_semaphore, #tpu.memory_space<semaphore_mem>>
        %dma_start3A = arith.constant 0 : i32
        %dma_start3A_53 = tpu.memref_slice %arg7[%run_scoped3A_51, %dma_start3A] : memref<1x128xi32, #tpu.memory_space<vmem>> -> memref<1x128xi32, #tpu.memory_space<vmem>>
        %dma_start3A_54 = tpu.memref_squeeze %dma_start3A_53 : memref<1x128xi32, #tpu.memory_space<vmem>> -> memref<128xi32, #tpu.memory_space<vmem>>
        %dma_start3A_55 = arith.constant 0 : i32
        %dma_start3A_56 = arith.constant 0 : i32
        %dma_start3A_57 = tpu.memref_slice %arg10[%dma_start3A_55, %dma_start3A_56] : memref<10000x128xf32, #tpu.memory_space<vmem_shared>> -> memref<10000x128xf32, #tpu.memory_space<vmem_shared>>
        tpu.enqueue_indirect_dma source(%arg9 : memref<128x128xf32, #tpu.memory_space<vmem>>) target(%dma_start3A_57 : memref<10000x128xf32, #tpu.memory_space<vmem_shared>>) offsets(%dma_start3A_54 : memref<128xi32, #tpu.memory_space<vmem>>) semaphore(%run_scoped3A_52 : memref<!tpu.dma_semaphore, #tpu.memory_space<semaphore_mem>>) {add = true}
        %dma_wait3A = arith.constant 0 : i32
        %dma_wait3A_58 = tpu.memref_slice %arg7[%run_scoped3A_51, %dma_wait3A] : memref<1x128xi32, #tpu.memory_space<vmem>> -> memref<1x128xi32, #tpu.memory_space<vmem>>
        %dma_wait3A_59 = tpu.memref_squeeze %dma_wait3A_58 : memref<1x128xi32, #tpu.memory_space<vmem>> -> memref<128xi32, #tpu.memory_space<vmem>>
        %dma_wait3A_60 = arith.constant 0 : i32
        %dma_wait3A_61 = arith.constant 0 : i32
        %dma_wait3A_62 = tpu.memref_slice %arg10[%dma_wait3A_60, %dma_wait3A_61] : memref<10000x128xf32, #tpu.memory_space<vmem_shared>> -> memref<10000x128xf32, #tpu.memory_space<vmem_shared>>
        tpu.wait_indirect_dma semaphore(%run_scoped3A_52 : memref<!tpu.dma_semaphore, #tpu.memory_space<semaphore_mem>>) src(%arg9 : memref<128x128xf32, #tpu.memory_space<vmem>>) dst(%dma_wait3A_62 : memref<10000x128xf32, #tpu.memory_space<vmem_shared>>)
        tpu.yield
      }) : () -> ()
    }
    %scan3A_13 = arith.constant 20 : i32
    %barrier3A_14 = arith.constant 0 : index
    tpu.barrier barrier_id(%barrier3A_14)
    %eq3A_15 = arith.constant 0 : i32
    %eq3A_16 = arith.cmpi eq, %arg1, %eq3A_15 : i32
    %convert_element_type3A_17 = arith.extui %eq3A_16 : i1 to i32
    %cond3A_18 = arith.constant 0 : i32
    %cond3A_19 = arith.cmpi ne, %convert_element_type3A_17, %cond3A_18 : i32
    scf.if %cond3A_19 {
      %mul3A_20 = arith.constant 10000 : i32
      %mul3A_21 = arith.muli %arg0, %mul3A_20 : i32
      "tpu.region"() ({
        %run_scoped3A = tpu.sem_alloc : memref<!tpu.dma_semaphore, #tpu.memory_space<semaphore_mem>>
        %dma_start3A = arith.constant 0 : i32
        %dma_start3A_22 = tpu.memref_slice %arg5[%mul3A_21, %dma_start3A] : memref<20000x128xf32, #tpu.memory_space<hbm>> -> memref<10000x128xf32, #tpu.memory_space<hbm>>
        tpu.enqueue_dma source(%arg10 : memref<10000x128xf32, #tpu.memory_space<vmem_shared>>) target(%dma_start3A_22 : memref<10000x128xf32, #tpu.memory_space<hbm>>) target_semaphore(%run_scoped3A : memref<!tpu.dma_semaphore, #tpu.memory_space<semaphore_mem>>)
        %dma_wait3A = arith.constant 0 : i32
        %dma_wait3A_23 = tpu.memref_slice %arg5[%mul3A_21, %dma_wait3A] : memref<20000x128xf32, #tpu.memory_space<hbm>> -> memref<10000x128xf32, #tpu.memory_space<hbm>>
        tpu.wait_dma2 semaphore(%run_scoped3A : memref<!tpu.dma_semaphore, #tpu.memory_space<semaphore_mem>>) src(%arg10 : memref<10000x128xf32, #tpu.memory_space<vmem_shared>>) dst(%dma_wait3A_23 : memref<10000x128xf32, #tpu.memory_space<hbm>>)
        tpu.yield
      }) : () -> ()
    } else {
    }
    return
  }
}

#map = affine_map<(d0, d1) -> (0, 0)>
module attributes {stable_mosaic.version = 14 : i64} {
  func.func @_sc_scatter(%arg0: i32, %arg1: i32, %arg2: memref<163840x128xf32, #tpu.memory_space<hbm>>, %arg3: memref<2560x128xi32, #tpu.memory_space<hbm>>, %arg4: memref<10000x128xf32, #tpu.memory_space<hbm>>, %arg5: memref<20000x128xf32, #tpu.memory_space<hbm>>, %arg6: memref<1x128xi32, #tpu.memory_space<vmem>>, %arg7: memref<1x128xi32, #tpu.memory_space<vmem>>, %arg8: memref<128x128xf32, #tpu.memory_space<vmem>>, %arg9: memref<128x128xf32, #tpu.memory_space<vmem>>, %arg10: memref<10000x128xf32, #tpu.memory_space<vmem_shared>>, %arg11: memref<!tpu.dma_semaphore, #tpu.memory_space<semaphore_mem>>, %arg12: memref<!tpu.dma_semaphore, #tpu.memory_space<semaphore_mem>>, %arg13: memref<!tpu.dma_semaphore, #tpu.memory_space<semaphore_mem>>, %arg14: memref<!tpu.dma_semaphore, #tpu.memory_space<semaphore_mem>>) attributes {dimension_semantics = [#tpu.dimension_semantics<core_parallel>, #tpu.dimension_semantics<subcore_parallel>], iteration_bounds = array<i64: 2, 16>, scalar_prefetch = 0 : i64, scratch_operands = 9 : i64, tpu.core_type = #tpu.core_type<sc_vector_subcore>, window_params = [{transform_indices = #map}, {transform_indices = #map}, {transform_indices = #map}, {transform_indices = #map}]} {
    %mul3A = arith.constant 2 : i32
    %mul3A_0 = arith.muli %arg1, %mul3A : i32
    %add3A = arith.addi %mul3A_0, %arg0 : i32
    %mul3A_1 = arith.constant 40 : i32
    %mul3A_2 = arith.muli %add3A, %mul3A_1 : i32
    %add3A_3 = arith.constant 0 : i32
    %add3A_4 = arith.addi %add3A_3, %mul3A_2 : i32
    %eq3A = arith.constant 0 : i32
    %eq3A_5 = arith.cmpi eq, %arg1, %eq3A : i32
    %convert_element_type3A = arith.extui %eq3A_5 : i1 to i32
    %cond3A = arith.constant 0 : i32
    %cond3A_6 = arith.cmpi ne, %convert_element_type3A, %cond3A : i32
    scf.if %cond3A_6 {
      "tpu.region"() ({
        %run_scoped3A = tpu.sem_alloc : memref<!tpu.dma_semaphore, #tpu.memory_space<semaphore_mem>>
        tpu.enqueue_dma source(%arg4 : memref<10000x128xf32, #tpu.memory_space<hbm>>) target(%arg10 : memref<10000x128xf32, #tpu.memory_space<vmem_shared>>) target_semaphore(%run_scoped3A : memref<!tpu.dma_semaphore, #tpu.memory_space<semaphore_mem>>)
        tpu.wait_dma2 semaphore(%run_scoped3A : memref<!tpu.dma_semaphore, #tpu.memory_space<semaphore_mem>>) src(%arg4 : memref<10000x128xf32, #tpu.memory_space<hbm>>) dst(%arg10 : memref<10000x128xf32, #tpu.memory_space<vmem_shared>>)
        tpu.yield
      }) : () -> ()
    } else {
    }
    %barrier3A = arith.constant 0 : index
    tpu.barrier barrier_id(%barrier3A)
    "tpu.region"() ({
      %run_scoped3A = tpu.sem_alloc : memref<!tpu.dma_semaphore, #tpu.memory_space<semaphore_mem>>
      %dma_start3A = arith.constant 0 : i32
      %dma_start3A_20 = tpu.memref_slice %arg3[%add3A_4, %dma_start3A] : memref<2560x128xi32, #tpu.memory_space<hbm>> -> memref<1x128xi32, #tpu.memory_space<hbm>>
      %dma_start3A_21 = arith.constant 0 : i32
      %dma_start3A_22 = tpu.memref_slice %arg3[%add3A_4, %dma_start3A_21] : memref<2560x128xi32, #tpu.memory_space<hbm>> -> memref<1x128xi32, #tpu.memory_space<hbm>>
      tpu.enqueue_dma source(%dma_start3A_22 : memref<1x128xi32, #tpu.memory_space<hbm>>) target(%arg6 : memref<1x128xi32, #tpu.memory_space<vmem>>) target_semaphore(%run_scoped3A : memref<!tpu.dma_semaphore, #tpu.memory_space<semaphore_mem>>)
      %dma_wait3A = arith.constant 0 : i32
      %dma_wait3A_23 = tpu.memref_slice %arg3[%add3A_4, %dma_wait3A] : memref<2560x128xi32, #tpu.memory_space<hbm>> -> memref<1x128xi32, #tpu.memory_space<hbm>>
      %dma_wait3A_24 = arith.constant 0 : i32
      %dma_wait3A_25 = tpu.memref_slice %arg3[%add3A_4, %dma_wait3A_24] : memref<2560x128xi32, #tpu.memory_space<hbm>> -> memref<1x128xi32, #tpu.memory_space<hbm>>
      tpu.wait_dma2 semaphore(%run_scoped3A : memref<!tpu.dma_semaphore, #tpu.memory_space<semaphore_mem>>) src(%dma_wait3A_25 : memref<1x128xi32, #tpu.memory_space<hbm>>) dst(%arg6 : memref<1x128xi32, #tpu.memory_space<vmem>>)
      tpu.yield
    }) : () -> ()
    %mul3A_7 = arith.constant 5120 : i32
    %mul3A_8 = arith.muli %add3A, %mul3A_7 : i32
    "tpu.region"() ({
      %run_scoped3A = tpu.sem_alloc : memref<!tpu.dma_semaphore, #tpu.memory_space<semaphore_mem>>
      %dma_start3A = arith.constant 0 : i32
      %dma_start3A_20 = tpu.memref_slice %arg2[%mul3A_8, %dma_start3A] : memref<163840x128xf32, #tpu.memory_space<hbm>> -> memref<128x128xf32, #tpu.memory_space<hbm>>
      %dma_start3A_21 = arith.constant 0 : i32
      %dma_start3A_22 = tpu.memref_slice %arg2[%mul3A_8, %dma_start3A_21] : memref<163840x128xf32, #tpu.memory_space<hbm>> -> memref<128x128xf32, #tpu.memory_space<hbm>>
      tpu.enqueue_dma source(%dma_start3A_22 : memref<128x128xf32, #tpu.memory_space<hbm>>) target(%arg8 : memref<128x128xf32, #tpu.memory_space<vmem>>) target_semaphore(%run_scoped3A : memref<!tpu.dma_semaphore, #tpu.memory_space<semaphore_mem>>)
      %dma_wait3A = arith.constant 0 : i32
      %dma_wait3A_23 = tpu.memref_slice %arg2[%mul3A_8, %dma_wait3A] : memref<163840x128xf32, #tpu.memory_space<hbm>> -> memref<128x128xf32, #tpu.memory_space<hbm>>
      %dma_wait3A_24 = arith.constant 0 : i32
      %dma_wait3A_25 = tpu.memref_slice %arg2[%mul3A_8, %dma_wait3A_24] : memref<163840x128xf32, #tpu.memory_space<hbm>> -> memref<128x128xf32, #tpu.memory_space<hbm>>
      tpu.wait_dma2 semaphore(%run_scoped3A : memref<!tpu.dma_semaphore, #tpu.memory_space<semaphore_mem>>) src(%dma_wait3A_25 : memref<128x128xf32, #tpu.memory_space<hbm>>) dst(%arg8 : memref<128x128xf32, #tpu.memory_space<vmem>>)
      tpu.yield
    }) : () -> ()
    %scan3A = arith.constant 0 : i32
    %scan3A_9 = arith.constant 0 : i32
    %scan3A_10 = arith.constant 20 : i32
    %scan3A_11 = arith.addi %scan3A_9, %scan3A_10 : i32
    %scan3A_12 = arith.constant 1 : i32
    scf.for %scan3A_20 = %scan3A_9 to %scan3A_11 step %scan3A_12  : i32 {
      %mul3A_21 = arith.constant 2 : i32
      %mul3A_22 = arith.muli %scan3A_20, %mul3A_21 : i32
      %add3A_23 = arith.constant 0 : i32
      %add3A_24 = arith.addi %mul3A_22, %add3A_23 : i32
      %ge3A = arith.constant 1 : i32
      %ge3A_25 = arith.cmpi sge, %add3A_24, %ge3A : i32
      %convert_element_type3A_26 = arith.extui %ge3A_25 : i1 to i32
      %cond3A_27 = arith.constant 0 : i32
      %cond3A_28 = arith.cmpi ne, %convert_element_type3A_26, %cond3A_27 : i32
      scf.if %cond3A_28 {
        %dma_wait3A = arith.constant 0 : i32
        %dma_wait3A_52 = arith.constant 0 : i32
        %dma_wait3A_53 = tpu.memref_slice %arg3[%dma_wait3A, %dma_wait3A_52] : memref<2560x128xi32, #tpu.memory_space<hbm>> -> memref<1x128xi32, #tpu.memory_space<hbm>>
        %dma_wait3A_54 = arith.constant 0 : i32
        %dma_wait3A_55 = arith.constant 0 : i32
        %dma_wait3A_56 = tpu.memref_slice %arg3[%dma_wait3A_54, %dma_wait3A_55] : memref<2560x128xi32, #tpu.memory_space<hbm>> -> memref<1x128xi32, #tpu.memory_space<hbm>>
        tpu.wait_dma2 semaphore(%arg11 : memref<!tpu.dma_semaphore, #tpu.memory_space<semaphore_mem>>) src(%dma_wait3A_56 : memref<1x128xi32, #tpu.memory_space<hbm>>) dst(%arg6 : memref<1x128xi32, #tpu.memory_space<vmem>>)
        %dma_wait3A_57 = arith.constant 0 : i32
        %dma_wait3A_58 = arith.constant 0 : i32
        %dma_wait3A_59 = tpu.memref_slice %arg2[%dma_wait3A_57, %dma_wait3A_58] : memref<163840x128xf32, #tpu.memory_space<hbm>> -> memref<128x128xf32, #tpu.memory_space<hbm>>
        %dma_wait3A_60 = arith.constant 0 : i32
        %dma_wait3A_61 = arith.constant 0 : i32
        %dma_wait3A_62 = tpu.memref_slice %arg2[%dma_wait3A_60, %dma_wait3A_61] : memref<163840x128xf32, #tpu.memory_space<hbm>> -> memref<128x128xf32, #tpu.memory_space<hbm>>
        tpu.wait_dma2 semaphore(%arg13 : memref<!tpu.dma_semaphore, #tpu.memory_space<semaphore_mem>>) src(%dma_wait3A_62 : memref<128x128xf32, #tpu.memory_space<hbm>>) dst(%arg8 : memref<128x128xf32, #tpu.memory_space<vmem>>)
      } else {
      }
      %add3A_29 = arith.constant 1 : i32
      %add3A_30 = arith.addi %add3A_24, %add3A_29 : i32
      %lt3A = arith.constant 40 : i32
      %lt3A_31 = arith.cmpi slt, %add3A_30, %lt3A : i32
      %convert_element_type3A_32 = arith.extui %lt3A_31 : i1 to i32
      %cond3A_33 = arith.constant 0 : i32
      %cond3A_34 = arith.cmpi ne, %convert_element_type3A_32, %cond3A_33 : i32
      scf.if %cond3A_34 {
        %add3A_52 = arith.addi %add3A_4, %add3A_24 : i32
        %add3A_53 = arith.constant 1 : i32
        %add3A_54 = arith.addi %add3A_52, %add3A_53 : i32
        %dma_start3A = arith.constant 0 : i32
        %dma_start3A_55 = tpu.memref_slice %arg3[%add3A_54, %dma_start3A] : memref<2560x128xi32, #tpu.memory_space<hbm>> -> memref<1x128xi32, #tpu.memory_space<hbm>>
        %dma_start3A_56 = arith.constant 0 : i32
        %dma_start3A_57 = tpu.memref_slice %arg3[%add3A_54, %dma_start3A_56] : memref<2560x128xi32, #tpu.memory_space<hbm>> -> memref<1x128xi32, #tpu.memory_space<hbm>>
        tpu.enqueue_dma source(%dma_start3A_57 : memref<1x128xi32, #tpu.memory_space<hbm>>) target(%arg7 : memref<1x128xi32, #tpu.memory_space<vmem>>) target_semaphore(%arg12 : memref<!tpu.dma_semaphore, #tpu.memory_space<semaphore_mem>>)
        %mul3A_58 = arith.constant 5120 : i32
        %mul3A_59 = arith.muli %add3A, %mul3A_58 : i32
        %add3A_60 = arith.constant 1 : i32
        %add3A_61 = arith.addi %add3A_24, %add3A_60 : i32
        %mul3A_62 = arith.constant 128 : i32
        %mul3A_63 = arith.muli %add3A_61, %mul3A_62 : i32
        %add3A_64 = arith.addi %mul3A_59, %mul3A_63 : i32
        %dma_start3A_65 = arith.constant 0 : i32
        %dma_start3A_66 = tpu.memref_slice %arg2[%add3A_64, %dma_start3A_65] : memref<163840x128xf32, #tpu.memory_space<hbm>> -> memref<128x128xf32, #tpu.memory_space<hbm>>
        %dma_start3A_67 = arith.constant 0 : i32
        %dma_start3A_68 = tpu.memref_slice %arg2[%add3A_64, %dma_start3A_67] : memref<163840x128xf32, #tpu.memory_space<hbm>> -> memref<128x128xf32, #tpu.memory_space<hbm>>
        tpu.enqueue_dma source(%dma_start3A_68 : memref<128x128xf32, #tpu.memory_space<hbm>>) target(%arg9 : memref<128x128xf32, #tpu.memory_space<vmem>>) target_semaphore(%arg14 : memref<!tpu.dma_semaphore, #tpu.memory_space<semaphore_mem>>)
      } else {
      }
      %run_scoped3A = arith.constant 0 : i32
      "tpu.region"() ({
        %run_scoped3A_52 = tpu.sem_alloc : memref<!tpu.dma_semaphore, #tpu.memory_space<semaphore_mem>>
        %dma_start3A = arith.constant 0 : i32
        %dma_start3A_53 = tpu.memref_slice %arg6[%run_scoped3A, %dma_start3A] : memref<1x128xi32, #tpu.memory_space<vmem>> -> memref<1x128xi32, #tpu.memory_space<vmem>>
        %dma_start3A_54 = tpu.memref_squeeze %dma_start3A_53 : memref<1x128xi32, #tpu.memory_space<vmem>> -> memref<128xi32, #tpu.memory_space<vmem>>
        %dma_start3A_55 = arith.constant 0 : i32
        %dma_start3A_56 = arith.constant 0 : i32
        %dma_start3A_57 = tpu.memref_slice %arg10[%dma_start3A_55, %dma_start3A_56] : memref<10000x128xf32, #tpu.memory_space<vmem_shared>> -> memref<10000x128xf32, #tpu.memory_space<vmem_shared>>
        tpu.enqueue_indirect_dma source(%arg8 : memref<128x128xf32, #tpu.memory_space<vmem>>) target(%dma_start3A_57 : memref<10000x128xf32, #tpu.memory_space<vmem_shared>>) offsets(%dma_start3A_54 : memref<128xi32, #tpu.memory_space<vmem>>) semaphore(%run_scoped3A_52 : memref<!tpu.dma_semaphore, #tpu.memory_space<semaphore_mem>>) {add = true}
        %dma_wait3A = arith.constant 0 : i32
        %dma_wait3A_58 = tpu.memref_slice %arg6[%run_scoped3A, %dma_wait3A] : memref<1x128xi32, #tpu.memory_space<vmem>> -> memref<1x128xi32, #tpu.memory_space<vmem>>
        %dma_wait3A_59 = tpu.memref_squeeze %dma_wait3A_58 : memref<1x128xi32, #tpu.memory_space<vmem>> -> memref<128xi32, #tpu.memory_space<vmem>>
        %dma_wait3A_60 = arith.constant 0 : i32
        %dma_wait3A_61 = arith.constant 0 : i32
        %dma_wait3A_62 = tpu.memref_slice %arg10[%dma_wait3A_60, %dma_wait3A_61] : memref<10000x128xf32, #tpu.memory_space<vmem_shared>> -> memref<10000x128xf32, #tpu.memory_space<vmem_shared>>
        tpu.wait_indirect_dma semaphore(%run_scoped3A_52 : memref<!tpu.dma_semaphore, #tpu.memory_space<semaphore_mem>>) src(%arg8 : memref<128x128xf32, #tpu.memory_space<vmem>>) dst(%dma_wait3A_62 : memref<10000x128xf32, #tpu.memory_space<vmem_shared>>)
        tpu.yield
      }) : () -> ()
      %mul3A_35 = arith.constant 2 : i32
      %mul3A_36 = arith.muli %scan3A_20, %mul3A_35 : i32
      %add3A_37 = arith.constant 1 : i32
      %add3A_38 = arith.addi %mul3A_36, %add3A_37 : i32
      %ge3A_39 = arith.constant 1 : i32
      %ge3A_40 = arith.cmpi sge, %add3A_38, %ge3A_39 : i32
      %convert_element_type3A_41 = arith.extui %ge3A_40 : i1 to i32
      %cond3A_42 = arith.constant 0 : i32
      %cond3A_43 = arith.cmpi ne, %convert_element_type3A_41, %cond3A_42 : i32
      scf.if %cond3A_43 {
        %dma_wait3A = arith.constant 0 : i32
        %dma_wait3A_52 = arith.constant 0 : i32
        %dma_wait3A_53 = tpu.memref_slice %arg3[%dma_wait3A, %dma_wait3A_52] : memref<2560x128xi32, #tpu.memory_space<hbm>> -> memref<1x128xi32, #tpu.memory_space<hbm>>
        %dma_wait3A_54 = arith.constant 0 : i32
        %dma_wait3A_55 = arith.constant 0 : i32
        %dma_wait3A_56 = tpu.memref_slice %arg3[%dma_wait3A_54, %dma_wait3A_55] : memref<2560x128xi32, #tpu.memory_space<hbm>> -> memref<1x128xi32, #tpu.memory_space<hbm>>
        tpu.wait_dma2 semaphore(%arg12 : memref<!tpu.dma_semaphore, #tpu.memory_space<semaphore_mem>>) src(%dma_wait3A_56 : memref<1x128xi32, #tpu.memory_space<hbm>>) dst(%arg7 : memref<1x128xi32, #tpu.memory_space<vmem>>)
        %dma_wait3A_57 = arith.constant 0 : i32
        %dma_wait3A_58 = arith.constant 0 : i32
        %dma_wait3A_59 = tpu.memref_slice %arg2[%dma_wait3A_57, %dma_wait3A_58] : memref<163840x128xf32, #tpu.memory_space<hbm>> -> memref<128x128xf32, #tpu.memory_space<hbm>>
        %dma_wait3A_60 = arith.constant 0 : i32
        %dma_wait3A_61 = arith.constant 0 : i32
        %dma_wait3A_62 = tpu.memref_slice %arg2[%dma_wait3A_60, %dma_wait3A_61] : memref<163840x128xf32, #tpu.memory_space<hbm>> -> memref<128x128xf32, #tpu.memory_space<hbm>>
        tpu.wait_dma2 semaphore(%arg14 : memref<!tpu.dma_semaphore, #tpu.memory_space<semaphore_mem>>) src(%dma_wait3A_62 : memref<128x128xf32, #tpu.memory_space<hbm>>) dst(%arg9 : memref<128x128xf32, #tpu.memory_space<vmem>>)
      } else {
      }
      %add3A_44 = arith.constant 1 : i32
      %add3A_45 = arith.addi %add3A_38, %add3A_44 : i32
      %lt3A_46 = arith.constant 40 : i32
      %lt3A_47 = arith.cmpi slt, %add3A_45, %lt3A_46 : i32
      %convert_element_type3A_48 = arith.extui %lt3A_47 : i1 to i32
      %cond3A_49 = arith.constant 0 : i32
      %cond3A_50 = arith.cmpi ne, %convert_element_type3A_48, %cond3A_49 : i32
      scf.if %cond3A_50 {
        %add3A_52 = arith.addi %add3A_4, %add3A_38 : i32
        %add3A_53 = arith.constant 1 : i32
        %add3A_54 = arith.addi %add3A_52, %add3A_53 : i32
        %dma_start3A = arith.constant 0 : i32
        %dma_start3A_55 = tpu.memref_slice %arg3[%add3A_54, %dma_start3A] : memref<2560x128xi32, #tpu.memory_space<hbm>> -> memref<1x128xi32, #tpu.memory_space<hbm>>
        %dma_start3A_56 = arith.constant 0 : i32
        %dma_start3A_57 = tpu.memref_slice %arg3[%add3A_54, %dma_start3A_56] : memref<2560x128xi32, #tpu.memory_space<hbm>> -> memref<1x128xi32, #tpu.memory_space<hbm>>
        tpu.enqueue_dma source(%dma_start3A_57 : memref<1x128xi32, #tpu.memory_space<hbm>>) target(%arg6 : memref<1x128xi32, #tpu.memory_space<vmem>>) target_semaphore(%arg11 : memref<!tpu.dma_semaphore, #tpu.memory_space<semaphore_mem>>)
        %mul3A_58 = arith.constant 5120 : i32
        %mul3A_59 = arith.muli %add3A, %mul3A_58 : i32
        %add3A_60 = arith.constant 1 : i32
        %add3A_61 = arith.addi %add3A_38, %add3A_60 : i32
        %mul3A_62 = arith.constant 128 : i32
        %mul3A_63 = arith.muli %add3A_61, %mul3A_62 : i32
        %add3A_64 = arith.addi %mul3A_59, %mul3A_63 : i32
        %dma_start3A_65 = arith.constant 0 : i32
        %dma_start3A_66 = tpu.memref_slice %arg2[%add3A_64, %dma_start3A_65] : memref<163840x128xf32, #tpu.memory_space<hbm>> -> memref<128x128xf32, #tpu.memory_space<hbm>>
        %dma_start3A_67 = arith.constant 0 : i32
        %dma_start3A_68 = tpu.memref_slice %arg2[%add3A_64, %dma_start3A_67] : memref<163840x128xf32, #tpu.memory_space<hbm>> -> memref<128x128xf32, #tpu.memory_space<hbm>>
        tpu.enqueue_dma source(%dma_start3A_68 : memref<128x128xf32, #tpu.memory_space<hbm>>) target(%arg8 : memref<128x128xf32, #tpu.memory_space<vmem>>) target_semaphore(%arg13 : memref<!tpu.dma_semaphore, #tpu.memory_space<semaphore_mem>>)
      } else {
      }
      %run_scoped3A_51 = arith.constant 0 : i32
      "tpu.region"() ({
        %run_scoped3A_52 = tpu.sem_alloc : memref<!tpu.dma_semaphore, #tpu.memory_space<semaphore_mem>>
        %dma_start3A = arith.constant 0 : i32
        %dma_start3A_53 = tpu.memref_slice %arg7[%run_scoped3A_51, %dma_start3A] : memref<1x128xi32, #tpu.memory_space<vmem>> -> memref<1x128xi32, #tpu.memory_space<vmem>>
        %dma_start3A_54 = tpu.memref_squeeze %dma_start3A_53 : memref<1x128xi32, #tpu.memory_space<vmem>> -> memref<128xi32, #tpu.memory_space<vmem>>
        %dma_start3A_55 = arith.constant 0 : i32
        %dma_start3A_56 = arith.constant 0 : i32
        %dma_start3A_57 = tpu.memref_slice %arg10[%dma_start3A_55, %dma_start3A_56] : memref<10000x128xf32, #tpu.memory_space<vmem_shared>> -> memref<10000x128xf32, #tpu.memory_space<vmem_shared>>
        tpu.enqueue_indirect_dma source(%arg9 : memref<128x128xf32, #tpu.memory_space<vmem>>) target(%dma_start3A_57 : memref<10000x128xf32, #tpu.memory_space<vmem_shared>>) offsets(%dma_start3A_54 : memref<128xi32, #tpu.memory_space<vmem>>) semaphore(%run_scoped3A_52 : memref<!tpu.dma_semaphore, #tpu.memory_space<semaphore_mem>>) {add = true}
        %dma_wait3A = arith.constant 0 : i32
        %dma_wait3A_58 = tpu.memref_slice %arg7[%run_scoped3A_51, %dma_wait3A] : memref<1x128xi32, #tpu.memory_space<vmem>> -> memref<1x128xi32, #tpu.memory_space<vmem>>
        %dma_wait3A_59 = tpu.memref_squeeze %dma_wait3A_58 : memref<1x128xi32, #tpu.memory_space<vmem>> -> memref<128xi32, #tpu.memory_space<vmem>>
        %dma_wait3A_60 = arith.constant 0 : i32
        %dma_wait3A_61 = arith.constant 0 : i32
        %dma_wait3A_62 = tpu.memref_slice %arg10[%dma_wait3A_60, %dma_wait3A_61] : memref<10000x128xf32, #tpu.memory_space<vmem_shared>> -> memref<10000x128xf32, #tpu.memory_space<vmem_shared>>
        tpu.wait_indirect_dma semaphore(%run_scoped3A_52 : memref<!tpu.dma_semaphore, #tpu.memory_space<semaphore_mem>>) src(%arg9 : memref<128x128xf32, #tpu.memory_space<vmem>>) dst(%dma_wait3A_62 : memref<10000x128xf32, #tpu.memory_space<vmem_shared>>)
        tpu.yield
      }) : () -> ()
    }
    %scan3A_13 = arith.constant 20 : i32
    %barrier3A_14 = arith.constant 0 : index
    tpu.barrier barrier_id(%barrier3A_14)
    %eq3A_15 = arith.constant 0 : i32
    %eq3A_16 = arith.cmpi eq, %arg1, %eq3A_15 : i32
    %convert_element_type3A_17 = arith.extui %eq3A_16 : i1 to i32
    %cond3A_18 = arith.constant 0 : i32
    %cond3A_19 = arith.cmpi ne, %convert_element_type3A_17, %cond3A_18 : i32
    scf.if %cond3A_19 {
      %mul3A_20 = arith.constant 10000 : i32
      %mul3A_21 = arith.muli %arg0, %mul3A_20 : i32
      "tpu.region"() ({
        %run_scoped3A = tpu.sem_alloc : memref<!tpu.dma_semaphore, #tpu.memory_space<semaphore_mem>>
        %dma_start3A = arith.constant 0 : i32
        %dma_start3A_22 = tpu.memref_slice %arg5[%mul3A_21, %dma_start3A] : memref<20000x128xf32, #tpu.memory_space<hbm>> -> memref<10000x128xf32, #tpu.memory_space<hbm>>
        tpu.enqueue_dma source(%arg10 : memref<10000x128xf32, #tpu.memory_space<vmem_shared>>) target(%dma_start3A_22 : memref<10000x128xf32, #tpu.memory_space<hbm>>) target_semaphore(%run_scoped3A : memref<!tpu.dma_semaphore, #tpu.memory_space<semaphore_mem>>)
        %dma_wait3A = arith.constant 0 : i32
        %dma_wait3A_23 = tpu.memref_slice %arg5[%mul3A_21, %dma_wait3A] : memref<20000x128xf32, #tpu.memory_space<hbm>> -> memref<10000x128xf32, #tpu.memory_space<hbm>>
        tpu.wait_dma2 semaphore(%run_scoped3A : memref<!tpu.dma_semaphore, #tpu.memory_space<semaphore_mem>>) src(%arg10 : memref<10000x128xf32, #tpu.memory_space<vmem_shared>>) dst(%dma_wait3A_23 : memref<10000x128xf32, #tpu.memory_space<hbm>>)
        tpu.yield
      }) : () -> ()
    } else {
    }
    return
  }
}

#map = affine_map<(d0, d1) -> (0, 0)>
module attributes {stable_mosaic.version = 14 : i64} {
  func.func @_sc_gather(%arg0: i32, %arg1: i32, %arg2: memref<10000x128xf32, #tpu.memory_space<hbm>>, %arg3: memref<2560x128xi32, #tpu.memory_space<hbm>>, %arg4: memref<2560x128xi32, #tpu.memory_space<hbm>>, %arg5: memref<163840x128xf32, #tpu.memory_space<hbm>>, %arg6: memref<163840x128xf32, #tpu.memory_space<hbm>>, %arg7: memref<1x128xi32, #tpu.memory_space<vmem>>, %arg8: memref<1x128xi32, #tpu.memory_space<vmem>>, %arg9: memref<128x128xf32, #tpu.memory_space<vmem>>, %arg10: memref<128x128xf32, #tpu.memory_space<vmem>>, %arg11: memref<10000x128xf32, #tpu.memory_space<vmem_shared>>, %arg12: memref<!tpu.dma_semaphore, #tpu.memory_space<semaphore_mem>>, %arg13: memref<!tpu.dma_semaphore, #tpu.memory_space<semaphore_mem>>, %arg14: memref<!tpu.dma_semaphore, #tpu.memory_space<semaphore_mem>>, %arg15: memref<!tpu.dma_semaphore, #tpu.memory_space<semaphore_mem>>, %arg16: memref<!tpu.dma_semaphore, #tpu.memory_space<semaphore_mem>>, %arg17: memref<!tpu.dma_semaphore, #tpu.memory_space<semaphore_mem>>) attributes {dimension_semantics = [#tpu.dimension_semantics<core_parallel>, #tpu.dimension_semantics<subcore_parallel>], iteration_bounds = array<i64: 2, 16>, scalar_prefetch = 0 : i64, scratch_operands = 11 : i64, tpu.core_type = #tpu.core_type<sc_vector_subcore>, window_params = [{transform_indices = #map}, {transform_indices = #map}, {transform_indices = #map}, {transform_indices = #map}, {transform_indices = #map}]} {
    %mul3A = arith.constant 2 : i32
    %mul3A_0 = arith.muli %arg1, %mul3A : i32
    %add3A = arith.addi %mul3A_0, %arg0 : i32
    %mul3A_1 = arith.constant 40 : i32
    %mul3A_2 = arith.muli %add3A, %mul3A_1 : i32
    %add3A_3 = arith.constant 1280 : i32
    %add3A_4 = arith.addi %add3A_3, %mul3A_2 : i32
    %eq3A = arith.constant 0 : i32
    %eq3A_5 = arith.cmpi eq, %arg1, %eq3A : i32
    %convert_element_type3A = arith.extui %eq3A_5 : i1 to i32
    %cond3A = arith.constant 0 : i32
    %cond3A_6 = arith.cmpi ne, %convert_element_type3A, %cond3A : i32
    scf.if %cond3A_6 {
      "tpu.region"() ({
        %run_scoped3A = tpu.sem_alloc : memref<!tpu.dma_semaphore, #tpu.memory_space<semaphore_mem>>
        tpu.enqueue_dma source(%arg2 : memref<10000x128xf32, #tpu.memory_space<hbm>>) target(%arg11 : memref<10000x128xf32, #tpu.memory_space<vmem_shared>>) target_semaphore(%run_scoped3A : memref<!tpu.dma_semaphore, #tpu.memory_space<semaphore_mem>>)
        tpu.wait_dma2 semaphore(%run_scoped3A : memref<!tpu.dma_semaphore, #tpu.memory_space<semaphore_mem>>) src(%arg2 : memref<10000x128xf32, #tpu.memory_space<hbm>>) dst(%arg11 : memref<10000x128xf32, #tpu.memory_space<vmem_shared>>)
        tpu.yield
      }) : () -> ()
    } else {
    }
    %barrier3A = arith.constant 0 : index
    tpu.barrier barrier_id(%barrier3A)
    "tpu.region"() ({
      %run_scoped3A = tpu.sem_alloc : memref<!tpu.dma_semaphore, #tpu.memory_space<semaphore_mem>>
      %dma_start3A = arith.constant 0 : i32
      %dma_start3A_23 = tpu.memref_slice %arg3[%add3A_4, %dma_start3A] : memref<2560x128xi32, #tpu.memory_space<hbm>> -> memref<1x128xi32, #tpu.memory_space<hbm>>
      %dma_start3A_24 = arith.constant 0 : i32
      %dma_start3A_25 = tpu.memref_slice %arg3[%add3A_4, %dma_start3A_24] : memref<2560x128xi32, #tpu.memory_space<hbm>> -> memref<1x128xi32, #tpu.memory_space<hbm>>
      tpu.enqueue_dma source(%dma_start3A_25 : memref<1x128xi32, #tpu.memory_space<hbm>>) target(%arg7 : memref<1x128xi32, #tpu.memory_space<vmem>>) target_semaphore(%run_scoped3A : memref<!tpu.dma_semaphore, #tpu.memory_space<semaphore_mem>>)
      %dma_wait3A_26 = arith.constant 0 : i32
      %dma_wait3A_27 = tpu.memref_slice %arg3[%add3A_4, %dma_wait3A_26] : memref<2560x128xi32, #tpu.memory_space<hbm>> -> memref<1x128xi32, #tpu.memory_space<hbm>>
      %dma_wait3A_28 = arith.constant 0 : i32
      %dma_wait3A_29 = tpu.memref_slice %arg3[%add3A_4, %dma_wait3A_28] : memref<2560x128xi32, #tpu.memory_space<hbm>> -> memref<1x128xi32, #tpu.memory_space<hbm>>
      tpu.wait_dma2 semaphore(%run_scoped3A : memref<!tpu.dma_semaphore, #tpu.memory_space<semaphore_mem>>) src(%dma_wait3A_29 : memref<1x128xi32, #tpu.memory_space<hbm>>) dst(%arg7 : memref<1x128xi32, #tpu.memory_space<vmem>>)
      tpu.yield
    }) : () -> ()
    "tpu.region"() ({
      %run_scoped3A = tpu.sem_alloc : memref<!tpu.dma_semaphore, #tpu.memory_space<semaphore_mem>>
      %dma_start3A = arith.constant 0 : i32
      %dma_start3A_23 = tpu.memref_slice %arg4[%add3A_4, %dma_start3A] : memref<2560x128xi32, #tpu.memory_space<hbm>> -> memref<1x128xi32, #tpu.memory_space<hbm>>
      %dma_start3A_24 = arith.constant 0 : i32
      %dma_start3A_25 = tpu.memref_slice %arg4[%add3A_4, %dma_start3A_24] : memref<2560x128xi32, #tpu.memory_space<hbm>> -> memref<1x128xi32, #tpu.memory_space<hbm>>
      tpu.enqueue_dma source(%dma_start3A_25 : memref<1x128xi32, #tpu.memory_space<hbm>>) target(%arg8 : memref<1x128xi32, #tpu.memory_space<vmem>>) target_semaphore(%run_scoped3A : memref<!tpu.dma_semaphore, #tpu.memory_space<semaphore_mem>>)
      %dma_wait3A_26 = arith.constant 0 : i32
      %dma_wait3A_27 = tpu.memref_slice %arg4[%add3A_4, %dma_wait3A_26] : memref<2560x128xi32, #tpu.memory_space<hbm>> -> memref<1x128xi32, #tpu.memory_space<hbm>>
      %dma_wait3A_28 = arith.constant 0 : i32
      %dma_wait3A_29 = tpu.memref_slice %arg4[%add3A_4, %dma_wait3A_28] : memref<2560x128xi32, #tpu.memory_space<hbm>> -> memref<1x128xi32, #tpu.memory_space<hbm>>
      tpu.wait_dma2 semaphore(%run_scoped3A : memref<!tpu.dma_semaphore, #tpu.memory_space<semaphore_mem>>) src(%dma_wait3A_29 : memref<1x128xi32, #tpu.memory_space<hbm>>) dst(%arg8 : memref<1x128xi32, #tpu.memory_space<vmem>>)
      tpu.yield
    }) : () -> ()
    %scan3A = arith.constant 0 : i32
    %scan3A_7 = arith.constant 0 : i32
    %scan3A_8 = arith.constant 40 : i32
    %scan3A_9 = arith.addi %scan3A_7, %scan3A_8 : i32
    %scan3A_10 = arith.constant 1 : i32
    scf.for %scan3A_23 = %scan3A_7 to %scan3A_9 step %scan3A_10  : i32 {
      %mul3A_24 = arith.constant 5120 : i32
      %mul3A_25 = arith.muli %add3A, %mul3A_24 : i32
      %mul3A_26 = arith.constant 128 : i32
      %mul3A_27 = arith.muli %scan3A_23, %mul3A_26 : i32
      %add3A_28 = arith.addi %mul3A_25, %mul3A_27 : i32
      %ge3A = arith.constant 1 : i32
      %ge3A_29 = arith.cmpi sge, %scan3A_23, %ge3A : i32
      %convert_element_type3A_30 = arith.extui %ge3A_29 : i1 to i32
      %cond3A_31 = arith.constant 0 : i32
      %cond3A_32 = arith.cmpi ne, %convert_element_type3A_30, %cond3A_31 : i32
      scf.if %cond3A_32 {
        %dma_wait3A_86 = arith.constant 0 : i32
        %dma_wait3A_87 = arith.constant 0 : i32
        %dma_wait3A_88 = tpu.memref_slice %arg3[%dma_wait3A_86, %dma_wait3A_87] : memref<2560x128xi32, #tpu.memory_space<hbm>> -> memref<1x128xi32, #tpu.memory_space<hbm>>
        %dma_wait3A_89 = arith.constant 0 : i32
        %dma_wait3A_90 = arith.constant 0 : i32
        %dma_wait3A_91 = tpu.memref_slice %arg3[%dma_wait3A_89, %dma_wait3A_90] : memref<2560x128xi32, #tpu.memory_space<hbm>> -> memref<1x128xi32, #tpu.memory_space<hbm>>
        tpu.wait_dma2 semaphore(%arg12 : memref<!tpu.dma_semaphore, #tpu.memory_space<semaphore_mem>>) src(%dma_wait3A_91 : memref<1x128xi32, #tpu.memory_space<hbm>>) dst(%arg7 : memref<1x128xi32, #tpu.memory_space<vmem>>)
        %dma_wait3A_92 = arith.constant 0 : i32
        %dma_wait3A_93 = arith.constant 0 : i32
        %dma_wait3A_94 = tpu.memref_slice %arg5[%dma_wait3A_92, %dma_wait3A_93] : memref<163840x128xf32, #tpu.memory_space<hbm>> -> memref<128x128xf32, #tpu.memory_space<hbm>>
        %dma_wait3A_95 = arith.constant 0 : i32
        %dma_wait3A_96 = arith.constant 0 : i32
        %dma_wait3A_97 = tpu.memref_slice %arg5[%dma_wait3A_95, %dma_wait3A_96] : memref<163840x128xf32, #tpu.memory_space<hbm>> -> memref<128x128xf32, #tpu.memory_space<hbm>>
        tpu.wait_dma2 semaphore(%arg16 : memref<!tpu.dma_semaphore, #tpu.memory_space<semaphore_mem>>) src(%arg9 : memref<128x128xf32, #tpu.memory_space<vmem>>) dst(%dma_wait3A_97 : memref<128x128xf32, #tpu.memory_space<hbm>>)
      } else {
      }
      %dma_start3A = arith.constant 0 : i32
      %dma_start3A_33 = arith.constant 0 : i32
      %dma_start3A_34 = tpu.memref_slice %arg7[%dma_start3A, %dma_start3A_33] : memref<1x128xi32, #tpu.memory_space<vmem>> -> memref<1x128xi32, #tpu.memory_space<vmem>>
      %dma_start3A_35 = tpu.memref_squeeze %dma_start3A_34 : memref<1x128xi32, #tpu.memory_space<vmem>> -> memref<128xi32, #tpu.memory_space<vmem>>
      %dma_start3A_36 = arith.constant 0 : i32
      %dma_start3A_37 = arith.constant 0 : i32
      %dma_start3A_38 = tpu.memref_slice %arg11[%dma_start3A_36, %dma_start3A_37] : memref<10000x128xf32, #tpu.memory_space<vmem_shared>> -> memref<10000x128xf32, #tpu.memory_space<vmem_shared>>
      tpu.enqueue_indirect_dma source(%dma_start3A_38 : memref<10000x128xf32, #tpu.memory_space<vmem_shared>>) target(%arg9 : memref<128x128xf32, #tpu.memory_space<vmem>>) offsets(%dma_start3A_35 : memref<128xi32, #tpu.memory_space<vmem>>) semaphore(%arg14 : memref<!tpu.dma_semaphore, #tpu.memory_space<semaphore_mem>>)
      %dma_wait3A_39 = arith.constant 0 : i32
      %dma_wait3A_40 = arith.constant 0 : i32
      %dma_wait3A_41 = tpu.memref_slice %arg7[%dma_wait3A_39, %dma_wait3A_40] : memref<1x128xi32, #tpu.memory_space<vmem>> -> memref<1x128xi32, #tpu.memory_space<vmem>>
      %dma_wait3A_42 = tpu.memref_squeeze %dma_wait3A_41 : memref<1x128xi32, #tpu.memory_space<vmem>> -> memref<128xi32, #tpu.memory_space<vmem>>
      %dma_wait3A_43 = arith.constant 0 : i32
      %dma_wait3A_44 = arith.constant 0 : i32
      %dma_wait3A_45 = tpu.memref_slice %arg11[%dma_wait3A_43, %dma_wait3A_44] : memref<10000x128xf32, #tpu.memory_space<vmem_shared>> -> memref<10000x128xf32, #tpu.memory_space<vmem_shared>>
      tpu.wait_indirect_dma semaphore(%arg14 : memref<!tpu.dma_semaphore, #tpu.memory_space<semaphore_mem>>) src(%dma_wait3A_45 : memref<10000x128xf32, #tpu.memory_space<vmem_shared>>) dst(%arg9 : memref<128x128xf32, #tpu.memory_space<vmem>>)
      %add3A_46 = arith.constant 1 : i32
      %add3A_47 = arith.addi %scan3A_23, %add3A_46 : i32
      %lt3A = arith.constant 40 : i32
      %lt3A_48 = arith.cmpi slt, %add3A_47, %lt3A : i32
      %convert_element_type3A_49 = arith.extui %lt3A_48 : i1 to i32
      %cond3A_50 = arith.constant 0 : i32
      %cond3A_51 = arith.cmpi ne, %convert_element_type3A_49, %cond3A_50 : i32
      scf.if %cond3A_51 {
        %add3A_86 = arith.addi %add3A_4, %scan3A_23 : i32
        %add3A_87 = arith.constant 1 : i32
        %add3A_88 = arith.addi %add3A_86, %add3A_87 : i32
        %dma_start3A_89 = arith.constant 0 : i32
        %dma_start3A_90 = tpu.memref_slice %arg3[%add3A_88, %dma_start3A_89] : memref<2560x128xi32, #tpu.memory_space<hbm>> -> memref<1x128xi32, #tpu.memory_space<hbm>>
        %dma_start3A_91 = arith.constant 0 : i32
        %dma_start3A_92 = tpu.memref_slice %arg3[%add3A_88, %dma_start3A_91] : memref<2560x128xi32, #tpu.memory_space<hbm>> -> memref<1x128xi32, #tpu.memory_space<hbm>>
        tpu.enqueue_dma source(%dma_start3A_92 : memref<1x128xi32, #tpu.memory_space<hbm>>) target(%arg7 : memref<1x128xi32, #tpu.memory_space<vmem>>) target_semaphore(%arg12 : memref<!tpu.dma_semaphore, #tpu.memory_space<semaphore_mem>>)
      } else {
      }
      %dma_start3A_52 = arith.constant 0 : i32
      %dma_start3A_53 = tpu.memref_slice %arg5[%add3A_28, %dma_start3A_52] : memref<163840x128xf32, #tpu.memory_space<hbm>> -> memref<128x128xf32, #tpu.memory_space<hbm>>
      %dma_start3A_54 = arith.constant 0 : i32
      %dma_start3A_55 = tpu.memref_slice %arg5[%add3A_28, %dma_start3A_54] : memref<163840x128xf32, #tpu.memory_space<hbm>> -> memref<128x128xf32, #tpu.memory_space<hbm>>
      tpu.enqueue_dma source(%arg9 : memref<128x128xf32, #tpu.memory_space<vmem>>) target(%dma_start3A_55 : memref<128x128xf32, #tpu.memory_space<hbm>>) target_semaphore(%arg16 : memref<!tpu.dma_semaphore, #tpu.memory_space<semaphore_mem>>)
      %ge3A_56 = arith.constant 1 : i32
      %ge3A_57 = arith.cmpi sge, %scan3A_23, %ge3A_56 : i32
      %convert_element_type3A_58 = arith.extui %ge3A_57 : i1 to i32
      %cond3A_59 = arith.constant 0 : i32
      %cond3A_60 = arith.cmpi ne, %convert_element_type3A_58, %cond3A_59 : i32
      scf.if %cond3A_60 {
        %dma_wait3A_86 = arith.constant 0 : i32
        %dma_wait3A_87 = arith.constant 0 : i32
        %dma_wait3A_88 = tpu.memref_slice %arg4[%dma_wait3A_86, %dma_wait3A_87] : memref<2560x128xi32, #tpu.memory_space<hbm>> -> memref<1x128xi32, #tpu.memory_space<hbm>>
        %dma_wait3A_89 = arith.constant 0 : i32
        %dma_wait3A_90 = arith.constant 0 : i32
        %dma_wait3A_91 = tpu.memref_slice %arg4[%dma_wait3A_89, %dma_wait3A_90] : memref<2560x128xi32, #tpu.memory_space<hbm>> -> memref<1x128xi32, #tpu.memory_space<hbm>>
        tpu.wait_dma2 semaphore(%arg13 : memref<!tpu.dma_semaphore, #tpu.memory_space<semaphore_mem>>) src(%dma_wait3A_91 : memref<1x128xi32, #tpu.memory_space<hbm>>) dst(%arg8 : memref<1x128xi32, #tpu.memory_space<vmem>>)
        %dma_wait3A_92 = arith.constant 0 : i32
        %dma_wait3A_93 = arith.constant 0 : i32
        %dma_wait3A_94 = tpu.memref_slice %arg6[%dma_wait3A_92, %dma_wait3A_93] : memref<163840x128xf32, #tpu.memory_space<hbm>> -> memref<128x128xf32, #tpu.memory_space<hbm>>
        %dma_wait3A_95 = arith.constant 0 : i32
        %dma_wait3A_96 = arith.constant 0 : i32
        %dma_wait3A_97 = tpu.memref_slice %arg6[%dma_wait3A_95, %dma_wait3A_96] : memref<163840x128xf32, #tpu.memory_space<hbm>> -> memref<128x128xf32, #tpu.memory_space<hbm>>
        tpu.wait_dma2 semaphore(%arg17 : memref<!tpu.dma_semaphore, #tpu.memory_space<semaphore_mem>>) src(%arg10 : memref<128x128xf32, #tpu.memory_space<vmem>>) dst(%dma_wait3A_97 : memref<128x128xf32, #tpu.memory_space<hbm>>)
      } else {
      }
      %dma_start3A_61 = arith.constant 0 : i32
      %dma_start3A_62 = arith.constant 0 : i32
      %dma_start3A_63 = tpu.memref_slice %arg8[%dma_start3A_61, %dma_start3A_62] : memref<1x128xi32, #tpu.memory_space<vmem>> -> memref<1x128xi32, #tpu.memory_space<vmem>>
      %dma_start3A_64 = tpu.memref_squeeze %dma_start3A_63 : memref<1x128xi32, #tpu.memory_space<vmem>> -> memref<128xi32, #tpu.memory_space<vmem>>
      %dma_start3A_65 = arith.constant 0 : i32
      %dma_start3A_66 = arith.constant 0 : i32
      %dma_start3A_67 = tpu.memref_slice %arg11[%dma_start3A_65, %dma_start3A_66] : memref<10000x128xf32, #tpu.memory_space<vmem_shared>> -> memref<10000x128xf32, #tpu.memory_space<vmem_shared>>
      tpu.enqueue_indirect_dma source(%dma_start3A_67 : memref<10000x128xf32, #tpu.memory_space<vmem_shared>>) target(%arg10 : memref<128x128xf32, #tpu.memory_space<vmem>>) offsets(%dma_start3A_64 : memref<128xi32, #tpu.memory_space<vmem>>) semaphore(%arg15 : memref<!tpu.dma_semaphore, #tpu.memory_space<semaphore_mem>>)
      %dma_wait3A_68 = arith.constant 0 : i32
      %dma_wait3A_69 = arith.constant 0 : i32
      %dma_wait3A_70 = tpu.memref_slice %arg8[%dma_wait3A_68, %dma_wait3A_69] : memref<1x128xi32, #tpu.memory_space<vmem>> -> memref<1x128xi32, #tpu.memory_space<vmem>>
      %dma_wait3A_71 = tpu.memref_squeeze %dma_wait3A_70 : memref<1x128xi32, #tpu.memory_space<vmem>> -> memref<128xi32, #tpu.memory_space<vmem>>
      %dma_wait3A_72 = arith.constant 0 : i32
      %dma_wait3A_73 = arith.constant 0 : i32
      %dma_wait3A_74 = tpu.memref_slice %arg11[%dma_wait3A_72, %dma_wait3A_73] : memref<10000x128xf32, #tpu.memory_space<vmem_shared>> -> memref<10000x128xf32, #tpu.memory_space<vmem_shared>>
      tpu.wait_indirect_dma semaphore(%arg15 : memref<!tpu.dma_semaphore, #tpu.memory_space<semaphore_mem>>) src(%dma_wait3A_74 : memref<10000x128xf32, #tpu.memory_space<vmem_shared>>) dst(%arg10 : memref<128x128xf32, #tpu.memory_space<vmem>>)
      %add3A_75 = arith.constant 1 : i32
      %add3A_76 = arith.addi %scan3A_23, %add3A_75 : i32
      %lt3A_77 = arith.constant 40 : i32
      %lt3A_78 = arith.cmpi slt, %add3A_76, %lt3A_77 : i32
      %convert_element_type3A_79 = arith.extui %lt3A_78 : i1 to i32
      %cond3A_80 = arith.constant 0 : i32
      %cond3A_81 = arith.cmpi ne, %convert_element_type3A_79, %cond3A_80 : i32
      scf.if %cond3A_81 {
        %add3A_86 = arith.addi %add3A_4, %scan3A_23 : i32
        %add3A_87 = arith.constant 1 : i32
        %add3A_88 = arith.addi %add3A_86, %add3A_87 : i32
        %dma_start3A_89 = arith.constant 0 : i32
        %dma_start3A_90 = tpu.memref_slice %arg4[%add3A_88, %dma_start3A_89] : memref<2560x128xi32, #tpu.memory_space<hbm>> -> memref<1x128xi32, #tpu.memory_space<hbm>>
        %dma_start3A_91 = arith.constant 0 : i32
        %dma_start3A_92 = tpu.memref_slice %arg4[%add3A_88, %dma_start3A_91] : memref<2560x128xi32, #tpu.memory_space<hbm>> -> memref<1x128xi32, #tpu.memory_space<hbm>>
        tpu.enqueue_dma source(%dma_start3A_92 : memref<1x128xi32, #tpu.memory_space<hbm>>) target(%arg8 : memref<1x128xi32, #tpu.memory_space<vmem>>) target_semaphore(%arg13 : memref<!tpu.dma_semaphore, #tpu.memory_space<semaphore_mem>>)
      } else {
      }
      %dma_start3A_82 = arith.constant 0 : i32
      %dma_start3A_83 = tpu.memref_slice %arg6[%add3A_28, %dma_start3A_82] : memref<163840x128xf32, #tpu.memory_space<hbm>> -> memref<128x128xf32, #tpu.memory_space<hbm>>
      %dma_start3A_84 = arith.constant 0 : i32
      %dma_start3A_85 = tpu.memref_slice %arg6[%add3A_28, %dma_start3A_84] : memref<163840x128xf32, #tpu.memory_space<hbm>> -> memref<128x128xf32, #tpu.memory_space<hbm>>
      tpu.enqueue_dma source(%arg10 : memref<128x128xf32, #tpu.memory_space<vmem>>) target(%dma_start3A_85 : memref<128x128xf32, #tpu.memory_space<hbm>>) target_semaphore(%arg17 : memref<!tpu.dma_semaphore, #tpu.memory_space<semaphore_mem>>)
    }
    %scan3A_11 = arith.constant 40 : i32
    %dma_wait3A = arith.constant 0 : i32
    %dma_wait3A_12 = arith.constant 0 : i32
    %dma_wait3A_13 = tpu.memref_slice %arg5[%dma_wait3A, %dma_wait3A_12] : memref<163840x128xf32, #tpu.memory_space<hbm>> -> memref<128x128xf32, #tpu.memory_space<hbm>>
    %dma_wait3A_14 = arith.constant 0 : i32
    %dma_wait3A_15 = arith.constant 0 : i32
    %dma_wait3A_16 = tpu.memref_slice %arg5[%dma_wait3A_14, %dma_wait3A_15] : memref<163840x128xf32, #tpu.memory_space<hbm>> -> memref<128x128xf32, #tpu.memory_space<hbm>>
    tpu.wait_dma2 semaphore(%arg16 : memref<!tpu.dma_semaphore, #tpu.memory_space<semaphore_mem>>) src(%arg9 : memref<128x128xf32, #tpu.memory_space<vmem>>) dst(%dma_wait3A_16 : memref<128x128xf32, #tpu.memory_space<hbm>>)
    %dma_wait3A_17 = arith.constant 0 : i32
    %dma_wait3A_18 = arith.constant 0 : i32
    %dma_wait3A_19 = tpu.memref_slice %arg6[%dma_wait3A_17, %dma_wait3A_18] : memref<163840x128xf32, #tpu.memory_space<hbm>> -> memref<128x128xf32, #tpu.memory_space<hbm>>
    %dma_wait3A_20 = arith.constant 0 : i32
    %dma_wait3A_21 = arith.constant 0 : i32
    %dma_wait3A_22 = tpu.memref_slice %arg6[%dma_wait3A_20, %dma_wait3A_21] : memref<163840x128xf32, #tpu.memory_space<hbm>> -> memref<128x128xf32, #tpu.memory_space<hbm>>
    tpu.wait_dma2 semaphore(%arg17 : memref<!tpu.dma_semaphore, #tpu.memory_space<semaphore_mem>>) src(%arg10 : memref<128x128xf32, #tpu.memory_space<vmem>>) dst(%dma_wait3A_22 : memref<128x128xf32, #tpu.memory_space<hbm>>)
    return
  }
}

#map = affine_map<(d0, d1) -> (0, 0)>
module attributes {stable_mosaic.version = 14 : i64} {
  func.func @_sc_gather(%arg0: i32, %arg1: i32, %arg2: memref<10000x128xf32, #tpu.memory_space<hbm>>, %arg3: memref<2560x128xi32, #tpu.memory_space<hbm>>, %arg4: memref<2560x128xi32, #tpu.memory_space<hbm>>, %arg5: memref<163840x128xf32, #tpu.memory_space<hbm>>, %arg6: memref<163840x128xf32, #tpu.memory_space<hbm>>, %arg7: memref<1x128xi32, #tpu.memory_space<vmem>>, %arg8: memref<1x128xi32, #tpu.memory_space<vmem>>, %arg9: memref<128x128xf32, #tpu.memory_space<vmem>>, %arg10: memref<128x128xf32, #tpu.memory_space<vmem>>, %arg11: memref<10000x128xf32, #tpu.memory_space<vmem_shared>>, %arg12: memref<!tpu.dma_semaphore, #tpu.memory_space<semaphore_mem>>, %arg13: memref<!tpu.dma_semaphore, #tpu.memory_space<semaphore_mem>>, %arg14: memref<!tpu.dma_semaphore, #tpu.memory_space<semaphore_mem>>, %arg15: memref<!tpu.dma_semaphore, #tpu.memory_space<semaphore_mem>>, %arg16: memref<!tpu.dma_semaphore, #tpu.memory_space<semaphore_mem>>, %arg17: memref<!tpu.dma_semaphore, #tpu.memory_space<semaphore_mem>>) attributes {dimension_semantics = [#tpu.dimension_semantics<core_parallel>, #tpu.dimension_semantics<subcore_parallel>], iteration_bounds = array<i64: 2, 16>, scalar_prefetch = 0 : i64, scratch_operands = 11 : i64, tpu.core_type = #tpu.core_type<sc_vector_subcore>, window_params = [{transform_indices = #map}, {transform_indices = #map}, {transform_indices = #map}, {transform_indices = #map}, {transform_indices = #map}]} {
    %mul3A = arith.constant 2 : i32
    %mul3A_0 = arith.muli %arg1, %mul3A : i32
    %add3A = arith.addi %mul3A_0, %arg0 : i32
    %mul3A_1 = arith.constant 40 : i32
    %mul3A_2 = arith.muli %add3A, %mul3A_1 : i32
    %add3A_3 = arith.constant 0 : i32
    %add3A_4 = arith.addi %add3A_3, %mul3A_2 : i32
    %eq3A = arith.constant 0 : i32
    %eq3A_5 = arith.cmpi eq, %arg1, %eq3A : i32
    %convert_element_type3A = arith.extui %eq3A_5 : i1 to i32
    %cond3A = arith.constant 0 : i32
    %cond3A_6 = arith.cmpi ne, %convert_element_type3A, %cond3A : i32
    scf.if %cond3A_6 {
      "tpu.region"() ({
        %run_scoped3A = tpu.sem_alloc : memref<!tpu.dma_semaphore, #tpu.memory_space<semaphore_mem>>
        tpu.enqueue_dma source(%arg2 : memref<10000x128xf32, #tpu.memory_space<hbm>>) target(%arg11 : memref<10000x128xf32, #tpu.memory_space<vmem_shared>>) target_semaphore(%run_scoped3A : memref<!tpu.dma_semaphore, #tpu.memory_space<semaphore_mem>>)
        tpu.wait_dma2 semaphore(%run_scoped3A : memref<!tpu.dma_semaphore, #tpu.memory_space<semaphore_mem>>) src(%arg2 : memref<10000x128xf32, #tpu.memory_space<hbm>>) dst(%arg11 : memref<10000x128xf32, #tpu.memory_space<vmem_shared>>)
        tpu.yield
      }) : () -> ()
    } else {
    }
    %barrier3A = arith.constant 0 : index
    tpu.barrier barrier_id(%barrier3A)
    "tpu.region"() ({
      %run_scoped3A = tpu.sem_alloc : memref<!tpu.dma_semaphore, #tpu.memory_space<semaphore_mem>>
      %dma_start3A = arith.constant 0 : i32
      %dma_start3A_23 = tpu.memref_slice %arg3[%add3A_4, %dma_start3A] : memref<2560x128xi32, #tpu.memory_space<hbm>> -> memref<1x128xi32, #tpu.memory_space<hbm>>
      %dma_start3A_24 = arith.constant 0 : i32
      %dma_start3A_25 = tpu.memref_slice %arg3[%add3A_4, %dma_start3A_24] : memref<2560x128xi32, #tpu.memory_space<hbm>> -> memref<1x128xi32, #tpu.memory_space<hbm>>
      tpu.enqueue_dma source(%dma_start3A_25 : memref<1x128xi32, #tpu.memory_space<hbm>>) target(%arg7 : memref<1x128xi32, #tpu.memory_space<vmem>>) target_semaphore(%run_scoped3A : memref<!tpu.dma_semaphore, #tpu.memory_space<semaphore_mem>>)
      %dma_wait3A_26 = arith.constant 0 : i32
      %dma_wait3A_27 = tpu.memref_slice %arg3[%add3A_4, %dma_wait3A_26] : memref<2560x128xi32, #tpu.memory_space<hbm>> -> memref<1x128xi32, #tpu.memory_space<hbm>>
      %dma_wait3A_28 = arith.constant 0 : i32
      %dma_wait3A_29 = tpu.memref_slice %arg3[%add3A_4, %dma_wait3A_28] : memref<2560x128xi32, #tpu.memory_space<hbm>> -> memref<1x128xi32, #tpu.memory_space<hbm>>
      tpu.wait_dma2 semaphore(%run_scoped3A : memref<!tpu.dma_semaphore, #tpu.memory_space<semaphore_mem>>) src(%dma_wait3A_29 : memref<1x128xi32, #tpu.memory_space<hbm>>) dst(%arg7 : memref<1x128xi32, #tpu.memory_space<vmem>>)
      tpu.yield
    }) : () -> ()
    "tpu.region"() ({
      %run_scoped3A = tpu.sem_alloc : memref<!tpu.dma_semaphore, #tpu.memory_space<semaphore_mem>>
      %dma_start3A = arith.constant 0 : i32
      %dma_start3A_23 = tpu.memref_slice %arg4[%add3A_4, %dma_start3A] : memref<2560x128xi32, #tpu.memory_space<hbm>> -> memref<1x128xi32, #tpu.memory_space<hbm>>
      %dma_start3A_24 = arith.constant 0 : i32
      %dma_start3A_25 = tpu.memref_slice %arg4[%add3A_4, %dma_start3A_24] : memref<2560x128xi32, #tpu.memory_space<hbm>> -> memref<1x128xi32, #tpu.memory_space<hbm>>
      tpu.enqueue_dma source(%dma_start3A_25 : memref<1x128xi32, #tpu.memory_space<hbm>>) target(%arg8 : memref<1x128xi32, #tpu.memory_space<vmem>>) target_semaphore(%run_scoped3A : memref<!tpu.dma_semaphore, #tpu.memory_space<semaphore_mem>>)
      %dma_wait3A_26 = arith.constant 0 : i32
      %dma_wait3A_27 = tpu.memref_slice %arg4[%add3A_4, %dma_wait3A_26] : memref<2560x128xi32, #tpu.memory_space<hbm>> -> memref<1x128xi32, #tpu.memory_space<hbm>>
      %dma_wait3A_28 = arith.constant 0 : i32
      %dma_wait3A_29 = tpu.memref_slice %arg4[%add3A_4, %dma_wait3A_28] : memref<2560x128xi32, #tpu.memory_space<hbm>> -> memref<1x128xi32, #tpu.memory_space<hbm>>
      tpu.wait_dma2 semaphore(%run_scoped3A : memref<!tpu.dma_semaphore, #tpu.memory_space<semaphore_mem>>) src(%dma_wait3A_29 : memref<1x128xi32, #tpu.memory_space<hbm>>) dst(%arg8 : memref<1x128xi32, #tpu.memory_space<vmem>>)
      tpu.yield
    }) : () -> ()
    %scan3A = arith.constant 0 : i32
    %scan3A_7 = arith.constant 0 : i32
    %scan3A_8 = arith.constant 40 : i32
    %scan3A_9 = arith.addi %scan3A_7, %scan3A_8 : i32
    %scan3A_10 = arith.constant 1 : i32
    scf.for %scan3A_23 = %scan3A_7 to %scan3A_9 step %scan3A_10  : i32 {
      %mul3A_24 = arith.constant 5120 : i32
      %mul3A_25 = arith.muli %add3A, %mul3A_24 : i32
      %mul3A_26 = arith.constant 128 : i32
      %mul3A_27 = arith.muli %scan3A_23, %mul3A_26 : i32
      %add3A_28 = arith.addi %mul3A_25, %mul3A_27 : i32
      %ge3A = arith.constant 1 : i32
      %ge3A_29 = arith.cmpi sge, %scan3A_23, %ge3A : i32
      %convert_element_type3A_30 = arith.extui %ge3A_29 : i1 to i32
      %cond3A_31 = arith.constant 0 : i32
      %cond3A_32 = arith.cmpi ne, %convert_element_type3A_30, %cond3A_31 : i32
      scf.if %cond3A_32 {
        %dma_wait3A_86 = arith.constant 0 : i32
        %dma_wait3A_87 = arith.constant 0 : i32
        %dma_wait3A_88 = tpu.memref_slice %arg3[%dma_wait3A_86, %dma_wait3A_87] : memref<2560x128xi32, #tpu.memory_space<hbm>> -> memref<1x128xi32, #tpu.memory_space<hbm>>
        %dma_wait3A_89 = arith.constant 0 : i32
        %dma_wait3A_90 = arith.constant 0 : i32
        %dma_wait3A_91 = tpu.memref_slice %arg3[%dma_wait3A_89, %dma_wait3A_90] : memref<2560x128xi32, #tpu.memory_space<hbm>> -> memref<1x128xi32, #tpu.memory_space<hbm>>
        tpu.wait_dma2 semaphore(%arg12 : memref<!tpu.dma_semaphore, #tpu.memory_space<semaphore_mem>>) src(%dma_wait3A_91 : memref<1x128xi32, #tpu.memory_space<hbm>>) dst(%arg7 : memref<1x128xi32, #tpu.memory_space<vmem>>)
        %dma_wait3A_92 = arith.constant 0 : i32
        %dma_wait3A_93 = arith.constant 0 : i32
        %dma_wait3A_94 = tpu.memref_slice %arg5[%dma_wait3A_92, %dma_wait3A_93] : memref<163840x128xf32, #tpu.memory_space<hbm>> -> memref<128x128xf32, #tpu.memory_space<hbm>>
        %dma_wait3A_95 = arith.constant 0 : i32
        %dma_wait3A_96 = arith.constant 0 : i32
        %dma_wait3A_97 = tpu.memref_slice %arg5[%dma_wait3A_95, %dma_wait3A_96] : memref<163840x128xf32, #tpu.memory_space<hbm>> -> memref<128x128xf32, #tpu.memory_space<hbm>>
        tpu.wait_dma2 semaphore(%arg16 : memref<!tpu.dma_semaphore, #tpu.memory_space<semaphore_mem>>) src(%arg9 : memref<128x128xf32, #tpu.memory_space<vmem>>) dst(%dma_wait3A_97 : memref<128x128xf32, #tpu.memory_space<hbm>>)
      } else {
      }
      %dma_start3A = arith.constant 0 : i32
      %dma_start3A_33 = arith.constant 0 : i32
      %dma_start3A_34 = tpu.memref_slice %arg7[%dma_start3A, %dma_start3A_33] : memref<1x128xi32, #tpu.memory_space<vmem>> -> memref<1x128xi32, #tpu.memory_space<vmem>>
      %dma_start3A_35 = tpu.memref_squeeze %dma_start3A_34 : memref<1x128xi32, #tpu.memory_space<vmem>> -> memref<128xi32, #tpu.memory_space<vmem>>
      %dma_start3A_36 = arith.constant 0 : i32
      %dma_start3A_37 = arith.constant 0 : i32
      %dma_start3A_38 = tpu.memref_slice %arg11[%dma_start3A_36, %dma_start3A_37] : memref<10000x128xf32, #tpu.memory_space<vmem_shared>> -> memref<10000x128xf32, #tpu.memory_space<vmem_shared>>
      tpu.enqueue_indirect_dma source(%dma_start3A_38 : memref<10000x128xf32, #tpu.memory_space<vmem_shared>>) target(%arg9 : memref<128x128xf32, #tpu.memory_space<vmem>>) offsets(%dma_start3A_35 : memref<128xi32, #tpu.memory_space<vmem>>) semaphore(%arg14 : memref<!tpu.dma_semaphore, #tpu.memory_space<semaphore_mem>>)
      %dma_wait3A_39 = arith.constant 0 : i32
      %dma_wait3A_40 = arith.constant 0 : i32
      %dma_wait3A_41 = tpu.memref_slice %arg7[%dma_wait3A_39, %dma_wait3A_40] : memref<1x128xi32, #tpu.memory_space<vmem>> -> memref<1x128xi32, #tpu.memory_space<vmem>>
      %dma_wait3A_42 = tpu.memref_squeeze %dma_wait3A_41 : memref<1x128xi32, #tpu.memory_space<vmem>> -> memref<128xi32, #tpu.memory_space<vmem>>
      %dma_wait3A_43 = arith.constant 0 : i32
      %dma_wait3A_44 = arith.constant 0 : i32
      %dma_wait3A_45 = tpu.memref_slice %arg11[%dma_wait3A_43, %dma_wait3A_44] : memref<10000x128xf32, #tpu.memory_space<vmem_shared>> -> memref<10000x128xf32, #tpu.memory_space<vmem_shared>>
      tpu.wait_indirect_dma semaphore(%arg14 : memref<!tpu.dma_semaphore, #tpu.memory_space<semaphore_mem>>) src(%dma_wait3A_45 : memref<10000x128xf32, #tpu.memory_space<vmem_shared>>) dst(%arg9 : memref<128x128xf32, #tpu.memory_space<vmem>>)
      %add3A_46 = arith.constant 1 : i32
      %add3A_47 = arith.addi %scan3A_23, %add3A_46 : i32
      %lt3A = arith.constant 40 : i32
      %lt3A_48 = arith.cmpi slt, %add3A_47, %lt3A : i32
      %convert_element_type3A_49 = arith.extui %lt3A_48 : i1 to i32
      %cond3A_50 = arith.constant 0 : i32
      %cond3A_51 = arith.cmpi ne, %convert_element_type3A_49, %cond3A_50 : i32
      scf.if %cond3A_51 {
        %add3A_86 = arith.addi %add3A_4, %scan3A_23 : i32
        %add3A_87 = arith.constant 1 : i32
        %add3A_88 = arith.addi %add3A_86, %add3A_87 : i32
        %dma_start3A_89 = arith.constant 0 : i32
        %dma_start3A_90 = tpu.memref_slice %arg3[%add3A_88, %dma_start3A_89] : memref<2560x128xi32, #tpu.memory_space<hbm>> -> memref<1x128xi32, #tpu.memory_space<hbm>>
        %dma_start3A_91 = arith.constant 0 : i32
        %dma_start3A_92 = tpu.memref_slice %arg3[%add3A_88, %dma_start3A_91] : memref<2560x128xi32, #tpu.memory_space<hbm>> -> memref<1x128xi32, #tpu.memory_space<hbm>>
        tpu.enqueue_dma source(%dma_start3A_92 : memref<1x128xi32, #tpu.memory_space<hbm>>) target(%arg7 : memref<1x128xi32, #tpu.memory_space<vmem>>) target_semaphore(%arg12 : memref<!tpu.dma_semaphore, #tpu.memory_space<semaphore_mem>>)
      } else {
      }
      %dma_start3A_52 = arith.constant 0 : i32
      %dma_start3A_53 = tpu.memref_slice %arg5[%add3A_28, %dma_start3A_52] : memref<163840x128xf32, #tpu.memory_space<hbm>> -> memref<128x128xf32, #tpu.memory_space<hbm>>
      %dma_start3A_54 = arith.constant 0 : i32
      %dma_start3A_55 = tpu.memref_slice %arg5[%add3A_28, %dma_start3A_54] : memref<163840x128xf32, #tpu.memory_space<hbm>> -> memref<128x128xf32, #tpu.memory_space<hbm>>
      tpu.enqueue_dma source(%arg9 : memref<128x128xf32, #tpu.memory_space<vmem>>) target(%dma_start3A_55 : memref<128x128xf32, #tpu.memory_space<hbm>>) target_semaphore(%arg16 : memref<!tpu.dma_semaphore, #tpu.memory_space<semaphore_mem>>)
      %ge3A_56 = arith.constant 1 : i32
      %ge3A_57 = arith.cmpi sge, %scan3A_23, %ge3A_56 : i32
      %convert_element_type3A_58 = arith.extui %ge3A_57 : i1 to i32
      %cond3A_59 = arith.constant 0 : i32
      %cond3A_60 = arith.cmpi ne, %convert_element_type3A_58, %cond3A_59 : i32
      scf.if %cond3A_60 {
        %dma_wait3A_86 = arith.constant 0 : i32
        %dma_wait3A_87 = arith.constant 0 : i32
        %dma_wait3A_88 = tpu.memref_slice %arg4[%dma_wait3A_86, %dma_wait3A_87] : memref<2560x128xi32, #tpu.memory_space<hbm>> -> memref<1x128xi32, #tpu.memory_space<hbm>>
        %dma_wait3A_89 = arith.constant 0 : i32
        %dma_wait3A_90 = arith.constant 0 : i32
        %dma_wait3A_91 = tpu.memref_slice %arg4[%dma_wait3A_89, %dma_wait3A_90] : memref<2560x128xi32, #tpu.memory_space<hbm>> -> memref<1x128xi32, #tpu.memory_space<hbm>>
        tpu.wait_dma2 semaphore(%arg13 : memref<!tpu.dma_semaphore, #tpu.memory_space<semaphore_mem>>) src(%dma_wait3A_91 : memref<1x128xi32, #tpu.memory_space<hbm>>) dst(%arg8 : memref<1x128xi32, #tpu.memory_space<vmem>>)
        %dma_wait3A_92 = arith.constant 0 : i32
        %dma_wait3A_93 = arith.constant 0 : i32
        %dma_wait3A_94 = tpu.memref_slice %arg6[%dma_wait3A_92, %dma_wait3A_93] : memref<163840x128xf32, #tpu.memory_space<hbm>> -> memref<128x128xf32, #tpu.memory_space<hbm>>
        %dma_wait3A_95 = arith.constant 0 : i32
        %dma_wait3A_96 = arith.constant 0 : i32
        %dma_wait3A_97 = tpu.memref_slice %arg6[%dma_wait3A_95, %dma_wait3A_96] : memref<163840x128xf32, #tpu.memory_space<hbm>> -> memref<128x128xf32, #tpu.memory_space<hbm>>
        tpu.wait_dma2 semaphore(%arg17 : memref<!tpu.dma_semaphore, #tpu.memory_space<semaphore_mem>>) src(%arg10 : memref<128x128xf32, #tpu.memory_space<vmem>>) dst(%dma_wait3A_97 : memref<128x128xf32, #tpu.memory_space<hbm>>)
      } else {
      }
      %dma_start3A_61 = arith.constant 0 : i32
      %dma_start3A_62 = arith.constant 0 : i32
      %dma_start3A_63 = tpu.memref_slice %arg8[%dma_start3A_61, %dma_start3A_62] : memref<1x128xi32, #tpu.memory_space<vmem>> -> memref<1x128xi32, #tpu.memory_space<vmem>>
      %dma_start3A_64 = tpu.memref_squeeze %dma_start3A_63 : memref<1x128xi32, #tpu.memory_space<vmem>> -> memref<128xi32, #tpu.memory_space<vmem>>
      %dma_start3A_65 = arith.constant 0 : i32
      %dma_start3A_66 = arith.constant 0 : i32
      %dma_start3A_67 = tpu.memref_slice %arg11[%dma_start3A_65, %dma_start3A_66] : memref<10000x128xf32, #tpu.memory_space<vmem_shared>> -> memref<10000x128xf32, #tpu.memory_space<vmem_shared>>
      tpu.enqueue_indirect_dma source(%dma_start3A_67 : memref<10000x128xf32, #tpu.memory_space<vmem_shared>>) target(%arg10 : memref<128x128xf32, #tpu.memory_space<vmem>>) offsets(%dma_start3A_64 : memref<128xi32, #tpu.memory_space<vmem>>) semaphore(%arg15 : memref<!tpu.dma_semaphore, #tpu.memory_space<semaphore_mem>>)
      %dma_wait3A_68 = arith.constant 0 : i32
      %dma_wait3A_69 = arith.constant 0 : i32
      %dma_wait3A_70 = tpu.memref_slice %arg8[%dma_wait3A_68, %dma_wait3A_69] : memref<1x128xi32, #tpu.memory_space<vmem>> -> memref<1x128xi32, #tpu.memory_space<vmem>>
      %dma_wait3A_71 = tpu.memref_squeeze %dma_wait3A_70 : memref<1x128xi32, #tpu.memory_space<vmem>> -> memref<128xi32, #tpu.memory_space<vmem>>
      %dma_wait3A_72 = arith.constant 0 : i32
      %dma_wait3A_73 = arith.constant 0 : i32
      %dma_wait3A_74 = tpu.memref_slice %arg11[%dma_wait3A_72, %dma_wait3A_73] : memref<10000x128xf32, #tpu.memory_space<vmem_shared>> -> memref<10000x128xf32, #tpu.memory_space<vmem_shared>>
      tpu.wait_indirect_dma semaphore(%arg15 : memref<!tpu.dma_semaphore, #tpu.memory_space<semaphore_mem>>) src(%dma_wait3A_74 : memref<10000x128xf32, #tpu.memory_space<vmem_shared>>) dst(%arg10 : memref<128x128xf32, #tpu.memory_space<vmem>>)
      %add3A_75 = arith.constant 1 : i32
      %add3A_76 = arith.addi %scan3A_23, %add3A_75 : i32
      %lt3A_77 = arith.constant 40 : i32
      %lt3A_78 = arith.cmpi slt, %add3A_76, %lt3A_77 : i32
      %convert_element_type3A_79 = arith.extui %lt3A_78 : i1 to i32
      %cond3A_80 = arith.constant 0 : i32
      %cond3A_81 = arith.cmpi ne, %convert_element_type3A_79, %cond3A_80 : i32
      scf.if %cond3A_81 {
        %add3A_86 = arith.addi %add3A_4, %scan3A_23 : i32
        %add3A_87 = arith.constant 1 : i32
        %add3A_88 = arith.addi %add3A_86, %add3A_87 : i32
        %dma_start3A_89 = arith.constant 0 : i32
        %dma_start3A_90 = tpu.memref_slice %arg4[%add3A_88, %dma_start3A_89] : memref<2560x128xi32, #tpu.memory_space<hbm>> -> memref<1x128xi32, #tpu.memory_space<hbm>>
        %dma_start3A_91 = arith.constant 0 : i32
        %dma_start3A_92 = tpu.memref_slice %arg4[%add3A_88, %dma_start3A_91] : memref<2560x128xi32, #tpu.memory_space<hbm>> -> memref<1x128xi32, #tpu.memory_space<hbm>>
        tpu.enqueue_dma source(%dma_start3A_92 : memref<1x128xi32, #tpu.memory_space<hbm>>) target(%arg8 : memref<1x128xi32, #tpu.memory_space<vmem>>) target_semaphore(%arg13 : memref<!tpu.dma_semaphore, #tpu.memory_space<semaphore_mem>>)
      } else {
      }
      %dma_start3A_82 = arith.constant 0 : i32
      %dma_start3A_83 = tpu.memref_slice %arg6[%add3A_28, %dma_start3A_82] : memref<163840x128xf32, #tpu.memory_space<hbm>> -> memref<128x128xf32, #tpu.memory_space<hbm>>
      %dma_start3A_84 = arith.constant 0 : i32
      %dma_start3A_85 = tpu.memref_slice %arg6[%add3A_28, %dma_start3A_84] : memref<163840x128xf32, #tpu.memory_space<hbm>> -> memref<128x128xf32, #tpu.memory_space<hbm>>
      tpu.enqueue_dma source(%arg10 : memref<128x128xf32, #tpu.memory_space<vmem>>) target(%dma_start3A_85 : memref<128x128xf32, #tpu.memory_space<hbm>>) target_semaphore(%arg17 : memref<!tpu.dma_semaphore, #tpu.memory_space<semaphore_mem>>)
    }
    %scan3A_11 = arith.constant 40 : i32
    %dma_wait3A = arith.constant 0 : i32
    %dma_wait3A_12 = arith.constant 0 : i32
    %dma_wait3A_13 = tpu.memref_slice %arg5[%dma_wait3A, %dma_wait3A_12] : memref<163840x128xf32, #tpu.memory_space<hbm>> -> memref<128x128xf32, #tpu.memory_space<hbm>>
    %dma_wait3A_14 = arith.constant 0 : i32
    %dma_wait3A_15 = arith.constant 0 : i32
    %dma_wait3A_16 = tpu.memref_slice %arg5[%dma_wait3A_14, %dma_wait3A_15] : memref<163840x128xf32, #tpu.memory_space<hbm>> -> memref<128x128xf32, #tpu.memory_space<hbm>>
    tpu.wait_dma2 semaphore(%arg16 : memref<!tpu.dma_semaphore, #tpu.memory_space<semaphore_mem>>) src(%arg9 : memref<128x128xf32, #tpu.memory_space<vmem>>) dst(%dma_wait3A_16 : memref<128x128xf32, #tpu.memory_space<hbm>>)
    %dma_wait3A_17 = arith.constant 0 : i32
    %dma_wait3A_18 = arith.constant 0 : i32
    %dma_wait3A_19 = tpu.memref_slice %arg6[%dma_wait3A_17, %dma_wait3A_18] : memref<163840x128xf32, #tpu.memory_space<hbm>> -> memref<128x128xf32, #tpu.memory_space<hbm>>
    %dma_wait3A_20 = arith.constant 0 : i32
    %dma_wait3A_21 = arith.constant 0 : i32
    %dma_wait3A_22 = tpu.memref_slice %arg6[%dma_wait3A_20, %dma_wait3A_21] : memref<163840x128xf32, #tpu.memory_space<hbm>> -> memref<128x128xf32, #tpu.memory_space<hbm>>
    tpu.wait_dma2 semaphore(%arg17 : memref<!tpu.dma_semaphore, #tpu.memory_space<semaphore_mem>>) src(%arg10 : memref<128x128xf32, #tpu.memory_space<vmem>>) dst(%dma_wait3A_22 : memref<128x128xf32, #tpu.memory_space<hbm>>)
    return
  }
}

#map = affine_map<(d0, d1) -> (0, 0)>
module attributes {stable_mosaic.version = 14 : i64} {
  func.func @_sc_scatter(%arg0: i32, %arg1: i32, %arg2: memref<163840x128xf32, #tpu.memory_space<hbm>>, %arg3: memref<2560x128xi32, #tpu.memory_space<hbm>>, %arg4: memref<10000x128xf32, #tpu.memory_space<hbm>>, %arg5: memref<20000x128xf32, #tpu.memory_space<hbm>>, %arg6: memref<1x128xi32, #tpu.memory_space<vmem>>, %arg7: memref<1x128xi32, #tpu.memory_space<vmem>>, %arg8: memref<128x128xf32, #tpu.memory_space<vmem>>, %arg9: memref<128x128xf32, #tpu.memory_space<vmem>>, %arg10: memref<10000x128xf32, #tpu.memory_space<vmem_shared>>, %arg11: memref<!tpu.dma_semaphore, #tpu.memory_space<semaphore_mem>>, %arg12: memref<!tpu.dma_semaphore, #tpu.memory_space<semaphore_mem>>, %arg13: memref<!tpu.dma_semaphore, #tpu.memory_space<semaphore_mem>>, %arg14: memref<!tpu.dma_semaphore, #tpu.memory_space<semaphore_mem>>) attributes {dimension_semantics = [#tpu.dimension_semantics<core_parallel>, #tpu.dimension_semantics<subcore_parallel>], iteration_bounds = array<i64: 2, 16>, scalar_prefetch = 0 : i64, scratch_operands = 9 : i64, tpu.core_type = #tpu.core_type<sc_vector_subcore>, window_params = [{transform_indices = #map}, {transform_indices = #map}, {transform_indices = #map}, {transform_indices = #map}]} {
    %mul3A = arith.constant 2 : i32
    %mul3A_0 = arith.muli %arg1, %mul3A : i32
    %add3A = arith.addi %mul3A_0, %arg0 : i32
    %mul3A_1 = arith.constant 40 : i32
    %mul3A_2 = arith.muli %add3A, %mul3A_1 : i32
    %add3A_3 = arith.constant 1280 : i32
    %add3A_4 = arith.addi %add3A_3, %mul3A_2 : i32
    %eq3A = arith.constant 0 : i32
    %eq3A_5 = arith.cmpi eq, %arg1, %eq3A : i32
    %convert_element_type3A = arith.extui %eq3A_5 : i1 to i32
    %cond3A = arith.constant 0 : i32
    %cond3A_6 = arith.cmpi ne, %convert_element_type3A, %cond3A : i32
    scf.if %cond3A_6 {
      "tpu.region"() ({
        %run_scoped3A = tpu.sem_alloc : memref<!tpu.dma_semaphore, #tpu.memory_space<semaphore_mem>>
        tpu.enqueue_dma source(%arg4 : memref<10000x128xf32, #tpu.memory_space<hbm>>) target(%arg10 : memref<10000x128xf32, #tpu.memory_space<vmem_shared>>) target_semaphore(%run_scoped3A : memref<!tpu.dma_semaphore, #tpu.memory_space<semaphore_mem>>)
        tpu.wait_dma2 semaphore(%run_scoped3A : memref<!tpu.dma_semaphore, #tpu.memory_space<semaphore_mem>>) src(%arg4 : memref<10000x128xf32, #tpu.memory_space<hbm>>) dst(%arg10 : memref<10000x128xf32, #tpu.memory_space<vmem_shared>>)
        tpu.yield
      }) : () -> ()
    } else {
    }
    %barrier3A = arith.constant 0 : index
    tpu.barrier barrier_id(%barrier3A)
    "tpu.region"() ({
      %run_scoped3A = tpu.sem_alloc : memref<!tpu.dma_semaphore, #tpu.memory_space<semaphore_mem>>
      %dma_start3A = arith.constant 0 : i32
      %dma_start3A_20 = tpu.memref_slice %arg3[%add3A_4, %dma_start3A] : memref<2560x128xi32, #tpu.memory_space<hbm>> -> memref<1x128xi32, #tpu.memory_space<hbm>>
      %dma_start3A_21 = arith.constant 0 : i32
      %dma_start3A_22 = tpu.memref_slice %arg3[%add3A_4, %dma_start3A_21] : memref<2560x128xi32, #tpu.memory_space<hbm>> -> memref<1x128xi32, #tpu.memory_space<hbm>>
      tpu.enqueue_dma source(%dma_start3A_22 : memref<1x128xi32, #tpu.memory_space<hbm>>) target(%arg6 : memref<1x128xi32, #tpu.memory_space<vmem>>) target_semaphore(%run_scoped3A : memref<!tpu.dma_semaphore, #tpu.memory_space<semaphore_mem>>)
      %dma_wait3A = arith.constant 0 : i32
      %dma_wait3A_23 = tpu.memref_slice %arg3[%add3A_4, %dma_wait3A] : memref<2560x128xi32, #tpu.memory_space<hbm>> -> memref<1x128xi32, #tpu.memory_space<hbm>>
      %dma_wait3A_24 = arith.constant 0 : i32
      %dma_wait3A_25 = tpu.memref_slice %arg3[%add3A_4, %dma_wait3A_24] : memref<2560x128xi32, #tpu.memory_space<hbm>> -> memref<1x128xi32, #tpu.memory_space<hbm>>
      tpu.wait_dma2 semaphore(%run_scoped3A : memref<!tpu.dma_semaphore, #tpu.memory_space<semaphore_mem>>) src(%dma_wait3A_25 : memref<1x128xi32, #tpu.memory_space<hbm>>) dst(%arg6 : memref<1x128xi32, #tpu.memory_space<vmem>>)
      tpu.yield
    }) : () -> ()
    %mul3A_7 = arith.constant 5120 : i32
    %mul3A_8 = arith.muli %add3A, %mul3A_7 : i32
    "tpu.region"() ({
      %run_scoped3A = tpu.sem_alloc : memref<!tpu.dma_semaphore, #tpu.memory_space<semaphore_mem>>
      %dma_start3A = arith.constant 0 : i32
      %dma_start3A_20 = tpu.memref_slice %arg2[%mul3A_8, %dma_start3A] : memref<163840x128xf32, #tpu.memory_space<hbm>> -> memref<128x128xf32, #tpu.memory_space<hbm>>
      %dma_start3A_21 = arith.constant 0 : i32
      %dma_start3A_22 = tpu.memref_slice %arg2[%mul3A_8, %dma_start3A_21] : memref<163840x128xf32, #tpu.memory_space<hbm>> -> memref<128x128xf32, #tpu.memory_space<hbm>>
      tpu.enqueue_dma source(%dma_start3A_22 : memref<128x128xf32, #tpu.memory_space<hbm>>) target(%arg8 : memref<128x128xf32, #tpu.memory_space<vmem>>) target_semaphore(%run_scoped3A : memref<!tpu.dma_semaphore, #tpu.memory_space<semaphore_mem>>)
      %dma_wait3A = arith.constant 0 : i32
      %dma_wait3A_23 = tpu.memref_slice %arg2[%mul3A_8, %dma_wait3A] : memref<163840x128xf32, #tpu.memory_space<hbm>> -> memref<128x128xf32, #tpu.memory_space<hbm>>
      %dma_wait3A_24 = arith.constant 0 : i32
      %dma_wait3A_25 = tpu.memref_slice %arg2[%mul3A_8, %dma_wait3A_24] : memref<163840x128xf32, #tpu.memory_space<hbm>> -> memref<128x128xf32, #tpu.memory_space<hbm>>
      tpu.wait_dma2 semaphore(%run_scoped3A : memref<!tpu.dma_semaphore, #tpu.memory_space<semaphore_mem>>) src(%dma_wait3A_25 : memref<128x128xf32, #tpu.memory_space<hbm>>) dst(%arg8 : memref<128x128xf32, #tpu.memory_space<vmem>>)
      tpu.yield
    }) : () -> ()
    %scan3A = arith.constant 0 : i32
    %scan3A_9 = arith.constant 0 : i32
    %scan3A_10 = arith.constant 20 : i32
    %scan3A_11 = arith.addi %scan3A_9, %scan3A_10 : i32
    %scan3A_12 = arith.constant 1 : i32
    scf.for %scan3A_20 = %scan3A_9 to %scan3A_11 step %scan3A_12  : i32 {
      %mul3A_21 = arith.constant 2 : i32
      %mul3A_22 = arith.muli %scan3A_20, %mul3A_21 : i32
      %add3A_23 = arith.constant 0 : i32
      %add3A_24 = arith.addi %mul3A_22, %add3A_23 : i32
      %ge3A = arith.constant 1 : i32
      %ge3A_25 = arith.cmpi sge, %add3A_24, %ge3A : i32
      %convert_element_type3A_26 = arith.extui %ge3A_25 : i1 to i32
      %cond3A_27 = arith.constant 0 : i32
      %cond3A_28 = arith.cmpi ne, %convert_element_type3A_26, %cond3A_27 : i32
      scf.if %cond3A_28 {
        %dma_wait3A = arith.constant 0 : i32
        %dma_wait3A_52 = arith.constant 0 : i32
        %dma_wait3A_53 = tpu.memref_slice %arg3[%dma_wait3A, %dma_wait3A_52] : memref<2560x128xi32, #tpu.memory_space<hbm>> -> memref<1x128xi32, #tpu.memory_space<hbm>>
        %dma_wait3A_54 = arith.constant 0 : i32
        %dma_wait3A_55 = arith.constant 0 : i32
        %dma_wait3A_56 = tpu.memref_slice %arg3[%dma_wait3A_54, %dma_wait3A_55] : memref<2560x128xi32, #tpu.memory_space<hbm>> -> memref<1x128xi32, #tpu.memory_space<hbm>>
        tpu.wait_dma2 semaphore(%arg11 : memref<!tpu.dma_semaphore, #tpu.memory_space<semaphore_mem>>) src(%dma_wait3A_56 : memref<1x128xi32, #tpu.memory_space<hbm>>) dst(%arg6 : memref<1x128xi32, #tpu.memory_space<vmem>>)
        %dma_wait3A_57 = arith.constant 0 : i32
        %dma_wait3A_58 = arith.constant 0 : i32
        %dma_wait3A_59 = tpu.memref_slice %arg2[%dma_wait3A_57, %dma_wait3A_58] : memref<163840x128xf32, #tpu.memory_space<hbm>> -> memref<128x128xf32, #tpu.memory_space<hbm>>
        %dma_wait3A_60 = arith.constant 0 : i32
        %dma_wait3A_61 = arith.constant 0 : i32
        %dma_wait3A_62 = tpu.memref_slice %arg2[%dma_wait3A_60, %dma_wait3A_61] : memref<163840x128xf32, #tpu.memory_space<hbm>> -> memref<128x128xf32, #tpu.memory_space<hbm>>
        tpu.wait_dma2 semaphore(%arg13 : memref<!tpu.dma_semaphore, #tpu.memory_space<semaphore_mem>>) src(%dma_wait3A_62 : memref<128x128xf32, #tpu.memory_space<hbm>>) dst(%arg8 : memref<128x128xf32, #tpu.memory_space<vmem>>)
      } else {
      }
      %add3A_29 = arith.constant 1 : i32
      %add3A_30 = arith.addi %add3A_24, %add3A_29 : i32
      %lt3A = arith.constant 40 : i32
      %lt3A_31 = arith.cmpi slt, %add3A_30, %lt3A : i32
      %convert_element_type3A_32 = arith.extui %lt3A_31 : i1 to i32
      %cond3A_33 = arith.constant 0 : i32
      %cond3A_34 = arith.cmpi ne, %convert_element_type3A_32, %cond3A_33 : i32
      scf.if %cond3A_34 {
        %add3A_52 = arith.addi %add3A_4, %add3A_24 : i32
        %add3A_53 = arith.constant 1 : i32
        %add3A_54 = arith.addi %add3A_52, %add3A_53 : i32
        %dma_start3A = arith.constant 0 : i32
        %dma_start3A_55 = tpu.memref_slice %arg3[%add3A_54, %dma_start3A] : memref<2560x128xi32, #tpu.memory_space<hbm>> -> memref<1x128xi32, #tpu.memory_space<hbm>>
        %dma_start3A_56 = arith.constant 0 : i32
        %dma_start3A_57 = tpu.memref_slice %arg3[%add3A_54, %dma_start3A_56] : memref<2560x128xi32, #tpu.memory_space<hbm>> -> memref<1x128xi32, #tpu.memory_space<hbm>>
        tpu.enqueue_dma source(%dma_start3A_57 : memref<1x128xi32, #tpu.memory_space<hbm>>) target(%arg7 : memref<1x128xi32, #tpu.memory_space<vmem>>) target_semaphore(%arg12 : memref<!tpu.dma_semaphore, #tpu.memory_space<semaphore_mem>>)
        %mul3A_58 = arith.constant 5120 : i32
        %mul3A_59 = arith.muli %add3A, %mul3A_58 : i32
        %add3A_60 = arith.constant 1 : i32
        %add3A_61 = arith.addi %add3A_24, %add3A_60 : i32
        %mul3A_62 = arith.constant 128 : i32
        %mul3A_63 = arith.muli %add3A_61, %mul3A_62 : i32
        %add3A_64 = arith.addi %mul3A_59, %mul3A_63 : i32
        %dma_start3A_65 = arith.constant 0 : i32
        %dma_start3A_66 = tpu.memref_slice %arg2[%add3A_64, %dma_start3A_65] : memref<163840x128xf32, #tpu.memory_space<hbm>> -> memref<128x128xf32, #tpu.memory_space<hbm>>
        %dma_start3A_67 = arith.constant 0 : i32
        %dma_start3A_68 = tpu.memref_slice %arg2[%add3A_64, %dma_start3A_67] : memref<163840x128xf32, #tpu.memory_space<hbm>> -> memref<128x128xf32, #tpu.memory_space<hbm>>
        tpu.enqueue_dma source(%dma_start3A_68 : memref<128x128xf32, #tpu.memory_space<hbm>>) target(%arg9 : memref<128x128xf32, #tpu.memory_space<vmem>>) target_semaphore(%arg14 : memref<!tpu.dma_semaphore, #tpu.memory_space<semaphore_mem>>)
      } else {
      }
      %run_scoped3A = arith.constant 0 : i32
      "tpu.region"() ({
        %run_scoped3A_52 = tpu.sem_alloc : memref<!tpu.dma_semaphore, #tpu.memory_space<semaphore_mem>>
        %dma_start3A = arith.constant 0 : i32
        %dma_start3A_53 = tpu.memref_slice %arg6[%run_scoped3A, %dma_start3A] : memref<1x128xi32, #tpu.memory_space<vmem>> -> memref<1x128xi32, #tpu.memory_space<vmem>>
        %dma_start3A_54 = tpu.memref_squeeze %dma_start3A_53 : memref<1x128xi32, #tpu.memory_space<vmem>> -> memref<128xi32, #tpu.memory_space<vmem>>
        %dma_start3A_55 = arith.constant 0 : i32
        %dma_start3A_56 = arith.constant 0 : i32
        %dma_start3A_57 = tpu.memref_slice %arg10[%dma_start3A_55, %dma_start3A_56] : memref<10000x128xf32, #tpu.memory_space<vmem_shared>> -> memref<10000x128xf32, #tpu.memory_space<vmem_shared>>
        tpu.enqueue_indirect_dma source(%arg8 : memref<128x128xf32, #tpu.memory_space<vmem>>) target(%dma_start3A_57 : memref<10000x128xf32, #tpu.memory_space<vmem_shared>>) offsets(%dma_start3A_54 : memref<128xi32, #tpu.memory_space<vmem>>) semaphore(%run_scoped3A_52 : memref<!tpu.dma_semaphore, #tpu.memory_space<semaphore_mem>>) {add = true}
        %dma_wait3A = arith.constant 0 : i32
        %dma_wait3A_58 = tpu.memref_slice %arg6[%run_scoped3A, %dma_wait3A] : memref<1x128xi32, #tpu.memory_space<vmem>> -> memref<1x128xi32, #tpu.memory_space<vmem>>
        %dma_wait3A_59 = tpu.memref_squeeze %dma_wait3A_58 : memref<1x128xi32, #tpu.memory_space<vmem>> -> memref<128xi32, #tpu.memory_space<vmem>>
        %dma_wait3A_60 = arith.constant 0 : i32
        %dma_wait3A_61 = arith.constant 0 : i32
        %dma_wait3A_62 = tpu.memref_slice %arg10[%dma_wait3A_60, %dma_wait3A_61] : memref<10000x128xf32, #tpu.memory_space<vmem_shared>> -> memref<10000x128xf32, #tpu.memory_space<vmem_shared>>
        tpu.wait_indirect_dma semaphore(%run_scoped3A_52 : memref<!tpu.dma_semaphore, #tpu.memory_space<semaphore_mem>>) src(%arg8 : memref<128x128xf32, #tpu.memory_space<vmem>>) dst(%dma_wait3A_62 : memref<10000x128xf32, #tpu.memory_space<vmem_shared>>)
        tpu.yield
      }) : () -> ()
      %mul3A_35 = arith.constant 2 : i32
      %mul3A_36 = arith.muli %scan3A_20, %mul3A_35 : i32
      %add3A_37 = arith.constant 1 : i32
      %add3A_38 = arith.addi %mul3A_36, %add3A_37 : i32
      %ge3A_39 = arith.constant 1 : i32
      %ge3A_40 = arith.cmpi sge, %add3A_38, %ge3A_39 : i32
      %convert_element_type3A_41 = arith.extui %ge3A_40 : i1 to i32
      %cond3A_42 = arith.constant 0 : i32
      %cond3A_43 = arith.cmpi ne, %convert_element_type3A_41, %cond3A_42 : i32
      scf.if %cond3A_43 {
        %dma_wait3A = arith.constant 0 : i32
        %dma_wait3A_52 = arith.constant 0 : i32
        %dma_wait3A_53 = tpu.memref_slice %arg3[%dma_wait3A, %dma_wait3A_52] : memref<2560x128xi32, #tpu.memory_space<hbm>> -> memref<1x128xi32, #tpu.memory_space<hbm>>
        %dma_wait3A_54 = arith.constant 0 : i32
        %dma_wait3A_55 = arith.constant 0 : i32
        %dma_wait3A_56 = tpu.memref_slice %arg3[%dma_wait3A_54, %dma_wait3A_55] : memref<2560x128xi32, #tpu.memory_space<hbm>> -> memref<1x128xi32, #tpu.memory_space<hbm>>
        tpu.wait_dma2 semaphore(%arg12 : memref<!tpu.dma_semaphore, #tpu.memory_space<semaphore_mem>>) src(%dma_wait3A_56 : memref<1x128xi32, #tpu.memory_space<hbm>>) dst(%arg7 : memref<1x128xi32, #tpu.memory_space<vmem>>)
        %dma_wait3A_57 = arith.constant 0 : i32
        %dma_wait3A_58 = arith.constant 0 : i32
        %dma_wait3A_59 = tpu.memref_slice %arg2[%dma_wait3A_57, %dma_wait3A_58] : memref<163840x128xf32, #tpu.memory_space<hbm>> -> memref<128x128xf32, #tpu.memory_space<hbm>>
        %dma_wait3A_60 = arith.constant 0 : i32
        %dma_wait3A_61 = arith.constant 0 : i32
        %dma_wait3A_62 = tpu.memref_slice %arg2[%dma_wait3A_60, %dma_wait3A_61] : memref<163840x128xf32, #tpu.memory_space<hbm>> -> memref<128x128xf32, #tpu.memory_space<hbm>>
        tpu.wait_dma2 semaphore(%arg14 : memref<!tpu.dma_semaphore, #tpu.memory_space<semaphore_mem>>) src(%dma_wait3A_62 : memref<128x128xf32, #tpu.memory_space<hbm>>) dst(%arg9 : memref<128x128xf32, #tpu.memory_space<vmem>>)
      } else {
      }
      %add3A_44 = arith.constant 1 : i32
      %add3A_45 = arith.addi %add3A_38, %add3A_44 : i32
      %lt3A_46 = arith.constant 40 : i32
      %lt3A_47 = arith.cmpi slt, %add3A_45, %lt3A_46 : i32
      %convert_element_type3A_48 = arith.extui %lt3A_47 : i1 to i32
      %cond3A_49 = arith.constant 0 : i32
      %cond3A_50 = arith.cmpi ne, %convert_element_type3A_48, %cond3A_49 : i32
      scf.if %cond3A_50 {
        %add3A_52 = arith.addi %add3A_4, %add3A_38 : i32
        %add3A_53 = arith.constant 1 : i32
        %add3A_54 = arith.addi %add3A_52, %add3A_53 : i32
        %dma_start3A = arith.constant 0 : i32
        %dma_start3A_55 = tpu.memref_slice %arg3[%add3A_54, %dma_start3A] : memref<2560x128xi32, #tpu.memory_space<hbm>> -> memref<1x128xi32, #tpu.memory_space<hbm>>
        %dma_start3A_56 = arith.constant 0 : i32
        %dma_start3A_57 = tpu.memref_slice %arg3[%add3A_54, %dma_start3A_56] : memref<2560x128xi32, #tpu.memory_space<hbm>> -> memref<1x128xi32, #tpu.memory_space<hbm>>
        tpu.enqueue_dma source(%dma_start3A_57 : memref<1x128xi32, #tpu.memory_space<hbm>>) target(%arg6 : memref<1x128xi32, #tpu.memory_space<vmem>>) target_semaphore(%arg11 : memref<!tpu.dma_semaphore, #tpu.memory_space<semaphore_mem>>)
        %mul3A_58 = arith.constant 5120 : i32
        %mul3A_59 = arith.muli %add3A, %mul3A_58 : i32
        %add3A_60 = arith.constant 1 : i32
        %add3A_61 = arith.addi %add3A_38, %add3A_60 : i32
        %mul3A_62 = arith.constant 128 : i32
        %mul3A_63 = arith.muli %add3A_61, %mul3A_62 : i32
        %add3A_64 = arith.addi %mul3A_59, %mul3A_63 : i32
        %dma_start3A_65 = arith.constant 0 : i32
        %dma_start3A_66 = tpu.memref_slice %arg2[%add3A_64, %dma_start3A_65] : memref<163840x128xf32, #tpu.memory_space<hbm>> -> memref<128x128xf32, #tpu.memory_space<hbm>>
        %dma_start3A_67 = arith.constant 0 : i32
        %dma_start3A_68 = tpu.memref_slice %arg2[%add3A_64, %dma_start3A_67] : memref<163840x128xf32, #tpu.memory_space<hbm>> -> memref<128x128xf32, #tpu.memory_space<hbm>>
        tpu.enqueue_dma source(%dma_start3A_68 : memref<128x128xf32, #tpu.memory_space<hbm>>) target(%arg8 : memref<128x128xf32, #tpu.memory_space<vmem>>) target_semaphore(%arg13 : memref<!tpu.dma_semaphore, #tpu.memory_space<semaphore_mem>>)
      } else {
      }
      %run_scoped3A_51 = arith.constant 0 : i32
      "tpu.region"() ({
        %run_scoped3A_52 = tpu.sem_alloc : memref<!tpu.dma_semaphore, #tpu.memory_space<semaphore_mem>>
        %dma_start3A = arith.constant 0 : i32
        %dma_start3A_53 = tpu.memref_slice %arg7[%run_scoped3A_51, %dma_start3A] : memref<1x128xi32, #tpu.memory_space<vmem>> -> memref<1x128xi32, #tpu.memory_space<vmem>>
        %dma_start3A_54 = tpu.memref_squeeze %dma_start3A_53 : memref<1x128xi32, #tpu.memory_space<vmem>> -> memref<128xi32, #tpu.memory_space<vmem>>
        %dma_start3A_55 = arith.constant 0 : i32
        %dma_start3A_56 = arith.constant 0 : i32
        %dma_start3A_57 = tpu.memref_slice %arg10[%dma_start3A_55, %dma_start3A_56] : memref<10000x128xf32, #tpu.memory_space<vmem_shared>> -> memref<10000x128xf32, #tpu.memory_space<vmem_shared>>
        tpu.enqueue_indirect_dma source(%arg9 : memref<128x128xf32, #tpu.memory_space<vmem>>) target(%dma_start3A_57 : memref<10000x128xf32, #tpu.memory_space<vmem_shared>>) offsets(%dma_start3A_54 : memref<128xi32, #tpu.memory_space<vmem>>) semaphore(%run_scoped3A_52 : memref<!tpu.dma_semaphore, #tpu.memory_space<semaphore_mem>>) {add = true}
        %dma_wait3A = arith.constant 0 : i32
        %dma_wait3A_58 = tpu.memref_slice %arg7[%run_scoped3A_51, %dma_wait3A] : memref<1x128xi32, #tpu.memory_space<vmem>> -> memref<1x128xi32, #tpu.memory_space<vmem>>
        %dma_wait3A_59 = tpu.memref_squeeze %dma_wait3A_58 : memref<1x128xi32, #tpu.memory_space<vmem>> -> memref<128xi32, #tpu.memory_space<vmem>>
        %dma_wait3A_60 = arith.constant 0 : i32
        %dma_wait3A_61 = arith.constant 0 : i32
        %dma_wait3A_62 = tpu.memref_slice %arg10[%dma_wait3A_60, %dma_wait3A_61] : memref<10000x128xf32, #tpu.memory_space<vmem_shared>> -> memref<10000x128xf32, #tpu.memory_space<vmem_shared>>
        tpu.wait_indirect_dma semaphore(%run_scoped3A_52 : memref<!tpu.dma_semaphore, #tpu.memory_space<semaphore_mem>>) src(%arg9 : memref<128x128xf32, #tpu.memory_space<vmem>>) dst(%dma_wait3A_62 : memref<10000x128xf32, #tpu.memory_space<vmem_shared>>)
        tpu.yield
      }) : () -> ()
    }
    %scan3A_13 = arith.constant 20 : i32
    %barrier3A_14 = arith.constant 0 : index
    tpu.barrier barrier_id(%barrier3A_14)
    %eq3A_15 = arith.constant 0 : i32
    %eq3A_16 = arith.cmpi eq, %arg1, %eq3A_15 : i32
    %convert_element_type3A_17 = arith.extui %eq3A_16 : i1 to i32
    %cond3A_18 = arith.constant 0 : i32
    %cond3A_19 = arith.cmpi ne, %convert_element_type3A_17, %cond3A_18 : i32
    scf.if %cond3A_19 {
      %mul3A_20 = arith.constant 10000 : i32
      %mul3A_21 = arith.muli %arg0, %mul3A_20 : i32
      "tpu.region"() ({
        %run_scoped3A = tpu.sem_alloc : memref<!tpu.dma_semaphore, #tpu.memory_space<semaphore_mem>>
        %dma_start3A = arith.constant 0 : i32
        %dma_start3A_22 = tpu.memref_slice %arg5[%mul3A_21, %dma_start3A] : memref<20000x128xf32, #tpu.memory_space<hbm>> -> memref<10000x128xf32, #tpu.memory_space<hbm>>
        tpu.enqueue_dma source(%arg10 : memref<10000x128xf32, #tpu.memory_space<vmem_shared>>) target(%dma_start3A_22 : memref<10000x128xf32, #tpu.memory_space<hbm>>) target_semaphore(%run_scoped3A : memref<!tpu.dma_semaphore, #tpu.memory_space<semaphore_mem>>)
        %dma_wait3A = arith.constant 0 : i32
        %dma_wait3A_23 = tpu.memref_slice %arg5[%mul3A_21, %dma_wait3A] : memref<20000x128xf32, #tpu.memory_space<hbm>> -> memref<10000x128xf32, #tpu.memory_space<hbm>>
        tpu.wait_dma2 semaphore(%run_scoped3A : memref<!tpu.dma_semaphore, #tpu.memory_space<semaphore_mem>>) src(%arg10 : memref<10000x128xf32, #tpu.memory_space<vmem_shared>>) dst(%dma_wait3A_23 : memref<10000x128xf32, #tpu.memory_space<hbm>>)
        tpu.yield
      }) : () -> ()
    } else {
    }
    return
  }
}

#map = affine_map<(d0, d1) -> (0, 0)>
module attributes {stable_mosaic.version = 14 : i64} {
  func.func @_sc_scatter(%arg0: i32, %arg1: i32, %arg2: memref<163840x128xf32, #tpu.memory_space<hbm>>, %arg3: memref<2560x128xi32, #tpu.memory_space<hbm>>, %arg4: memref<10000x128xf32, #tpu.memory_space<hbm>>, %arg5: memref<20000x128xf32, #tpu.memory_space<hbm>>, %arg6: memref<1x128xi32, #tpu.memory_space<vmem>>, %arg7: memref<1x128xi32, #tpu.memory_space<vmem>>, %arg8: memref<128x128xf32, #tpu.memory_space<vmem>>, %arg9: memref<128x128xf32, #tpu.memory_space<vmem>>, %arg10: memref<10000x128xf32, #tpu.memory_space<vmem_shared>>, %arg11: memref<!tpu.dma_semaphore, #tpu.memory_space<semaphore_mem>>, %arg12: memref<!tpu.dma_semaphore, #tpu.memory_space<semaphore_mem>>, %arg13: memref<!tpu.dma_semaphore, #tpu.memory_space<semaphore_mem>>, %arg14: memref<!tpu.dma_semaphore, #tpu.memory_space<semaphore_mem>>) attributes {dimension_semantics = [#tpu.dimension_semantics<core_parallel>, #tpu.dimension_semantics<subcore_parallel>], iteration_bounds = array<i64: 2, 16>, scalar_prefetch = 0 : i64, scratch_operands = 9 : i64, tpu.core_type = #tpu.core_type<sc_vector_subcore>, window_params = [{transform_indices = #map}, {transform_indices = #map}, {transform_indices = #map}, {transform_indices = #map}]} {
    %mul3A = arith.constant 2 : i32
    %mul3A_0 = arith.muli %arg1, %mul3A : i32
    %add3A = arith.addi %mul3A_0, %arg0 : i32
    %mul3A_1 = arith.constant 40 : i32
    %mul3A_2 = arith.muli %add3A, %mul3A_1 : i32
    %add3A_3 = arith.constant 0 : i32
    %add3A_4 = arith.addi %add3A_3, %mul3A_2 : i32
    %eq3A = arith.constant 0 : i32
    %eq3A_5 = arith.cmpi eq, %arg1, %eq3A : i32
    %convert_element_type3A = arith.extui %eq3A_5 : i1 to i32
    %cond3A = arith.constant 0 : i32
    %cond3A_6 = arith.cmpi ne, %convert_element_type3A, %cond3A : i32
    scf.if %cond3A_6 {
      "tpu.region"() ({
        %run_scoped3A = tpu.sem_alloc : memref<!tpu.dma_semaphore, #tpu.memory_space<semaphore_mem>>
        tpu.enqueue_dma source(%arg4 : memref<10000x128xf32, #tpu.memory_space<hbm>>) target(%arg10 : memref<10000x128xf32, #tpu.memory_space<vmem_shared>>) target_semaphore(%run_scoped3A : memref<!tpu.dma_semaphore, #tpu.memory_space<semaphore_mem>>)
        tpu.wait_dma2 semaphore(%run_scoped3A : memref<!tpu.dma_semaphore, #tpu.memory_space<semaphore_mem>>) src(%arg4 : memref<10000x128xf32, #tpu.memory_space<hbm>>) dst(%arg10 : memref<10000x128xf32, #tpu.memory_space<vmem_shared>>)
        tpu.yield
      }) : () -> ()
    } else {
    }
    %barrier3A = arith.constant 0 : index
    tpu.barrier barrier_id(%barrier3A)
    "tpu.region"() ({
      %run_scoped3A = tpu.sem_alloc : memref<!tpu.dma_semaphore, #tpu.memory_space<semaphore_mem>>
      %dma_start3A = arith.constant 0 : i32
      %dma_start3A_20 = tpu.memref_slice %arg3[%add3A_4, %dma_start3A] : memref<2560x128xi32, #tpu.memory_space<hbm>> -> memref<1x128xi32, #tpu.memory_space<hbm>>
      %dma_start3A_21 = arith.constant 0 : i32
      %dma_start3A_22 = tpu.memref_slice %arg3[%add3A_4, %dma_start3A_21] : memref<2560x128xi32, #tpu.memory_space<hbm>> -> memref<1x128xi32, #tpu.memory_space<hbm>>
      tpu.enqueue_dma source(%dma_start3A_22 : memref<1x128xi32, #tpu.memory_space<hbm>>) target(%arg6 : memref<1x128xi32, #tpu.memory_space<vmem>>) target_semaphore(%run_scoped3A : memref<!tpu.dma_semaphore, #tpu.memory_space<semaphore_mem>>)
      %dma_wait3A = arith.constant 0 : i32
      %dma_wait3A_23 = tpu.memref_slice %arg3[%add3A_4, %dma_wait3A] : memref<2560x128xi32, #tpu.memory_space<hbm>> -> memref<1x128xi32, #tpu.memory_space<hbm>>
      %dma_wait3A_24 = arith.constant 0 : i32
      %dma_wait3A_25 = tpu.memref_slice %arg3[%add3A_4, %dma_wait3A_24] : memref<2560x128xi32, #tpu.memory_space<hbm>> -> memref<1x128xi32, #tpu.memory_space<hbm>>
      tpu.wait_dma2 semaphore(%run_scoped3A : memref<!tpu.dma_semaphore, #tpu.memory_space<semaphore_mem>>) src(%dma_wait3A_25 : memref<1x128xi32, #tpu.memory_space<hbm>>) dst(%arg6 : memref<1x128xi32, #tpu.memory_space<vmem>>)
      tpu.yield
    }) : () -> ()
    %mul3A_7 = arith.constant 5120 : i32
    %mul3A_8 = arith.muli %add3A, %mul3A_7 : i32
    "tpu.region"() ({
      %run_scoped3A = tpu.sem_alloc : memref<!tpu.dma_semaphore, #tpu.memory_space<semaphore_mem>>
      %dma_start3A = arith.constant 0 : i32
      %dma_start3A_20 = tpu.memref_slice %arg2[%mul3A_8, %dma_start3A] : memref<163840x128xf32, #tpu.memory_space<hbm>> -> memref<128x128xf32, #tpu.memory_space<hbm>>
      %dma_start3A_21 = arith.constant 0 : i32
      %dma_start3A_22 = tpu.memref_slice %arg2[%mul3A_8, %dma_start3A_21] : memref<163840x128xf32, #tpu.memory_space<hbm>> -> memref<128x128xf32, #tpu.memory_space<hbm>>
      tpu.enqueue_dma source(%dma_start3A_22 : memref<128x128xf32, #tpu.memory_space<hbm>>) target(%arg8 : memref<128x128xf32, #tpu.memory_space<vmem>>) target_semaphore(%run_scoped3A : memref<!tpu.dma_semaphore, #tpu.memory_space<semaphore_mem>>)
      %dma_wait3A = arith.constant 0 : i32
      %dma_wait3A_23 = tpu.memref_slice %arg2[%mul3A_8, %dma_wait3A] : memref<163840x128xf32, #tpu.memory_space<hbm>> -> memref<128x128xf32, #tpu.memory_space<hbm>>
      %dma_wait3A_24 = arith.constant 0 : i32
      %dma_wait3A_25 = tpu.memref_slice %arg2[%mul3A_8, %dma_wait3A_24] : memref<163840x128xf32, #tpu.memory_space<hbm>> -> memref<128x128xf32, #tpu.memory_space<hbm>>
      tpu.wait_dma2 semaphore(%run_scoped3A : memref<!tpu.dma_semaphore, #tpu.memory_space<semaphore_mem>>) src(%dma_wait3A_25 : memref<128x128xf32, #tpu.memory_space<hbm>>) dst(%arg8 : memref<128x128xf32, #tpu.memory_space<vmem>>)
      tpu.yield
    }) : () -> ()
    %scan3A = arith.constant 0 : i32
    %scan3A_9 = arith.constant 0 : i32
    %scan3A_10 = arith.constant 20 : i32
    %scan3A_11 = arith.addi %scan3A_9, %scan3A_10 : i32
    %scan3A_12 = arith.constant 1 : i32
    scf.for %scan3A_20 = %scan3A_9 to %scan3A_11 step %scan3A_12  : i32 {
      %mul3A_21 = arith.constant 2 : i32
      %mul3A_22 = arith.muli %scan3A_20, %mul3A_21 : i32
      %add3A_23 = arith.constant 0 : i32
      %add3A_24 = arith.addi %mul3A_22, %add3A_23 : i32
      %ge3A = arith.constant 1 : i32
      %ge3A_25 = arith.cmpi sge, %add3A_24, %ge3A : i32
      %convert_element_type3A_26 = arith.extui %ge3A_25 : i1 to i32
      %cond3A_27 = arith.constant 0 : i32
      %cond3A_28 = arith.cmpi ne, %convert_element_type3A_26, %cond3A_27 : i32
      scf.if %cond3A_28 {
        %dma_wait3A = arith.constant 0 : i32
        %dma_wait3A_52 = arith.constant 0 : i32
        %dma_wait3A_53 = tpu.memref_slice %arg3[%dma_wait3A, %dma_wait3A_52] : memref<2560x128xi32, #tpu.memory_space<hbm>> -> memref<1x128xi32, #tpu.memory_space<hbm>>
        %dma_wait3A_54 = arith.constant 0 : i32
        %dma_wait3A_55 = arith.constant 0 : i32
        %dma_wait3A_56 = tpu.memref_slice %arg3[%dma_wait3A_54, %dma_wait3A_55] : memref<2560x128xi32, #tpu.memory_space<hbm>> -> memref<1x128xi32, #tpu.memory_space<hbm>>
        tpu.wait_dma2 semaphore(%arg11 : memref<!tpu.dma_semaphore, #tpu.memory_space<semaphore_mem>>) src(%dma_wait3A_56 : memref<1x128xi32, #tpu.memory_space<hbm>>) dst(%arg6 : memref<1x128xi32, #tpu.memory_space<vmem>>)
        %dma_wait3A_57 = arith.constant 0 : i32
        %dma_wait3A_58 = arith.constant 0 : i32
        %dma_wait3A_59 = tpu.memref_slice %arg2[%dma_wait3A_57, %dma_wait3A_58] : memref<163840x128xf32, #tpu.memory_space<hbm>> -> memref<128x128xf32, #tpu.memory_space<hbm>>
        %dma_wait3A_60 = arith.constant 0 : i32
        %dma_wait3A_61 = arith.constant 0 : i32
        %dma_wait3A_62 = tpu.memref_slice %arg2[%dma_wait3A_60, %dma_wait3A_61] : memref<163840x128xf32, #tpu.memory_space<hbm>> -> memref<128x128xf32, #tpu.memory_space<hbm>>
        tpu.wait_dma2 semaphore(%arg13 : memref<!tpu.dma_semaphore, #tpu.memory_space<semaphore_mem>>) src(%dma_wait3A_62 : memref<128x128xf32, #tpu.memory_space<hbm>>) dst(%arg8 : memref<128x128xf32, #tpu.memory_space<vmem>>)
      } else {
      }
      %add3A_29 = arith.constant 1 : i32
      %add3A_30 = arith.addi %add3A_24, %add3A_29 : i32
      %lt3A = arith.constant 40 : i32
      %lt3A_31 = arith.cmpi slt, %add3A_30, %lt3A : i32
      %convert_element_type3A_32 = arith.extui %lt3A_31 : i1 to i32
      %cond3A_33 = arith.constant 0 : i32
      %cond3A_34 = arith.cmpi ne, %convert_element_type3A_32, %cond3A_33 : i32
      scf.if %cond3A_34 {
        %add3A_52 = arith.addi %add3A_4, %add3A_24 : i32
        %add3A_53 = arith.constant 1 : i32
        %add3A_54 = arith.addi %add3A_52, %add3A_53 : i32
        %dma_start3A = arith.constant 0 : i32
        %dma_start3A_55 = tpu.memref_slice %arg3[%add3A_54, %dma_start3A] : memref<2560x128xi32, #tpu.memory_space<hbm>> -> memref<1x128xi32, #tpu.memory_space<hbm>>
        %dma_start3A_56 = arith.constant 0 : i32
        %dma_start3A_57 = tpu.memref_slice %arg3[%add3A_54, %dma_start3A_56] : memref<2560x128xi32, #tpu.memory_space<hbm>> -> memref<1x128xi32, #tpu.memory_space<hbm>>
        tpu.enqueue_dma source(%dma_start3A_57 : memref<1x128xi32, #tpu.memory_space<hbm>>) target(%arg7 : memref<1x128xi32, #tpu.memory_space<vmem>>) target_semaphore(%arg12 : memref<!tpu.dma_semaphore, #tpu.memory_space<semaphore_mem>>)
        %mul3A_58 = arith.constant 5120 : i32
        %mul3A_59 = arith.muli %add3A, %mul3A_58 : i32
        %add3A_60 = arith.constant 1 : i32
        %add3A_61 = arith.addi %add3A_24, %add3A_60 : i32
        %mul3A_62 = arith.constant 128 : i32
        %mul3A_63 = arith.muli %add3A_61, %mul3A_62 : i32
        %add3A_64 = arith.addi %mul3A_59, %mul3A_63 : i32
        %dma_start3A_65 = arith.constant 0 : i32
        %dma_start3A_66 = tpu.memref_slice %arg2[%add3A_64, %dma_start3A_65] : memref<163840x128xf32, #tpu.memory_space<hbm>> -> memref<128x128xf32, #tpu.memory_space<hbm>>
        %dma_start3A_67 = arith.constant 0 : i32
        %dma_start3A_68 = tpu.memref_slice %arg2[%add3A_64, %dma_start3A_67] : memref<163840x128xf32, #tpu.memory_space<hbm>> -> memref<128x128xf32, #tpu.memory_space<hbm>>
        tpu.enqueue_dma source(%dma_start3A_68 : memref<128x128xf32, #tpu.memory_space<hbm>>) target(%arg9 : memref<128x128xf32, #tpu.memory_space<vmem>>) target_semaphore(%arg14 : memref<!tpu.dma_semaphore, #tpu.memory_space<semaphore_mem>>)
      } else {
      }
      %run_scoped3A = arith.constant 0 : i32
      "tpu.region"() ({
        %run_scoped3A_52 = tpu.sem_alloc : memref<!tpu.dma_semaphore, #tpu.memory_space<semaphore_mem>>
        %dma_start3A = arith.constant 0 : i32
        %dma_start3A_53 = tpu.memref_slice %arg6[%run_scoped3A, %dma_start3A] : memref<1x128xi32, #tpu.memory_space<vmem>> -> memref<1x128xi32, #tpu.memory_space<vmem>>
        %dma_start3A_54 = tpu.memref_squeeze %dma_start3A_53 : memref<1x128xi32, #tpu.memory_space<vmem>> -> memref<128xi32, #tpu.memory_space<vmem>>
        %dma_start3A_55 = arith.constant 0 : i32
        %dma_start3A_56 = arith.constant 0 : i32
        %dma_start3A_57 = tpu.memref_slice %arg10[%dma_start3A_55, %dma_start3A_56] : memref<10000x128xf32, #tpu.memory_space<vmem_shared>> -> memref<10000x128xf32, #tpu.memory_space<vmem_shared>>
        tpu.enqueue_indirect_dma source(%arg8 : memref<128x128xf32, #tpu.memory_space<vmem>>) target(%dma_start3A_57 : memref<10000x128xf32, #tpu.memory_space<vmem_shared>>) offsets(%dma_start3A_54 : memref<128xi32, #tpu.memory_space<vmem>>) semaphore(%run_scoped3A_52 : memref<!tpu.dma_semaphore, #tpu.memory_space<semaphore_mem>>) {add = true}
        %dma_wait3A = arith.constant 0 : i32
        %dma_wait3A_58 = tpu.memref_slice %arg6[%run_scoped3A, %dma_wait3A] : memref<1x128xi32, #tpu.memory_space<vmem>> -> memref<1x128xi32, #tpu.memory_space<vmem>>
        %dma_wait3A_59 = tpu.memref_squeeze %dma_wait3A_58 : memref<1x128xi32, #tpu.memory_space<vmem>> -> memref<128xi32, #tpu.memory_space<vmem>>
        %dma_wait3A_60 = arith.constant 0 : i32
        %dma_wait3A_61 = arith.constant 0 : i32
        %dma_wait3A_62 = tpu.memref_slice %arg10[%dma_wait3A_60, %dma_wait3A_61] : memref<10000x128xf32, #tpu.memory_space<vmem_shared>> -> memref<10000x128xf32, #tpu.memory_space<vmem_shared>>
        tpu.wait_indirect_dma semaphore(%run_scoped3A_52 : memref<!tpu.dma_semaphore, #tpu.memory_space<semaphore_mem>>) src(%arg8 : memref<128x128xf32, #tpu.memory_space<vmem>>) dst(%dma_wait3A_62 : memref<10000x128xf32, #tpu.memory_space<vmem_shared>>)
        tpu.yield
      }) : () -> ()
      %mul3A_35 = arith.constant 2 : i32
      %mul3A_36 = arith.muli %scan3A_20, %mul3A_35 : i32
      %add3A_37 = arith.constant 1 : i32
      %add3A_38 = arith.addi %mul3A_36, %add3A_37 : i32
      %ge3A_39 = arith.constant 1 : i32
      %ge3A_40 = arith.cmpi sge, %add3A_38, %ge3A_39 : i32
      %convert_element_type3A_41 = arith.extui %ge3A_40 : i1 to i32
      %cond3A_42 = arith.constant 0 : i32
      %cond3A_43 = arith.cmpi ne, %convert_element_type3A_41, %cond3A_42 : i32
      scf.if %cond3A_43 {
        %dma_wait3A = arith.constant 0 : i32
        %dma_wait3A_52 = arith.constant 0 : i32
        %dma_wait3A_53 = tpu.memref_slice %arg3[%dma_wait3A, %dma_wait3A_52] : memref<2560x128xi32, #tpu.memory_space<hbm>> -> memref<1x128xi32, #tpu.memory_space<hbm>>
        %dma_wait3A_54 = arith.constant 0 : i32
        %dma_wait3A_55 = arith.constant 0 : i32
        %dma_wait3A_56 = tpu.memref_slice %arg3[%dma_wait3A_54, %dma_wait3A_55] : memref<2560x128xi32, #tpu.memory_space<hbm>> -> memref<1x128xi32, #tpu.memory_space<hbm>>
        tpu.wait_dma2 semaphore(%arg12 : memref<!tpu.dma_semaphore, #tpu.memory_space<semaphore_mem>>) src(%dma_wait3A_56 : memref<1x128xi32, #tpu.memory_space<hbm>>) dst(%arg7 : memref<1x128xi32, #tpu.memory_space<vmem>>)
        %dma_wait3A_57 = arith.constant 0 : i32
        %dma_wait3A_58 = arith.constant 0 : i32
        %dma_wait3A_59 = tpu.memref_slice %arg2[%dma_wait3A_57, %dma_wait3A_58] : memref<163840x128xf32, #tpu.memory_space<hbm>> -> memref<128x128xf32, #tpu.memory_space<hbm>>
        %dma_wait3A_60 = arith.constant 0 : i32
        %dma_wait3A_61 = arith.constant 0 : i32
        %dma_wait3A_62 = tpu.memref_slice %arg2[%dma_wait3A_60, %dma_wait3A_61] : memref<163840x128xf32, #tpu.memory_space<hbm>> -> memref<128x128xf32, #tpu.memory_space<hbm>>
        tpu.wait_dma2 semaphore(%arg14 : memref<!tpu.dma_semaphore, #tpu.memory_space<semaphore_mem>>) src(%dma_wait3A_62 : memref<128x128xf32, #tpu.memory_space<hbm>>) dst(%arg9 : memref<128x128xf32, #tpu.memory_space<vmem>>)
      } else {
      }
      %add3A_44 = arith.constant 1 : i32
      %add3A_45 = arith.addi %add3A_38, %add3A_44 : i32
      %lt3A_46 = arith.constant 40 : i32
      %lt3A_47 = arith.cmpi slt, %add3A_45, %lt3A_46 : i32
      %convert_element_type3A_48 = arith.extui %lt3A_47 : i1 to i32
      %cond3A_49 = arith.constant 0 : i32
      %cond3A_50 = arith.cmpi ne, %convert_element_type3A_48, %cond3A_49 : i32
      scf.if %cond3A_50 {
        %add3A_52 = arith.addi %add3A_4, %add3A_38 : i32
        %add3A_53 = arith.constant 1 : i32
        %add3A_54 = arith.addi %add3A_52, %add3A_53 : i32
        %dma_start3A = arith.constant 0 : i32
        %dma_start3A_55 = tpu.memref_slice %arg3[%add3A_54, %dma_start3A] : memref<2560x128xi32, #tpu.memory_space<hbm>> -> memref<1x128xi32, #tpu.memory_space<hbm>>
        %dma_start3A_56 = arith.constant 0 : i32
        %dma_start3A_57 = tpu.memref_slice %arg3[%add3A_54, %dma_start3A_56] : memref<2560x128xi32, #tpu.memory_space<hbm>> -> memref<1x128xi32, #tpu.memory_space<hbm>>
        tpu.enqueue_dma source(%dma_start3A_57 : memref<1x128xi32, #tpu.memory_space<hbm>>) target(%arg6 : memref<1x128xi32, #tpu.memory_space<vmem>>) target_semaphore(%arg11 : memref<!tpu.dma_semaphore, #tpu.memory_space<semaphore_mem>>)
        %mul3A_58 = arith.constant 5120 : i32
        %mul3A_59 = arith.muli %add3A, %mul3A_58 : i32
        %add3A_60 = arith.constant 1 : i32
        %add3A_61 = arith.addi %add3A_38, %add3A_60 : i32
        %mul3A_62 = arith.constant 128 : i32
        %mul3A_63 = arith.muli %add3A_61, %mul3A_62 : i32
        %add3A_64 = arith.addi %mul3A_59, %mul3A_63 : i32
        %dma_start3A_65 = arith.constant 0 : i32
        %dma_start3A_66 = tpu.memref_slice %arg2[%add3A_64, %dma_start3A_65] : memref<163840x128xf32, #tpu.memory_space<hbm>> -> memref<128x128xf32, #tpu.memory_space<hbm>>
        %dma_start3A_67 = arith.constant 0 : i32
        %dma_start3A_68 = tpu.memref_slice %arg2[%add3A_64, %dma_start3A_67] : memref<163840x128xf32, #tpu.memory_space<hbm>> -> memref<128x128xf32, #tpu.memory_space<hbm>>
        tpu.enqueue_dma source(%dma_start3A_68 : memref<128x128xf32, #tpu.memory_space<hbm>>) target(%arg8 : memref<128x128xf32, #tpu.memory_space<vmem>>) target_semaphore(%arg13 : memref<!tpu.dma_semaphore, #tpu.memory_space<semaphore_mem>>)
      } else {
      }
      %run_scoped3A_51 = arith.constant 0 : i32
      "tpu.region"() ({
        %run_scoped3A_52 = tpu.sem_alloc : memref<!tpu.dma_semaphore, #tpu.memory_space<semaphore_mem>>
        %dma_start3A = arith.constant 0 : i32
        %dma_start3A_53 = tpu.memref_slice %arg7[%run_scoped3A_51, %dma_start3A] : memref<1x128xi32, #tpu.memory_space<vmem>> -> memref<1x128xi32, #tpu.memory_space<vmem>>
        %dma_start3A_54 = tpu.memref_squeeze %dma_start3A_53 : memref<1x128xi32, #tpu.memory_space<vmem>> -> memref<128xi32, #tpu.memory_space<vmem>>
        %dma_start3A_55 = arith.constant 0 : i32
        %dma_start3A_56 = arith.constant 0 : i32
        %dma_start3A_57 = tpu.memref_slice %arg10[%dma_start3A_55, %dma_start3A_56] : memref<10000x128xf32, #tpu.memory_space<vmem_shared>> -> memref<10000x128xf32, #tpu.memory_space<vmem_shared>>
        tpu.enqueue_indirect_dma source(%arg9 : memref<128x128xf32, #tpu.memory_space<vmem>>) target(%dma_start3A_57 : memref<10000x128xf32, #tpu.memory_space<vmem_shared>>) offsets(%dma_start3A_54 : memref<128xi32, #tpu.memory_space<vmem>>) semaphore(%run_scoped3A_52 : memref<!tpu.dma_semaphore, #tpu.memory_space<semaphore_mem>>) {add = true}
        %dma_wait3A = arith.constant 0 : i32
        %dma_wait3A_58 = tpu.memref_slice %arg7[%run_scoped3A_51, %dma_wait3A] : memref<1x128xi32, #tpu.memory_space<vmem>> -> memref<1x128xi32, #tpu.memory_space<vmem>>
        %dma_wait3A_59 = tpu.memref_squeeze %dma_wait3A_58 : memref<1x128xi32, #tpu.memory_space<vmem>> -> memref<128xi32, #tpu.memory_space<vmem>>
        %dma_wait3A_60 = arith.constant 0 : i32
        %dma_wait3A_61 = arith.constant 0 : i32
        %dma_wait3A_62 = tpu.memref_slice %arg10[%dma_wait3A_60, %dma_wait3A_61] : memref<10000x128xf32, #tpu.memory_space<vmem_shared>> -> memref<10000x128xf32, #tpu.memory_space<vmem_shared>>
        tpu.wait_indirect_dma semaphore(%run_scoped3A_52 : memref<!tpu.dma_semaphore, #tpu.memory_space<semaphore_mem>>) src(%arg9 : memref<128x128xf32, #tpu.memory_space<vmem>>) dst(%dma_wait3A_62 : memref<10000x128xf32, #tpu.memory_space<vmem_shared>>)
        tpu.yield
      }) : () -> ()
    }
    %scan3A_13 = arith.constant 20 : i32
    %barrier3A_14 = arith.constant 0 : index
    tpu.barrier barrier_id(%barrier3A_14)
    %eq3A_15 = arith.constant 0 : i32
    %eq3A_16 = arith.cmpi eq, %arg1, %eq3A_15 : i32
    %convert_element_type3A_17 = arith.extui %eq3A_16 : i1 to i32
    %cond3A_18 = arith.constant 0 : i32
    %cond3A_19 = arith.cmpi ne, %convert_element_type3A_17, %cond3A_18 : i32
    scf.if %cond3A_19 {
      %mul3A_20 = arith.constant 10000 : i32
      %mul3A_21 = arith.muli %arg0, %mul3A_20 : i32
      "tpu.region"() ({
        %run_scoped3A = tpu.sem_alloc : memref<!tpu.dma_semaphore, #tpu.memory_space<semaphore_mem>>
        %dma_start3A = arith.constant 0 : i32
        %dma_start3A_22 = tpu.memref_slice %arg5[%mul3A_21, %dma_start3A] : memref<20000x128xf32, #tpu.memory_space<hbm>> -> memref<10000x128xf32, #tpu.memory_space<hbm>>
        tpu.enqueue_dma source(%arg10 : memref<10000x128xf32, #tpu.memory_space<vmem_shared>>) target(%dma_start3A_22 : memref<10000x128xf32, #tpu.memory_space<hbm>>) target_semaphore(%run_scoped3A : memref<!tpu.dma_semaphore, #tpu.memory_space<semaphore_mem>>)
        %dma_wait3A = arith.constant 0 : i32
        %dma_wait3A_23 = tpu.memref_slice %arg5[%mul3A_21, %dma_wait3A] : memref<20000x128xf32, #tpu.memory_space<hbm>> -> memref<10000x128xf32, #tpu.memory_space<hbm>>
        tpu.wait_dma2 semaphore(%run_scoped3A : memref<!tpu.dma_semaphore, #tpu.memory_space<semaphore_mem>>) src(%arg10 : memref<10000x128xf32, #tpu.memory_space<vmem_shared>>) dst(%dma_wait3A_23 : memref<10000x128xf32, #tpu.memory_space<hbm>>)
        tpu.yield
      }) : () -> ()
    } else {
    }
    return
  }
}

module attributes {stable_mosaic.version = 14 : i64} {
  func.func @_edge_body(%arg0: i32, %arg1: memref<2048x128xf32, #tpu.memory_space<vmem>>, %arg2: memref<2048x128xf32, #tpu.memory_space<vmem>>, %arg3: memref<1x64xf32, #tpu.memory_space<vmem>>, %arg4: memref<64x128xf32, #tpu.memory_space<vmem>>, %arg5: memref<1x128xf32, #tpu.memory_space<vmem>>, %arg6: memref<1x128xf32, #tpu.memory_space<vmem>>, %arg7: memref<1x1xf32, #tpu.memory_space<vmem>>, %arg8: memref<2048x128xf32, #tpu.memory_space<vmem>>) attributes {dimension_semantics = [#tpu.dimension_semantics<arbitrary>], iteration_bounds = array<i64: 80>, scalar_prefetch = 0 : i64, scratch_operands = 0 : i64, tpu.core_type = #tpu.core_type<tc>, window_params = [{transform_indices = @transform_0, window_bounds = array<i64: 2048, 128>}, {transform_indices = @transform_1, window_bounds = array<i64: 2048, 128>}, {pipeline_mode = #tpu.pipeline_mode<synchronous>, transform_indices = @transform_2, window_bounds = array<i64: 1, 64>}, {pipeline_mode = #tpu.pipeline_mode<synchronous>, transform_indices = @transform_3, window_bounds = array<i64: 64, 128>}, {pipeline_mode = #tpu.pipeline_mode<synchronous>, transform_indices = @transform_4, window_bounds = array<i64: 1, 128>}, {pipeline_mode = #tpu.pipeline_mode<synchronous>, transform_indices = @transform_5, window_bounds = array<i64: 1, 128>}, {pipeline_mode = #tpu.pipeline_mode<synchronous>, transform_indices = @transform_6, window_bounds = array<i64: 1, 1>}, {transform_indices = @transform_7, window_bounds = array<i64: 2048, 128>}]} {
    %get3A = arith.constant 0 : index
    %get3A_0 = arith.constant 0 : index
    %get3A_1 = vector.load %arg1[%get3A, %get3A_0] : memref<2048x128xf32, #tpu.memory_space<vmem>>, vector<2048x64xf32>
    %get3A_2 = arith.constant 0 : index
    %get3A_3 = arith.constant 64 : index
    %get3A_4 = vector.load %arg2[%get3A_2, %get3A_3] : memref<2048x128xf32, #tpu.memory_space<vmem>>, vector<2048x64xf32>
    %add3A = arith.addf %get3A_1, %get3A_4 : vector<2048x64xf32>
    %get3A_5 = arith.constant 0 : index
    %get3A_6 = arith.constant 0 : index
    %get3A_7 = vector.load %arg3[%get3A_5, %get3A_6] : memref<1x64xf32, #tpu.memory_space<vmem>>, vector<1x64xf32>
    %add3A_8 = vector.broadcast %get3A_7 : vector<1x64xf32> to vector<2048x64xf32>
    %add3A_9 = arith.addf %add3A, %add3A_8 : vector<2048x64xf32>
    %logistic3A = arith.negf %add3A_9 : vector<2048x64xf32>
    %logistic3A_10 = math.exp %logistic3A : vector<2048x64xf32>
    %logistic3A_11 = arith.constant 1.000000e+00 : f32
    %logistic3A_12 = vector.broadcast %logistic3A_11 : f32 to vector<2048x64xf32>
    %logistic3A_13 = arith.addf %logistic3A_12, %logistic3A_10 : vector<2048x64xf32>
    %logistic3A_14 = arith.divf %logistic3A_12, %logistic3A_13 : vector<2048x64xf32>
    %mul3A = arith.mulf %add3A_9, %logistic3A_14 : vector<2048x64xf32>
    %get3A_15 = arith.constant 0 : index
    %get3A_16 = arith.constant 0 : index
    %get3A_17 = vector.load %arg4[%get3A_15, %get3A_16] : memref<64x128xf32, #tpu.memory_space<vmem>>, vector<64x128xf32>
    %dot_general3A = arith.constant dense<0.000000e+00> : vector<2048x128xf32>
    %dot_general3A_18 = tpu.matmul %mul3A, %get3A_17, %dot_general3A {dimension_numbers = #tpu.dot_dimension_numbers<[1], [0], [0], [1], [0, 0, 1, 1], [], []>, transpose_lhs_hint = false} : vector<2048x64xf32>, vector<64x128xf32>, vector<2048x128xf32> -> vector<2048x128xf32>
    %get3A_19 = arith.constant 0 : index
    %get3A_20 = arith.constant 0 : index
    %get3A_21 = vector.load %arg5[%get3A_19, %get3A_20] : memref<1x128xf32, #tpu.memory_space<vmem>>, vector<1x128xf32>
    %add3A_22 = vector.broadcast %get3A_21 : vector<1x128xf32> to vector<2048x128xf32>
    %add3A_23 = arith.addf %dot_general3A_18, %add3A_22 : vector<2048x128xf32>
    %logistic3A_24 = arith.negf %add3A_23 : vector<2048x128xf32>
    %logistic3A_25 = math.exp %logistic3A_24 : vector<2048x128xf32>
    %logistic3A_26 = arith.constant 1.000000e+00 : f32
    %logistic3A_27 = vector.broadcast %logistic3A_26 : f32 to vector<2048x128xf32>
    %logistic3A_28 = arith.addf %logistic3A_27, %logistic3A_25 : vector<2048x128xf32>
    %logistic3A_29 = arith.divf %logistic3A_27, %logistic3A_28 : vector<2048x128xf32>
    %mul3A_30 = arith.mulf %add3A_23, %logistic3A_29 : vector<2048x128xf32>
    %get3A_31 = arith.constant 0 : index
    %get3A_32 = arith.constant 0 : index
    %get3A_33 = vector.load %arg6[%get3A_31, %get3A_32] : memref<1x128xf32, #tpu.memory_space<vmem>>, vector<1x128xf32>
    %mul3A_34 = vector.broadcast %get3A_33 : vector<1x128xf32> to vector<2048x128xf32>
    %mul3A_35 = arith.mulf %mul3A_30, %mul3A_34 : vector<2048x128xf32>
    %reduce_sum3A = arith.constant dense<0.000000e+00> : vector<2048xf32>
    %reduce_sum3A_36 = vector.multi_reduction <add>, %mul3A_35, %reduce_sum3A [1] : vector<2048x128xf32> to vector<2048xf32>
    %broadcast_in_dim3A = vector.shape_cast %reduce_sum3A_36 : vector<2048xf32> to vector<2048x1xf32>
    %get3A_37 = arith.constant 0 : index
    %get3A_38 = arith.constant 0 : index
    %get3A_39 = vector.load %arg7[%get3A_37, %get3A_38] : memref<1x1xf32, #tpu.memory_space<vmem>>, vector<1x1xf32>
    %add3A_40 = vector.broadcast %get3A_39 : vector<1x1xf32> to vector<2048x1xf32>
    %add3A_41 = arith.addf %broadcast_in_dim3A, %add3A_40 : vector<2048x1xf32>
    %logistic3A_42 = arith.negf %add3A_41 : vector<2048x1xf32>
    %logistic3A_43 = math.exp %logistic3A_42 : vector<2048x1xf32>
    %logistic3A_44 = arith.constant 1.000000e+00 : f32
    %logistic3A_45 = vector.broadcast %logistic3A_44 : f32 to vector<2048x1xf32>
    %logistic3A_46 = arith.addf %logistic3A_45, %logistic3A_43 : vector<2048x1xf32>
    %logistic3A_47 = arith.divf %logistic3A_45, %logistic3A_46 : vector<2048x1xf32>
    %mul3A_48 = vector.broadcast %logistic3A_47 : vector<2048x1xf32> to vector<2048x128xf32>
    %mul3A_49 = arith.mulf %mul3A_48, %mul3A_30 : vector<2048x128xf32>
    %mul3A_50 = arith.constant 2048 : i32
    %mul3A_51 = arith.muli %arg0, %mul3A_50 : i32
    %add3A_52 = arith.constant 163840 : i32
    %add3A_53 = arith.addi %add3A_52, %mul3A_51 : i32
    %iota3A = tpu.iota {dimensions = array<i32: 0>} : vector<2048x1xi32>
    %add3A_54 = vector.broadcast %add3A_53 : i32 to vector<2048x1xi32>
    %add3A_55 = arith.addi %add3A_54, %iota3A : vector<2048x1xi32>
    %lt3A = arith.constant 320000 : i32
    %lt3A_56 = vector.broadcast %lt3A : i32 to vector<2048x1xi32>
    %lt3A_57 = arith.cmpi slt, %add3A_55, %lt3A_56 : vector<2048x1xi32>
    %jit3A = arith.constant 0.000000e+00 : f32
    %broadcast_in_dim3A_58 = vector.shape_cast %lt3A_57 : vector<2048x1xi1> to vector<2048x1xi1>
    %broadcast_in_dim3A_59 = vector.broadcast %broadcast_in_dim3A_58 : vector<2048x1xi1> to vector<2048x128xi1>
    %broadcast_in_dim3A_60 = vector.broadcast %jit3A : f32 to vector<2048x128xf32>
    %select_n3A = arith.select %broadcast_in_dim3A_59, %mul3A_49, %broadcast_in_dim3A_60 : vector<2048x128xi1>, vector<2048x128xf32>
    %swap3A = arith.constant 0 : index
    %swap3A_61 = arith.constant 0 : index
    %swap3A_62 = vector.load %arg8[%swap3A, %swap3A_61] : memref<2048x128xf32, #tpu.memory_space<vmem>>, vector<2048x128xf32>
    tpu.vector_store %arg8[%swap3A, %swap3A_61], %select_n3A {strides = array<i32>} : memref<2048x128xf32, #tpu.memory_space<vmem>>, vector<2048x128xf32>,
    return
  }
  func.func @transform_0(%arg0: i32) -> (i32, i32) {
    %c0_i32 = arith.constant 0 : i32
    %c0_i32_0 = arith.constant 0 : i32
    return %arg0, %c0_i32 : i32, i32
  }
  func.func @transform_1(%arg0: i32) -> (i32, i32) {
    %c0_i32 = arith.constant 0 : i32
    %c0_i32_0 = arith.constant 0 : i32
    return %arg0, %c0_i32 : i32, i32
  }
  func.func @transform_2(%arg0: i32) -> (i32, i32) {
    %c0_i32 = arith.constant 0 : i32
    %c0_i32_0 = arith.constant 0 : i32
    %c0_i32_1 = arith.constant 0 : i32
    return %c0_i32, %c0_i32_0 : i32, i32
  }
  func.func @transform_3(%arg0: i32) -> (i32, i32) {
    %c0_i32 = arith.constant 0 : i32
    %c0_i32_0 = arith.constant 0 : i32
    %c0_i32_1 = arith.constant 0 : i32
    return %c0_i32, %c0_i32_0 : i32, i32
  }
  func.func @transform_4(%arg0: i32) -> (i32, i32) {
    %c0_i32 = arith.constant 0 : i32
    %c0_i32_0 = arith.constant 0 : i32
    %c0_i32_1 = arith.constant 0 : i32
    return %c0_i32, %c0_i32_0 : i32, i32
  }
  func.func @transform_5(%arg0: i32) -> (i32, i32) {
    %c0_i32 = arith.constant 0 : i32
    %c0_i32_0 = arith.constant 0 : i32
    %c0_i32_1 = arith.constant 0 : i32
    return %c0_i32, %c0_i32_0 : i32, i32
  }
  func.func @transform_6(%arg0: i32) -> (i32, i32) {
    %c0_i32 = arith.constant 0 : i32
    %c0_i32_0 = arith.constant 0 : i32
    %c0_i32_1 = arith.constant 0 : i32
    return %c0_i32, %c0_i32_0 : i32, i32
  }
  func.func @transform_7(%arg0: i32) -> (i32, i32) {
    %c0_i32 = arith.constant 0 : i32
    %c0_i32_0 = arith.constant 0 : i32
    return %arg0, %c0_i32 : i32, i32
  }
}

module attributes {stable_mosaic.version = 14 : i64} {
  func.func @_idx_body(%arg0: memref<2x2500x128xi32, #tpu.memory_space<vmem>>, %arg1: memref<2560x128xi32, #tpu.memory_space<vmem>>, %arg2: memref<2560x128xi32, #tpu.memory_space<vmem>>) attributes {dimension_semantics = [], scalar_prefetch = 0 : i64, scratch_operands = 0 : i64, tpu.core_type = #tpu.core_type<tc>} {
    %broadcast_in_dim3A = arith.constant 0 : i32
    %broadcast_in_dim3A_0 = vector.broadcast %broadcast_in_dim3A : i32 to vector<60x128xi32>
    %get3A = arith.constant 1 : index
    %get3A_1 = arith.constant 0 : index
    %get3A_2 = arith.constant 0 : index
    %get3A_3 = vector.load %arg0[%get3A, %get3A_1, %get3A_2] : memref<2x2500x128xi32, #tpu.memory_space<vmem>>, vector<1x2500x128xi32>
    %get3A_4 = vector.shape_cast %get3A_3 : vector<1x2500x128xi32> to vector<2500x128xi32>
    %concatenate3A = tpu.concatenate %get3A_4, %broadcast_in_dim3A_0 in 0 : vector<2500x128xi32>, vector<60x128xi32> -> vector<2560x128xi32>
    %swap3A = arith.constant 0 : index
    %swap3A_5 = arith.constant 0 : index
    %swap3A_6 = vector.load %arg1[%swap3A, %swap3A_5] : memref<2560x128xi32, #tpu.memory_space<vmem>>, vector<2560x128xi32>
    tpu.vector_store %arg1[%swap3A, %swap3A_5], %concatenate3A {strides = array<i32>} : memref<2560x128xi32, #tpu.memory_space<vmem>>, vector<2560x128xi32>,
    %get3A_7 = arith.constant 0 : index
    %get3A_8 = arith.constant 0 : index
    %get3A_9 = arith.constant 0 : index
    %get3A_10 = vector.load %arg0[%get3A_7, %get3A_8, %get3A_9] : memref<2x2500x128xi32, #tpu.memory_space<vmem>>, vector<1x2500x128xi32>
    %get3A_11 = vector.shape_cast %get3A_10 : vector<1x2500x128xi32> to vector<2500x128xi32>
    %concatenate3A_12 = tpu.concatenate %get3A_11, %broadcast_in_dim3A_0 in 0 : vector<2500x128xi32>, vector<60x128xi32> -> vector<2560x128xi32>
    %swap3A_13 = arith.constant 0 : index
    %swap3A_14 = arith.constant 0 : index
    %swap3A_15 = vector.load %arg2[%swap3A_13, %swap3A_14] : memref<2560x128xi32, #tpu.memory_space<vmem>>, vector<2560x128xi32>
    tpu.vector_store %arg2[%swap3A_13, %swap3A_14], %concatenate3A_12 {strides = array<i32>} : memref<2560x128xi32, #tpu.memory_space<vmem>>, vector<2560x128xi32>,
    return
  }
}

module attributes {stable_mosaic.version = 14 : i64} {
  func.func @_encode_body(%arg0: i32, %arg1: memref<12x1000x128xf32, #tpu.memory_space<vmem>>, %arg2: memref<1536x128xf32, #tpu.memory_space<vmem>>, %arg3: memref<1x128xf32, #tpu.memory_space<vmem>>, %arg4: memref<128x128xf32, #tpu.memory_space<vmem>>, %arg5: memref<1x128xf32, #tpu.memory_space<vmem>>, %arg6: memref<128x128xf32, #tpu.memory_space<vmem>>, %arg7: memref<1x128xf32, #tpu.memory_space<vmem>>, %arg8: memref<128x128xf32, #tpu.memory_space<vmem>>, %arg9: memref<1x128xf32, #tpu.memory_space<vmem>>, %arg10: memref<128x128xf32, #tpu.memory_space<vmem>>, %arg11: memref<1x128xf32, #tpu.memory_space<vmem>>, %arg12: memref<128x128xf32, #tpu.memory_space<vmem>>, %arg13: memref<1000x128xf32, #tpu.memory_space<vmem>>, %arg14: memref<1000x128xf32, #tpu.memory_space<vmem>>) attributes {dimension_semantics = [#tpu.dimension_semantics<arbitrary>], iteration_bounds = array<i64: 10>, scalar_prefetch = 0 : i64, scratch_operands = 0 : i64, tpu.core_type = #tpu.core_type<tc>, window_params = [{transform_indices = @transform_0, window_bounds = array<i64: 12, 1000, 128>}, {pipeline_mode = #tpu.pipeline_mode<synchronous>, transform_indices = @transform_1, window_bounds = array<i64: 1536, 128>}, {pipeline_mode = #tpu.pipeline_mode<synchronous>, transform_indices = @transform_2, window_bounds = array<i64: 1, 128>}, {pipeline_mode = #tpu.pipeline_mode<synchronous>, transform_indices = @transform_3, window_bounds = array<i64: 128, 128>}, {pipeline_mode = #tpu.pipeline_mode<synchronous>, transform_indices = @transform_4, window_bounds = array<i64: 1, 128>}, {pipeline_mode = #tpu.pipeline_mode<synchronous>, transform_indices = @transform_5, window_bounds = array<i64: 128, 128>}, {pipeline_mode = #tpu.pipeline_mode<synchronous>, transform_indices = @transform_6, window_bounds = array<i64: 1, 128>}, {pipeline_mode = #tpu.pipeline_mode<synchronous>, transform_indices = @transform_7, window_bounds = array<i64: 128, 128>}, {pipeline_mode = #tpu.pipeline_mode<synchronous>, transform_indices = @transform_8, window_bounds = array<i64: 1, 128>}, {pipeline_mode = #tpu.pipeline_mode<synchronous>, transform_indices = @transform_9, window_bounds = array<i64: 128, 128>}, {pipeline_mode = #tpu.pipeline_mode<synchronous>, transform_indices = @transform_10, window_bounds = array<i64: 1, 128>}, {pipeline_mode = #tpu.pipeline_mode<synchronous>, transform_indices = @transform_11, window_bounds = array<i64: 128, 128>}, {transform_indices = @transform_12, window_bounds = array<i64: 1000, 128>}, {transform_indices = @transform_13, window_bounds = array<i64: 1000, 128>}]} {
    %get3A = arith.constant 0 : index
    %get3A_0 = arith.constant 0 : index
    %get3A_1 = arith.constant 0 : index
    %get3A_2 = vector.load %arg1[%get3A, %get3A_0, %get3A_1] : memref<12x1000x128xf32, #tpu.memory_space<vmem>>, vector<1x1000x128xf32>
    %get3A_3 = vector.shape_cast %get3A_2 : vector<1x1000x128xf32> to vector<1000x128xf32>
    %get3A_4 = arith.constant 0 : index
    %get3A_5 = arith.constant 0 : index
    %get3A_6 = vector.load %arg2[%get3A_4, %get3A_5] : memref<1536x128xf32, #tpu.memory_space<vmem>>, vector<128x128xf32>
    %dot_general3A = arith.constant dense<0.000000e+00> : vector<1000x128xf32>
    %dot_general3A_7 = tpu.matmul %get3A_3, %get3A_6, %dot_general3A {dimension_numbers = #tpu.dot_dimension_numbers<[1], [0], [0], [1], [0, 0, 1, 1], [], []>, precision = #tpu.contract_precision<fp32>, transpose_lhs_hint = false} : vector<1000x128xf32>, vector<128x128xf32>, vector<1000x128xf32> -> vector<1000x128xf32>
    %get3A_8 = arith.constant 1 : index
    %get3A_9 = arith.constant 0 : index
    %get3A_10 = arith.constant 0 : index
    %get3A_11 = vector.load %arg1[%get3A_8, %get3A_9, %get3A_10] : memref<12x1000x128xf32, #tpu.memory_space<vmem>>, vector<1x1000x128xf32>
    %get3A_12 = vector.shape_cast %get3A_11 : vector<1x1000x128xf32> to vector<1000x128xf32>
    %get3A_13 = arith.constant 128 : index
    %get3A_14 = arith.constant 0 : index
    %get3A_15 = vector.load %arg2[%get3A_13, %get3A_14] : memref<1536x128xf32, #tpu.memory_space<vmem>>, vector<128x128xf32>
    %dot_general3A_16 = arith.constant dense<0.000000e+00> : vector<1000x128xf32>
    %dot_general3A_17 = tpu.matmul %get3A_12, %get3A_15, %dot_general3A_16 {dimension_numbers = #tpu.dot_dimension_numbers<[1], [0], [0], [1], [0, 0, 1, 1], [], []>, precision = #tpu.contract_precision<fp32>, transpose_lhs_hint = false} : vector<1000x128xf32>, vector<128x128xf32>, vector<1000x128xf32> -> vector<1000x128xf32>
    %add3A = arith.addf %dot_general3A_7, %dot_general3A_17 : vector<1000x128xf32>
    %get3A_18 = arith.constant 2 : index
    %get3A_19 = arith.constant 0 : index
    %get3A_20 = arith.constant 0 : index
    %get3A_21 = vector.load %arg1[%get3A_18, %get3A_19, %get3A_20] : memref<12x1000x128xf32, #tpu.memory_space<vmem>>, vector<1x1000x128xf32>
    %get3A_22 = vector.shape_cast %get3A_21 : vector<1x1000x128xf32> to vector<1000x128xf32>
    %get3A_23 = arith.constant 256 : index
    %get3A_24 = arith.constant 0 : index
    %get3A_25 = vector.load %arg2[%get3A_23, %get3A_24] : memref<1536x128xf32, #tpu.memory_space<vmem>>, vector<128x128xf32>
    %dot_general3A_26 = arith.constant dense<0.000000e+00> : vector<1000x128xf32>
    %dot_general3A_27 = tpu.matmul %get3A_22, %get3A_25, %dot_general3A_26 {dimension_numbers = #tpu.dot_dimension_numbers<[1], [0], [0], [1], [0, 0, 1, 1], [], []>, precision = #tpu.contract_precision<fp32>, transpose_lhs_hint = false} : vector<1000x128xf32>, vector<128x128xf32>, vector<1000x128xf32> -> vector<1000x128xf32>
    %add3A_28 = arith.addf %add3A, %dot_general3A_27 : vector<1000x128xf32>
    %get3A_29 = arith.constant 3 : index
    %get3A_30 = arith.constant 0 : index
    %get3A_31 = arith.constant 0 : index
    %get3A_32 = vector.load %arg1[%get3A_29, %get3A_30, %get3A_31] : memref<12x1000x128xf32, #tpu.memory_space<vmem>>, vector<1x1000x128xf32>
    %get3A_33 = vector.shape_cast %get3A_32 : vector<1x1000x128xf32> to vector<1000x128xf32>
    %get3A_34 = arith.constant 384 : index
    %get3A_35 = arith.constant 0 : index
    %get3A_36 = vector.load %arg2[%get3A_34, %get3A_35] : memref<1536x128xf32, #tpu.memory_space<vmem>>, vector<128x128xf32>
    %dot_general3A_37 = arith.constant dense<0.000000e+00> : vector<1000x128xf32>
    %dot_general3A_38 = tpu.matmul %get3A_33, %get3A_36, %dot_general3A_37 {dimension_numbers = #tpu.dot_dimension_numbers<[1], [0], [0], [1], [0, 0, 1, 1], [], []>, precision = #tpu.contract_precision<fp32>, transpose_lhs_hint = false} : vector<1000x128xf32>, vector<128x128xf32>, vector<1000x128xf32> -> vector<1000x128xf32>
    %add3A_39 = arith.addf %add3A_28, %dot_general3A_38 : vector<1000x128xf32>
    %get3A_40 = arith.constant 4 : index
    %get3A_41 = arith.constant 0 : index
    %get3A_42 = arith.constant 0 : index
    %get3A_43 = vector.load %arg1[%get3A_40, %get3A_41, %get3A_42] : memref<12x1000x128xf32, #tpu.memory_space<vmem>>, vector<1x1000x128xf32>
    %get3A_44 = vector.shape_cast %get3A_43 : vector<1x1000x128xf32> to vector<1000x128xf32>
    %get3A_45 = arith.constant 512 : index
    %get3A_46 = arith.constant 0 : index
    %get3A_47 = vector.load %arg2[%get3A_45, %get3A_46] : memref<1536x128xf32, #tpu.memory_space<vmem>>, vector<128x128xf32>
    %dot_general3A_48 = arith.constant dense<0.000000e+00> : vector<1000x128xf32>
    %dot_general3A_49 = tpu.matmul %get3A_44, %get3A_47, %dot_general3A_48 {dimension_numbers = #tpu.dot_dimension_numbers<[1], [0], [0], [1], [0, 0, 1, 1], [], []>, precision = #tpu.contract_precision<fp32>, transpose_lhs_hint = false} : vector<1000x128xf32>, vector<128x128xf32>, vector<1000x128xf32> -> vector<1000x128xf32>
    %add3A_50 = arith.addf %add3A_39, %dot_general3A_49 : vector<1000x128xf32>
    %get3A_51 = arith.constant 5 : index
    %get3A_52 = arith.constant 0 : index
    %get3A_53 = arith.constant 0 : index
    %get3A_54 = vector.load %arg1[%get3A_51, %get3A_52, %get3A_53] : memref<12x1000x128xf32, #tpu.memory_space<vmem>>, vector<1x1000x128xf32>
    %get3A_55 = vector.shape_cast %get3A_54 : vector<1x1000x128xf32> to vector<1000x128xf32>
    %get3A_56 = arith.constant 640 : index
    %get3A_57 = arith.constant 0 : index
    %get3A_58 = vector.load %arg2[%get3A_56, %get3A_57] : memref<1536x128xf32, #tpu.memory_space<vmem>>, vector<128x128xf32>
    %dot_general3A_59 = arith.constant dense<0.000000e+00> : vector<1000x128xf32>
    %dot_general3A_60 = tpu.matmul %get3A_55, %get3A_58, %dot_general3A_59 {dimension_numbers = #tpu.dot_dimension_numbers<[1], [0], [0], [1], [0, 0, 1, 1], [], []>, precision = #tpu.contract_precision<fp32>, transpose_lhs_hint = false} : vector<1000x128xf32>, vector<128x128xf32>, vector<1000x128xf32> -> vector<1000x128xf32>
    %add3A_61 = arith.addf %add3A_50, %dot_general3A_60 : vector<1000x128xf32>
    %get3A_62 = arith.constant 6 : index
    %get3A_63 = arith.constant 0 : index
    %get3A_64 = arith.constant 0 : index
    %get3A_65 = vector.load %arg1[%get3A_62, %get3A_63, %get3A_64] : memref<12x1000x128xf32, #tpu.memory_space<vmem>>, vector<1x1000x128xf32>
    %get3A_66 = vector.shape_cast %get3A_65 : vector<1x1000x128xf32> to vector<1000x128xf32>
    %get3A_67 = arith.constant 768 : index
    %get3A_68 = arith.constant 0 : index
    %get3A_69 = vector.load %arg2[%get3A_67, %get3A_68] : memref<1536x128xf32, #tpu.memory_space<vmem>>, vector<128x128xf32>
    %dot_general3A_70 = arith.constant dense<0.000000e+00> : vector<1000x128xf32>
    %dot_general3A_71 = tpu.matmul %get3A_66, %get3A_69, %dot_general3A_70 {dimension_numbers = #tpu.dot_dimension_numbers<[1], [0], [0], [1], [0, 0, 1, 1], [], []>, precision = #tpu.contract_precision<fp32>, transpose_lhs_hint = false} : vector<1000x128xf32>, vector<128x128xf32>, vector<1000x128xf32> -> vector<1000x128xf32>
    %add3A_72 = arith.addf %add3A_61, %dot_general3A_71 : vector<1000x128xf32>
    %get3A_73 = arith.constant 7 : index
    %get3A_74 = arith.constant 0 : index
    %get3A_75 = arith.constant 0 : index
    %get3A_76 = vector.load %arg1[%get3A_73, %get3A_74, %get3A_75] : memref<12x1000x128xf32, #tpu.memory_space<vmem>>, vector<1x1000x128xf32>
    %get3A_77 = vector.shape_cast %get3A_76 : vector<1x1000x128xf32> to vector<1000x128xf32>
    %get3A_78 = arith.constant 896 : index
    %get3A_79 = arith.constant 0 : index
    %get3A_80 = vector.load %arg2[%get3A_78, %get3A_79] : memref<1536x128xf32, #tpu.memory_space<vmem>>, vector<128x128xf32>
    %dot_general3A_81 = arith.constant dense<0.000000e+00> : vector<1000x128xf32>
    %dot_general3A_82 = tpu.matmul %get3A_77, %get3A_80, %dot_general3A_81 {dimension_numbers = #tpu.dot_dimension_numbers<[1], [0], [0], [1], [0, 0, 1, 1], [], []>, precision = #tpu.contract_precision<fp32>, transpose_lhs_hint = false} : vector<1000x128xf32>, vector<128x128xf32>, vector<1000x128xf32> -> vector<1000x128xf32>
    %add3A_83 = arith.addf %add3A_72, %dot_general3A_82 : vector<1000x128xf32>
    %get3A_84 = arith.constant 8 : index
    %get3A_85 = arith.constant 0 : index
    %get3A_86 = arith.constant 0 : index
    %get3A_87 = vector.load %arg1[%get3A_84, %get3A_85, %get3A_86] : memref<12x1000x128xf32, #tpu.memory_space<vmem>>, vector<1x1000x128xf32>
    %get3A_88 = vector.shape_cast %get3A_87 : vector<1x1000x128xf32> to vector<1000x128xf32>
    %get3A_89 = arith.constant 1024 : index
    %get3A_90 = arith.constant 0 : index
    %get3A_91 = vector.load %arg2[%get3A_89, %get3A_90] : memref<1536x128xf32, #tpu.memory_space<vmem>>, vector<128x128xf32>
    %dot_general3A_92 = arith.constant dense<0.000000e+00> : vector<1000x128xf32>
    %dot_general3A_93 = tpu.matmul %get3A_88, %get3A_91, %dot_general3A_92 {dimension_numbers = #tpu.dot_dimension_numbers<[1], [0], [0], [1], [0, 0, 1, 1], [], []>, precision = #tpu.contract_precision<fp32>, transpose_lhs_hint = false} : vector<1000x128xf32>, vector<128x128xf32>, vector<1000x128xf32> -> vector<1000x128xf32>
    %add3A_94 = arith.addf %add3A_83, %dot_general3A_93 : vector<1000x128xf32>
    %get3A_95 = arith.constant 9 : index
    %get3A_96 = arith.constant 0 : index
    %get3A_97 = arith.constant 0 : index
    %get3A_98 = vector.load %arg1[%get3A_95, %get3A_96, %get3A_97] : memref<12x1000x128xf32, #tpu.memory_space<vmem>>, vector<1x1000x128xf32>
    %get3A_99 = vector.shape_cast %get3A_98 : vector<1x1000x128xf32> to vector<1000x128xf32>
    %get3A_100 = arith.constant 1152 : index
    %get3A_101 = arith.constant 0 : index
    %get3A_102 = vector.load %arg2[%get3A_100, %get3A_101] : memref<1536x128xf32, #tpu.memory_space<vmem>>, vector<128x128xf32>
    %dot_general3A_103 = arith.constant dense<0.000000e+00> : vector<1000x128xf32>
    %dot_general3A_104 = tpu.matmul %get3A_99, %get3A_102, %dot_general3A_103 {dimension_numbers = #tpu.dot_dimension_numbers<[1], [0], [0], [1], [0, 0, 1, 1], [], []>, precision = #tpu.contract_precision<fp32>, transpose_lhs_hint = false} : vector<1000x128xf32>, vector<128x128xf32>, vector<1000x128xf32> -> vector<1000x128xf32>
    %add3A_105 = arith.addf %add3A_94, %dot_general3A_104 : vector<1000x128xf32>
    %get3A_106 = arith.constant 10 : index
    %get3A_107 = arith.constant 0 : index
    %get3A_108 = arith.constant 0 : index
    %get3A_109 = vector.load %arg1[%get3A_106, %get3A_107, %get3A_108] : memref<12x1000x128xf32, #tpu.memory_space<vmem>>, vector<1x1000x128xf32>
    %get3A_110 = vector.shape_cast %get3A_109 : vector<1x1000x128xf32> to vector<1000x128xf32>
    %get3A_111 = arith.constant 1280 : index
    %get3A_112 = arith.constant 0 : index
    %get3A_113 = vector.load %arg2[%get3A_111, %get3A_112] : memref<1536x128xf32, #tpu.memory_space<vmem>>, vector<128x128xf32>
    %dot_general3A_114 = arith.constant dense<0.000000e+00> : vector<1000x128xf32>
    %dot_general3A_115 = tpu.matmul %get3A_110, %get3A_113, %dot_general3A_114 {dimension_numbers = #tpu.dot_dimension_numbers<[1], [0], [0], [1], [0, 0, 1, 1], [], []>, precision = #tpu.contract_precision<fp32>, transpose_lhs_hint = false} : vector<1000x128xf32>, vector<128x128xf32>, vector<1000x128xf32> -> vector<1000x128xf32>
    %add3A_116 = arith.addf %add3A_105, %dot_general3A_115 : vector<1000x128xf32>
    %get3A_117 = arith.constant 11 : index
    %get3A_118 = arith.constant 0 : index
    %get3A_119 = arith.constant 0 : index
    %get3A_120 = vector.load %arg1[%get3A_117, %get3A_118, %get3A_119] : memref<12x1000x128xf32, #tpu.memory_space<vmem>>, vector<1x1000x128xf32>
    %get3A_121 = vector.shape_cast %get3A_120 : vector<1x1000x128xf32> to vector<1000x128xf32>
    %get3A_122 = arith.constant 1408 : index
    %get3A_123 = arith.constant 0 : index
    %get3A_124 = vector.load %arg2[%get3A_122, %get3A_123] : memref<1536x128xf32, #tpu.memory_space<vmem>>, vector<128x128xf32>
    %dot_general3A_125 = arith.constant dense<0.000000e+00> : vector<1000x128xf32>
    %dot_general3A_126 = tpu.matmul %get3A_121, %get3A_124, %dot_general3A_125 {dimension_numbers = #tpu.dot_dimension_numbers<[1], [0], [0], [1], [0, 0, 1, 1], [], []>, precision = #tpu.contract_precision<fp32>, transpose_lhs_hint = false} : vector<1000x128xf32>, vector<128x128xf32>, vector<1000x128xf32> -> vector<1000x128xf32>
    %add3A_127 = arith.addf %add3A_116, %dot_general3A_126 : vector<1000x128xf32>
    %get3A_128 = arith.constant 0 : index
    %get3A_129 = arith.constant 0 : index
    %get3A_130 = vector.load %arg3[%get3A_128, %get3A_129] : memref<1x128xf32, #tpu.memory_space<vmem>>, vector<1x128xf32>
    %add3A_131 = vector.broadcast %get3A_130 : vector<1x128xf32> to vector<1000x128xf32>
    %add3A_132 = arith.addf %add3A_127, %add3A_131 : vector<1000x128xf32>
    %get3A_133 = arith.constant 0 : index
    %get3A_134 = arith.constant 0 : index
    %get3A_135 = vector.load %arg4[%get3A_133, %get3A_134] : memref<128x128xf32, #tpu.memory_space<vmem>>, vector<128x128xf32>
    %dot_general3A_136 = arith.constant dense<0.000000e+00> : vector<1000x128xf32>
    %dot_general3A_137 = tpu.matmul %add3A_132, %get3A_135, %dot_general3A_136 {dimension_numbers = #tpu.dot_dimension_numbers<[1], [0], [0], [1], [0, 0, 1, 1], [], []>, precision = #tpu.contract_precision<fp32>, transpose_lhs_hint = false} : vector<1000x128xf32>, vector<128x128xf32>, vector<1000x128xf32> -> vector<1000x128xf32>
    %get3A_138 = arith.constant 0 : index
    %get3A_139 = arith.constant 0 : index
    %get3A_140 = vector.load %arg5[%get3A_138, %get3A_139] : memref<1x128xf32, #tpu.memory_space<vmem>>, vector<1x128xf32>
    %add3A_141 = vector.broadcast %get3A_140 : vector<1x128xf32> to vector<1000x128xf32>
    %add3A_142 = arith.addf %dot_general3A_137, %add3A_141 : vector<1000x128xf32>
    %max3A = arith.constant 0.000000e+00 : f32
    %max3A_143 = vector.broadcast %max3A : f32 to vector<1000x128xf32>
    %max3A_144 = arith.maximumf %add3A_142, %max3A_143 : vector<1000x128xf32>
    %get3A_145 = arith.constant 0 : index
    %get3A_146 = arith.constant 0 : index
    %get3A_147 = vector.load %arg6[%get3A_145, %get3A_146] : memref<128x128xf32, #tpu.memory_space<vmem>>, vector<128x128xf32>
    %dot_general3A_148 = arith.constant dense<0.000000e+00> : vector<1000x128xf32>
    %dot_general3A_149 = tpu.matmul %max3A_144, %get3A_147, %dot_general3A_148 {dimension_numbers = #tpu.dot_dimension_numbers<[1], [0], [0], [1], [0, 0, 1, 1], [], []>, precision = #tpu.contract_precision<fp32>, transpose_lhs_hint = false} : vector<1000x128xf32>, vector<128x128xf32>, vector<1000x128xf32> -> vector<1000x128xf32>
    %get3A_150 = arith.constant 0 : index
    %get3A_151 = arith.constant 0 : index
    %get3A_152 = vector.load %arg7[%get3A_150, %get3A_151] : memref<1x128xf32, #tpu.memory_space<vmem>>, vector<1x128xf32>
    %add3A_153 = vector.broadcast %get3A_152 : vector<1x128xf32> to vector<1000x128xf32>
    %add3A_154 = arith.addf %dot_general3A_149, %add3A_153 : vector<1000x128xf32>
    %get3A_155 = arith.constant 0 : index
    %get3A_156 = arith.constant 0 : index
    %get3A_157 = vector.load %arg8[%get3A_155, %get3A_156] : memref<128x128xf32, #tpu.memory_space<vmem>>, vector<128x128xf32>
    %dot_general3A_158 = arith.constant dense<0.000000e+00> : vector<1000x128xf32>
    %dot_general3A_159 = tpu.matmul %add3A_154, %get3A_157, %dot_general3A_158 {dimension_numbers = #tpu.dot_dimension_numbers<[1], [0], [0], [1], [0, 0, 1, 1], [], []>, precision = #tpu.contract_precision<fp32>, transpose_lhs_hint = false} : vector<1000x128xf32>, vector<128x128xf32>, vector<1000x128xf32> -> vector<1000x128xf32>
    %get3A_160 = arith.constant 0 : index
    %get3A_161 = arith.constant 0 : index
    %get3A_162 = vector.load %arg9[%get3A_160, %get3A_161] : memref<1x128xf32, #tpu.memory_space<vmem>>, vector<1x128xf32>
    %add3A_163 = vector.broadcast %get3A_162 : vector<1x128xf32> to vector<1000x128xf32>
    %add3A_164 = arith.addf %dot_general3A_159, %add3A_163 : vector<1000x128xf32>
    %max3A_165 = arith.constant 0.000000e+00 : f32
    %max3A_166 = vector.broadcast %max3A_165 : f32 to vector<1000x128xf32>
    %max3A_167 = arith.maximumf %add3A_164, %max3A_166 : vector<1000x128xf32>
    %get3A_168 = arith.constant 0 : index
    %get3A_169 = arith.constant 0 : index
    %get3A_170 = vector.load %arg10[%get3A_168, %get3A_169] : memref<128x128xf32, #tpu.memory_space<vmem>>, vector<128x128xf32>
    %dot_general3A_171 = arith.constant dense<0.000000e+00> : vector<1000x128xf32>
    %dot_general3A_172 = tpu.matmul %max3A_167, %get3A_170, %dot_general3A_171 {dimension_numbers = #tpu.dot_dimension_numbers<[1], [0], [0], [1], [0, 0, 1, 1], [], []>, precision = #tpu.contract_precision<fp32>, transpose_lhs_hint = false} : vector<1000x128xf32>, vector<128x128xf32>, vector<1000x128xf32> -> vector<1000x128xf32>
    %get3A_173 = arith.constant 0 : index
    %get3A_174 = arith.constant 0 : index
    %get3A_175 = vector.load %arg11[%get3A_173, %get3A_174] : memref<1x128xf32, #tpu.memory_space<vmem>>, vector<1x128xf32>
    %add3A_176 = vector.broadcast %get3A_175 : vector<1x128xf32> to vector<1000x128xf32>
    %add3A_177 = arith.addf %dot_general3A_172, %add3A_176 : vector<1000x128xf32>
    %swap3A = arith.constant 0 : index
    %swap3A_178 = arith.constant 0 : index
    %swap3A_179 = vector.load %arg13[%swap3A, %swap3A_178] : memref<1000x128xf32, #tpu.memory_space<vmem>>, vector<1000x128xf32>
    tpu.vector_store %arg13[%swap3A, %swap3A_178], %add3A_177 {strides = array<i32>} : memref<1000x128xf32, #tpu.memory_space<vmem>>, vector<1000x128xf32>,
    %get3A_180 = arith.constant 0 : index
    %get3A_181 = arith.constant 0 : index
    %get3A_182 = vector.load %arg12[%get3A_180, %get3A_181] : memref<128x128xf32, #tpu.memory_space<vmem>>, vector<128x128xf32>
    %dot_general3A_183 = arith.constant dense<0.000000e+00> : vector<1000x128xf32>
    %dot_general3A_184 = tpu.matmul %add3A_177, %get3A_182, %dot_general3A_183 {dimension_numbers = #tpu.dot_dimension_numbers<[1], [0], [0], [1], [0, 0, 1, 1], [], []>, precision = #tpu.contract_precision<fp32>, transpose_lhs_hint = false} : vector<1000x128xf32>, vector<128x128xf32>, vector<1000x128xf32> -> vector<1000x128xf32>
    %swap3A_185 = arith.constant 0 : index
    %swap3A_186 = arith.constant 0 : index
    %swap3A_187 = vector.load %arg14[%swap3A_185, %swap3A_186] : memref<1000x128xf32, #tpu.memory_space<vmem>>, vector<1000x128xf32>
    tpu.vector_store %arg14[%swap3A_185, %swap3A_186], %dot_general3A_184 {strides = array<i32>} : memref<1000x128xf32, #tpu.memory_space<vmem>>, vector<1000x128xf32>,
    return
  }
  func.func @transform_0(%arg0: i32) -> (i32, i32, i32) {
    %c0_i32 = arith.constant 0 : i32
    %c0_i32_0 = arith.constant 0 : i32
    %c0_i32_1 = arith.constant 0 : i32
    return %c0_i32, %arg0, %c0_i32_0 : i32, i32, i32
  }
  func.func @transform_1(%arg0: i32) -> (i32, i32) {
    %c0_i32 = arith.constant 0 : i32
    %c0_i32_0 = arith.constant 0 : i32
    %c0_i32_1 = arith.constant 0 : i32
    return %c0_i32, %c0_i32_0 : i32, i32
  }
  func.func @transform_2(%arg0: i32) -> (i32, i32) {
    %c0_i32 = arith.constant 0 : i32
    %c0_i32_0 = arith.constant 0 : i32
    %c0_i32_1 = arith.constant 0 : i32
    return %c0_i32, %c0_i32_0 : i32, i32
  }
  func.func @transform_3(%arg0: i32) -> (i32, i32) {
    %c0_i32 = arith.constant 0 : i32
    %c0_i32_0 = arith.constant 0 : i32
    %c0_i32_1 = arith.constant 0 : i32
    return %c0_i32, %c0_i32_0 : i32, i32
  }
  func.func @transform_4(%arg0: i32) -> (i32, i32) {
    %c0_i32 = arith.constant 0 : i32
    %c0_i32_0 = arith.constant 0 : i32
    %c0_i32_1 = arith.constant 0 : i32
    return %c0_i32, %c0_i32_0 : i32, i32
  }
  func.func @transform_5(%arg0: i32) -> (i32, i32) {
    %c0_i32 = arith.constant 0 : i32
    %c0_i32_0 = arith.constant 0 : i32
    %c0_i32_1 = arith.constant 0 : i32
    return %c0_i32, %c0_i32_0 : i32, i32
  }
  func.func @transform_6(%arg0: i32) -> (i32, i32) {
    %c0_i32 = arith.constant 0 : i32
    %c0_i32_0 = arith.constant 0 : i32
    %c0_i32_1 = arith.constant 0 : i32
    return %c0_i32, %c0_i32_0 : i32, i32
  }
  func.func @transform_7(%arg0: i32) -> (i32, i32) {
    %c0_i32 = arith.constant 0 : i32
    %c0_i32_0 = arith.constant 0 : i32
    %c0_i32_1 = arith.constant 0 : i32
    return %c0_i32, %c0_i32_0 : i32, i32
  }
  func.func @transform_8(%arg0: i32) -> (i32, i32) {
    %c0_i32 = arith.constant 0 : i32
    %c0_i32_0 = arith.constant 0 : i32
    %c0_i32_1 = arith.constant 0 : i32
    return %c0_i32, %c0_i32_0 : i32, i32
  }
  func.func @transform_9(%arg0: i32) -> (i32, i32) {
    %c0_i32 = arith.constant 0 : i32
    %c0_i32_0 = arith.constant 0 : i32
    %c0_i32_1 = arith.constant 0 : i32
    return %c0_i32, %c0_i32_0 : i32, i32
  }
  func.func @transform_10(%arg0: i32) -> (i32, i32) {
    %c0_i32 = arith.constant 0 : i32
    %c0_i32_0 = arith.constant 0 : i32
    %c0_i32_1 = arith.constant 0 : i32
    return %c0_i32, %c0_i32_0 : i32, i32
  }
  func.func @transform_11(%arg0: i32) -> (i32, i32) {
    %c0_i32 = arith.constant 0 : i32
    %c0_i32_0 = arith.constant 0 : i32
    %c0_i32_1 = arith.constant 0 : i32
    return %c0_i32, %c0_i32_0 : i32, i32
  }
  func.func @transform_12(%arg0: i32) -> (i32, i32) {
    %c0_i32 = arith.constant 0 : i32
    %c0_i32_0 = arith.constant 0 : i32
    return %arg0, %c0_i32 : i32, i32
  }
  func.func @transform_13(%arg0: i32) -> (i32, i32) {
    %c0_i32 = arith.constant 0 : i32
    %c0_i32_0 = arith.constant 0 : i32
    return %arg0, %c0_i32 : i32, i32
  }
}

module attributes {stable_mosaic.version = 14 : i64} {
  func.func @_edge_body(%arg0: i32, %arg1: memref<2048x128xf32, #tpu.memory_space<vmem>>, %arg2: memref<2048x128xf32, #tpu.memory_space<vmem>>, %arg3: memref<1x64xf32, #tpu.memory_space<vmem>>, %arg4: memref<64x128xf32, #tpu.memory_space<vmem>>, %arg5: memref<1x128xf32, #tpu.memory_space<vmem>>, %arg6: memref<1x128xf32, #tpu.memory_space<vmem>>, %arg7: memref<1x1xf32, #tpu.memory_space<vmem>>, %arg8: memref<2048x128xf32, #tpu.memory_space<vmem>>) attributes {dimension_semantics = [#tpu.dimension_semantics<arbitrary>], iteration_bounds = array<i64: 80>, scalar_prefetch = 0 : i64, scratch_operands = 0 : i64, tpu.core_type = #tpu.core_type<tc>, window_params = [{transform_indices = @transform_0, window_bounds = array<i64: 2048, 128>}, {transform_indices = @transform_1, window_bounds = array<i64: 2048, 128>}, {pipeline_mode = #tpu.pipeline_mode<synchronous>, transform_indices = @transform_2, window_bounds = array<i64: 1, 64>}, {pipeline_mode = #tpu.pipeline_mode<synchronous>, transform_indices = @transform_3, window_bounds = array<i64: 64, 128>}, {pipeline_mode = #tpu.pipeline_mode<synchronous>, transform_indices = @transform_4, window_bounds = array<i64: 1, 128>}, {pipeline_mode = #tpu.pipeline_mode<synchronous>, transform_indices = @transform_5, window_bounds = array<i64: 1, 128>}, {pipeline_mode = #tpu.pipeline_mode<synchronous>, transform_indices = @transform_6, window_bounds = array<i64: 1, 1>}, {transform_indices = @transform_7, window_bounds = array<i64: 2048, 128>}]} {
    %get3A = arith.constant 0 : index
    %get3A_0 = arith.constant 0 : index
    %get3A_1 = vector.load %arg1[%get3A, %get3A_0] : memref<2048x128xf32, #tpu.memory_space<vmem>>, vector<2048x64xf32>
    %get3A_2 = arith.constant 0 : index
    %get3A_3 = arith.constant 64 : index
    %get3A_4 = vector.load %arg2[%get3A_2, %get3A_3] : memref<2048x128xf32, #tpu.memory_space<vmem>>, vector<2048x64xf32>
    %add3A = arith.addf %get3A_1, %get3A_4 : vector<2048x64xf32>
    %get3A_5 = arith.constant 0 : index
    %get3A_6 = arith.constant 0 : index
    %get3A_7 = vector.load %arg3[%get3A_5, %get3A_6] : memref<1x64xf32, #tpu.memory_space<vmem>>, vector<1x64xf32>
    %add3A_8 = vector.broadcast %get3A_7 : vector<1x64xf32> to vector<2048x64xf32>
    %add3A_9 = arith.addf %add3A, %add3A_8 : vector<2048x64xf32>
    %logistic3A = arith.negf %add3A_9 : vector<2048x64xf32>
    %logistic3A_10 = math.exp %logistic3A : vector<2048x64xf32>
    %logistic3A_11 = arith.constant 1.000000e+00 : f32
    %logistic3A_12 = vector.broadcast %logistic3A_11 : f32 to vector<2048x64xf32>
    %logistic3A_13 = arith.addf %logistic3A_12, %logistic3A_10 : vector<2048x64xf32>
    %logistic3A_14 = arith.divf %logistic3A_12, %logistic3A_13 : vector<2048x64xf32>
    %mul3A = arith.mulf %add3A_9, %logistic3A_14 : vector<2048x64xf32>
    %get3A_15 = arith.constant 0 : index
    %get3A_16 = arith.constant 0 : index
    %get3A_17 = vector.load %arg4[%get3A_15, %get3A_16] : memref<64x128xf32, #tpu.memory_space<vmem>>, vector<64x128xf32>
    %dot_general3A = arith.constant dense<0.000000e+00> : vector<2048x128xf32>
    %dot_general3A_18 = tpu.matmul %mul3A, %get3A_17, %dot_general3A {dimension_numbers = #tpu.dot_dimension_numbers<[1], [0], [0], [1], [0, 0, 1, 1], [], []>, transpose_lhs_hint = false} : vector<2048x64xf32>, vector<64x128xf32>, vector<2048x128xf32> -> vector<2048x128xf32>
    %get3A_19 = arith.constant 0 : index
    %get3A_20 = arith.constant 0 : index
    %get3A_21 = vector.load %arg5[%get3A_19, %get3A_20] : memref<1x128xf32, #tpu.memory_space<vmem>>, vector<1x128xf32>
    %add3A_22 = vector.broadcast %get3A_21 : vector<1x128xf32> to vector<2048x128xf32>
    %add3A_23 = arith.addf %dot_general3A_18, %add3A_22 : vector<2048x128xf32>
    %logistic3A_24 = arith.negf %add3A_23 : vector<2048x128xf32>
    %logistic3A_25 = math.exp %logistic3A_24 : vector<2048x128xf32>
    %logistic3A_26 = arith.constant 1.000000e+00 : f32
    %logistic3A_27 = vector.broadcast %logistic3A_26 : f32 to vector<2048x128xf32>
    %logistic3A_28 = arith.addf %logistic3A_27, %logistic3A_25 : vector<2048x128xf32>
    %logistic3A_29 = arith.divf %logistic3A_27, %logistic3A_28 : vector<2048x128xf32>
    %mul3A_30 = arith.mulf %add3A_23, %logistic3A_29 : vector<2048x128xf32>
    %get3A_31 = arith.constant 0 : index
    %get3A_32 = arith.constant 0 : index
    %get3A_33 = vector.load %arg6[%get3A_31, %get3A_32] : memref<1x128xf32, #tpu.memory_space<vmem>>, vector<1x128xf32>
    %mul3A_34 = vector.broadcast %get3A_33 : vector<1x128xf32> to vector<2048x128xf32>
    %mul3A_35 = arith.mulf %mul3A_30, %mul3A_34 : vector<2048x128xf32>
    %reduce_sum3A = arith.constant dense<0.000000e+00> : vector<2048xf32>
    %reduce_sum3A_36 = vector.multi_reduction <add>, %mul3A_35, %reduce_sum3A [1] : vector<2048x128xf32> to vector<2048xf32>
    %broadcast_in_dim3A = vector.shape_cast %reduce_sum3A_36 : vector<2048xf32> to vector<2048x1xf32>
    %get3A_37 = arith.constant 0 : index
    %get3A_38 = arith.constant 0 : index
    %get3A_39 = vector.load %arg7[%get3A_37, %get3A_38] : memref<1x1xf32, #tpu.memory_space<vmem>>, vector<1x1xf32>
    %add3A_40 = vector.broadcast %get3A_39 : vector<1x1xf32> to vector<2048x1xf32>
    %add3A_41 = arith.addf %broadcast_in_dim3A, %add3A_40 : vector<2048x1xf32>
    %logistic3A_42 = arith.negf %add3A_41 : vector<2048x1xf32>
    %logistic3A_43 = math.exp %logistic3A_42 : vector<2048x1xf32>
    %logistic3A_44 = arith.constant 1.000000e+00 : f32
    %logistic3A_45 = vector.broadcast %logistic3A_44 : f32 to vector<2048x1xf32>
    %logistic3A_46 = arith.addf %logistic3A_45, %logistic3A_43 : vector<2048x1xf32>
    %logistic3A_47 = arith.divf %logistic3A_45, %logistic3A_46 : vector<2048x1xf32>
    %mul3A_48 = vector.broadcast %logistic3A_47 : vector<2048x1xf32> to vector<2048x128xf32>
    %mul3A_49 = arith.mulf %mul3A_48, %mul3A_30 : vector<2048x128xf32>
    %swap3A = arith.constant 0 : index
    %swap3A_50 = arith.constant 0 : index
    %swap3A_51 = vector.load %arg8[%swap3A, %swap3A_50] : memref<2048x128xf32, #tpu.memory_space<vmem>>, vector<2048x128xf32>
    tpu.vector_store %arg8[%swap3A, %swap3A_50], %mul3A_49 {strides = array<i32>} : memref<2048x128xf32, #tpu.memory_space<vmem>>, vector<2048x128xf32>,
    return
  }
  func.func @transform_0(%arg0: i32) -> (i32, i32) {
    %c0_i32 = arith.constant 0 : i32
    %c0_i32_0 = arith.constant 0 : i32
    return %arg0, %c0_i32 : i32, i32
  }
  func.func @transform_1(%arg0: i32) -> (i32, i32) {
    %c0_i32 = arith.constant 0 : i32
    %c0_i32_0 = arith.constant 0 : i32
    return %arg0, %c0_i32 : i32, i32
  }
  func.func @transform_2(%arg0: i32) -> (i32, i32) {
    %c0_i32 = arith.constant 0 : i32
    %c0_i32_0 = arith.constant 0 : i32
    %c0_i32_1 = arith.constant 0 : i32
    return %c0_i32, %c0_i32_0 : i32, i32
  }
  func.func @transform_3(%arg0: i32) -> (i32, i32) {
    %c0_i32 = arith.constant 0 : i32
    %c0_i32_0 = arith.constant 0 : i32
    %c0_i32_1 = arith.constant 0 : i32
    return %c0_i32, %c0_i32_0 : i32, i32
  }
  func.func @transform_4(%arg0: i32) -> (i32, i32) {
    %c0_i32 = arith.constant 0 : i32
    %c0_i32_0 = arith.constant 0 : i32
    %c0_i32_1 = arith.constant 0 : i32
    return %c0_i32, %c0_i32_0 : i32, i32
  }
  func.func @transform_5(%arg0: i32) -> (i32, i32) {
    %c0_i32 = arith.constant 0 : i32
    %c0_i32_0 = arith.constant 0 : i32
    %c0_i32_1 = arith.constant 0 : i32
    return %c0_i32, %c0_i32_0 : i32, i32
  }
  func.func @transform_6(%arg0: i32) -> (i32, i32) {
    %c0_i32 = arith.constant 0 : i32
    %c0_i32_0 = arith.constant 0 : i32
    %c0_i32_1 = arith.constant 0 : i32
    return %c0_i32, %c0_i32_0 : i32, i32
  }
  func.func @transform_7(%arg0: i32) -> (i32, i32) {
    %c0_i32 = arith.constant 0 : i32
    %c0_i32_0 = arith.constant 0 : i32
    return %arg0, %c0_i32 : i32, i32
  }
}

module attributes {stable_mosaic.version = 14 : i64} {
  func.func @_update_mid_body(%arg0: i32, %arg1: memref<1000x128xf32, #tpu.memory_space<vmem>>, %arg2: memref<1000x128xf32, #tpu.memory_space<vmem>>, %arg3: memref<1000x128xf32, #tpu.memory_space<vmem>>, %arg4: memref<1000x128xf32, #tpu.memory_space<vmem>>, %arg5: memref<1000x128xf32, #tpu.memory_space<vmem>>, %arg6: memref<128x128xf32, #tpu.memory_space<vmem>>, %arg7: memref<128x128xf32, #tpu.memory_space<vmem>>, %arg8: memref<1x128xf32, #tpu.memory_space<vmem>>, %arg9: memref<128x128xf32, #tpu.memory_space<vmem>>, %arg10: memref<1x128xf32, #tpu.memory_space<vmem>>, %arg11: memref<128x128xf32, #tpu.memory_space<vmem>>, %arg12: memref<1000x128xf32, #tpu.memory_space<vmem>>, %arg13: memref<1000x128xf32, #tpu.memory_space<vmem>>) attributes {dimension_semantics = [#tpu.dimension_semantics<arbitrary>], iteration_bounds = array<i64: 10>, scalar_prefetch = 0 : i64, scratch_operands = 0 : i64, tpu.core_type = #tpu.core_type<tc>, window_params = [{transform_indices = @transform_0, window_bounds = array<i64: 1000, 128>}, {transform_indices = @transform_1, window_bounds = array<i64: 1000, 128>}, {transform_indices = @transform_2, window_bounds = array<i64: 1000, 128>}, {transform_indices = @transform_3, window_bounds = array<i64: 1000, 128>}, {transform_indices = @transform_4, window_bounds = array<i64: 1000, 128>}, {pipeline_mode = #tpu.pipeline_mode<synchronous>, transform_indices = @transform_5, window_bounds = array<i64: 128, 128>}, {pipeline_mode = #tpu.pipeline_mode<synchronous>, transform_indices = @transform_6, window_bounds = array<i64: 128, 128>}, {pipeline_mode = #tpu.pipeline_mode<synchronous>, transform_indices = @transform_7, window_bounds = array<i64: 1, 128>}, {pipeline_mode = #tpu.pipeline_mode<synchronous>, transform_indices = @transform_8, window_bounds = array<i64: 128, 128>}, {pipeline_mode = #tpu.pipeline_mode<synchronous>, transform_indices = @transform_9, window_bounds = array<i64: 1, 128>}, {pipeline_mode = #tpu.pipeline_mode<synchronous>, transform_indices = @transform_10, window_bounds = array<i64: 128, 128>}, {transform_indices = @transform_11, window_bounds = array<i64: 1000, 128>}, {transform_indices = @transform_12, window_bounds = array<i64: 1000, 128>}]} {
    %get3A = arith.constant 0 : index
    %get3A_0 = arith.constant 0 : index
    %get3A_1 = vector.load %arg1[%get3A, %get3A_0] : memref<1000x128xf32, #tpu.memory_space<vmem>>, vector<1000x128xf32>
    %get3A_2 = arith.constant 0 : index
    %get3A_3 = arith.constant 0 : index
    %get3A_4 = vector.load %arg2[%get3A_2, %get3A_3] : memref<1000x128xf32, #tpu.memory_space<vmem>>, vector<1000x128xf32>
    %add3A = arith.addf %get3A_1, %get3A_4 : vector<1000x128xf32>
    %get3A_5 = arith.constant 0 : index
    %get3A_6 = arith.constant 0 : index
    %get3A_7 = vector.load %arg3[%get3A_5, %get3A_6] : memref<1000x128xf32, #tpu.memory_space<vmem>>, vector<1000x128xf32>
    %add3A_8 = arith.addf %add3A, %get3A_7 : vector<1000x128xf32>
    %get3A_9 = arith.constant 0 : index
    %get3A_10 = arith.constant 0 : index
    %get3A_11 = vector.load %arg4[%get3A_9, %get3A_10] : memref<1000x128xf32, #tpu.memory_space<vmem>>, vector<1000x128xf32>
    %add3A_12 = arith.addf %add3A_8, %get3A_11 : vector<1000x128xf32>
    %get3A_13 = arith.constant 0 : index
    %get3A_14 = arith.constant 0 : index
    %get3A_15 = vector.load %arg5[%get3A_13, %get3A_14] : memref<1000x128xf32, #tpu.memory_space<vmem>>, vector<1000x128xf32>
    %get3A_16 = arith.constant 0 : index
    %get3A_17 = arith.constant 0 : index
    %get3A_18 = vector.load %arg6[%get3A_16, %get3A_17] : memref<128x128xf32, #tpu.memory_space<vmem>>, vector<128x128xf32>
    %dot_general3A = arith.constant dense<0.000000e+00> : vector<1000x128xf32>
    %dot_general3A_19 = tpu.matmul %add3A_12, %get3A_18, %dot_general3A {dimension_numbers = #tpu.dot_dimension_numbers<[1], [0], [0], [1], [0, 0, 1, 1], [], []>, precision = #tpu.contract_precision<fp32>, transpose_lhs_hint = false} : vector<1000x128xf32>, vector<128x128xf32>, vector<1000x128xf32> -> vector<1000x128xf32>
    %get3A_20 = arith.constant 0 : index
    %get3A_21 = arith.constant 0 : index
    %get3A_22 = vector.load %arg7[%get3A_20, %get3A_21] : memref<128x128xf32, #tpu.memory_space<vmem>>, vector<128x128xf32>
    %dot_general3A_23 = arith.constant dense<0.000000e+00> : vector<1000x128xf32>
    %dot_general3A_24 = tpu.matmul %get3A_15, %get3A_22, %dot_general3A_23 {dimension_numbers = #tpu.dot_dimension_numbers<[1], [0], [0], [1], [0, 0, 1, 1], [], []>, precision = #tpu.contract_precision<fp32>, transpose_lhs_hint = false} : vector<1000x128xf32>, vector<128x128xf32>, vector<1000x128xf32> -> vector<1000x128xf32>
    %add3A_25 = arith.addf %dot_general3A_19, %dot_general3A_24 : vector<1000x128xf32>
    %get3A_26 = arith.constant 0 : index
    %get3A_27 = arith.constant 0 : index
    %get3A_28 = vector.load %arg8[%get3A_26, %get3A_27] : memref<1x128xf32, #tpu.memory_space<vmem>>, vector<1x128xf32>
    %add3A_29 = vector.broadcast %get3A_28 : vector<1x128xf32> to vector<1000x128xf32>
    %add3A_30 = arith.addf %add3A_25, %add3A_29 : vector<1000x128xf32>
    %logistic3A = arith.negf %add3A_30 : vector<1000x128xf32>
    %logistic3A_31 = math.exp %logistic3A : vector<1000x128xf32>
    %logistic3A_32 = arith.constant 1.000000e+00 : f32
    %logistic3A_33 = vector.broadcast %logistic3A_32 : f32 to vector<1000x128xf32>
    %logistic3A_34 = arith.addf %logistic3A_33, %logistic3A_31 : vector<1000x128xf32>
    %logistic3A_35 = arith.divf %logistic3A_33, %logistic3A_34 : vector<1000x128xf32>
    %mul3A = arith.mulf %add3A_30, %logistic3A_35 : vector<1000x128xf32>
    %get3A_36 = arith.constant 0 : index
    %get3A_37 = arith.constant 0 : index
    %get3A_38 = vector.load %arg9[%get3A_36, %get3A_37] : memref<128x128xf32, #tpu.memory_space<vmem>>, vector<128x128xf32>
    %dot_general3A_39 = arith.constant dense<0.000000e+00> : vector<1000x128xf32>
    %dot_general3A_40 = tpu.matmul %mul3A, %get3A_38, %dot_general3A_39 {dimension_numbers = #tpu.dot_dimension_numbers<[1], [0], [0], [1], [0, 0, 1, 1], [], []>, precision = #tpu.contract_precision<fp32>, transpose_lhs_hint = false} : vector<1000x128xf32>, vector<128x128xf32>, vector<1000x128xf32> -> vector<1000x128xf32>
    %get3A_41 = arith.constant 0 : index
    %get3A_42 = arith.constant 0 : index
    %get3A_43 = vector.load %arg10[%get3A_41, %get3A_42] : memref<1x128xf32, #tpu.memory_space<vmem>>, vector<1x128xf32>
    %add3A_44 = vector.broadcast %get3A_43 : vector<1x128xf32> to vector<1000x128xf32>
    %add3A_45 = arith.addf %dot_general3A_40, %add3A_44 : vector<1000x128xf32>
    %add3A_46 = arith.addf %add3A_45, %get3A_15 : vector<1000x128xf32>
    %swap3A = arith.constant 0 : index
    %swap3A_47 = arith.constant 0 : index
    %swap3A_48 = vector.load %arg12[%swap3A, %swap3A_47] : memref<1000x128xf32, #tpu.memory_space<vmem>>, vector<1000x128xf32>
    tpu.vector_store %arg12[%swap3A, %swap3A_47], %add3A_46 {strides = array<i32>} : memref<1000x128xf32, #tpu.memory_space<vmem>>, vector<1000x128xf32>,
    %get3A_49 = arith.constant 0 : index
    %get3A_50 = arith.constant 0 : index
    %get3A_51 = vector.load %arg11[%get3A_49, %get3A_50] : memref<128x128xf32, #tpu.memory_space<vmem>>, vector<128x128xf32>
    %dot_general3A_52 = arith.constant dense<0.000000e+00> : vector<1000x128xf32>
    %dot_general3A_53 = tpu.matmul %add3A_46, %get3A_51, %dot_general3A_52 {dimension_numbers = #tpu.dot_dimension_numbers<[1], [0], [0], [1], [0, 0, 1, 1], [], []>, precision = #tpu.contract_precision<fp32>, transpose_lhs_hint = false} : vector<1000x128xf32>, vector<128x128xf32>, vector<1000x128xf32> -> vector<1000x128xf32>
    %swap3A_54 = arith.constant 0 : index
    %swap3A_55 = arith.constant 0 : index
    %swap3A_56 = vector.load %arg13[%swap3A_54, %swap3A_55] : memref<1000x128xf32, #tpu.memory_space<vmem>>, vector<1000x128xf32>
    tpu.vector_store %arg13[%swap3A_54, %swap3A_55], %dot_general3A_53 {strides = array<i32>} : memref<1000x128xf32, #tpu.memory_space<vmem>>, vector<1000x128xf32>,
    return
  }
  func.func @transform_0(%arg0: i32) -> (i32, i32) {
    %c0_i32 = arith.constant 0 : i32
    %c0_i32_0 = arith.constant 0 : i32
    return %arg0, %c0_i32 : i32, i32
  }
  func.func @transform_1(%arg0: i32) -> (i32, i32) {
    %add3A = arith.constant 10 : i32
    %add3A_0 = arith.addi %arg0, %add3A : i32
    %c0_i32 = arith.constant 0 : i32
    %c0_i32_1 = arith.constant 0 : i32
    return %add3A_0, %c0_i32 : i32, i32
  }
  func.func @transform_2(%arg0: i32) -> (i32, i32) {
    %c0_i32 = arith.constant 0 : i32
    %c0_i32_0 = arith.constant 0 : i32
    return %arg0, %c0_i32 : i32, i32
  }
  func.func @transform_3(%arg0: i32) -> (i32, i32) {
    %add3A = arith.constant 10 : i32
    %add3A_0 = arith.addi %arg0, %add3A : i32
    %c0_i32 = arith.constant 0 : i32
    %c0_i32_1 = arith.constant 0 : i32
    return %add3A_0, %c0_i32 : i32, i32
  }
  func.func @transform_4(%arg0: i32) -> (i32, i32) {
    %c0_i32 = arith.constant 0 : i32
    %c0_i32_0 = arith.constant 0 : i32
    return %arg0, %c0_i32 : i32, i32
  }
  func.func @transform_5(%arg0: i32) -> (i32, i32) {
    %c0_i32 = arith.constant 0 : i32
    %c0_i32_0 = arith.constant 0 : i32
    %c0_i32_1 = arith.constant 0 : i32
    return %c0_i32, %c0_i32_0 : i32, i32
  }
  func.func @transform_6(%arg0: i32) -> (i32, i32) {
    %c0_i32 = arith.constant 0 : i32
    %c0_i32_0 = arith.constant 0 : i32
    %c0_i32_1 = arith.constant 0 : i32
    return %c0_i32, %c0_i32_0 : i32, i32
  }
  func.func @transform_7(%arg0: i32) -> (i32, i32) {
    %c0_i32 = arith.constant 0 : i32
    %c0_i32_0 = arith.constant 0 : i32
    %c0_i32_1 = arith.constant 0 : i32
    return %c0_i32, %c0_i32_0 : i32, i32
  }
  func.func @transform_8(%arg0: i32) -> (i32, i32) {
    %c0_i32 = arith.constant 0 : i32
    %c0_i32_0 = arith.constant 0 : i32
    %c0_i32_1 = arith.constant 0 : i32
    return %c0_i32, %c0_i32_0 : i32, i32
  }
  func.func @transform_9(%arg0: i32) -> (i32, i32) {
    %c0_i32 = arith.constant 0 : i32
    %c0_i32_0 = arith.constant 0 : i32
    %c0_i32_1 = arith.constant 0 : i32
    return %c0_i32, %c0_i32_0 : i32, i32
  }
  func.func @transform_10(%arg0: i32) -> (i32, i32) {
    %c0_i32 = arith.constant 0 : i32
    %c0_i32_0 = arith.constant 0 : i32
    %c0_i32_1 = arith.constant 0 : i32
    return %c0_i32, %c0_i32_0 : i32, i32
  }
  func.func @transform_11(%arg0: i32) -> (i32, i32) {
    %c0_i32 = arith.constant 0 : i32
    %c0_i32_0 = arith.constant 0 : i32
    return %arg0, %c0_i32 : i32, i32
  }
  func.func @transform_12(%arg0: i32) -> (i32, i32) {
    %c0_i32 = arith.constant 0 : i32
    %c0_i32_0 = arith.constant 0 : i32
    return %arg0, %c0_i32 : i32, i32
  }
}

module attributes {stable_mosaic.version = 14 : i64} {
  func.func @_update_final_body(%arg0: i32, %arg1: memref<1000x128xf32, #tpu.memory_space<vmem>>, %arg2: memref<1000x128xf32, #tpu.memory_space<vmem>>, %arg3: memref<1000x128xf32, #tpu.memory_space<vmem>>, %arg4: memref<1000x128xf32, #tpu.memory_space<vmem>>, %arg5: memref<1000x128xf32, #tpu.memory_space<vmem>>, %arg6: memref<128x128xf32, #tpu.memory_space<vmem>>, %arg7: memref<128x128xf32, #tpu.memory_space<vmem>>, %arg8: memref<1x128xf32, #tpu.memory_space<vmem>>, %arg9: memref<128x128xf32, #tpu.memory_space<vmem>>, %arg10: memref<1x128xf32, #tpu.memory_space<vmem>>, %arg11: memref<1x128xf32, #tpu.memory_space<vmem>>, %arg12: memref<1x128xf32, #tpu.memory_space<vmem>>, %arg13: memref<1x128xf32, #tpu.memory_space<vmem>>, %arg14: memref<1x1xf32, #tpu.memory_space<vmem>>, %arg15: memref<1000x1xf32, #tpu.memory_space<vmem>>) attributes {dimension_semantics = [#tpu.dimension_semantics<arbitrary>], iteration_bounds = array<i64: 10>, scalar_prefetch = 0 : i64, scratch_operands = 0 : i64, tpu.core_type = #tpu.core_type<tc>, window_params = [{transform_indices = @transform_0, window_bounds = array<i64: 1000, 128>}, {transform_indices = @transform_1, window_bounds = array<i64: 1000, 128>}, {transform_indices = @transform_2, window_bounds = array<i64: 1000, 128>}, {transform_indices = @transform_3, window_bounds = array<i64: 1000, 128>}, {transform_indices = @transform_4, window_bounds = array<i64: 1000, 128>}, {pipeline_mode = #tpu.pipeline_mode<synchronous>, transform_indices = @transform_5, window_bounds = array<i64: 128, 128>}, {pipeline_mode = #tpu.pipeline_mode<synchronous>, transform_indices = @transform_6, window_bounds = array<i64: 128, 128>}, {pipeline_mode = #tpu.pipeline_mode<synchronous>, transform_indices = @transform_7, window_bounds = array<i64: 1, 128>}, {pipeline_mode = #tpu.pipeline_mode<synchronous>, transform_indices = @transform_8, window_bounds = array<i64: 128, 128>}, {pipeline_mode = #tpu.pipeline_mode<synchronous>, transform_indices = @transform_9, window_bounds = array<i64: 1, 128>}, {pipeline_mode = #tpu.pipeline_mode<synchronous>, transform_indices = @transform_10, window_bounds = array<i64: 1, 128>}, {pipeline_mode = #tpu.pipeline_mode<synchronous>, transform_indices = @transform_11, window_bounds = array<i64: 1, 128>}, {pipeline_mode = #tpu.pipeline_mode<synchronous>, transform_indices = @transform_12, window_bounds = array<i64: 1, 128>}, {pipeline_mode = #tpu.pipeline_mode<synchronous>, transform_indices = @transform_13, window_bounds = array<i64: 1, 1>}, {transform_indices = @transform_14, window_bounds = array<i64: 1000, 1>}]} {
    %get3A = arith.constant 0 : index
    %get3A_0 = arith.constant 0 : index
    %get3A_1 = vector.load %arg1[%get3A, %get3A_0] : memref<1000x128xf32, #tpu.memory_space<vmem>>, vector<1000x128xf32>
    %get3A_2 = arith.constant 0 : index
    %get3A_3 = arith.constant 0 : index
    %get3A_4 = vector.load %arg2[%get3A_2, %get3A_3] : memref<1000x128xf32, #tpu.memory_space<vmem>>, vector<1000x128xf32>
    %add3A = arith.addf %get3A_1, %get3A_4 : vector<1000x128xf32>
    %get3A_5 = arith.constant 0 : index
    %get3A_6 = arith.constant 0 : index
    %get3A_7 = vector.load %arg3[%get3A_5, %get3A_6] : memref<1000x128xf32, #tpu.memory_space<vmem>>, vector<1000x128xf32>
    %add3A_8 = arith.addf %add3A, %get3A_7 : vector<1000x128xf32>
    %get3A_9 = arith.constant 0 : index
    %get3A_10 = arith.constant 0 : index
    %get3A_11 = vector.load %arg4[%get3A_9, %get3A_10] : memref<1000x128xf32, #tpu.memory_space<vmem>>, vector<1000x128xf32>
    %add3A_12 = arith.addf %add3A_8, %get3A_11 : vector<1000x128xf32>
    %get3A_13 = arith.constant 0 : index
    %get3A_14 = arith.constant 0 : index
    %get3A_15 = vector.load %arg5[%get3A_13, %get3A_14] : memref<1000x128xf32, #tpu.memory_space<vmem>>, vector<1000x128xf32>
    %get3A_16 = arith.constant 0 : index
    %get3A_17 = arith.constant 0 : index
    %get3A_18 = vector.load %arg6[%get3A_16, %get3A_17] : memref<128x128xf32, #tpu.memory_space<vmem>>, vector<128x128xf32>
    %dot_general3A = arith.constant dense<0.000000e+00> : vector<1000x128xf32>
    %dot_general3A_19 = tpu.matmul %add3A_12, %get3A_18, %dot_general3A {dimension_numbers = #tpu.dot_dimension_numbers<[1], [0], [0], [1], [0, 0, 1, 1], [], []>, precision = #tpu.contract_precision<fp32>, transpose_lhs_hint = false} : vector<1000x128xf32>, vector<128x128xf32>, vector<1000x128xf32> -> vector<1000x128xf32>
    %get3A_20 = arith.constant 0 : index
    %get3A_21 = arith.constant 0 : index
    %get3A_22 = vector.load %arg7[%get3A_20, %get3A_21] : memref<128x128xf32, #tpu.memory_space<vmem>>, vector<128x128xf32>
    %dot_general3A_23 = arith.constant dense<0.000000e+00> : vector<1000x128xf32>
    %dot_general3A_24 = tpu.matmul %get3A_15, %get3A_22, %dot_general3A_23 {dimension_numbers = #tpu.dot_dimension_numbers<[1], [0], [0], [1], [0, 0, 1, 1], [], []>, precision = #tpu.contract_precision<fp32>, transpose_lhs_hint = false} : vector<1000x128xf32>, vector<128x128xf32>, vector<1000x128xf32> -> vector<1000x128xf32>
    %add3A_25 = arith.addf %dot_general3A_19, %dot_general3A_24 : vector<1000x128xf32>
    %get3A_26 = arith.constant 0 : index
    %get3A_27 = arith.constant 0 : index
    %get3A_28 = vector.load %arg8[%get3A_26, %get3A_27] : memref<1x128xf32, #tpu.memory_space<vmem>>, vector<1x128xf32>
    %add3A_29 = vector.broadcast %get3A_28 : vector<1x128xf32> to vector<1000x128xf32>
    %add3A_30 = arith.addf %add3A_25, %add3A_29 : vector<1000x128xf32>
    %logistic3A = arith.negf %add3A_30 : vector<1000x128xf32>
    %logistic3A_31 = math.exp %logistic3A : vector<1000x128xf32>
    %logistic3A_32 = arith.constant 1.000000e+00 : f32
    %logistic3A_33 = vector.broadcast %logistic3A_32 : f32 to vector<1000x128xf32>
    %logistic3A_34 = arith.addf %logistic3A_33, %logistic3A_31 : vector<1000x128xf32>
    %logistic3A_35 = arith.divf %logistic3A_33, %logistic3A_34 : vector<1000x128xf32>
    %mul3A = arith.mulf %add3A_30, %logistic3A_35 : vector<1000x128xf32>
    %get3A_36 = arith.constant 0 : index
    %get3A_37 = arith.constant 0 : index
    %get3A_38 = vector.load %arg9[%get3A_36, %get3A_37] : memref<128x128xf32, #tpu.memory_space<vmem>>, vector<128x128xf32>
    %dot_general3A_39 = arith.constant dense<0.000000e+00> : vector<1000x128xf32>
    %dot_general3A_40 = tpu.matmul %mul3A, %get3A_38, %dot_general3A_39 {dimension_numbers = #tpu.dot_dimension_numbers<[1], [0], [0], [1], [0, 0, 1, 1], [], []>, precision = #tpu.contract_precision<fp32>, transpose_lhs_hint = false} : vector<1000x128xf32>, vector<128x128xf32>, vector<1000x128xf32> -> vector<1000x128xf32>
    %get3A_41 = arith.constant 0 : index
    %get3A_42 = arith.constant 0 : index
    %get3A_43 = vector.load %arg10[%get3A_41, %get3A_42] : memref<1x128xf32, #tpu.memory_space<vmem>>, vector<1x128xf32>
    %add3A_44 = vector.broadcast %get3A_43 : vector<1x128xf32> to vector<1000x128xf32>
    %add3A_45 = arith.addf %dot_general3A_40, %add3A_44 : vector<1000x128xf32>
    %add3A_46 = arith.addf %add3A_45, %get3A_15 : vector<1000x128xf32>
    %reduce_sum3A = arith.constant dense<0.000000e+00> : vector<1000xf32>
    %reduce_sum3A_47 = vector.multi_reduction <add>, %add3A_46, %reduce_sum3A [1] : vector<1000x128xf32> to vector<1000xf32>
    %broadcast_in_dim3A = vector.shape_cast %reduce_sum3A_47 : vector<1000xf32> to vector<1000x1xf32>
    %div3A = arith.constant 1.280000e+02 : f32
    %div3A_48 = vector.broadcast %div3A : f32 to vector<1000x1xf32>
    %div3A_49 = arith.divf %broadcast_in_dim3A, %div3A_48 : vector<1000x1xf32>
    %sub3A = vector.broadcast %div3A_49 : vector<1000x1xf32> to vector<1000x128xf32>
    %sub3A_50 = arith.subf %add3A_46, %sub3A : vector<1000x128xf32>
    %integer_pow3A = arith.mulf %sub3A_50, %sub3A_50 : vector<1000x128xf32>
    %reduce_sum3A_51 = arith.constant dense<0.000000e+00> : vector<1000xf32>
    %reduce_sum3A_52 = vector.multi_reduction <add>, %integer_pow3A, %reduce_sum3A_51 [1] : vector<1000x128xf32> to vector<1000xf32>
    %broadcast_in_dim3A_53 = vector.shape_cast %reduce_sum3A_52 : vector<1000xf32> to vector<1000x1xf32>
    %div3A_54 = arith.constant 1.280000e+02 : f32
    %div3A_55 = vector.broadcast %div3A_54 : f32 to vector<1000x1xf32>
    %div3A_56 = arith.divf %broadcast_in_dim3A_53, %div3A_55 : vector<1000x1xf32>
    %sub3A_57 = vector.broadcast %div3A_49 : vector<1000x1xf32> to vector<1000x128xf32>
    %sub3A_58 = arith.subf %add3A_46, %sub3A_57 : vector<1000x128xf32>
    %add3A_59 = arith.constant 9.99999974E-6 : f32
    %add3A_60 = vector.broadcast %add3A_59 : f32 to vector<1000x1xf32>
    %add3A_61 = arith.addf %div3A_56, %add3A_60 : vector<1000x1xf32>
    %sqrt3A = math.sqrt %add3A_61 : vector<1000x1xf32>
    %div3A_62 = vector.broadcast %sqrt3A : vector<1000x1xf32> to vector<1000x128xf32>
    %div3A_63 = arith.divf %sub3A_58, %div3A_62 : vector<1000x128xf32>
    %get3A_64 = arith.constant 0 : index
    %get3A_65 = arith.constant 0 : index
    %get3A_66 = vector.load %arg11[%get3A_64, %get3A_65] : memref<1x128xf32, #tpu.memory_space<vmem>>, vector<1x128xf32>
    %mul3A_67 = vector.broadcast %get3A_66 : vector<1x128xf32> to vector<1000x128xf32>
    %mul3A_68 = arith.mulf %div3A_63, %mul3A_67 : vector<1000x128xf32>
    %get3A_69 = arith.constant 0 : index
    %get3A_70 = arith.constant 0 : index
    %get3A_71 = vector.load %arg12[%get3A_69, %get3A_70] : memref<1x128xf32, #tpu.memory_space<vmem>>, vector<1x128xf32>
    %add3A_72 = vector.broadcast %get3A_71 : vector<1x128xf32> to vector<1000x128xf32>
    %add3A_73 = arith.addf %mul3A_68, %add3A_72 : vector<1000x128xf32>
    %get3A_74 = arith.constant 0 : index
    %get3A_75 = arith.constant 0 : index
    %get3A_76 = vector.load %arg13[%get3A_74, %get3A_75] : memref<1x128xf32, #tpu.memory_space<vmem>>, vector<1x128xf32>
    %mul3A_77 = vector.broadcast %get3A_76 : vector<1x128xf32> to vector<1000x128xf32>
    %mul3A_78 = arith.mulf %add3A_73, %mul3A_77 : vector<1000x128xf32>
    %reduce_sum3A_79 = arith.constant dense<0.000000e+00> : vector<1000xf32>
    %reduce_sum3A_80 = vector.multi_reduction <add>, %mul3A_78, %reduce_sum3A_79 [1] : vector<1000x128xf32> to vector<1000xf32>
    %broadcast_in_dim3A_81 = vector.shape_cast %reduce_sum3A_80 : vector<1000xf32> to vector<1000x1xf32>
    %get3A_82 = arith.constant 0 : index
    %get3A_83 = arith.constant 0 : index
    %get3A_84 = vector.load %arg14[%get3A_82, %get3A_83] : memref<1x1xf32, #tpu.memory_space<vmem>>, vector<1x1xf32>
    %add3A_85 = vector.broadcast %get3A_84 : vector<1x1xf32> to vector<1000x1xf32>
    %add3A_86 = arith.addf %broadcast_in_dim3A_81, %add3A_85 : vector<1000x1xf32>
    %swap3A = arith.constant 0 : index
    %swap3A_87 = arith.constant 0 : index
    %swap3A_88 = vector.load %arg15[%swap3A, %swap3A_87] : memref<1000x1xf32, #tpu.memory_space<vmem>>, vector<1000x1xf32>
    tpu.vector_store %arg15[%swap3A, %swap3A_87], %add3A_86 {strides = array<i32>} : memref<1000x1xf32, #tpu.memory_space<vmem>>, vector<1000x1xf32>,
    return
  }
  func.func @transform_0(%arg0: i32) -> (i32, i32) {
    %c0_i32 = arith.constant 0 : i32
    %c0_i32_0 = arith.constant 0 : i32
    return %arg0, %c0_i32 : i32, i32
  }
  func.func @transform_1(%arg0: i32) -> (i32, i32) {
    %add3A = arith.constant 10 : i32
    %add3A_0 = arith.addi %arg0, %add3A : i32
    %c0_i32 = arith.constant 0 : i32
    %c0_i32_1 = arith.constant 0 : i32
    return %add3A_0, %c0_i32 : i32, i32
  }
  func.func @transform_2(%arg0: i32) -> (i32, i32) {
    %c0_i32 = arith.constant 0 : i32
    %c0_i32_0 = arith.constant 0 : i32
    return %arg0, %c0_i32 : i32, i32
  }
  func.func @transform_3(%arg0: i32) -> (i32, i32) {
    %add3A = arith.constant 10 : i32
    %add3A_0 = arith.addi %arg0, %add3A : i32
    %c0_i32 = arith.constant 0 : i32
    %c0_i32_1 = arith.constant 0 : i32
    return %add3A_0, %c0_i32 : i32, i32
  }
  func.func @transform_4(%arg0: i32) -> (i32, i32) {
    %c0_i32 = arith.constant 0 : i32
    %c0_i32_0 = arith.constant 0 : i32
    return %arg0, %c0_i32 : i32, i32
  }
  func.func @transform_5(%arg0: i32) -> (i32, i32) {
    %c0_i32 = arith.constant 0 : i32
    %c0_i32_0 = arith.constant 0 : i32
    %c0_i32_1 = arith.constant 0 : i32
    return %c0_i32, %c0_i32_0 : i32, i32
  }
  func.func @transform_6(%arg0: i32) -> (i32, i32) {
    %c0_i32 = arith.constant 0 : i32
    %c0_i32_0 = arith.constant 0 : i32
    %c0_i32_1 = arith.constant 0 : i32
    return %c0_i32, %c0_i32_0 : i32, i32
  }
  func.func @transform_7(%arg0: i32) -> (i32, i32) {
    %c0_i32 = arith.constant 0 : i32
    %c0_i32_0 = arith.constant 0 : i32
    %c0_i32_1 = arith.constant 0 : i32
    return %c0_i32, %c0_i32_0 : i32, i32
  }
  func.func @transform_8(%arg0: i32) -> (i32, i32) {
    %c0_i32 = arith.constant 0 : i32
    %c0_i32_0 = arith.constant 0 : i32
    %c0_i32_1 = arith.constant 0 : i32
    return %c0_i32, %c0_i32_0 : i32, i32
  }
  func.func @transform_9(%arg0: i32) -> (i32, i32) {
    %c0_i32 = arith.constant 0 : i32
    %c0_i32_0 = arith.constant 0 : i32
    %c0_i32_1 = arith.constant 0 : i32
    return %c0_i32, %c0_i32_0 : i32, i32
  }
  func.func @transform_10(%arg0: i32) -> (i32, i32) {
    %c0_i32 = arith.constant 0 : i32
    %c0_i32_0 = arith.constant 0 : i32
    %c0_i32_1 = arith.constant 0 : i32
    return %c0_i32, %c0_i32_0 : i32, i32
  }
  func.func @transform_11(%arg0: i32) -> (i32, i32) {
    %c0_i32 = arith.constant 0 : i32
    %c0_i32_0 = arith.constant 0 : i32
    %c0_i32_1 = arith.constant 0 : i32
    return %c0_i32, %c0_i32_0 : i32, i32
  }
  func.func @transform_12(%arg0: i32) -> (i32, i32) {
    %c0_i32 = arith.constant 0 : i32
    %c0_i32_0 = arith.constant 0 : i32
    %c0_i32_1 = arith.constant 0 : i32
    return %c0_i32, %c0_i32_0 : i32, i32
  }
  func.func @transform_13(%arg0: i32) -> (i32, i32) {
    %c0_i32 = arith.constant 0 : i32
    %c0_i32_0 = arith.constant 0 : i32
    %c0_i32_1 = arith.constant 0 : i32
    return %c0_i32, %c0_i32_0 : i32, i32
  }
  func.func @transform_14(%arg0: i32) -> (i32, i32) {
    %c0_i32 = arith.constant 0 : i32
    %c0_i32_0 = arith.constant 0 : i32
    return %arg0, %c0_i32 : i32, i32
  }
}

</mosaic_0001>

<sc_bundles>
// kernel: kernel.18.cloned.1.call-start
scs
__scs_entry_jumppad:
0x0: {  	(pc) =	sbr.rel $0x88, $3  }
0x1: {  	(tag) =	ssettag $0x0;
	lr =	simm.s32 $0x1  }
0x2: {  	[smem:$0x3F7D] =	sst lr;
	_ =	strace $0xD0000000  }
0x3: {  	_ = 	snop  }
0x4: {  	_ = 	snop  }
0x5: {  	_ = 	snop  }
0x6: {  	_ = 	snop  }
0x7: {  	_ = 	snop  }
__scs_overlays_trampoline_lowered:
0x8: {  	[smem:$0x3F8C] =	sst s0  }
0x9: {  	[smem:$0x3F8D] =	sst s1  }
0xa: {  	[smem:$0x3F8E] =	sst s2  }
0xb: {  	[smem:$0x3F8F] =	sst s3  }
0xc: {  	[smem:$0x3F90] =	sst s4  }
0xd: {  	[smem:$0x3F91] =	sst s5  }
0xe: {  	[smem:$0x3F92] =	sst s6  }
0xf: {  	[smem:$0x3F93] =	sst s7  }
0x10: {  	[smem:$0x3F94] =	sst s8  }
0x11: {  	[smem:$0x3F95] =	sst s9;
	s0 =	simm.s32 @!p0 $0x0  }
0x12: {  	s1 =	sld [smem:$0x3F7B];
	s0 =	simm.s32 @p0 $0x1  }
0x13: {  	[smem:$0x3F96] =	sst s0;
	s0 =	simm.s32 @!p1 $0x0  }
0x14: {  	s2 =	sld [smem:$0x3F7A];
	s0 =	simm.s32 @p1 $0x1  }
0x15: {  	[smem:$0x3F97] =	sst s0;
	s0 =	simm.s32 @!p2 $0x0  }
0x16: {  	s3 =	sld [smem:$0x3FDB];
	s0 =	simm.s32 @p2 $0x1  }
0x17: {  	s4 =	simm.s32 $0x1BF5;
	[smem:$0x3F99] =	sst s0  }
0x18: {  	s0 =	sld [smem:$0x3F7C];
	_ =	swait.ge [sflag:s4], $0x0  }
0x19: {  	s7 =	sld [smem:$0x3F7D]  }
0x1a: {  	s8 =	sadd.s32 $0xFFFFE003, lr  }
0x1b: {  	s9 =	sadd.s32 $0xFFFFFEF7, lr;
	s5 =	simm.s32 $0xFFFFFFFF;
	p2 =	slt.u32 s8, $0xFFFFF086  }
0x1c: {  	p1 =	slt.u32 s9, $0xF7A;
	s5 =	simm.s32 @!p2 $0x0  }
0x1d: {  	s5 =	simm.s32 @p1 $0x1;
	p0 =	seq.s32 s7, s2  }
0x1e: {  	s7 =	smul.u32 @!p0 $0xF7A, s2;
	p2 =	seq.s32 @!p0 s5, $0x0  }
0x1f: {  	s9 =	smul.u32 $0xF7A, s1;
	s8 =	simm.s32 @!p0 $0x1BF5;
	p2 =	por !p2, p0  }
0x20: {  	[sflag:s8] =	ssyncset.s32 @!p0 $0xFFFFF086;
	s6 =	sadd.s32 @!p0 s3, s7;
	s7 =	simm.s32 @!p0 $0x108  }
0x21: {  	s3 =	sadd.s32 s3, s9;
	s6 =	sadd.s32 @!p0 $0x88, s6;
	s7 =	simm.s32 @p2 $0x1082  }
0x22: {  	[simem:s7], [sflag:s8] =	dma.local @!p0 [hbm:s6], $0xF7A  }
0x23: {  	s9 =	sor.u32 $0xD0000000, s2;
	s6 =	simm.s32 $0x108;
	_ =	swait.ge @!p0 [sflag:s8], $0x0  }
0x24: {  	s3 =	sadd.s32 $0x88, s3;
	s6 =	simm.s32 @!p1 $0x1082;
	[sflag:s4] =	ssyncset.s32 $0xFFFFF086  }
0x25: {  	[simem:s6], [sflag:s4] =	dma.local [hbm:s3], $0xF7A  }
0x26: {  	[smem:$0x3F7D] =	sst s1;
	(tag) =	ssettag s2;
	_ =	strace s9  }
0x27: {  	s1 =	sld [smem:$0x3F8D]  }
0x28: {  	s2 =	sld [smem:$0x3F8E]  }
0x29: {  	s4 =	sld [smem:$0x3F90]  }
0x2a: {  	p0 =	seq.s32 s5, $0x0;
	s5 =	sld [smem:$0x3F91]  }
0x2b: {  	s6 =	sld [smem:$0x3F92]  }
0x2c: {  	s7 =	sld [smem:$0x3F93]  }
0x2d: {  	s3 =	simm.s32 $0x108;
	s8 =	sld [smem:$0x3F94]  }
0x2e: {  	s3 =	simm.s32 @!p0 $0x1082;
	s9 =	sld [smem:$0x3F95]  }
0x2f: {  	lr =	sadd.s32 s0, s3;
	s0 =	sld [smem:$0x3F8C]  }
0x30: {  	s3 =	sld [smem:$0x3F8F]  }
0x31: {  	[smem:$0x3F98] =	sst s10  }
0x32: {  	s10 =	sld [smem:$0x3F96];
	_ =	sdelay $0x3  }
0x33: {  	p0 =	seq.s32 s10, $0x1;
	s10 =	sld [smem:$0x3F98];
	_ =	sdelay $0x3  }
0x34: {  	[smem:$0x3F98] =	sst s10  }
0x35: {  	s10 =	sld [smem:$0x3F97];
	_ =	sdelay $0x3  }
0x36: {  	p1 =	seq.s32 s10, $0x1;
	s10 =	sld [smem:$0x3F98];
	_ =	sdelay $0x3  }
0x37: {  	[smem:$0x3F98] =	sst s10  }
0x38: {  	s10 =	sld [smem:$0x3F99]  }
0x39: {  	_ = 	snop;
	(pc) =	sbr.ind lr, $3  }
0x3a: {  	_ = 	snop  }
0x3b: {  	_ = 	snop  }
0x3c: {  	p2 =	seq.s32 s10, $0x1;
	s10 =	sld [smem:$0x3F98]  }
0x3d: {  	_ =	shalt  }
0x3e: {  	_ =	shalt  }
0x3f: {  	_ =	shalt  }
0x40: {  	_ =	shalt  }
0x41: {  	_ =	shalt  }
0x42: {  	_ =	shalt  }
0x43: {  	_ =	shalt  }
0x44: {  	_ =	shalt  }
0x45: {  	_ =	shalt  }
0x46: {  	_ =	shalt  }
0x47: {  	_ =	shalt  }
0x48: {  	_ =	shalt  }
0x49: {  	_ =	shalt  }
0x4a: {  	_ =	shalt  }
0x4b: {  	_ =	shalt  }
0x4c: {  	_ =	shalt  }
0x4d: {  	_ =	shalt  }
0x4e: {  	_ =	shalt  }
0x4f: {  	_ =	shalt  }
0x50: {  	_ =	shalt  }
0x51: {  	_ =	shalt  }
0x52: {  	_ =	shalt  }
0x53: {  	_ =	shalt  }
0x54: {  	_ =	shalt  }
0x55: {  	_ =	shalt  }
0x56: {  	_ =	shalt  }
0x57: {  	_ =	shalt  }
0x58: {  	_ =	shalt  }
0x59: {  	_ =	shalt  }
0x5a: {  	_ =	shalt  }
0x5b: {  	_ =	shalt  }
0x5c: {  	_ =	shalt  }
0x5d: {  	_ =	shalt  }
0x5e: {  	_ =	shalt  }
0x5f: {  	_ =	shalt  }
0x60: {  	_ =	shalt  }
0x61: {  	_ =	shalt  }
0x62: {  	_ =	shalt  }
0x63: {  	_ =	shalt  }
0x64: {  	_ =	shalt  }
0x65: {  	_ =	shalt  }
0x66: {  	_ =	shalt  }
0x67: {  	_ =	shalt  }
0x68: {  	_ =	shalt  }
0x69: {  	_ =	shalt  }
0x6a: {  	_ =	shalt  }
0x6b: {  	_ =	shalt  }
0x6c: {  	_ =	shalt  }
0x6d: {  	_ =	shalt  }
0x6e: {  	_ =	shalt  }
0x6f: {  	_ =	shalt  }
0x70: {  	_ =	shalt  }
0x71: {  	_ =	shalt  }
0x72: {  	_ =	shalt  }
0x73: {  	_ =	shalt  }
0x74: {  	_ =	shalt  }
0x75: {  	_ =	shalt  }
0x76: {  	_ =	shalt  }
0x77: {  	_ =	shalt  }
0x78: {  	_ =	shalt  }
0x79: {  	_ =	shalt  }
0x7a: {  	_ =	shalt  }
0x7b: {  	_ =	shalt  }
0x7c: {  	_ =	shalt  }
0x7d: {  	_ =	shalt  }
0x7e: {  	_ =	shalt  }
0x7f: {  	_ =	shalt  }
0x80: {  	_ =	shalt  }
0x81: {  	_ =	shalt  }
0x82: {  	_ =	shalt  }
0x83: {  	_ =	shalt  }
0x84: {  	_ =	shalt  }
0x85: {  	_ =	shalt  }
0x86: {  	_ =	shalt  }
0x87: {  	_ =	shalt  }
.Lfunc_end0:
.L_simem_size_0:
called_computation_lowered:
.L_overlay_start_0:
0x88: {  	s2 =	sld [smem:$0x3FD9]  }
0x89: {  	s3 =	sld [smem:$0x3FFE];
	_ =	sdelay $0x1  }
0x8a: {  	s1 =	srdreg.scid  }
0x8b: {  	s0 =	sand.u32 $0x1, s1  }
0x8c: {  	s17 =	sshll.u32 s0, $0xA;
	s2 =	sadd.s32 s3, s2  }
0x8d: {  	s2 =	sadd.s32 s2, s17  }
0x8e: {  	[smem:$0x3FA4] =	sst s2  }
0x8f: {  	_ = 	snop  }
0x90: {  	(tm) =	ssettm $0x1  }
0x91: {  	s18 =	sld [smem:$0x3FFB];
	_ =	sdelay $0x3  }
0x92: {  	_ =	strace s18  }
0x93: {  	s2 =	sld [smem:$0x3FFC];
	_ =	sdelay $0x3  }
0x94: {  	_ =	strace s2  }
0x95: {  	s2 =	sld [smem:$0x3FFD];
	_ =	sdelay $0x3  }
0x96: {  	_ =	strace s2  }
0x97: {  	_ =	strace $0x8FFFFFFF  }
0x98: {  	s19 =	sld [smem:$0x3FDB];
	_ =	sdelay $0x1  }
0x99: {  	s20 =	simm.s32 $_scs_section_size  }
0x9a: {  	s4 =	simm.s32 $_size__tile_overlayer_lowered;
	s5 =	simm.s32 $_tile_overlayer_lowered  }
0x9b: {  	s6 =	simm.s32 $0x1BFF;
	s21 =	sshll.u32 s5, $0x1;
	s3 =	sadd.s32 s20, s19  }
0x9c: {  	s22 =	simm.s32 $0x0;
	s4 =	sshll.u32 s4, $0x1;
	s5 =	sadd.s32 s21, s3  }
0x9d: {  	[timem:s22], [sflag:s6] =	dma.local [hbm:s5], s4  }
0x9e: {  	_ =	swait.ge [sflag:s6], s4  }
0x9f: {  	s4 =	ssub.s32 $0x0, s4;
	[sflag:s6] =	ssyncset.done $0x0  }
0xa0: {  	[sflag:s6] =	ssyncadd.s32 s4;
	_ =	sdelay $0x1  }
0xa1: {  	s23 =	simm.s32 $0x1B8B  }
0xa2: {  	_ =	swait.ge [sflag:s23], $0x1  }
0xa3: {  	[sflag:s23] =	ssyncset.done $0x0  }
0xa4: {  	[sflag:s23] =	ssyncadd.s32 $0xFFFFFFFF  }
0xa5: {  	s4 =	sld [smem:$0x0]  }
0xa6: {  	s5 =	sand.u32 $0xFFFFFFFE, s1  }
0xa7: {  	p0 =	sne.s32 s1, s5  }
0xa8: {  	s5 =	sshll.u32 @p0 s5, $0xE  }
0xa9: {  	s5 =	sadd.s32 @p0 $0x11B8D, s5;
	s6 =	sshll.u32 @p0 s4, $0x11  }
0xaa: {  	s5 =	sor.u32 @p0 s6, s5  }
0xab: {  	[sflag:s5] =	ssyncadd.remote.s32 @p0 $0x1;
	_ =	sdelay $0x1  }
0xac: {  	s5 =	simm.s32 @p0 $0x1B8D  }
0xad: {  	_ =	swait.eq @p0 [sflag:s5], $0x1  }
0xae: {  	[sflag:s5] =	ssyncadd.s32 @p0 $0xFFFFFFFF  }
0xaf: {  	s6 =	sshll.u32 @!p0 s1, $0xE  }
0xb0: {  	s6 =	sor.u32 @!p0 $0x4000, s6;
	s5 =	simm.s32 @!p0 $0x1B8D  }
0xb1: {  	s4 =	sshll.u32 @!p0 s4, $0x11;
	s6 =	sadd.s32 @!p0 $0x11B8D, s6;
	_ =	swait.eq @!p0 [sflag:s5], $0x1  }
0xb2: {  	s4 =	sor.u32 @!p0 s4, s6;
	[sflag:s5] =	ssyncadd.s32 @!p0 $0xFFFFFFFF  }
0xb3: {  	s25 =	simm.s32 $0x1B8E;
	s24 =	sld [smem:$0x3FFE];
	[sflag:s4] =	ssyncadd.remote.s32 @!p0 $0x1  }
0xb4: {  	s26 =	simm.s32 $execute0_lowered;
	[smem:$0x3FD2] =	sst s25  }
0xb5: {  	s5 =	sshll.u32 s26, $0x1;
	_ =	strace $0x80000049;
	[dreg:$0x1] =	wrdreg $0xFFFFFFFF  }
0xb6: {  	s28 =	simm.s32 $_size_execute0_lowered;
	s3 =	sadd.s32 s3, s5;
	[dreg:$0x0] =	wrdreg $0x0  }
0xb7: {  	s5 =	sshll.u32 s28, $0x1;
	[dreg:$0x2] =	wrdreg s3  }
0xb8: {  	[dreg:$0x3] =	wrdreg s5  }
0xb9: {  	[dreg:$0x4] =	wrdreg $0xC0  }
0xba: {  	_ =	task [dreg:s22], $0x5FFFF  }
0xbb: {  	[dreg:$0x1] =	wrdreg $0xFFFFFFFF  }
0xbc: {  	[dreg:$0x0] =	wrdreg $0x60  }
0xbd: {  	[dreg:$0x2] =	wrdreg s24  }
0xbe: {  	[dreg:$0x3] =	wrdreg $0x81000  }
0xbf: {  	[dreg:$0x4] =	wrdreg $0x9  }
0xc0: {  	_ =	task.clear_ibuf [dreg:s22], $0x5FFFF;
	_ =	strace $0x90000049  }
0xc1: {  	s29 =	simm.s32 $0x9;
	_ =	strace $0x8000004B  }
0xc2: {  	_ =	swait.ge [sflag:s29], $0x1  }
0xc3: {  	[sflag:s29] =	ssyncadd.s32 $0xFFFFFFFF  }
0xc4: {  	_ =	strace $0x9000004B  }
0xc5: {  	_ =	sfence  }
0xc6: {  	s30 =	sld [smem:$0x0];
	_ =	sdelay $0x2  }
0xc7: {  	s31 =	sshll.u32 s1, $0xD;
	s1 =	sshrl.u32 s1, $0x2  }
0xc8: {  	s4 =	sand.u32 $0x4000, s31;
	s1 =	sadd.s32 s1, s30  }
0xc9: {  	s0 =	sor.u32 s4, s0;
	s1 =	sshll.u32 s1, $0x11  }
0xca: {  	s0 =	sor.u32 s1, s0  }
0xcb: {  	s0 =	sadd.s32 $0x8F2B, s0  }
0xcc: {  	[sflag:s0] =	ssyncadd.remote.s32 $0x1  }
0xcd: {  	_ =	sfence.sel $0xFFFF  }
0xce: {  	[dreg:$0x0] =	wrdreg $0xFFFFFFFF;
	(pc) =	sbr.abs _section_cstart, $3  }
0xcf: {  	[dreg:$0x1] =	wrdreg $0xFFFFFFFF  }
0xd0: {  	_ =	task.clear_ibuf [dreg:s22], $0x2FFFF;
	_ =	strace $0x9FFFFFFF  }
0xd1: {  	(tm) =	ssettm $0x7FFFFFFF  }
tec
execute0_lowered:
.L_overlay_start_1:
0x0: {  	(tag) =	ssettag $0x1  }
0x1: {  	s0 =	rddreg [dreg:$0x0]  }
0x2: {  	s1 =	rddreg [dreg:$0x1];
	s2 =	simm.s32 $0x0;
	s4 =	srdreg.scid  }
0x3: {  	s15 =	stileid.u32;
	s22 =	simm.s32 $0x4;
	s23 =	simm.s32 $0x1  }
0x4: {  	s24 =	simm.s32 $0x5;
	s25 =	simm.s32 $0x2;
	s28 =	simm.s32 $0x0  }
0x5: {  	[smem:$0x7FF] =	sst s2;
	s3 =	sadd.s32 $0x1C800, s0;
	s13 =	sadd.s32 $0x8800, s0  }
0x6: {  	s12 =	sand.u32 $0x1, s4;
	s26 =	sshll.u32 s15, $0x1;
	s17 =	smul.u32 $0x500, s15  }
0x7: {  	s14 =	sadd.s32 $0x12800, s0;
	s16 =	sadd.s32 $0x56AC00, s0;
	s18 =	smul.u32 $0x140000, s15  }
0x8: {  	s0 =	sadd.s32 $0x7EAC00, s0;
	p0 =	sne.s32 s15, $0x0;
	s20 =	smul.u32 $0xA0000, s12  }
0x9: {  	_ =	strace $0x8000004A;
	s4 =	sor.u32 s12, s26;
	s21 =	smul.u32 $0x280, s12  }
0xa: {  	[dreg:$0x3] =	wrdreg s3;
	s5 =	ssub.s32 $0x2, s12;
	s7 =	smul.u32 $0x280, s4  }
0xb: {  	s26 =	simm.s32 $0x6;
	s6 =	sshrl.u32 s5, $0x1;
	s8 =	smul.u32 $0xA0000, s4  }
0xc: {  	s6 =	ssub.s32 s5, s6;
	s18 =	sadd.s32 s20, s18;
	s20 =	simm.s32 $0x3  }
0xd: {  	s29 =	sadd.s32 s13, s7;
	s5 =	sadd.s32 s14, s7;
	s6 =	smax.u32 s6, $0x1  }
0xe: {  	s9 =	sor.u32 $0x10, s7;
	s10 =	sshrl.u32 s8, $0x3;
	s18 =	sor.u32 $0x4000, s18  }
0xf: {  	[dreg:$0x4] =	wrdreg s29;
	s7 =	sadd.s32 s13, s9;
	s8 =	sadd.s32 s16, s10  }
0x10: {  	s9 =	sadd.s32 s14, s9;
	s19 =	sadd.s32 $0x13800, s10;
	s10 =	sadd.s32 s0, s10  }
0x11: {  	s14 =	sadd.s32 s17, s14;
	s17 =	sadd.s32 s17, s13;
	s31 =	sshrl.u32 s18, $0x3  }
0x12: {  	s18 =	simm.s32 $0x80;
	s11 =	sadd.s32 s16, s19;
	s12 =	sadd.s32 s0, s19  }
0x13: {  	s14 =	sadd.s32 s21, s14;
	s30 =	sadd.s32 s21, s17;
	s0 =	sadd.s32 s31, s0  }
0x14: {  	s16 =	sadd.s32 s31, s16;
	s17 =	simm.s32 $0x7;
	s19 =	simm.s32 $0x100  }
0x15: {  	s21 =	simm.s32 $0x4100;
	s13 =	sadd.s32 $0x20, s14;
	s14 =	sadd.s32 $0x20, s30  }
.LBB2_1:
0x16: {  	s15 =	sshrl.u32 @!p0 s1, $0x3;
	s29 =	simm.s32 @!p0 $0x1C07;
	s3 =	rddreg [dreg:$0x3]  }
0x17: {  	[spmem:s15], [sflag:s29] =	dma.local @!p0 [hbm:s3], $0x27100  }
0x18: {  	s15 =	simm.s32 @!p0 $0x7  }
0x19: {  	_ =	swait.ge @!p0 [sflag:s15], $0x27100  }
0x1a: {  	[sflag:s15] =	ssyncset.done @!p0 $0x0  }
0x1b: {  	[sflag:s15] =	ssyncadd.s32 @!p0 $0xFFFD8F00  }
0x1c: {  	[bflag:$0x0] =	sbarrier.arrive $0xFFFF  }
0x1d: {  	s15 =	rddreg [dreg:$0x4]  }
0x1e: {  	[tilespmem:s2], [sflag:$0x7] =	stream.linear.gather [hbm4b:s15+s2], $0x80, $0x38;
	[tilespmem:$0x1B980] =	vst v63  }
0x1f: {  	_ =	swait.ge [sflag:s17], $0x80  }
0x20: {  	[sflag:s17] =	ssyncset.done $0x0  }
0x21: {  	[sflag:s17] =	ssyncadd.s32 $0xFFFFFF80  }
0x22: {  	[tilespmem:s18], [sflag:$0x7] =	stream.linear.gather [hbm4b:s5+s2], $0x80, $0x38;
	[tilespmem:$0x1B980] =	vst v63  }
0x23: {  	_ =	swait.ge [sflag:s17], $0x80  }
0x24: {  	[sflag:s17] =	ssyncset.done $0x0  }
0x25: {  	[sflag:s17] =	ssyncadd.s32 $0xFFFFFF80  }
0x26: {  	[tilespmem:s19], [sflag:$0x3] =	stream.indirect.gather [spmem:s1], $0x80, s2, s18, $0xb8;
	[tilespmem:$0x1B980] =	vst v63  }
0x27: {  	_ =	swait.ge [sflag:s20], $0x4000  }
0x28: {  	[sflag:s20] =	ssyncset.done $0x0  }
0x29: {  	[sflag:s20] =	ssyncadd.s32 $0xFFFFC000  }
0x2a: {  	[tilespmem:s2], [sflag:$0x1] =	stream.linear.gather [hbm4b:s7+s2], $0x80, $0x38;
	[tilespmem:$0x1B980] =	vst v63  }
0x2b: {  	_ = 	snop  }
0x2c: {  	[hbm4b:s8+s2] =	stream.linear.scatter [tilespmem:s19], [sflag:$0x5], $0x4000, $0x38;
	[tilespmem:$0x1B980] =	vst v63  }
0x2d: {  	_ = 	snop  }
0x2e: {  	[tilespmem:s21], [sflag:$0x4] =	stream.indirect.gather [spmem:s1], $0x80, s18, s18, $0xb8;
	[tilespmem:$0x1B980] =	vst v63  }
0x2f: {  	_ =	swait.ge [sflag:s22], $0x4000  }
0x30: {  	[sflag:s22] =	ssyncset.done $0x0  }
0x31: {  	[sflag:s22] =	ssyncadd.s32 $0xFFFFC000  }
0x32: {  	[tilespmem:s18], [sflag:$0x2] =	stream.linear.gather [hbm4b:s9+s2], $0x80, $0x38;
	[tilespmem:$0x1B980] =	vst v63  }
0x33: {  	_ = 	snop  }
0x34: {  	[hbm4b:s10+s2] =	stream.linear.scatter [tilespmem:s21], [sflag:$0x6], $0x4000, $0x38;
	[tilespmem:$0x1B980] =	vst v63  }
0x35: {  	_ =	swait.ge [sflag:s23], $0x80  }
0x36: {  	[sflag:s23] =	ssyncset.done $0x0  }
0x37: {  	[sflag:s23] =	ssyncadd.s32 $0xFFFFFF80  }
0x38: {  	_ =	swait.ge [sflag:s24], $0x4000  }
0x39: {  	[sflag:s24] =	ssyncset.done $0x0  }
0x3a: {  	[sflag:s24] =	ssyncadd.s32 $0xFFFFC000  }
0x3b: {  	[tilespmem:s19], [sflag:$0x3] =	stream.indirect.gather [spmem:s1], $0x80, s2, s18, $0xb8;
	[tilespmem:$0x1B980] =	vst v63  }
0x3c: {  	_ =	swait.ge [sflag:s20], $0x4000  }
0x3d: {  	[sflag:s20] =	ssyncset.done $0x0  }
0x3e: {  	s3 =	sadd.s32 $0x0, s14;
	[sflag:s20] =	ssyncadd.s32 $0xFFFFC000  }
0x3f: {  	[tilespmem:s2], [sflag:$0x1] =	stream.linear.gather [hbm4b:s3+s2], $0x80, $0x38;
	[tilespmem:$0x1B980] =	vst v63  }
0x40: {  	_ = 	snop  }
0x41: {  	[hbm4b:s16+s2] =	stream.linear.scatter [tilespmem:s19], [sflag:$0x5], $0x4000, $0x38;
	[tilespmem:$0x1B980] =	vst v63  }
0x42: {  	_ =	swait.ge [sflag:s25], $0x80  }
0x43: {  	[sflag:s25] =	ssyncset.done $0x0  }
0x44: {  	[sflag:s25] =	ssyncadd.s32 $0xFFFFFF80  }
0x45: {  	_ =	swait.ge [sflag:s26], $0x4000  }
0x46: {  	[sflag:s26] =	ssyncset.done $0x0  }
0x47: {  	[sflag:s26] =	ssyncadd.s32 $0xFFFFC000  }
0x48: {  	[tilespmem:s21], [sflag:$0x4] =	stream.indirect.gather [spmem:s1], $0x80, s18, s18, $0xb8;
	[tilespmem:$0x1B980] =	vst v63  }
0x49: {  	s4 =	sadd.s32 $0x0, s13;
	_ =	swait.ge [sflag:s22], $0x4000  }
0x4a: {  	s30 =	sadd.s32 $0x800, s0;
	s31 =	sadd.s32 $0x800, s16;
	[sflag:s22] =	ssyncset.done $0x0  }
0x4b: {  	s29 =	simm.s32 $0x10;
	s15 =	smov.u32 s0;
	[sflag:s22] =	ssyncadd.s32 $0xFFFFC000  }
0x4c: {  	[tilespmem:s18], [sflag:$0x2] =	stream.linear.gather [hbm4b:s4+s2], $0x80, $0x38;
	[tilespmem:$0x1B980] =	vst v63  }
.LBB2_2:
0x4d: {  	[hbm4b:s15+s2] =	stream.linear.scatter [tilespmem:s21], [sflag:$0x6], $0x4000, $0x38;
	[tilespmem:$0x1B980] =	vst v63  }
0x4e: {  	s3 =	smov.u32 s29;
	s15 =	smov.u32 s30  }
0x4f: {  	p1 =	sne.s32 s29, $0x250;
	s29 =	sadd.s32 $0x10, s29;
	_ =	swait.ge [sflag:s23], $0x80  }
0x50: {  	[sflag:s23] =	ssyncset.done $0x0  }
0x51: {  	[sflag:s23] =	ssyncadd.s32 $0xFFFFFF80  }
0x52: {  	_ =	swait.ge [sflag:s24], $0x4000  }
0x53: {  	[sflag:s24] =	ssyncset.done $0x0  }
0x54: {  	[sflag:s24] =	ssyncadd.s32 $0xFFFFC000  }
0x55: {  	[tilespmem:s19], [sflag:$0x3] =	stream.indirect.gather [spmem:s1], $0x80, s2, s18, $0xb8;
	[tilespmem:$0x1B980] =	vst v63  }
0x56: {  	_ =	swait.ge [sflag:s20], $0x4000  }
0x57: {  	[sflag:s20] =	ssyncset.done $0x0  }
0x58: {  	s4 =	sadd.s32 s3, s14;
	[sflag:s20] =	ssyncadd.s32 $0xFFFFC000  }
0x59: {  	[tilespmem:s2], [sflag:$0x1] =	stream.linear.gather [hbm4b:s4+s2], $0x80, $0x38;
	[tilespmem:$0x1B980] =	vst v63  }
0x5a: {  	_ = 	snop  }
0x5b: {  	[hbm4b:s31+s2] =	stream.linear.scatter [tilespmem:s19], [sflag:$0x5], $0x4000, $0x38;
	[tilespmem:$0x1B980] =	vst v63  }
0x5c: {  	_ =	swait.ge [sflag:s25], $0x80  }
0x5d: {  	[sflag:s25] =	ssyncset.done $0x0  }
0x5e: {  	[sflag:s25] =	ssyncadd.s32 $0xFFFFFF80  }
0x5f: {  	_ =	swait.ge [sflag:s26], $0x4000  }
0x60: {  	[sflag:s26] =	ssyncset.done $0x0  }
0x61: {  	[sflag:s26] =	ssyncadd.s32 $0xFFFFC000  }
0x62: {  	[tilespmem:s21], [sflag:$0x4] =	stream.indirect.gather [spmem:s1], $0x80, s18, s18, $0xb8;
	[tilespmem:$0x1B980] =	vst v63  }
.Ltmp0:
0x63: {  	_ =	swait.ge [sflag:s22], $0x4000;
	(pc) =	sbr.rel @p1 .LBB2_2-.Ltmp0, $4  }
0x64: {  	[sflag:s22] =	ssyncset.done $0x0  }
0x65: {  	s3 =	sadd.s32 s3, s13;
	[sflag:s22] =	ssyncadd.s32 $0xFFFFC000  }
0x66: {  	[tilespmem:s18], [sflag:$0x2] =	stream.linear.gather [hbm4b:s3+s2], $0x80, $0x38;
	[tilespmem:$0x1B980] =	vst v63  }
0x67: {  	s30 =	sadd.s32 $0x800, s30;
	s31 =	sadd.s32 $0x800, s31  }
0x68: {  	[hbm4b:s15+s2] =	stream.linear.scatter [tilespmem:s21], [sflag:$0x6], $0x4000, $0x38;
	[tilespmem:$0x1B980] =	vst v63  }
0x69: {  	_ =	swait.ge [sflag:s23], $0x80  }
0x6a: {  	[sflag:s23] =	ssyncset.done $0x0  }
0x6b: {  	[sflag:s23] =	ssyncadd.s32 $0xFFFFFF80  }
0x6c: {  	_ =	swait.ge [sflag:s24], $0x4000  }
0x6d: {  	[sflag:s24] =	ssyncset.done $0x0  }
0x6e: {  	[sflag:s24] =	ssyncadd.s32 $0xFFFFC000  }
0x6f: {  	[tilespmem:s19], [sflag:$0x3] =	stream.indirect.gather [spmem:s1], $0x80, s2, s18, $0xb8;
	[tilespmem:$0x1B980] =	vst v63  }
0x70: {  	_ =	swait.ge [sflag:s20], $0x4000  }
0x71: {  	[sflag:s20] =	ssyncset.done $0x0  }
0x72: {  	[sflag:s20] =	ssyncadd.s32 $0xFFFFC000  }
0x73: {  	[hbm4b:s11+s2] =	stream.linear.scatter [tilespmem:s19], [sflag:$0x5], $0x4000, $0x38;
	[tilespmem:$0x1B980] =	vst v63  }
0x74: {  	_ =	swait.ge [sflag:s25], $0x80  }
0x75: {  	[sflag:s25] =	ssyncset.done $0x0  }
0x76: {  	[sflag:s25] =	ssyncadd.s32 $0xFFFFFF80  }
0x77: {  	_ =	swait.ge [sflag:s26], $0x4000  }
0x78: {  	[sflag:s26] =	ssyncset.done $0x0  }
0x79: {  	[sflag:s26] =	ssyncadd.s32 $0xFFFFC000  }
0x7a: {  	[tilespmem:s21], [sflag:$0x4] =	stream.indirect.gather [spmem:s1], $0x80, s18, s18, $0xb8;
	[tilespmem:$0x1B980] =	vst v63  }
0x7b: {  	_ =	swait.ge [sflag:s22], $0x4000  }
0x7c: {  	[sflag:s22] =	ssyncset.done $0x0  }
0x7d: {  	s28 =	sadd.s32 $0x1, s28;
	[sflag:s22] =	ssyncadd.s32 $0xFFFFC000  }
0x7e: {  	[hbm4b:s12+s2] =	stream.linear.scatter [tilespmem:s21], [sflag:$0x6], $0x4000, $0x38;
	[tilespmem:$0x1B980] =	vst v63  }
0x7f: {  	p1 =	sne.s32 s28, s6;
	_ =	swait.ge [sflag:s24], $0x4000  }
.Ltmp1:
0x80: {  	[sflag:s24] =	ssyncset.done $0x0;
	(pc) =	sbr.rel @p1 .LBB2_1-.Ltmp1, $4  }
0x81: {  	[sflag:s24] =	ssyncadd.s32 $0xFFFFC000  }
0x82: {  	_ =	swait.ge [sflag:s26], $0x4000  }
0x83: {  	[sflag:s26] =	ssyncset.done $0x0  }
0x84: {  	[sflag:s26] =	ssyncadd.s32 $0xFFFFC000  }
0x85: {  	_ =	sfence.sel $0x180000  }
0x86: {  	[bflag:$0x0] =	sbarrier.arrive $0xFFFF  }
0x87: {  	_ =	strace $0x9000004A  }
0x88: {  	[bflag:$0x2] =	sbarrier.arrive $0xFFFF  }
0x89: {  	s0 =	rddreg [dreg:$0x2]  }
0x8a: {  	s0 =	sadd.s32 @!p0 $0x100000, s0  }
0x8b: {  	[sflag:s0] =	ssyncadd.tile.s32 @!p0 $0x1;
	_ =	shalt  }
.Lfunc_end2:
_tile_overlayer_lowered:
.L_overlay_start_2:
0x8c: {  	(tag) =	ssettag $0x2  }
0x8d: {  	s0 =	rddreg [dreg:$0x0];
	s2 =	stileid.u32  }
0x8e: {  	s1 =	rddreg [dreg:$0x1];
	p0 =	sne.s32 s2, $0x0  }
0x8f: {  	s3 =	rddreg [dreg:$0x2];
	[bflag:$0x3] =	sbarrier.arrive $0xFFFF;
	s2 =	simm.s32 @!p0 $0x1C07  }
0x90: {  	[timem:s3], [sflag:s2] =	dma.local @!p0 [hbm:s0], s1  }
0x91: {  	s0 =	simm.s32 @!p0 $0x7  }
0x92: {  	_ =	swait.ge @!p0 [sflag:s0], s1  }
0x93: {  	s1 =	ssub.s32 @!p0 $0x0, s1;
	[sflag:s0] =	ssyncset.done @!p0 $0x0  }
0x94: {  	[sflag:s0] =	ssyncadd.s32 @!p0 s1  }
0x95: {  	[bflag:$0x3] =	sbarrier.arrive $0xFFFF  }
0x96: {  	_ =	shalt  }

// kernel: kernel.21.cloned.1.call-start
scs
__scs_entry_jumppad:
0x0: {  	(pc) =	sbr.rel $0x88, $3  }
0x1: {  	(tag) =	ssettag $0x0;
	lr =	simm.s32 $0x1  }
0x2: {  	[smem:$0x3F7D] =	sst lr;
	_ =	strace $0xD0000000  }
0x3: {  	_ = 	snop  }
0x4: {  	_ = 	snop  }
0x5: {  	_ = 	snop  }
0x6: {  	_ = 	snop  }
0x7: {  	_ = 	snop  }
__scs_overlays_trampoline_lowered:
0x8: {  	[smem:$0x3F8C] =	sst s0  }
0x9: {  	[smem:$0x3F8D] =	sst s1  }
0xa: {  	[smem:$0x3F8E] =	sst s2  }
0xb: {  	[smem:$0x3F8F] =	sst s3  }
0xc: {  	[smem:$0x3F90] =	sst s4  }
0xd: {  	[smem:$0x3F91] =	sst s5  }
0xe: {  	[smem:$0x3F92] =	sst s6  }
0xf: {  	[smem:$0x3F93] =	sst s7  }
0x10: {  	[smem:$0x3F94] =	sst s8  }
0x11: {  	[smem:$0x3F95] =	sst s9;
	s0 =	simm.s32 @!p0 $0x0  }
0x12: {  	s1 =	sld [smem:$0x3F7B];
	s0 =	simm.s32 @p0 $0x1  }
0x13: {  	[smem:$0x3F96] =	sst s0;
	s0 =	simm.s32 @!p1 $0x0  }
0x14: {  	s2 =	sld [smem:$0x3F7A];
	s0 =	simm.s32 @p1 $0x1  }
0x15: {  	[smem:$0x3F97] =	sst s0;
	s0 =	simm.s32 @!p2 $0x0  }
0x16: {  	s3 =	sld [smem:$0x3FDB];
	s0 =	simm.s32 @p2 $0x1  }
0x17: {  	s4 =	simm.s32 $0x1BF5;
	[smem:$0x3F99] =	sst s0  }
0x18: {  	s0 =	sld [smem:$0x3F7C];
	_ =	swait.ge [sflag:s4], $0x0  }
0x19: {  	s7 =	sld [smem:$0x3F7D]  }
0x1a: {  	s8 =	sadd.s32 $0xFFFFE003, lr  }
0x1b: {  	s9 =	sadd.s32 $0xFFFFFEF7, lr;
	s5 =	simm.s32 $0xFFFFFFFF;
	p2 =	slt.u32 s8, $0xFFFFF086  }
0x1c: {  	p1 =	slt.u32 s9, $0xF7A;
	s5 =	simm.s32 @!p2 $0x0  }
0x1d: {  	s5 =	simm.s32 @p1 $0x1;
	p0 =	seq.s32 s7, s2  }
0x1e: {  	s7 =	smul.u32 @!p0 $0xF7A, s2;
	p2 =	seq.s32 @!p0 s5, $0x0  }
0x1f: {  	s9 =	smul.u32 $0xF7A, s1;
	s8 =	simm.s32 @!p0 $0x1BF5;
	p2 =	por !p2, p0  }
0x20: {  	[sflag:s8] =	ssyncset.s32 @!p0 $0xFFFFF086;
	s6 =	sadd.s32 @!p0 s3, s7;
	s7 =	simm.s32 @!p0 $0x108  }
0x21: {  	s3 =	sadd.s32 s3, s9;
	s6 =	sadd.s32 @!p0 $0x88, s6;
	s7 =	simm.s32 @p2 $0x1082  }
0x22: {  	[simem:s7], [sflag:s8] =	dma.local @!p0 [hbm:s6], $0xF7A  }
0x23: {  	s9 =	sor.u32 $0xD0000000, s2;
	s6 =	simm.s32 $0x108;
	_ =	swait.ge @!p0 [sflag:s8], $0x0  }
0x24: {  	s3 =	sadd.s32 $0x88, s3;
	s6 =	simm.s32 @!p1 $0x1082;
	[sflag:s4] =	ssyncset.s32 $0xFFFFF086  }
0x25: {  	[simem:s6], [sflag:s4] =	dma.local [hbm:s3], $0xF7A  }
0x26: {  	[smem:$0x3F7D] =	sst s1;
	(tag) =	ssettag s2;
	_ =	strace s9  }
0x27: {  	s1 =	sld [smem:$0x3F8D]  }
0x28: {  	s2 =	sld [smem:$0x3F8E]  }
0x29: {  	s4 =	sld [smem:$0x3F90]  }
0x2a: {  	p0 =	seq.s32 s5, $0x0;
	s5 =	sld [smem:$0x3F91]  }
0x2b: {  	s6 =	sld [smem:$0x3F92]  }
0x2c: {  	s7 =	sld [smem:$0x3F93]  }
0x2d: {  	s3 =	simm.s32 $0x108;
	s8 =	sld [smem:$0x3F94]  }
0x2e: {  	s3 =	simm.s32 @!p0 $0x1082;
	s9 =	sld [smem:$0x3F95]  }
0x2f: {  	lr =	sadd.s32 s0, s3;
	s0 =	sld [smem:$0x3F8C]  }
0x30: {  	s3 =	sld [smem:$0x3F8F]  }
0x31: {  	[smem:$0x3F98] =	sst s10  }
0x32: {  	s10 =	sld [smem:$0x3F96];
	_ =	sdelay $0x3  }
0x33: {  	p0 =	seq.s32 s10, $0x1;
	s10 =	sld [smem:$0x3F98];
	_ =	sdelay $0x3  }
0x34: {  	[smem:$0x3F98] =	sst s10  }
0x35: {  	s10 =	sld [smem:$0x3F97];
	_ =	sdelay $0x3  }
0x36: {  	p1 =	seq.s32 s10, $0x1;
	s10 =	sld [smem:$0x3F98];
	_ =	sdelay $0x3  }
0x37: {  	[smem:$0x3F98] =	sst s10  }
0x38: {  	s10 =	sld [smem:$0x3F99]  }
0x39: {  	_ = 	snop;
	(pc) =	sbr.ind lr, $3  }
0x3a: {  	_ = 	snop  }
0x3b: {  	_ = 	snop  }
0x3c: {  	p2 =	seq.s32 s10, $0x1;
	s10 =	sld [smem:$0x3F98]  }
0x3d: {  	_ =	shalt  }
0x3e: {  	_ =	shalt  }
0x3f: {  	_ =	shalt  }
0x40: {  	_ =	shalt  }
0x41: {  	_ =	shalt  }
0x42: {  	_ =	shalt  }
0x43: {  	_ =	shalt  }
0x44: {  	_ =	shalt  }
0x45: {  	_ =	shalt  }
0x46: {  	_ =	shalt  }
0x47: {  	_ =	shalt  }
0x48: {  	_ =	shalt  }
0x49: {  	_ =	shalt  }
0x4a: {  	_ =	shalt  }
0x4b: {  	_ =	shalt  }
0x4c: {  	_ =	shalt  }
0x4d: {  	_ =	shalt  }
0x4e: {  	_ =	shalt  }
0x4f: {  	_ =	shalt  }
0x50: {  	_ =	shalt  }
0x51: {  	_ =	shalt  }
0x52: {  	_ =	shalt  }
0x53: {  	_ =	shalt  }
0x54: {  	_ =	shalt  }
0x55: {  	_ =	shalt  }
0x56: {  	_ =	shalt  }
0x57: {  	_ =	shalt  }
0x58: {  	_ =	shalt  }
0x59: {  	_ =	shalt  }
0x5a: {  	_ =	shalt  }
0x5b: {  	_ =	shalt  }
0x5c: {  	_ =	shalt  }
0x5d: {  	_ =	shalt  }
0x5e: {  	_ =	shalt  }
0x5f: {  	_ =	shalt  }
0x60: {  	_ =	shalt  }
0x61: {  	_ =	shalt  }
0x62: {  	_ =	shalt  }
0x63: {  	_ =	shalt  }
0x64: {  	_ =	shalt  }
0x65: {  	_ =	shalt  }
0x66: {  	_ =	shalt  }
0x67: {  	_ =	shalt  }
0x68: {  	_ =	shalt  }
0x69: {  	_ =	shalt  }
0x6a: {  	_ =	shalt  }
0x6b: {  	_ =	shalt  }
0x6c: {  	_ =	shalt  }
0x6d: {  	_ =	shalt  }
0x6e: {  	_ =	shalt  }
0x6f: {  	_ =	shalt  }
0x70: {  	_ =	shalt  }
0x71: {  	_ =	shalt  }
0x72: {  	_ =	shalt  }
0x73: {  	_ =	shalt  }
0x74: {  	_ =	shalt  }
0x75: {  	_ =	shalt  }
0x76: {  	_ =	shalt  }
0x77: {  	_ =	shalt  }
0x78: {  	_ =	shalt  }
0x79: {  	_ =	shalt  }
0x7a: {  	_ =	shalt  }
0x7b: {  	_ =	shalt  }
0x7c: {  	_ =	shalt  }
0x7d: {  	_ =	shalt  }
0x7e: {  	_ =	shalt  }
0x7f: {  	_ =	shalt  }
0x80: {  	_ =	shalt  }
0x81: {  	_ =	shalt  }
0x82: {  	_ =	shalt  }
0x83: {  	_ =	shalt  }
0x84: {  	_ =	shalt  }
0x85: {  	_ =	shalt  }
0x86: {  	_ =	shalt  }
0x87: {  	_ =	shalt  }
.Lfunc_end0:
.L_simem_size_0:
called_computation.1_lowered:
.L_overlay_start_0:
0x88: {  	s2 =	sld [smem:$0x3FD9]  }
0x89: {  	s3 =	sld [smem:$0x3FFE];
	_ =	sdelay $0x1  }
0x8a: {  	s1 =	srdreg.scid  }
0x8b: {  	s0 =	sand.u32 $0x1, s1  }
0x8c: {  	s17 =	sshll.u32 s0, $0xA;
	s2 =	sadd.s32 s3, s2  }
0x8d: {  	s2 =	sadd.s32 s2, s17  }
0x8e: {  	[smem:$0x3FA4] =	sst s2  }
0x8f: {  	_ = 	snop  }
0x90: {  	(tm) =	ssettm $0x1  }
0x91: {  	s18 =	sld [smem:$0x3FFB];
	_ =	sdelay $0x3  }
0x92: {  	_ =	strace s18  }
0x93: {  	s2 =	sld [smem:$0x3FFC];
	_ =	sdelay $0x3  }
0x94: {  	_ =	strace s2  }
0x95: {  	s2 =	sld [smem:$0x3FFD];
	_ =	sdelay $0x3  }
0x96: {  	_ =	strace s2  }
0x97: {  	_ =	strace $0x8FFFFFFF  }
0x98: {  	s19 =	sld [smem:$0x3FDB];
	_ =	sdelay $0x1  }
0x99: {  	s20 =	simm.s32 $_scs_section_size  }
0x9a: {  	s4 =	simm.s32 $_size__tile_overlayer_lowered;
	s5 =	simm.s32 $_tile_overlayer_lowered  }
0x9b: {  	s6 =	simm.s32 $0x1BFF;
	s21 =	sshll.u32 s5, $0x1;
	s3 =	sadd.s32 s20, s19  }
0x9c: {  	s22 =	simm.s32 $0x0;
	s4 =	sshll.u32 s4, $0x1;
	s5 =	sadd.s32 s21, s3  }
0x9d: {  	[timem:s22], [sflag:s6] =	dma.local [hbm:s5], s4  }
0x9e: {  	_ =	swait.ge [sflag:s6], s4  }
0x9f: {  	s4 =	ssub.s32 $0x0, s4;
	[sflag:s6] =	ssyncset.done $0x0  }
0xa0: {  	[sflag:s6] =	ssyncadd.s32 s4;
	_ =	sdelay $0x1  }
0xa1: {  	s23 =	simm.s32 $0x1B8B  }
0xa2: {  	_ =	swait.ge [sflag:s23], $0x1  }
0xa3: {  	[sflag:s23] =	ssyncset.done $0x0  }
0xa4: {  	[sflag:s23] =	ssyncadd.s32 $0xFFFFFFFF  }
0xa5: {  	s4 =	sld [smem:$0x0]  }
0xa6: {  	s5 =	sand.u32 $0xFFFFFFFE, s1  }
0xa7: {  	p0 =	sne.s32 s1, s5  }
0xa8: {  	s5 =	sshll.u32 @p0 s5, $0xE  }
0xa9: {  	s5 =	sadd.s32 @p0 $0x11B8D, s5;
	s6 =	sshll.u32 @p0 s4, $0x11  }
0xaa: {  	s5 =	sor.u32 @p0 s6, s5  }
0xab: {  	[sflag:s5] =	ssyncadd.remote.s32 @p0 $0x1;
	_ =	sdelay $0x1  }
0xac: {  	s5 =	simm.s32 @p0 $0x1B8D  }
0xad: {  	_ =	swait.eq @p0 [sflag:s5], $0x1  }
0xae: {  	[sflag:s5] =	ssyncadd.s32 @p0 $0xFFFFFFFF  }
0xaf: {  	s6 =	sshll.u32 @!p0 s1, $0xE  }
0xb0: {  	s6 =	sor.u32 @!p0 $0x4000, s6;
	s5 =	simm.s32 @!p0 $0x1B8D  }
0xb1: {  	s4 =	sshll.u32 @!p0 s4, $0x11;
	s6 =	sadd.s32 @!p0 $0x11B8D, s6;
	_ =	swait.eq @!p0 [sflag:s5], $0x1  }
0xb2: {  	s4 =	sor.u32 @!p0 s4, s6;
	[sflag:s5] =	ssyncadd.s32 @!p0 $0xFFFFFFFF  }
0xb3: {  	s25 =	simm.s32 $0x1B8E;
	s24 =	sld [smem:$0x3FFE];
	[sflag:s4] =	ssyncadd.remote.s32 @!p0 $0x1  }
0xb4: {  	s26 =	simm.s32 $execute0_lowered;
	[smem:$0x3FD2] =	sst s25  }
0xb5: {  	s5 =	sshll.u32 s26, $0x1;
	_ =	strace $0x8000004F;
	[dreg:$0x1] =	wrdreg $0xFFFFFFFF  }
0xb6: {  	s28 =	simm.s32 $_size_execute0_lowered;
	s3 =	sadd.s32 s3, s5;
	[dreg:$0x0] =	wrdreg $0x0  }
0xb7: {  	s5 =	sshll.u32 s28, $0x1;
	[dreg:$0x2] =	wrdreg s3  }
0xb8: {  	[dreg:$0x3] =	wrdreg s5  }
0xb9: {  	[dreg:$0x4] =	wrdreg $0xC0  }
0xba: {  	_ =	task [dreg:s22], $0x5FFFF  }
0xbb: {  	[dreg:$0x1] =	wrdreg $0xFFFFFFFF  }
0xbc: {  	[dreg:$0x0] =	wrdreg $0x60  }
0xbd: {  	[dreg:$0x2] =	wrdreg s24  }
0xbe: {  	[dreg:$0x3] =	wrdreg $0x81000  }
0xbf: {  	[dreg:$0x4] =	wrdreg $0x9  }
0xc0: {  	_ =	task.clear_ibuf [dreg:s22], $0x5FFFF;
	_ =	strace $0x9000004F  }
0xc1: {  	s29 =	simm.s32 $0x9;
	_ =	strace $0x80000051  }
0xc2: {  	_ =	swait.ge [sflag:s29], $0x1  }
0xc3: {  	[sflag:s29] =	ssyncadd.s32 $0xFFFFFFFF  }
0xc4: {  	_ =	strace $0x90000051  }
0xc5: {  	_ =	sfence  }
0xc6: {  	s30 =	sld [smem:$0x0];
	_ =	sdelay $0x2  }
0xc7: {  	s31 =	sshll.u32 s1, $0xD;
	s1 =	sshrl.u32 s1, $0x2  }
0xc8: {  	s4 =	sand.u32 $0x4000, s31;
	s1 =	sadd.s32 s1, s30  }
0xc9: {  	s0 =	sor.u32 s4, s0;
	s1 =	sshll.u32 s1, $0x11  }
0xca: {  	s0 =	sor.u32 s1, s0  }
0xcb: {  	s0 =	sadd.s32 $0x8F2B, s0  }
0xcc: {  	[sflag:s0] =	ssyncadd.remote.s32 $0x1  }
0xcd: {  	_ =	sfence.sel $0xFFFF  }
0xce: {  	[dreg:$0x0] =	wrdreg $0xFFFFFFFF;
	(pc) =	sbr.abs _section_cstart, $3  }
0xcf: {  	[dreg:$0x1] =	wrdreg $0xFFFFFFFF  }
0xd0: {  	_ =	task.clear_ibuf [dreg:s22], $0x2FFFF;
	_ =	strace $0x9FFFFFFF  }
0xd1: {  	(tm) =	ssettm $0x7FFFFFFF  }
tec
execute0_lowered:
.L_overlay_start_1:
0x0: {  	(tag) =	ssettag $0x1  }
0x1: {  	s0 =	rddreg [dreg:$0x0]  }
0x2: {  	s1 =	rddreg [dreg:$0x1]  }
0x3: {  	s2 =	simm.s32 $0x0;
	s3 =	srdreg.scid;
	s17 =	stileid.u32  }
0x4: {  	s21 =	simm.s32 $0x100;
	s22 =	simm.s32 $0x80;
	s28 =	simm.s32 $0x3  }
0x5: {  	s29 =	simm.s32 $0x0;
	[smem:$0x7FF] =	sst s2;
	s13 =	smul.u32 $0x140000, s17  }
0x6: {  	s14 =	sand.u32 $0x1, s3;
	s23 =	sshll.u32 s17, $0x1;
	s19 =	smul.u32 $0x500, s17  }
0x7: {  	s18 =	sadd.s32 $0xE0000, s0;
	s3 =	sadd.s32 $0x8800, s0;
	s5 =	smul.u32 $0x27100, s14  }
0x8: {  	s4 =	sadd.s32 $0x6AC00, s0;
	p0 =	sne.s32 s17, $0x0;
	s15 =	smul.u32 $0xA0000, s14  }
0x9: {  	_ =	strace $0x80000050;
	s6 =	sor.u32 s14, s23;
	s20 =	smul.u32 $0x280, s14  }
0xa: {  	[dreg:$0x3] =	wrdreg s4;
	s8 =	ssub.s32 $0x2, s14;
	s7 =	smul.u32 $0x280, s6  }
0xb: {  	s23 =	simm.s32 $0x4100;
	s9 =	smul.u32 $0x14000, s6;
	s24 =	sshrl.u32 s8, $0x1  }
0xc: {  	s10 =	smul.u32 $0xA0000, s6;
	s0 =	sadd.s32 s5, s0;
	s8 =	ssub.s32 s8, s24  }
0xd: {  	s16 =	sadd.s32 s15, s13;
	s24 =	simm.s32 $0x2;
	s5 =	sadd.s32 s3, s7  }
0xe: {  	s25 =	sadd.s32 s18, s9;
	s12 =	sor.u32 $0x8000, s10;
	s26 =	sshrl.u32 s10, $0x3  }
0xf: {  	s0 =	sadd.s32 $0x360000, s0;
	s8 =	smax.u32 s8, $0x1;
	s15 =	sor.u32 $0x10000, s16  }
0x10: {  	s31 =	sor.u32 $0xC000, s16;
	s16 =	sadd.s32 s20, s19;
	[dreg:$0x4] =	wrdreg s25  }
0x11: {  	s19 =	sshrl.u32 @!p0 s1, $0x3;
	s20 =	simm.s32 $0x5;
	[dreg:$0x5] =	wrdreg s0  }
0x12: {  	s30 =	sadd.s32 s18, s26;
	s9 =	sadd.s32 $0x10, s5;
	s11 =	sadd.s32 $0x20, s5  }
0x13: {  	s12 =	sshrl.u32 s12, $0x3;
	s13 =	sadd.s32 $0x270, s5;
	s15 =	sshrl.u32 s15, $0x3  }
0x14: {  	s0 =	sshrl.u32 s31, $0x3;
	s25 =	simm.s32 $0x4;
	s26 =	simm.s32 $0x1  }
0x15: {  	s10 =	sadd.s32 $0x800, s30;
	s12 =	sadd.s32 s18, s12;
	s14 =	sadd.s32 $0x13800, s30  }
0x16: {  	s15 =	sadd.s32 s15, s18;
	s0 =	sadd.s32 s0, s18;
	s18 =	sadd.s32 s3, s16  }
.LBB2_1:
0x17: {  	s17 =	simm.s32 @!p0 $0x1C05;
	s4 =	rddreg [dreg:$0x3]  }
0x18: {  	[spmem:s19], [sflag:s17] =	dma.local @!p0 [hbm:s4], $0x27100  }
0x19: {  	s17 =	simm.s32 @!p0 $0x5  }
0x1a: {  	_ =	swait.ge @!p0 [sflag:s17], $0x27100  }
0x1b: {  	[sflag:s17] =	ssyncset.done @!p0 $0x0  }
0x1c: {  	[sflag:s17] =	ssyncadd.s32 @!p0 $0xFFFD8F00  }
0x1d: {  	[bflag:$0x0] =	sbarrier.arrive $0xFFFF  }
0x1e: {  	[tilespmem:s2], [sflag:$0x5] =	stream.linear.gather [hbm4b:s5+s2], $0x80, $0x38;
	[tilespmem:$0x1B980] =	vst v63  }
0x1f: {  	_ =	swait.ge [sflag:s20], $0x80  }
0x20: {  	[sflag:s20] =	ssyncset.done $0x0  }
0x21: {  	s17 =	rddreg [dreg:$0x4];
	[sflag:s20] =	ssyncadd.s32 $0xFFFFFF80  }
0x22: {  	[tilespmem:s21], [sflag:$0x5] =	stream.linear.gather [hbm4b:s17+s2], $0x4000, $0x38;
	[tilespmem:$0x1B980] =	vst v63  }
0x23: {  	_ =	swait.ge [sflag:s20], $0x4000  }
0x24: {  	[sflag:s20] =	ssyncset.done $0x0  }
0x25: {  	[sflag:s20] =	ssyncadd.s32 $0xFFFFC000  }
0x26: {  	[tilespmem:s22], [sflag:$0x2] =	stream.linear.gather [hbm4b:s9+s2], $0x80, $0x38;
	[tilespmem:$0x1B980] =	vst v63  }
0x27: {  	_ = 	snop  }
0x28: {  	[tilespmem:s23], [sflag:$0x4] =	stream.linear.gather [hbm4b:s10+s2], $0x4000, $0x38;
	[tilespmem:$0x1B980] =	vst v63  }
0x29: {  	_ = 	snop  }
0x2a: {  	[spmem:s1] =	stream.indirect.scatter.add.f32 [tilespmem:s21], [sflag:$0x5], $0x80, s2, s22, $0xb8;
	[tilespmem:$0x1B980] =	vst v63  }
0x2b: {  	_ =	swait.ge [sflag:s20], $0x4000  }
0x2c: {  	[sflag:s20] =	ssyncset.done $0x0  }
0x2d: {  	[sflag:s20] =	ssyncadd.s32 $0xFFFFC000  }
0x2e: {  	_ =	swait.ge [sflag:s24], $0x80  }
0x2f: {  	[sflag:s24] =	ssyncset.done $0x0  }
0x30: {  	[sflag:s24] =	ssyncadd.s32 $0xFFFFFF80  }
0x31: {  	_ =	swait.ge [sflag:s25], $0x4000  }
0x32: {  	[sflag:s25] =	ssyncset.done $0x0  }
0x33: {  	[sflag:s25] =	ssyncadd.s32 $0xFFFFC000  }
0x34: {  	[tilespmem:s2], [sflag:$0x1] =	stream.linear.gather [hbm4b:s11+s2], $0x80, $0x38;
	[tilespmem:$0x1B980] =	vst v63  }
0x35: {  	_ = 	snop  }
0x36: {  	[tilespmem:s21], [sflag:$0x3] =	stream.linear.gather [hbm4b:s12+s2], $0x4000, $0x38;
	[tilespmem:$0x1B980] =	vst v63  }
0x37: {  	_ = 	snop  }
0x38: {  	[spmem:s1] =	stream.indirect.scatter.add.f32 [tilespmem:s23], [sflag:$0x5], $0x80, s22, s22, $0xb8;
	[tilespmem:$0x1B980] =	vst v63  }
0x39: {  	_ =	swait.ge [sflag:s20], $0x4000  }
0x3a: {  	[sflag:s20] =	ssyncset.done $0x0  }
0x3b: {  	[sflag:s20] =	ssyncadd.s32 $0xFFFFC000  }
0x3c: {  	_ =	swait.ge [sflag:s26], $0x80  }
0x3d: {  	s6 =	simm.s32 $0x20;
	[sflag:s26] =	ssyncset.done $0x0  }
0x3e: {  	s30 =	sadd.s32 $0x20, s16;
	s17 =	sand.u32 $0x60, s6;
	[sflag:s26] =	ssyncadd.s32 $0xFFFFFF80  }
0x3f: {  	s30 =	sand.u32 $0xFFFFF80, s30;
	s17 =	sadd.s32 s17, s3;
	_ =	swait.ge [sflag:s28], $0x4000  }
0x40: {  	s17 =	sadd.s32 s30, s17;
	[sflag:s28] =	ssyncset.done $0x0  }
0x41: {  	s17 =	sadd.s32 $0x10, s17;
	[sflag:s28] =	ssyncadd.s32 $0xFFFFC000  }
0x42: {  	[tilespmem:s22], [sflag:$0x2] =	stream.linear.gather [hbm4b:s17+s2], $0x80, $0x38;
	[tilespmem:$0x1B980] =	vst v63  }
0x43: {  	_ = 	snop  }
0x44: {  	[tilespmem:s23], [sflag:$0x4] =	stream.linear.gather [hbm4b:s0+s2], $0x4000, $0x38;
	[tilespmem:$0x1B980] =	vst v63  }
0x45: {  	_ = 	snop  }
0x46: {  	[spmem:s1] =	stream.indirect.scatter.add.f32 [tilespmem:s21], [sflag:$0x5], $0x80, s2, s22, $0xb8;
	[tilespmem:$0x1B980] =	vst v63  }
0x47: {  	_ =	swait.ge [sflag:s20], $0x4000  }
0x48: {  	[sflag:s20] =	ssyncset.done $0x0  }
0x49: {  	[sflag:s20] =	ssyncadd.s32 $0xFFFFC000  }
0x4a: {  	_ =	swait.ge [sflag:s24], $0x80  }
0x4b: {  	[sflag:s24] =	ssyncset.done $0x0  }
0x4c: {  	[sflag:s24] =	ssyncadd.s32 $0xFFFFFF80  }
0x4d: {  	_ =	swait.ge [sflag:s25], $0x4000  }
0x4e: {  	[sflag:s25] =	ssyncset.done $0x0  }
0x4f: {  	s7 =	sadd.s32 $0x40, s18;
	[sflag:s25] =	ssyncadd.s32 $0xFFFFC000  }
0x50: {  	[tilespmem:s2], [sflag:$0x1] =	stream.linear.gather [hbm4b:s7+s2], $0x80, $0x38;
	[tilespmem:$0x1B980] =	vst v63  }
0x51: {  	_ = 	snop  }
0x52: {  	[tilespmem:s21], [sflag:$0x3] =	stream.linear.gather [hbm4b:s15+s2], $0x4000, $0x38;
	[tilespmem:$0x1B980] =	vst v63  }
0x53: {  	_ = 	snop  }
0x54: {  	[spmem:s1] =	stream.indirect.scatter.add.f32 [tilespmem:s23], [sflag:$0x5], $0x80, s22, s22, $0xb8;
	[tilespmem:$0x1B980] =	vst v63  }
0x55: {  	s31 =	smov.u32 s15;
	_ =	swait.ge [sflag:s20], $0x4000  }
0x56: {  	s30 =	simm.s32 $0x60;
	s17 =	smov.u32 s0;
	[sflag:s20] =	ssyncset.done $0x0  }
.LBB2_2:
0x57: {  	[sflag:s20] =	ssyncadd.s32 $0xFFFFC000;
	s31 =	sadd.s32 $0x1000, s31;
	s17 =	sadd.s32 $0x1000, s17  }
0x58: {  	p1 =	sne.s32 s30, $0x260;
	s4 =	smov.u32 s30;
	s30 =	sadd.s32 $0x20, s30  }
0x59: {  	_ =	swait.ge [sflag:s26], $0x80  }
0x5a: {  	s6 =	sadd.s32 $0xFFFFFFE0, s4;
	[sflag:s26] =	ssyncset.done $0x0  }
0x5b: {  	s7 =	sadd.s32 s16, s6;
	s6 =	sand.u32 $0x60, s6;
	[sflag:s26] =	ssyncadd.s32 $0xFFFFFF80  }
0x5c: {  	s7 =	sand.u32 $0xFFFFF80, s7;
	s6 =	sadd.s32 s6, s3;
	_ =	swait.ge [sflag:s28], $0x4000  }
0x5d: {  	s6 =	sadd.s32 s7, s6;
	[sflag:s28] =	ssyncset.done $0x0  }
0x5e: {  	s6 =	sadd.s32 $0x10, s6;
	[sflag:s28] =	ssyncadd.s32 $0xFFFFC000  }
0x5f: {  	[tilespmem:s22], [sflag:$0x2] =	stream.linear.gather [hbm4b:s6+s2], $0x80, $0x38;
	[tilespmem:$0x1B980] =	vst v63  }
0x60: {  	_ = 	snop  }
0x61: {  	[tilespmem:s23], [sflag:$0x4] =	stream.linear.gather [hbm4b:s17+s2], $0x4000, $0x38;
	[tilespmem:$0x1B980] =	vst v63  }
0x62: {  	_ = 	snop  }
0x63: {  	[spmem:s1] =	stream.indirect.scatter.add.f32 [tilespmem:s21], [sflag:$0x5], $0x80, s2, s22, $0xb8;
	[tilespmem:$0x1B980] =	vst v63  }
0x64: {  	_ =	swait.ge [sflag:s20], $0x4000  }
0x65: {  	[sflag:s20] =	ssyncset.done $0x0  }
0x66: {  	[sflag:s20] =	ssyncadd.s32 $0xFFFFC000  }
0x67: {  	_ =	swait.ge [sflag:s24], $0x80  }
0x68: {  	[sflag:s24] =	ssyncset.done $0x0  }
0x69: {  	[sflag:s24] =	ssyncadd.s32 $0xFFFFFF80  }
0x6a: {  	_ =	swait.ge [sflag:s25], $0x4000  }
0x6b: {  	[sflag:s25] =	ssyncset.done $0x0  }
0x6c: {  	s4 =	sadd.s32 s4, s18;
	[sflag:s25] =	ssyncadd.s32 $0xFFFFC000  }
0x6d: {  	[tilespmem:s2], [sflag:$0x1] =	stream.linear.gather [hbm4b:s4+s2], $0x80, $0x38;
	[tilespmem:$0x1B980] =	vst v63  }
0x6e: {  	_ = 	snop  }
0x6f: {  	[tilespmem:s21], [sflag:$0x3] =	stream.linear.gather [hbm4b:s31+s2], $0x4000, $0x38;
	[tilespmem:$0x1B980] =	vst v63  }
.Ltmp0:
0x70: {  	_ = 	snop;
	(pc) =	sbr.rel @p1 .LBB2_2-.Ltmp0, $4  }
0x71: {  	_ = 	snop  }
0x72: {  	[spmem:s1] =	stream.indirect.scatter.add.f32 [tilespmem:s23], [sflag:$0x5], $0x80, s22, s22, $0xb8;
	[tilespmem:$0x1B980] =	vst v63  }
0x73: {  	_ =	swait.ge [sflag:s20], $0x4000  }
0x74: {  	[sflag:s20] =	ssyncset.done $0x0  }
0x75: {  	[sflag:s20] =	ssyncadd.s32 $0xFFFFC000  }
0x76: {  	_ =	swait.ge [sflag:s26], $0x80  }
0x77: {  	[sflag:s26] =	ssyncset.done $0x0  }
0x78: {  	[sflag:s26] =	ssyncadd.s32 $0xFFFFFF80  }
0x79: {  	_ =	swait.ge [sflag:s28], $0x4000  }
0x7a: {  	[sflag:s28] =	ssyncset.done $0x0  }
0x7b: {  	[sflag:s28] =	ssyncadd.s32 $0xFFFFC000  }
0x7c: {  	[tilespmem:s22], [sflag:$0x2] =	stream.linear.gather [hbm4b:s13+s2], $0x80, $0x38;
	[tilespmem:$0x1B980] =	vst v63  }
0x7d: {  	_ = 	snop  }
0x7e: {  	[tilespmem:s23], [sflag:$0x4] =	stream.linear.gather [hbm4b:s14+s2], $0x4000, $0x38;
	[tilespmem:$0x1B980] =	vst v63  }
0x7f: {  	_ = 	snop  }
0x80: {  	[spmem:s1] =	stream.indirect.scatter.add.f32 [tilespmem:s21], [sflag:$0x5], $0x80, s2, s22, $0xb8;
	[tilespmem:$0x1B980] =	vst v63  }
0x81: {  	_ =	swait.ge [sflag:s20], $0x4000  }
0x82: {  	[sflag:s20] =	ssyncset.done $0x0  }
0x83: {  	[sflag:s20] =	ssyncadd.s32 $0xFFFFC000  }
0x84: {  	_ =	swait.ge [sflag:s24], $0x80  }
0x85: {  	[sflag:s24] =	ssyncset.done $0x0  }
0x86: {  	[sflag:s24] =	ssyncadd.s32 $0xFFFFFF80  }
0x87: {  	_ =	swait.ge [sflag:s25], $0x4000  }
0x88: {  	[sflag:s25] =	ssyncset.done $0x0  }
0x89: {  	[sflag:s25] =	ssyncadd.s32 $0xFFFFC000  }
0x8a: {  	[spmem:s1] =	stream.indirect.scatter.add.f32 [tilespmem:s23], [sflag:$0x5], $0x80, s22, s22, $0xb8;
	[tilespmem:$0x1B980] =	vst v63  }
0x8b: {  	_ =	swait.ge [sflag:s20], $0x4000  }
0x8c: {  	[sflag:s20] =	ssyncset.done $0x0  }
0x8d: {  	[sflag:s20] =	ssyncadd.s32 $0xFFFFC000  }
0x8e: {  	s29 =	sadd.s32 $0x1, s29;
	[bflag:$0x0] =	sbarrier.arrive $0xFFFF  }
0x8f: {  	s4 =	simm.s32 @!p0 $0x1C05;
	p1 =	sne.s32 s29, s8;
	s6 =	rddreg [dreg:$0x5]  }
0x90: {  	[hbm:s6], [sflag:s4] =	dma.local @!p0 [spmem:s19], $0x27100  }
.Ltmp1:
0x91: {  	_ = 	snop;
	(pc) =	sbr.rel @p1 .LBB2_1-.Ltmp1, $4  }
0x92: {  	s4 =	simm.s32 @!p0 $0x5  }
0x93: {  	_ =	swait.ge @!p0 [sflag:s4], $0x27100  }
0x94: {  	[sflag:s4] =	ssyncset.done @!p0 $0x0  }
0x95: {  	[sflag:s4] =	ssyncadd.s32 @!p0 $0xFFFD8F00  }
0x96: {  	_ =	sfence.sel $0x180000  }
0x97: {  	[bflag:$0x0] =	sbarrier.arrive $0xFFFF  }
0x98: {  	_ =	strace $0x90000050  }
0x99: {  	[bflag:$0x2] =	sbarrier.arrive $0xFFFF  }
0x9a: {  	s0 =	rddreg [dreg:$0x2]  }
0x9b: {  	s0 =	sadd.s32 @!p0 $0x100000, s0  }
0x9c: {  	[sflag:s0] =	ssyncadd.tile.s32 @!p0 $0x1;
	_ =	shalt  }
.Lfunc_end2:
_tile_overlayer_lowered:
.L_overlay_start_2:
0x9d: {  	(tag) =	ssettag $0x2  }
0x9e: {  	s0 =	rddreg [dreg:$0x0];
	s2 =	stileid.u32  }
0x9f: {  	s1 =	rddreg [dreg:$0x1];
	p0 =	sne.s32 s2, $0x0  }
0xa0: {  	s3 =	rddreg [dreg:$0x2];
	[bflag:$0x3] =	sbarrier.arrive $0xFFFF;
	s2 =	simm.s32 @!p0 $0x1C05  }
0xa1: {  	[timem:s3], [sflag:s2] =	dma.local @!p0 [hbm:s0], s1  }
0xa2: {  	s0 =	simm.s32 @!p0 $0x5  }
0xa3: {  	_ =	swait.ge @!p0 [sflag:s0], s1  }
0xa4: {  	s1 =	ssub.s32 @!p0 $0x0, s1;
	[sflag:s0] =	ssyncset.done @!p0 $0x0  }
0xa5: {  	[sflag:s0] =	ssyncadd.s32 @!p0 s1  }
0xa6: {  	[bflag:$0x3] =	sbarrier.arrive $0xFFFF  }
0xa7: {  	_ =	shalt  }

// kernel: kernel.24.cloned.1.call-start
scs
__scs_entry_jumppad:
0x0: {  	(pc) =	sbr.rel $0x88, $3  }
0x1: {  	(tag) =	ssettag $0x0;
	lr =	simm.s32 $0x1  }
0x2: {  	[smem:$0x3F7D] =	sst lr;
	_ =	strace $0xD0000000  }
0x3: {  	_ = 	snop  }
0x4: {  	_ = 	snop  }
0x5: {  	_ = 	snop  }
0x6: {  	_ = 	snop  }
0x7: {  	_ = 	snop  }
__scs_overlays_trampoline_lowered:
0x8: {  	[smem:$0x3F8C] =	sst s0  }
0x9: {  	[smem:$0x3F8D] =	sst s1  }
0xa: {  	[smem:$0x3F8E] =	sst s2  }
0xb: {  	[smem:$0x3F8F] =	sst s3  }
0xc: {  	[smem:$0x3F90] =	sst s4  }
0xd: {  	[smem:$0x3F91] =	sst s5  }
0xe: {  	[smem:$0x3F92] =	sst s6  }
0xf: {  	[smem:$0x3F93] =	sst s7  }
0x10: {  	[smem:$0x3F94] =	sst s8  }
0x11: {  	[smem:$0x3F95] =	sst s9;
	s0 =	simm.s32 @!p0 $0x0  }
0x12: {  	s1 =	sld [smem:$0x3F7B];
	s0 =	simm.s32 @p0 $0x1  }
0x13: {  	[smem:$0x3F96] =	sst s0;
	s0 =	simm.s32 @!p1 $0x0  }
0x14: {  	s2 =	sld [smem:$0x3F7A];
	s0 =	simm.s32 @p1 $0x1  }
0x15: {  	[smem:$0x3F97] =	sst s0;
	s0 =	simm.s32 @!p2 $0x0  }
0x16: {  	s3 =	sld [smem:$0x3FDB];
	s0 =	simm.s32 @p2 $0x1  }
0x17: {  	s4 =	simm.s32 $0x1BF5;
	[smem:$0x3F99] =	sst s0  }
0x18: {  	s0 =	sld [smem:$0x3F7C];
	_ =	swait.ge [sflag:s4], $0x0  }
0x19: {  	s7 =	sld [smem:$0x3F7D]  }
0x1a: {  	s8 =	sadd.s32 $0xFFFFE003, lr  }
0x1b: {  	s9 =	sadd.s32 $0xFFFFFEF7, lr;
	s5 =	simm.s32 $0xFFFFFFFF;
	p2 =	slt.u32 s8, $0xFFFFF086  }
0x1c: {  	p1 =	slt.u32 s9, $0xF7A;
	s5 =	simm.s32 @!p2 $0x0  }
0x1d: {  	s5 =	simm.s32 @p1 $0x1;
	p0 =	seq.s32 s7, s2  }
0x1e: {  	s7 =	smul.u32 @!p0 $0xF7A, s2;
	p2 =	seq.s32 @!p0 s5, $0x0  }
0x1f: {  	s9 =	smul.u32 $0xF7A, s1;
	s8 =	simm.s32 @!p0 $0x1BF5;
	p2 =	por !p2, p0  }
0x20: {  	[sflag:s8] =	ssyncset.s32 @!p0 $0xFFFFF086;
	s6 =	sadd.s32 @!p0 s3, s7;
	s7 =	simm.s32 @!p0 $0x108  }
0x21: {  	s3 =	sadd.s32 s3, s9;
	s6 =	sadd.s32 @!p0 $0x88, s6;
	s7 =	simm.s32 @p2 $0x1082  }
0x22: {  	[simem:s7], [sflag:s8] =	dma.local @!p0 [hbm:s6], $0xF7A  }
0x23: {  	s9 =	sor.u32 $0xD0000000, s2;
	s6 =	simm.s32 $0x108;
	_ =	swait.ge @!p0 [sflag:s8], $0x0  }
0x24: {  	s3 =	sadd.s32 $0x88, s3;
	s6 =	simm.s32 @!p1 $0x1082;
	[sflag:s4] =	ssyncset.s32 $0xFFFFF086  }
0x25: {  	[simem:s6], [sflag:s4] =	dma.local [hbm:s3], $0xF7A  }
0x26: {  	[smem:$0x3F7D] =	sst s1;
	(tag) =	ssettag s2;
	_ =	strace s9  }
0x27: {  	s1 =	sld [smem:$0x3F8D]  }
0x28: {  	s2 =	sld [smem:$0x3F8E]  }
0x29: {  	s4 =	sld [smem:$0x3F90]  }
0x2a: {  	p0 =	seq.s32 s5, $0x0;
	s5 =	sld [smem:$0x3F91]  }
0x2b: {  	s6 =	sld [smem:$0x3F92]  }
0x2c: {  	s7 =	sld [smem:$0x3F93]  }
0x2d: {  	s3 =	simm.s32 $0x108;
	s8 =	sld [smem:$0x3F94]  }
0x2e: {  	s3 =	simm.s32 @!p0 $0x1082;
	s9 =	sld [smem:$0x3F95]  }
0x2f: {  	lr =	sadd.s32 s0, s3;
	s0 =	sld [smem:$0x3F8C]  }
0x30: {  	s3 =	sld [smem:$0x3F8F]  }
0x31: {  	[smem:$0x3F98] =	sst s10  }
0x32: {  	s10 =	sld [smem:$0x3F96];
	_ =	sdelay $0x3  }
0x33: {  	p0 =	seq.s32 s10, $0x1;
	s10 =	sld [smem:$0x3F98];
	_ =	sdelay $0x3  }
0x34: {  	[smem:$0x3F98] =	sst s10  }
0x35: {  	s10 =	sld [smem:$0x3F97];
	_ =	sdelay $0x3  }
0x36: {  	p1 =	seq.s32 s10, $0x1;
	s10 =	sld [smem:$0x3F98];
	_ =	sdelay $0x3  }
0x37: {  	[smem:$0x3F98] =	sst s10  }
0x38: {  	s10 =	sld [smem:$0x3F99]  }
0x39: {  	_ = 	snop;
	(pc) =	sbr.ind lr, $3  }
0x3a: {  	_ = 	snop  }
0x3b: {  	_ = 	snop  }
0x3c: {  	p2 =	seq.s32 s10, $0x1;
	s10 =	sld [smem:$0x3F98]  }
0x3d: {  	_ =	shalt  }
0x3e: {  	_ =	shalt  }
0x3f: {  	_ =	shalt  }
0x40: {  	_ =	shalt  }
0x41: {  	_ =	shalt  }
0x42: {  	_ =	shalt  }
0x43: {  	_ =	shalt  }
0x44: {  	_ =	shalt  }
0x45: {  	_ =	shalt  }
0x46: {  	_ =	shalt  }
0x47: {  	_ =	shalt  }
0x48: {  	_ =	shalt  }
0x49: {  	_ =	shalt  }
0x4a: {  	_ =	shalt  }
0x4b: {  	_ =	shalt  }
0x4c: {  	_ =	shalt  }
0x4d: {  	_ =	shalt  }
0x4e: {  	_ =	shalt  }
0x4f: {  	_ =	shalt  }
0x50: {  	_ =	shalt  }
0x51: {  	_ =	shalt  }
0x52: {  	_ =	shalt  }
0x53: {  	_ =	shalt  }
0x54: {  	_ =	shalt  }
0x55: {  	_ =	shalt  }
0x56: {  	_ =	shalt  }
0x57: {  	_ =	shalt  }
0x58: {  	_ =	shalt  }
0x59: {  	_ =	shalt  }
0x5a: {  	_ =	shalt  }
0x5b: {  	_ =	shalt  }
0x5c: {  	_ =	shalt  }
0x5d: {  	_ =	shalt  }
0x5e: {  	_ =	shalt  }
0x5f: {  	_ =	shalt  }
0x60: {  	_ =	shalt  }
0x61: {  	_ =	shalt  }
0x62: {  	_ =	shalt  }
0x63: {  	_ =	shalt  }
0x64: {  	_ =	shalt  }
0x65: {  	_ =	shalt  }
0x66: {  	_ =	shalt  }
0x67: {  	_ =	shalt  }
0x68: {  	_ =	shalt  }
0x69: {  	_ =	shalt  }
0x6a: {  	_ =	shalt  }
0x6b: {  	_ =	shalt  }
0x6c: {  	_ =	shalt  }
0x6d: {  	_ =	shalt  }
0x6e: {  	_ =	shalt  }
0x6f: {  	_ =	shalt  }
0x70: {  	_ =	shalt  }
0x71: {  	_ =	shalt  }
0x72: {  	_ =	shalt  }
0x73: {  	_ =	shalt  }
0x74: {  	_ =	shalt  }
0x75: {  	_ =	shalt  }
0x76: {  	_ =	shalt  }
0x77: {  	_ =	shalt  }
0x78: {  	_ =	shalt  }
0x79: {  	_ =	shalt  }
0x7a: {  	_ =	shalt  }
0x7b: {  	_ =	shalt  }
0x7c: {  	_ =	shalt  }
0x7d: {  	_ =	shalt  }
0x7e: {  	_ =	shalt  }
0x7f: {  	_ =	shalt  }
0x80: {  	_ =	shalt  }
0x81: {  	_ =	shalt  }
0x82: {  	_ =	shalt  }
0x83: {  	_ =	shalt  }
0x84: {  	_ =	shalt  }
0x85: {  	_ =	shalt  }
0x86: {  	_ =	shalt  }
0x87: {  	_ =	shalt  }
.Lfunc_end0:
.L_simem_size_0:
called_computation.2_lowered:
.L_overlay_start_0:
0x88: {  	s2 =	sld [smem:$0x3FD9]  }
0x89: {  	s3 =	sld [smem:$0x3FFE];
	_ =	sdelay $0x1  }
0x8a: {  	s1 =	srdreg.scid  }
0x8b: {  	s0 =	sand.u32 $0x1, s1  }
0x8c: {  	s16 =	sshll.u32 s0, $0xA;
	s2 =	sadd.s32 s3, s2  }
0x8d: {  	s2 =	sadd.s32 s2, s16  }
0x8e: {  	[smem:$0x3FA4] =	sst s2  }
0x8f: {  	_ = 	snop  }
0x90: {  	(tm) =	ssettm $0x1  }
0x91: {  	s17 =	sld [smem:$0x3FFB];
	_ =	sdelay $0x3  }
0x92: {  	_ =	strace s17  }
0x93: {  	s2 =	sld [smem:$0x3FFC];
	_ =	sdelay $0x3  }
0x94: {  	_ =	strace s2  }
0x95: {  	s2 =	sld [smem:$0x3FFD];
	_ =	sdelay $0x3  }
0x96: {  	_ =	strace s2  }
0x97: {  	_ =	strace $0x8FFFFFFF  }
0x98: {  	s18 =	sld [smem:$0x3FDB];
	_ =	sdelay $0x1  }
0x99: {  	s19 =	simm.s32 $_scs_section_size  }
0x9a: {  	s4 =	simm.s32 $_size__tile_overlayer_lowered;
	s5 =	simm.s32 $_tile_overlayer_lowered  }
0x9b: {  	s22 =	simm.s32 $0x1BFF;
	s21 =	sshll.u32 s5, $0x1;
	s2 =	sadd.s32 s19, s18  }
0x9c: {  	s6 =	simm.s32 $0x0;
	s20 =	sshll.u32 s4, $0x1;
	s4 =	sadd.s32 s21, s2  }
0x9d: {  	[timem:s6], [sflag:s22] =	dma.local [hbm:s4], s20  }
0x9e: {  	_ =	swait.ge [sflag:s22], s20  }
0x9f: {  	s3 =	ssub.s32 $0x0, s20;
	[sflag:s22] =	ssyncset.done $0x0  }
0xa0: {  	[sflag:s22] =	ssyncadd.s32 s3;
	_ =	sdelay $0x1  }
0xa1: {  	s23 =	simm.s32 $0x1B8B  }
0xa2: {  	_ =	swait.ge [sflag:s23], $0x1  }
0xa3: {  	[sflag:s23] =	ssyncset.done $0x0  }
0xa4: {  	s25 =	simm.s32 $0x1B8E;
	s24 =	sld [smem:$0x3FFE];
	[sflag:s23] =	ssyncadd.s32 $0xFFFFFFFF  }
0xa5: {  	s26 =	simm.s32 $execute0_lowered;
	[smem:$0x3FD2] =	sst s25  }
0xa6: {  	s4 =	sshll.u32 s26, $0x1;
	_ =	strace $0x80000046;
	[dreg:$0x1] =	wrdreg $0xFFFFFFFF  }
0xa7: {  	s28 =	simm.s32 $_size_execute0_lowered;
	s2 =	sadd.s32 s2, s4;
	[dreg:$0x0] =	wrdreg $0x0  }
0xa8: {  	s4 =	sshll.u32 s28, $0x1;
	[dreg:$0x2] =	wrdreg s2  }
0xa9: {  	[dreg:$0x3] =	wrdreg s4  }
0xaa: {  	[dreg:$0x4] =	wrdreg $0xC0  }
0xab: {  	_ =	task [dreg:s6], $0x5FFFF  }
0xac: {  	[dreg:$0x1] =	wrdreg $0xFFFFFFFF  }
0xad: {  	[dreg:$0x0] =	wrdreg $0x60  }
0xae: {  	[dreg:$0x2] =	wrdreg s24  }
0xaf: {  	[dreg:$0x3] =	wrdreg $0x81000  }
0xb0: {  	[dreg:$0x4] =	wrdreg $0xA  }
0xb1: {  	_ =	task.clear_ibuf [dreg:s6], $0x5FFFF;
	_ =	strace $0x90000046  }
0xb2: {  	s29 =	simm.s32 $0xA;
	_ =	strace $0x80000048  }
0xb3: {  	_ =	swait.ge [sflag:s29], $0x1  }
0xb4: {  	[sflag:s29] =	ssyncadd.s32 $0xFFFFFFFF  }
0xb5: {  	_ =	strace $0x90000048  }
0xb6: {  	_ =	sfence  }
0xb7: {  	s30 =	sld [smem:$0x0];
	_ =	sdelay $0x2  }
0xb8: {  	s31 =	sshll.u32 s1, $0xD;
	s1 =	sshrl.u32 s1, $0x2  }
0xb9: {  	s3 =	sand.u32 $0x4000, s31;
	s1 =	sadd.s32 s1, s30  }
0xba: {  	s0 =	sor.u32 s3, s0;
	s1 =	sshll.u32 s1, $0x11  }
0xbb: {  	s0 =	sor.u32 s1, s0  }
0xbc: {  	s0 =	sadd.s32 $0x8F2B, s0  }
0xbd: {  	[sflag:s0] =	ssyncadd.remote.s32 $0x1  }
0xbe: {  	_ =	sfence.sel $0xFFFF  }
0xbf: {  	[dreg:$0x0] =	wrdreg $0xFFFFFFFF;
	(pc) =	sbr.abs _section_cstart, $3  }
0xc0: {  	[dreg:$0x1] =	wrdreg $0xFFFFFFFF  }
0xc1: {  	_ =	task.clear_ibuf [dreg:s6], $0x2FFFF;
	_ =	strace $0x9FFFFFFF  }
0xc2: {  	(tm) =	ssettm $0x7FFFFFFF  }
0xc3: {  	_ =	shalt  }
tec
execute0_lowered:
.L_overlay_start_1:
0x0: {  	(tag) =	ssettag $0x1  }
0x1: {  	s0 =	rddreg [dreg:$0x0]  }
0x2: {  	s1 =	rddreg [dreg:$0x1];
	s2 =	simm.s32 $0x0;
	s3 =	srdreg.scid  }
0x3: {  	s15 =	stileid.u32;
	s22 =	simm.s32 $0x4;
	s23 =	simm.s32 $0x1  }
0x4: {  	s24 =	simm.s32 $0x5;
	s25 =	simm.s32 $0x2;
	s28 =	simm.s32 $0x0  }
0x5: {  	[smem:$0x7FF] =	sst s2;
	s12 =	sand.u32 $0x1, s3;
	s4 =	sshll.u32 s15, $0x1  }
0x6: {  	s26 =	sadd.s32 $0x1C800, s0;
	s13 =	sadd.s32 $0x8800, s0;
	s17 =	smul.u32 $0x500, s15  }
0x7: {  	s14 =	sadd.s32 $0x12800, s0;
	s16 =	sadd.s32 $0x6AC00, s0;
	s18 =	smul.u32 $0x140000, s15  }
0x8: {  	s0 =	sadd.s32 $0x2EAC00, s0;
	p0 =	sne.s32 s15, $0x0;
	s20 =	smul.u32 $0xA0000, s12  }
0x9: {  	_ =	strace $0x80000047;
	s4 =	sor.u32 s12, s4;
	s21 =	smul.u32 $0x280, s12  }
0xa: {  	[dreg:$0x3] =	wrdreg s26;
	s6 =	ssub.s32 $0x2, s12;
	s5 =	smul.u32 $0x280, s4  }
0xb: {  	s26 =	simm.s32 $0x6;
	s7 =	sshrl.u32 s6, $0x1;
	s8 =	smul.u32 $0xA0000, s4  }
0xc: {  	s6 =	ssub.s32 s6, s7;
	s18 =	sadd.s32 s20, s18;
	s20 =	simm.s32 $0x3  }
0xd: {  	s5 =	sadd.s32 $0x5000, s5;
	s29 =	smax.u32 s6, $0x1;
	s10 =	sshrl.u32 s8, $0x3  }
0xe: {  	s18 =	sor.u32 $0x4000, s18;
	s4 =	sadd.s32 s13, s5;
	s5 =	sadd.s32 s14, s5  }
0xf: {  	[dreg:$0x4] =	wrdreg s29;
	s8 =	sadd.s32 s16, s10;
	s19 =	sadd.s32 $0x13800, s10  }
0x10: {  	s10 =	sadd.s32 s0, s10;
	s14 =	sadd.s32 s17, s14;
	s17 =	sadd.s32 s17, s13  }
0x11: {  	s31 =	sshrl.u32 s18, $0x3;
	s18 =	simm.s32 $0x80;
	s7 =	sadd.s32 $0x10, s4  }
0x12: {  	s9 =	sadd.s32 $0x10, s5;
	s11 =	sadd.s32 s16, s19;
	s12 =	sadd.s32 s0, s19  }
0x13: {  	s14 =	sadd.s32 s21, s14;
	s30 =	sadd.s32 s21, s17;
	s0 =	sadd.s32 s31, s0  }
0x14: {  	s16 =	sadd.s32 s31, s16;
	s17 =	simm.s32 $0x7;
	s19 =	simm.s32 $0x100  }
0x15: {  	s21 =	simm.s32 $0x4100;
	s13 =	sadd.s32 $0x5020, s14;
	s14 =	sadd.s32 $0x5020, s30  }
.LBB2_1:
0x16: {  	s15 =	sshrl.u32 @!p0 s1, $0x3;
	s29 =	simm.s32 @!p0 $0x1C07;
	s3 =	rddreg [dreg:$0x3]  }
0x17: {  	[spmem:s15], [sflag:s29] =	dma.local @!p0 [hbm:s3], $0x27100  }
0x18: {  	s15 =	simm.s32 @!p0 $0x7  }
0x19: {  	_ =	swait.ge @!p0 [sflag:s15], $0x27100  }
0x1a: {  	[sflag:s15] =	ssyncset.done @!p0 $0x0  }
0x1b: {  	[sflag:s15] =	ssyncadd.s32 @!p0 $0xFFFD8F00  }
0x1c: {  	[bflag:$0x0] =	sbarrier.arrive $0xFFFF  }
0x1d: {  	[tilespmem:s2], [sflag:$0x7] =	stream.linear.gather [hbm4b:s4+s2], $0x80, $0x38;
	[tilespmem:$0x1B980] =	vst v63  }
0x1e: {  	_ =	swait.ge [sflag:s17], $0x80  }
0x1f: {  	[sflag:s17] =	ssyncset.done $0x0  }
0x20: {  	[sflag:s17] =	ssyncadd.s32 $0xFFFFFF80  }
0x21: {  	[tilespmem:s18], [sflag:$0x7] =	stream.linear.gather [hbm4b:s5+s2], $0x80, $0x38;
	[tilespmem:$0x1B980] =	vst v63  }
0x22: {  	_ =	swait.ge [sflag:s17], $0x80  }
0x23: {  	[sflag:s17] =	ssyncset.done $0x0  }
0x24: {  	[sflag:s17] =	ssyncadd.s32 $0xFFFFFF80  }
0x25: {  	[tilespmem:s19], [sflag:$0x3] =	stream.indirect.gather [spmem:s1], $0x80, s2, s18, $0xb8;
	[tilespmem:$0x1B980] =	vst v63  }
0x26: {  	_ =	swait.ge [sflag:s20], $0x4000  }
0x27: {  	[sflag:s20] =	ssyncset.done $0x0  }
0x28: {  	[sflag:s20] =	ssyncadd.s32 $0xFFFFC000  }
0x29: {  	[tilespmem:s2], [sflag:$0x1] =	stream.linear.gather [hbm4b:s7+s2], $0x80, $0x38;
	[tilespmem:$0x1B980] =	vst v63  }
0x2a: {  	_ = 	snop  }
0x2b: {  	[hbm4b:s8+s2] =	stream.linear.scatter [tilespmem:s19], [sflag:$0x5], $0x4000, $0x38;
	[tilespmem:$0x1B980] =	vst v63  }
0x2c: {  	_ = 	snop  }
0x2d: {  	[tilespmem:s21], [sflag:$0x4] =	stream.indirect.gather [spmem:s1], $0x80, s18, s18, $0xb8;
	[tilespmem:$0x1B980] =	vst v63  }
0x2e: {  	_ =	swait.ge [sflag:s22], $0x4000  }
0x2f: {  	[sflag:s22] =	ssyncset.done $0x0  }
0x30: {  	[sflag:s22] =	ssyncadd.s32 $0xFFFFC000  }
0x31: {  	[tilespmem:s18], [sflag:$0x2] =	stream.linear.gather [hbm4b:s9+s2], $0x80, $0x38;
	[tilespmem:$0x1B980] =	vst v63  }
0x32: {  	_ = 	snop  }
0x33: {  	[hbm4b:s10+s2] =	stream.linear.scatter [tilespmem:s21], [sflag:$0x6], $0x4000, $0x38;
	[tilespmem:$0x1B980] =	vst v63  }
0x34: {  	_ =	swait.ge [sflag:s23], $0x80  }
0x35: {  	[sflag:s23] =	ssyncset.done $0x0  }
0x36: {  	[sflag:s23] =	ssyncadd.s32 $0xFFFFFF80  }
0x37: {  	_ =	swait.ge [sflag:s24], $0x4000  }
0x38: {  	[sflag:s24] =	ssyncset.done $0x0  }
0x39: {  	[sflag:s24] =	ssyncadd.s32 $0xFFFFC000  }
0x3a: {  	[tilespmem:s19], [sflag:$0x3] =	stream.indirect.gather [spmem:s1], $0x80, s2, s18, $0xb8;
	[tilespmem:$0x1B980] =	vst v63  }
0x3b: {  	_ =	swait.ge [sflag:s20], $0x4000  }
0x3c: {  	[sflag:s20] =	ssyncset.done $0x0  }
0x3d: {  	s3 =	sadd.s32 $0x0, s14;
	[sflag:s20] =	ssyncadd.s32 $0xFFFFC000  }
0x3e: {  	[tilespmem:s2], [sflag:$0x1] =	stream.linear.gather [hbm4b:s3+s2], $0x80, $0x38;
	[tilespmem:$0x1B980] =	vst v63  }
0x3f: {  	_ = 	snop  }
0x40: {  	[hbm4b:s16+s2] =	stream.linear.scatter [tilespmem:s19], [sflag:$0x5], $0x4000, $0x38;
	[tilespmem:$0x1B980] =	vst v63  }
0x41: {  	_ =	swait.ge [sflag:s25], $0x80  }
0x42: {  	[sflag:s25] =	ssyncset.done $0x0  }
0x43: {  	[sflag:s25] =	ssyncadd.s32 $0xFFFFFF80  }
0x44: {  	_ =	swait.ge [sflag:s26], $0x4000  }
0x45: {  	[sflag:s26] =	ssyncset.done $0x0  }
0x46: {  	[sflag:s26] =	ssyncadd.s32 $0xFFFFC000  }
0x47: {  	[tilespmem:s21], [sflag:$0x4] =	stream.indirect.gather [spmem:s1], $0x80, s18, s18, $0xb8;
	[tilespmem:$0x1B980] =	vst v63  }
0x48: {  	s6 =	sadd.s32 $0x0, s13;
	_ =	swait.ge [sflag:s22], $0x4000  }
0x49: {  	s30 =	sadd.s32 $0x800, s0;
	s31 =	sadd.s32 $0x800, s16;
	[sflag:s22] =	ssyncset.done $0x0  }
0x4a: {  	s29 =	simm.s32 $0x10;
	s15 =	smov.u32 s0;
	[sflag:s22] =	ssyncadd.s32 $0xFFFFC000  }
0x4b: {  	[tilespmem:s18], [sflag:$0x2] =	stream.linear.gather [hbm4b:s6+s2], $0x80, $0x38;
	[tilespmem:$0x1B980] =	vst v63  }
.LBB2_2:
0x4c: {  	[hbm4b:s15+s2] =	stream.linear.scatter [tilespmem:s21], [sflag:$0x6], $0x4000, $0x38;
	[tilespmem:$0x1B980] =	vst v63  }
0x4d: {  	s3 =	smov.u32 s29;
	s15 =	smov.u32 s30  }
0x4e: {  	p1 =	sne.s32 s29, $0x250;
	s29 =	sadd.s32 $0x10, s29;
	_ =	swait.ge [sflag:s23], $0x80  }
0x4f: {  	[sflag:s23] =	ssyncset.done $0x0  }
0x50: {  	[sflag:s23] =	ssyncadd.s32 $0xFFFFFF80  }
0x51: {  	_ =	swait.ge [sflag:s24], $0x4000  }
0x52: {  	[sflag:s24] =	ssyncset.done $0x0  }
0x53: {  	[sflag:s24] =	ssyncadd.s32 $0xFFFFC000  }
0x54: {  	[tilespmem:s19], [sflag:$0x3] =	stream.indirect.gather [spmem:s1], $0x80, s2, s18, $0xb8;
	[tilespmem:$0x1B980] =	vst v63  }
0x55: {  	_ =	swait.ge [sflag:s20], $0x4000  }
0x56: {  	[sflag:s20] =	ssyncset.done $0x0  }
0x57: {  	s6 =	sadd.s32 s3, s14;
	[sflag:s20] =	ssyncadd.s32 $0xFFFFC000  }
0x58: {  	[tilespmem:s2], [sflag:$0x1] =	stream.linear.gather [hbm4b:s6+s2], $0x80, $0x38;
	[tilespmem:$0x1B980] =	vst v63  }
0x59: {  	_ = 	snop  }
0x5a: {  	[hbm4b:s31+s2] =	stream.linear.scatter [tilespmem:s19], [sflag:$0x5], $0x4000, $0x38;
	[tilespmem:$0x1B980] =	vst v63  }
0x5b: {  	_ =	swait.ge [sflag:s25], $0x80  }
0x5c: {  	[sflag:s25] =	ssyncset.done $0x0  }
0x5d: {  	[sflag:s25] =	ssyncadd.s32 $0xFFFFFF80  }
0x5e: {  	_ =	swait.ge [sflag:s26], $0x4000  }
0x5f: {  	[sflag:s26] =	ssyncset.done $0x0  }
0x60: {  	[sflag:s26] =	ssyncadd.s32 $0xFFFFC000  }
0x61: {  	[tilespmem:s21], [sflag:$0x4] =	stream.indirect.gather [spmem:s1], $0x80, s18, s18, $0xb8;
	[tilespmem:$0x1B980] =	vst v63  }
.Ltmp0:
0x62: {  	_ =	swait.ge [sflag:s22], $0x4000;
	(pc) =	sbr.rel @p1 .LBB2_2-.Ltmp0, $4  }
0x63: {  	[sflag:s22] =	ssyncset.done $0x0  }
0x64: {  	s3 =	sadd.s32 s3, s13;
	[sflag:s22] =	ssyncadd.s32 $0xFFFFC000  }
0x65: {  	[tilespmem:s18], [sflag:$0x2] =	stream.linear.gather [hbm4b:s3+s2], $0x80, $0x38;
	[tilespmem:$0x1B980] =	vst v63  }
0x66: {  	s30 =	sadd.s32 $0x800, s30;
	s31 =	sadd.s32 $0x800, s31  }
0x67: {  	[hbm4b:s15+s2] =	stream.linear.scatter [tilespmem:s21], [sflag:$0x6], $0x4000, $0x38;
	[tilespmem:$0x1B980] =	vst v63  }
0x68: {  	_ =	swait.ge [sflag:s23], $0x80  }
0x69: {  	[sflag:s23] =	ssyncset.done $0x0  }
0x6a: {  	[sflag:s23] =	ssyncadd.s32 $0xFFFFFF80  }
0x6b: {  	_ =	swait.ge [sflag:s24], $0x4000  }
0x6c: {  	[sflag:s24] =	ssyncset.done $0x0  }
0x6d: {  	[sflag:s24] =	ssyncadd.s32 $0xFFFFC000  }
0x6e: {  	[tilespmem:s19], [sflag:$0x3] =	stream.indirect.gather [spmem:s1], $0x80, s2, s18, $0xb8;
	[tilespmem:$0x1B980] =	vst v63  }
0x6f: {  	_ =	swait.ge [sflag:s20], $0x4000  }
0x70: {  	[sflag:s20] =	ssyncset.done $0x0  }
0x71: {  	[sflag:s20] =	ssyncadd.s32 $0xFFFFC000  }
0x72: {  	[hbm4b:s11+s2] =	stream.linear.scatter [tilespmem:s19], [sflag:$0x5], $0x4000, $0x38;
	[tilespmem:$0x1B980] =	vst v63  }
0x73: {  	_ =	swait.ge [sflag:s25], $0x80  }
0x74: {  	[sflag:s25] =	ssyncset.done $0x0  }
0x75: {  	[sflag:s25] =	ssyncadd.s32 $0xFFFFFF80  }
0x76: {  	_ =	swait.ge [sflag:s26], $0x4000  }
0x77: {  	[sflag:s26] =	ssyncset.done $0x0  }
0x78: {  	[sflag:s26] =	ssyncadd.s32 $0xFFFFC000  }
0x79: {  	[tilespmem:s21], [sflag:$0x4] =	stream.indirect.gather [spmem:s1], $0x80, s18, s18, $0xb8;
	[tilespmem:$0x1B980] =	vst v63  }
0x7a: {  	_ =	swait.ge [sflag:s22], $0x4000  }
0x7b: {  	[sflag:s22] =	ssyncset.done $0x0  }
0x7c: {  	[sflag:s22] =	ssyncadd.s32 $0xFFFFC000  }
0x7d: {  	[hbm4b:s12+s2] =	stream.linear.scatter [tilespmem:s21], [sflag:$0x6], $0x4000, $0x38;
	[tilespmem:$0x1B980] =	vst v63  }
0x7e: {  	_ =	swait.ge [sflag:s24], $0x4000  }
0x7f: {  	[sflag:s24] =	ssyncset.done $0x0  }
0x80: {  	[sflag:s24] =	ssyncadd.s32 $0xFFFFC000  }
0x81: {  	_ =	swait.ge [sflag:s26], $0x4000  }
0x82: {  	s28 =	sadd.s32 $0x1, s28;
	s3 =	rddreg [dreg:$0x4]  }
0x83: {  	p1 =	sne.s32 s28, s3  }
.Ltmp1:
0x84: {  	_ = 	snop;
	(pc) =	sbr.rel @p1 .LBB2_1-.Ltmp1, $3  }
0x85: {  	_ =	sdelay $0x1  }
0x86: {  	[sflag:s26] =	ssyncset.done $0x0  }
0x87: {  	[sflag:s26] =	ssyncadd.s32 $0xFFFFC000  }
0x88: {  	_ =	sfence.sel $0x180000  }
0x89: {  	[bflag:$0x0] =	sbarrier.arrive $0xFFFF  }
0x8a: {  	_ =	strace $0x90000047  }
0x8b: {  	[bflag:$0x2] =	sbarrier.arrive $0xFFFF  }
0x8c: {  	s0 =	rddreg [dreg:$0x2]  }
0x8d: {  	s0 =	sadd.s32 @!p0 $0x100000, s0  }
0x8e: {  	[sflag:s0] =	ssyncadd.tile.s32 @!p0 $0x1;
	_ =	shalt  }
.Lfunc_end2:
_tile_overlayer_lowered:
.L_overlay_start_2:
0x8f: {  	(tag) =	ssettag $0x2  }
0x90: {  	s0 =	rddreg [dreg:$0x0];
	s2 =	stileid.u32  }
0x91: {  	s1 =	rddreg [dreg:$0x1];
	p0 =	sne.s32 s2, $0x0  }
0x92: {  	s3 =	rddreg [dreg:$0x2];
	[bflag:$0x3] =	sbarrier.arrive $0xFFFF;
	s2 =	simm.s32 @!p0 $0x1C07  }
0x93: {  	[timem:s3], [sflag:s2] =	dma.local @!p0 [hbm:s0], s1  }
0x94: {  	s0 =	simm.s32 @!p0 $0x7  }
0x95: {  	_ =	swait.ge @!p0 [sflag:s0], s1  }
0x96: {  	s1 =	ssub.s32 @!p0 $0x0, s1;
	[sflag:s0] =	ssyncset.done @!p0 $0x0  }
0x97: {  	[sflag:s0] =	ssyncadd.s32 @!p0 s1  }
0x98: {  	[bflag:$0x3] =	sbarrier.arrive $0xFFFF  }
0x99: {  	_ =	shalt  }

// kernel: kernel.27.cloned.1.call-start
scs
__scs_entry_jumppad:
0x0: {  	(pc) =	sbr.rel $0x88, $3  }
0x1: {  	(tag) =	ssettag $0x0;
	lr =	simm.s32 $0x1  }
0x2: {  	[smem:$0x3F7D] =	sst lr;
	_ =	strace $0xD0000000  }
0x3: {  	_ = 	snop  }
0x4: {  	_ = 	snop  }
0x5: {  	_ = 	snop  }
0x6: {  	_ = 	snop  }
0x7: {  	_ = 	snop  }
__scs_overlays_trampoline_lowered:
0x8: {  	[smem:$0x3F8C] =	sst s0  }
0x9: {  	[smem:$0x3F8D] =	sst s1  }
0xa: {  	[smem:$0x3F8E] =	sst s2  }
0xb: {  	[smem:$0x3F8F] =	sst s3  }
0xc: {  	[smem:$0x3F90] =	sst s4  }
0xd: {  	[smem:$0x3F91] =	sst s5  }
0xe: {  	[smem:$0x3F92] =	sst s6  }
0xf: {  	[smem:$0x3F93] =	sst s7  }
0x10: {  	[smem:$0x3F94] =	sst s8  }
0x11: {  	[smem:$0x3F95] =	sst s9;
	s0 =	simm.s32 @!p0 $0x0  }
0x12: {  	s1 =	sld [smem:$0x3F7B];
	s0 =	simm.s32 @p0 $0x1  }
0x13: {  	[smem:$0x3F96] =	sst s0;
	s0 =	simm.s32 @!p1 $0x0  }
0x14: {  	s2 =	sld [smem:$0x3F7A];
	s0 =	simm.s32 @p1 $0x1  }
0x15: {  	[smem:$0x3F97] =	sst s0;
	s0 =	simm.s32 @!p2 $0x0  }
0x16: {  	s3 =	sld [smem:$0x3FDB];
	s0 =	simm.s32 @p2 $0x1  }
0x17: {  	s4 =	simm.s32 $0x1BF5;
	[smem:$0x3F99] =	sst s0  }
0x18: {  	s0 =	sld [smem:$0x3F7C];
	_ =	swait.ge [sflag:s4], $0x0  }
0x19: {  	s7 =	sld [smem:$0x3F7D]  }
0x1a: {  	s8 =	sadd.s32 $0xFFFFE003, lr  }
0x1b: {  	s9 =	sadd.s32 $0xFFFFFEF7, lr;
	s5 =	simm.s32 $0xFFFFFFFF;
	p2 =	slt.u32 s8, $0xFFFFF086  }
0x1c: {  	p1 =	slt.u32 s9, $0xF7A;
	s5 =	simm.s32 @!p2 $0x0  }
0x1d: {  	s5 =	simm.s32 @p1 $0x1;
	p0 =	seq.s32 s7, s2  }
0x1e: {  	s7 =	smul.u32 @!p0 $0xF7A, s2;
	p2 =	seq.s32 @!p0 s5, $0x0  }
0x1f: {  	s9 =	smul.u32 $0xF7A, s1;
	s8 =	simm.s32 @!p0 $0x1BF5;
	p2 =	por !p2, p0  }
0x20: {  	[sflag:s8] =	ssyncset.s32 @!p0 $0xFFFFF086;
	s6 =	sadd.s32 @!p0 s3, s7;
	s7 =	simm.s32 @!p0 $0x108  }
0x21: {  	s3 =	sadd.s32 s3, s9;
	s6 =	sadd.s32 @!p0 $0x88, s6;
	s7 =	simm.s32 @p2 $0x1082  }
0x22: {  	[simem:s7], [sflag:s8] =	dma.local @!p0 [hbm:s6], $0xF7A  }
0x23: {  	s9 =	sor.u32 $0xD0000000, s2;
	s6 =	simm.s32 $0x108;
	_ =	swait.ge @!p0 [sflag:s8], $0x0  }
0x24: {  	s3 =	sadd.s32 $0x88, s3;
	s6 =	simm.s32 @!p1 $0x1082;
	[sflag:s4] =	ssyncset.s32 $0xFFFFF086  }
0x25: {  	[simem:s6], [sflag:s4] =	dma.local [hbm:s3], $0xF7A  }
0x26: {  	[smem:$0x3F7D] =	sst s1;
	(tag) =	ssettag s2;
	_ =	strace s9  }
0x27: {  	s1 =	sld [smem:$0x3F8D]  }
0x28: {  	s2 =	sld [smem:$0x3F8E]  }
0x29: {  	s4 =	sld [smem:$0x3F90]  }
0x2a: {  	p0 =	seq.s32 s5, $0x0;
	s5 =	sld [smem:$0x3F91]  }
0x2b: {  	s6 =	sld [smem:$0x3F92]  }
0x2c: {  	s7 =	sld [smem:$0x3F93]  }
0x2d: {  	s3 =	simm.s32 $0x108;
	s8 =	sld [smem:$0x3F94]  }
0x2e: {  	s3 =	simm.s32 @!p0 $0x1082;
	s9 =	sld [smem:$0x3F95]  }
0x2f: {  	lr =	sadd.s32 s0, s3;
	s0 =	sld [smem:$0x3F8C]  }
0x30: {  	s3 =	sld [smem:$0x3F8F]  }
0x31: {  	[smem:$0x3F98] =	sst s10  }
0x32: {  	s10 =	sld [smem:$0x3F96];
	_ =	sdelay $0x3  }
0x33: {  	p0 =	seq.s32 s10, $0x1;
	s10 =	sld [smem:$0x3F98];
	_ =	sdelay $0x3  }
0x34: {  	[smem:$0x3F98] =	sst s10  }
0x35: {  	s10 =	sld [smem:$0x3F97];
	_ =	sdelay $0x3  }
0x36: {  	p1 =	seq.s32 s10, $0x1;
	s10 =	sld [smem:$0x3F98];
	_ =	sdelay $0x3  }
0x37: {  	[smem:$0x3F98] =	sst s10  }
0x38: {  	s10 =	sld [smem:$0x3F99]  }
0x39: {  	_ = 	snop;
	(pc) =	sbr.ind lr, $3  }
0x3a: {  	_ = 	snop  }
0x3b: {  	_ = 	snop  }
0x3c: {  	p2 =	seq.s32 s10, $0x1;
	s10 =	sld [smem:$0x3F98]  }
0x3d: {  	_ =	shalt  }
0x3e: {  	_ =	shalt  }
0x3f: {  	_ =	shalt  }
0x40: {  	_ =	shalt  }
0x41: {  	_ =	shalt  }
0x42: {  	_ =	shalt  }
0x43: {  	_ =	shalt  }
0x44: {  	_ =	shalt  }
0x45: {  	_ =	shalt  }
0x46: {  	_ =	shalt  }
0x47: {  	_ =	shalt  }
0x48: {  	_ =	shalt  }
0x49: {  	_ =	shalt  }
0x4a: {  	_ =	shalt  }
0x4b: {  	_ =	shalt  }
0x4c: {  	_ =	shalt  }
0x4d: {  	_ =	shalt  }
0x4e: {  	_ =	shalt  }
0x4f: {  	_ =	shalt  }
0x50: {  	_ =	shalt  }
0x51: {  	_ =	shalt  }
0x52: {  	_ =	shalt  }
0x53: {  	_ =	shalt  }
0x54: {  	_ =	shalt  }
0x55: {  	_ =	shalt  }
0x56: {  	_ =	shalt  }
0x57: {  	_ =	shalt  }
0x58: {  	_ =	shalt  }
0x59: {  	_ =	shalt  }
0x5a: {  	_ =	shalt  }
0x5b: {  	_ =	shalt  }
0x5c: {  	_ =	shalt  }
0x5d: {  	_ =	shalt  }
0x5e: {  	_ =	shalt  }
0x5f: {  	_ =	shalt  }
0x60: {  	_ =	shalt  }
0x61: {  	_ =	shalt  }
0x62: {  	_ =	shalt  }
0x63: {  	_ =	shalt  }
0x64: {  	_ =	shalt  }
0x65: {  	_ =	shalt  }
0x66: {  	_ =	shalt  }
0x67: {  	_ =	shalt  }
0x68: {  	_ =	shalt  }
0x69: {  	_ =	shalt  }
0x6a: {  	_ =	shalt  }
0x6b: {  	_ =	shalt  }
0x6c: {  	_ =	shalt  }
0x6d: {  	_ =	shalt  }
0x6e: {  	_ =	shalt  }
0x6f: {  	_ =	shalt  }
0x70: {  	_ =	shalt  }
0x71: {  	_ =	shalt  }
0x72: {  	_ =	shalt  }
0x73: {  	_ =	shalt  }
0x74: {  	_ =	shalt  }
0x75: {  	_ =	shalt  }
0x76: {  	_ =	shalt  }
0x77: {  	_ =	shalt  }
0x78: {  	_ =	shalt  }
0x79: {  	_ =	shalt  }
0x7a: {  	_ =	shalt  }
0x7b: {  	_ =	shalt  }
0x7c: {  	_ =	shalt  }
0x7d: {  	_ =	shalt  }
0x7e: {  	_ =	shalt  }
0x7f: {  	_ =	shalt  }
0x80: {  	_ =	shalt  }
0x81: {  	_ =	shalt  }
0x82: {  	_ =	shalt  }
0x83: {  	_ =	shalt  }
0x84: {  	_ =	shalt  }
0x85: {  	_ =	shalt  }
0x86: {  	_ =	shalt  }
0x87: {  	_ =	shalt  }
.Lfunc_end0:
.L_simem_size_0:
called_computation.3_lowered:
.L_overlay_start_0:
0x88: {  	s2 =	sld [smem:$0x3FD9]  }
0x89: {  	s3 =	sld [smem:$0x3FFE];
	_ =	sdelay $0x1  }
0x8a: {  	s1 =	srdreg.scid  }
0x8b: {  	s0 =	sand.u32 $0x1, s1  }
0x8c: {  	s17 =	sshll.u32 s0, $0xA;
	s2 =	sadd.s32 s3, s2  }
0x8d: {  	s2 =	sadd.s32 s2, s17  }
0x8e: {  	[smem:$0x3FA4] =	sst s2  }
0x8f: {  	_ = 	snop  }
0x90: {  	(tm) =	ssettm $0x1  }
0x91: {  	s18 =	sld [smem:$0x3FFB];
	_ =	sdelay $0x3  }
0x92: {  	_ =	strace s18  }
0x93: {  	s2 =	sld [smem:$0x3FFC];
	_ =	sdelay $0x3  }
0x94: {  	_ =	strace s2  }
0x95: {  	s2 =	sld [smem:$0x3FFD];
	_ =	sdelay $0x3  }
0x96: {  	_ =	strace s2  }
0x97: {  	_ =	strace $0x8FFFFFFF  }
0x98: {  	s19 =	sld [smem:$0x3FDB];
	_ =	sdelay $0x1  }
0x99: {  	s20 =	simm.s32 $_scs_section_size  }
0x9a: {  	s4 =	simm.s32 $_size__tile_overlayer_lowered;
	s5 =	simm.s32 $_tile_overlayer_lowered  }
0x9b: {  	s6 =	simm.s32 $0x1BFF;
	s21 =	sshll.u32 s5, $0x1;
	s3 =	sadd.s32 s20, s19  }
0x9c: {  	s22 =	simm.s32 $0x0;
	s4 =	sshll.u32 s4, $0x1;
	s5 =	sadd.s32 s21, s3  }
0x9d: {  	[timem:s22], [sflag:s6] =	dma.local [hbm:s5], s4  }
0x9e: {  	_ =	swait.ge [sflag:s6], s4  }
0x9f: {  	s4 =	ssub.s32 $0x0, s4;
	[sflag:s6] =	ssyncset.done $0x0  }
0xa0: {  	[sflag:s6] =	ssyncadd.s32 s4;
	_ =	sdelay $0x1  }
0xa1: {  	s23 =	simm.s32 $0x1B8B  }
0xa2: {  	_ =	swait.ge [sflag:s23], $0x1  }
0xa3: {  	[sflag:s23] =	ssyncset.done $0x0  }
0xa4: {  	[sflag:s23] =	ssyncadd.s32 $0xFFFFFFFF  }
0xa5: {  	s4 =	sld [smem:$0x0]  }
0xa6: {  	s5 =	sand.u32 $0xFFFFFFFE, s1  }
0xa7: {  	p0 =	sne.s32 s1, s5  }
0xa8: {  	s5 =	sshll.u32 @p0 s5, $0xE  }
0xa9: {  	s5 =	sadd.s32 @p0 $0x11B8D, s5;
	s6 =	sshll.u32 @p0 s4, $0x11  }
0xaa: {  	s5 =	sor.u32 @p0 s6, s5  }
0xab: {  	[sflag:s5] =	ssyncadd.remote.s32 @p0 $0x1;
	_ =	sdelay $0x1  }
0xac: {  	s5 =	simm.s32 @p0 $0x1B8D  }
0xad: {  	_ =	swait.eq @p0 [sflag:s5], $0x1  }
0xae: {  	[sflag:s5] =	ssyncadd.s32 @p0 $0xFFFFFFFF  }
0xaf: {  	s6 =	sshll.u32 @!p0 s1, $0xE  }
0xb0: {  	s6 =	sor.u32 @!p0 $0x4000, s6;
	s5 =	simm.s32 @!p0 $0x1B8D  }
0xb1: {  	s4 =	sshll.u32 @!p0 s4, $0x11;
	s6 =	sadd.s32 @!p0 $0x11B8D, s6;
	_ =	swait.eq @!p0 [sflag:s5], $0x1  }
0xb2: {  	s4 =	sor.u32 @!p0 s4, s6;
	[sflag:s5] =	ssyncadd.s32 @!p0 $0xFFFFFFFF  }
0xb3: {  	s25 =	simm.s32 $0x1B8E;
	s24 =	sld [smem:$0x3FFE];
	[sflag:s4] =	ssyncadd.remote.s32 @!p0 $0x1  }
0xb4: {  	s26 =	simm.s32 $execute0_lowered;
	[smem:$0x3FD2] =	sst s25  }
0xb5: {  	s5 =	sshll.u32 s26, $0x1;
	_ =	strace $0x8000004C;
	[dreg:$0x1] =	wrdreg $0xFFFFFFFF  }
0xb6: {  	s28 =	simm.s32 $_size_execute0_lowered;
	s3 =	sadd.s32 s3, s5;
	[dreg:$0x0] =	wrdreg $0x0  }
0xb7: {  	s5 =	sshll.u32 s28, $0x1;
	[dreg:$0x2] =	wrdreg s3  }
0xb8: {  	[dreg:$0x3] =	wrdreg s5  }
0xb9: {  	[dreg:$0x4] =	wrdreg $0xC0  }
0xba: {  	_ =	task [dreg:s22], $0x5FFFF  }
0xbb: {  	[dreg:$0x1] =	wrdreg $0xFFFFFFFF  }
0xbc: {  	[dreg:$0x0] =	wrdreg $0x60  }
0xbd: {  	[dreg:$0x2] =	wrdreg s24  }
0xbe: {  	[dreg:$0x3] =	wrdreg $0x81000  }
0xbf: {  	[dreg:$0x4] =	wrdreg $0xA  }
0xc0: {  	_ =	task.clear_ibuf [dreg:s22], $0x5FFFF;
	_ =	strace $0x9000004C  }
0xc1: {  	s29 =	simm.s32 $0xA;
	_ =	strace $0x8000004E  }
0xc2: {  	_ =	swait.ge [sflag:s29], $0x1  }
0xc3: {  	[sflag:s29] =	ssyncadd.s32 $0xFFFFFFFF  }
0xc4: {  	_ =	strace $0x9000004E  }
0xc5: {  	_ =	sfence  }
0xc6: {  	s30 =	sld [smem:$0x0];
	_ =	sdelay $0x2  }
0xc7: {  	s31 =	sshll.u32 s1, $0xD;
	s1 =	sshrl.u32 s1, $0x2  }
0xc8: {  	s4 =	sand.u32 $0x4000, s31;
	s1 =	sadd.s32 s1, s30  }
0xc9: {  	s0 =	sor.u32 s4, s0;
	s1 =	sshll.u32 s1, $0x11  }
0xca: {  	s0 =	sor.u32 s1, s0  }
0xcb: {  	s0 =	sadd.s32 $0x8F2B, s0  }
0xcc: {  	[sflag:s0] =	ssyncadd.remote.s32 $0x1  }
0xcd: {  	_ =	sfence.sel $0xFFFF  }
0xce: {  	[dreg:$0x0] =	wrdreg $0xFFFFFFFF;
	(pc) =	sbr.abs _section_cstart, $3  }
0xcf: {  	[dreg:$0x1] =	wrdreg $0xFFFFFFFF  }
0xd0: {  	_ =	task.clear_ibuf [dreg:s22], $0x2FFFF;
	_ =	strace $0x9FFFFFFF  }
0xd1: {  	(tm) =	ssettm $0x7FFFFFFF  }
tec
execute0_lowered:
.L_overlay_start_1:
0x0: {  	(tag) =	ssettag $0x1  }
0x1: {  	s0 =	rddreg [dreg:$0x0]  }
0x2: {  	s1 =	rddreg [dreg:$0x1];
	s2 =	simm.s32 $0x0  }
0x3: {  	s3 =	srdreg.scid;
	s19 =	stileid.u32;
	s28 =	simm.s32 $0x0  }
0x4: {  	[smem:$0x7FF] =	sst s2;
	s13 =	sand.u32 $0x1, s3;
	s16 =	smul.u32 $0x140000, s19  }
0x5: {  	s22 =	sshll.u32 s19, $0x1;
	s17 =	sadd.s32 $0xA6AC00, s0;
	s26 =	smul.u32 $0x500, s19  }
0x6: {  	s3 =	sadd.s32 $0x8800, s0;
	s4 =	sadd.s32 $0x6AC00, s0;
	s5 =	smul.u32 $0x27100, s13  }
0x7: {  	p0 =	sne.s32 s19, $0x0;
	s19 =	simm.s32 $0x5;
	s18 =	smul.u32 $0xA0000, s13  }
0x8: {  	_ =	strace $0x8000004D;
	s6 =	sor.u32 s13, s22;
	s29 =	smul.u32 $0x280, s13  }
0x9: {  	[dreg:$0x3] =	wrdreg s4;
	s23 =	ssub.s32 $0x2, s13;
	s14 =	smul.u32 $0x280, s6  }
0xa: {  	s22 =	simm.s32 $0x4100;
	s8 =	smul.u32 $0x14000, s6;
	s9 =	sshrl.u32 s23, $0x1  }
0xb: {  	s11 =	smul.u32 $0xA0000, s6;
	s7 =	sadd.s32 s5, s0;
	s9 =	ssub.s32 s23, s9  }
0xc: {  	s0 =	sadd.s32 $0x8810, s0;
	s16 =	sadd.s32 s18, s16;
	s23 =	simm.s32 $0x2  }
0xd: {  	s10 =	sadd.s32 $0x5000, s14;
	s25 =	sadd.s32 s17, s8;
	s12 =	sor.u32 $0x8000, s11  }
0xe: {  	s11 =	sshrl.u32 s11, $0x3;
	s7 =	sadd.s32 $0x91E00, s7;
	s8 =	smax.u32 s9, $0x1  }
0xf: {  	s30 =	sor.u32 $0x10000, s16;
	s21 =	sor.u32 $0xC000, s16;
	s24 =	sadd.s32 s3, s10  }
0x10: {  	[dreg:$0x5] =	wrdreg s25;
	s15 =	sadd.s32 s17, s11;
	s9 =	sadd.s32 s10, s0  }
0x11: {  	s0 =	sadd.s32 s0, s14;
	s12 =	sshrl.u32 s12, $0x3;
	s14 =	sadd.s32 s14, s3  }
0x12: {  	s20 =	sshrl.u32 s30, $0x3;
	s31 =	sshrl.u32 s21, $0x3;
	s21 =	simm.s32 $0x80  }
0x13: {  	s25 =	simm.s32 $0x1;
	[dreg:$0x4] =	wrdreg s24;
	s10 =	sadd.s32 $0x800, s15  }
0x14: {  	s11 =	sadd.s32 $0x5010, s0;
	s12 =	sadd.s32 s17, s12;
	s13 =	sadd.s32 $0x5270, s14  }
0x15: {  	s14 =	sadd.s32 $0x13800, s15;
	s15 =	sadd.s32 s29, s26;
	s16 =	sadd.s32 s20, s17  }
0x16: {  	s17 =	sadd.s32 s31, s17;
	s20 =	simm.s32 $0x100;
	s18 =	sadd.s32 s3, s15  }
0x17: {  	s24 =	simm.s32 $0x4;
	s26 =	simm.s32 $0x3;
	s18 =	sadd.s32 $0x5040, s18  }
.LBB2_1:
0x18: {  	s29 =	sshrl.u32 @!p0 s1, $0x3;
	s0 =	simm.s32 @!p0 $0x1C05;
	s4 =	rddreg [dreg:$0x3]  }
0x19: {  	[spmem:s29], [sflag:s0] =	dma.local @!p0 [hbm:s4], $0x27100  }
0x1a: {  	s0 =	simm.s32 @!p0 $0x5  }
0x1b: {  	_ =	swait.ge @!p0 [sflag:s0], $0x27100  }
0x1c: {  	[sflag:s0] =	ssyncset.done @!p0 $0x0  }
0x1d: {  	[sflag:s0] =	ssyncadd.s32 @!p0 $0xFFFD8F00  }
0x1e: {  	[bflag:$0x0] =	sbarrier.arrive $0xFFFF  }
0x1f: {  	s5 =	rddreg [dreg:$0x4]  }
0x20: {  	[tilespmem:s2], [sflag:$0x5] =	stream.linear.gather [hbm4b:s5+s2], $0x80, $0x38;
	[tilespmem:$0x1B980] =	vst v63  }
0x21: {  	_ =	swait.ge [sflag:s19], $0x80  }
0x22: {  	[sflag:s19] =	ssyncset.done $0x0  }
0x23: {  	s6 =	rddreg [dreg:$0x5];
	[sflag:s19] =	ssyncadd.s32 $0xFFFFFF80  }
0x24: {  	[tilespmem:s20], [sflag:$0x5] =	stream.linear.gather [hbm4b:s6+s2], $0x4000, $0x38;
	[tilespmem:$0x1B980] =	vst v63  }
0x25: {  	_ =	swait.ge [sflag:s19], $0x4000  }
0x26: {  	[sflag:s19] =	ssyncset.done $0x0  }
0x27: {  	[sflag:s19] =	ssyncadd.s32 $0xFFFFC000  }
0x28: {  	[tilespmem:s21], [sflag:$0x2] =	stream.linear.gather [hbm4b:s9+s2], $0x80, $0x38;
	[tilespmem:$0x1B980] =	vst v63  }
0x29: {  	_ = 	snop  }
0x2a: {  	[tilespmem:s22], [sflag:$0x4] =	stream.linear.gather [hbm4b:s10+s2], $0x4000, $0x38;
	[tilespmem:$0x1B980] =	vst v63  }
0x2b: {  	_ = 	snop  }
0x2c: {  	[spmem:s1] =	stream.indirect.scatter.add.f32 [tilespmem:s20], [sflag:$0x5], $0x80, s2, s21, $0xb8;
	[tilespmem:$0x1B980] =	vst v63  }
0x2d: {  	_ =	swait.ge [sflag:s19], $0x4000  }
0x2e: {  	[sflag:s19] =	ssyncset.done $0x0  }
0x2f: {  	[sflag:s19] =	ssyncadd.s32 $0xFFFFC000  }
0x30: {  	_ =	swait.ge [sflag:s23], $0x80  }
0x31: {  	[sflag:s23] =	ssyncset.done $0x0  }
0x32: {  	[sflag:s23] =	ssyncadd.s32 $0xFFFFFF80  }
0x33: {  	_ =	swait.ge [sflag:s24], $0x4000  }
0x34: {  	[sflag:s24] =	ssyncset.done $0x0  }
0x35: {  	[sflag:s24] =	ssyncadd.s32 $0xFFFFC000  }
0x36: {  	[tilespmem:s2], [sflag:$0x1] =	stream.linear.gather [hbm4b:s11+s2], $0x80, $0x38;
	[tilespmem:$0x1B980] =	vst v63  }
0x37: {  	_ = 	snop  }
0x38: {  	[tilespmem:s20], [sflag:$0x3] =	stream.linear.gather [hbm4b:s12+s2], $0x4000, $0x38;
	[tilespmem:$0x1B980] =	vst v63  }
0x39: {  	_ = 	snop  }
0x3a: {  	[spmem:s1] =	stream.indirect.scatter.add.f32 [tilespmem:s22], [sflag:$0x5], $0x80, s21, s21, $0xb8;
	[tilespmem:$0x1B980] =	vst v63  }
0x3b: {  	_ =	swait.ge [sflag:s19], $0x4000  }
0x3c: {  	[sflag:s19] =	ssyncset.done $0x0  }
0x3d: {  	[sflag:s19] =	ssyncadd.s32 $0xFFFFC000  }
0x3e: {  	_ =	swait.ge [sflag:s25], $0x80  }
0x3f: {  	s30 =	sadd.s32 $0x0, s15;
	s0 =	simm.s32 $0x20;
	[sflag:s25] =	ssyncset.done $0x0  }
0x40: {  	s30 =	sadd.s32 $0x5020, s30;
	s31 =	sand.u32 $0x60, s0;
	[sflag:s25] =	ssyncadd.s32 $0xFFFFFF80  }
0x41: {  	s30 =	sand.u32 $0xFFFFF80, s30;
	s31 =	sadd.s32 s31, s3;
	_ =	swait.ge [sflag:s26], $0x4000  }
0x42: {  	s30 =	sadd.s32 s30, s31;
	[sflag:s26] =	ssyncset.done $0x0  }
0x43: {  	s30 =	sadd.s32 $0x10, s30;
	[sflag:s26] =	ssyncadd.s32 $0xFFFFC000  }
0x44: {  	[tilespmem:s21], [sflag:$0x2] =	stream.linear.gather [hbm4b:s30+s2], $0x80, $0x38;
	[tilespmem:$0x1B980] =	vst v63  }
0x45: {  	_ = 	snop  }
0x46: {  	[tilespmem:s22], [sflag:$0x4] =	stream.linear.gather [hbm4b:s17+s2], $0x4000, $0x38;
	[tilespmem:$0x1B980] =	vst v63  }
0x47: {  	_ = 	snop  }
0x48: {  	[spmem:s1] =	stream.indirect.scatter.add.f32 [tilespmem:s20], [sflag:$0x5], $0x80, s2, s21, $0xb8;
	[tilespmem:$0x1B980] =	vst v63  }
0x49: {  	_ =	swait.ge [sflag:s19], $0x4000  }
0x4a: {  	[sflag:s19] =	ssyncset.done $0x0  }
0x4b: {  	[sflag:s19] =	ssyncadd.s32 $0xFFFFC000  }
0x4c: {  	_ =	swait.ge [sflag:s23], $0x80  }
0x4d: {  	[sflag:s23] =	ssyncset.done $0x0  }
0x4e: {  	[sflag:s23] =	ssyncadd.s32 $0xFFFFFF80  }
0x4f: {  	_ =	swait.ge [sflag:s24], $0x4000  }
0x50: {  	[sflag:s24] =	ssyncset.done $0x0  }
0x51: {  	s30 =	sadd.s32 $0x0, s18;
	[sflag:s24] =	ssyncadd.s32 $0xFFFFC000  }
0x52: {  	[tilespmem:s2], [sflag:$0x1] =	stream.linear.gather [hbm4b:s30+s2], $0x80, $0x38;
	[tilespmem:$0x1B980] =	vst v63  }
0x53: {  	_ = 	snop  }
0x54: {  	[tilespmem:s20], [sflag:$0x3] =	stream.linear.gather [hbm4b:s16+s2], $0x4000, $0x38;
	[tilespmem:$0x1B980] =	vst v63  }
0x55: {  	_ = 	snop  }
0x56: {  	[spmem:s1] =	stream.indirect.scatter.add.f32 [tilespmem:s22], [sflag:$0x5], $0x80, s21, s21, $0xb8;
	[tilespmem:$0x1B980] =	vst v63  }
0x57: {  	_ =	swait.ge [sflag:s19], $0x4000  }
0x58: {  	s31 =	smov.u32 s16;
	s30 =	sadd.s32 $0x1000, s17;
	[sflag:s19] =	ssyncset.done $0x0  }
.LBB2_2:
0x59: {  	[sflag:s19] =	ssyncadd.s32 $0xFFFFC000  }
0x5a: {  	s31 =	sadd.s32 $0x1000, s31;
	s4 =	smov.u32 s0;
	s5 =	sadd.s32 $0x20, s0  }
0x5b: {  	p1 =	sne.s32 s0, $0x220;
	s6 =	sand.u32 $0x60, s5  }
0x5c: {  	_ =	swait.ge [sflag:s25], $0x80  }
0x5d: {  	s0 =	sadd.s32 s4, s15;
	[sflag:s25] =	ssyncset.done $0x0  }
0x5e: {  	s0 =	sadd.s32 $0x5020, s0;
	[sflag:s25] =	ssyncadd.s32 $0xFFFFFF80  }
0x5f: {  	s6 =	sadd.s32 s6, s3;
	s0 =	sand.u32 $0xFFFFF80, s0;
	_ =	swait.ge [sflag:s26], $0x4000  }
0x60: {  	s0 =	sadd.s32 s0, s6;
	[sflag:s26] =	ssyncset.done $0x0  }
0x61: {  	s0 =	sadd.s32 $0x10, s0;
	[sflag:s26] =	ssyncadd.s32 $0xFFFFC000  }
0x62: {  	[tilespmem:s21], [sflag:$0x2] =	stream.linear.gather [hbm4b:s0+s2], $0x80, $0x38;
	[tilespmem:$0x1B980] =	vst v63  }
0x63: {  	_ = 	snop  }
0x64: {  	[tilespmem:s22], [sflag:$0x4] =	stream.linear.gather [hbm4b:s30+s2], $0x4000, $0x38;
	[tilespmem:$0x1B980] =	vst v63  }
0x65: {  	_ = 	snop  }
0x66: {  	[spmem:s1] =	stream.indirect.scatter.add.f32 [tilespmem:s20], [sflag:$0x5], $0x80, s2, s21, $0xb8;
	[tilespmem:$0x1B980] =	vst v63  }
0x67: {  	_ =	swait.ge [sflag:s19], $0x4000  }
0x68: {  	[sflag:s19] =	ssyncset.done $0x0  }
0x69: {  	[sflag:s19] =	ssyncadd.s32 $0xFFFFC000  }
0x6a: {  	_ =	swait.ge [sflag:s23], $0x80  }
0x6b: {  	[sflag:s23] =	ssyncset.done $0x0  }
0x6c: {  	[sflag:s23] =	ssyncadd.s32 $0xFFFFFF80  }
0x6d: {  	_ =	swait.ge [sflag:s24], $0x4000  }
0x6e: {  	[sflag:s24] =	ssyncset.done $0x0  }
0x6f: {  	s0 =	sadd.s32 s4, s18;
	[sflag:s24] =	ssyncadd.s32 $0xFFFFC000  }
0x70: {  	[tilespmem:s2], [sflag:$0x1] =	stream.linear.gather [hbm4b:s0+s2], $0x80, $0x38;
	[tilespmem:$0x1B980] =	vst v63  }
0x71: {  	_ = 	snop  }
0x72: {  	[tilespmem:s20], [sflag:$0x3] =	stream.linear.gather [hbm4b:s31+s2], $0x4000, $0x38;
	[tilespmem:$0x1B980] =	vst v63  }
.Ltmp0:
0x73: {  	_ = 	snop;
	(pc) =	sbr.rel @p1 .LBB2_2-.Ltmp0, $4  }
0x74: {  	_ = 	snop  }
0x75: {  	[spmem:s1] =	stream.indirect.scatter.add.f32 [tilespmem:s22], [sflag:$0x5], $0x80, s21, s21, $0xb8;
	[tilespmem:$0x1B980] =	vst v63  }
0x76: {  	_ =	swait.ge [sflag:s19], $0x4000  }
0x77: {  	s30 =	sadd.s32 $0x1000, s30;
	s0 =	smov.u32 s5;
	[sflag:s19] =	ssyncset.done $0x0  }
0x78: {  	[sflag:s19] =	ssyncadd.s32 $0xFFFFC000  }
0x79: {  	_ =	swait.ge [sflag:s25], $0x80  }
0x7a: {  	[sflag:s25] =	ssyncset.done $0x0  }
0x7b: {  	[sflag:s25] =	ssyncadd.s32 $0xFFFFFF80  }
0x7c: {  	_ =	swait.ge [sflag:s26], $0x4000  }
0x7d: {  	[sflag:s26] =	ssyncset.done $0x0  }
0x7e: {  	[sflag:s26] =	ssyncadd.s32 $0xFFFFC000  }
0x7f: {  	[tilespmem:s21], [sflag:$0x2] =	stream.linear.gather [hbm4b:s13+s2], $0x80, $0x38;
	[tilespmem:$0x1B980] =	vst v63  }
0x80: {  	_ = 	snop  }
0x81: {  	[tilespmem:s22], [sflag:$0x4] =	stream.linear.gather [hbm4b:s14+s2], $0x4000, $0x38;
	[tilespmem:$0x1B980] =	vst v63  }
0x82: {  	_ = 	snop  }
0x83: {  	[spmem:s1] =	stream.indirect.scatter.add.f32 [tilespmem:s20], [sflag:$0x5], $0x80, s2, s21, $0xb8;
	[tilespmem:$0x1B980] =	vst v63  }
0x84: {  	_ =	swait.ge [sflag:s19], $0x4000  }
0x85: {  	[sflag:s19] =	ssyncset.done $0x0  }
0x86: {  	[sflag:s19] =	ssyncadd.s32 $0xFFFFC000  }
0x87: {  	_ =	swait.ge [sflag:s23], $0x80  }
0x88: {  	[sflag:s23] =	ssyncset.done $0x0  }
0x89: {  	[sflag:s23] =	ssyncadd.s32 $0xFFFFFF80  }
0x8a: {  	_ =	swait.ge [sflag:s24], $0x4000  }
0x8b: {  	[sflag:s24] =	ssyncset.done $0x0  }
0x8c: {  	[sflag:s24] =	ssyncadd.s32 $0xFFFFC000  }
0x8d: {  	[spmem:s1] =	stream.indirect.scatter.add.f32 [tilespmem:s22], [sflag:$0x5], $0x80, s21, s21, $0xb8;
	[tilespmem:$0x1B980] =	vst v63  }
0x8e: {  	_ =	swait.ge [sflag:s19], $0x4000  }
0x8f: {  	[sflag:s19] =	ssyncset.done $0x0  }
0x90: {  	s28 =	sadd.s32 $0x1, s28;
	[sflag:s19] =	ssyncadd.s32 $0xFFFFC000  }
0x91: {  	s0 =	simm.s32 @!p0 $0x1C05;
	p1 =	sne.s32 s28, s8;
	[bflag:$0x0] =	sbarrier.arrive $0xFFFF  }
0x92: {  	[hbm:s7], [sflag:s0] =	dma.local @!p0 [spmem:s29], $0x27100  }
.Ltmp1:
0x93: {  	_ = 	snop;
	(pc) =	sbr.rel @p1 .LBB2_1-.Ltmp1, $4  }
0x94: {  	s0 =	simm.s32 @!p0 $0x5  }
0x95: {  	_ =	swait.ge @!p0 [sflag:s0], $0x27100  }
0x96: {  	[sflag:s0] =	ssyncset.done @!p0 $0x0  }
0x97: {  	[sflag:s0] =	ssyncadd.s32 @!p0 $0xFFFD8F00  }
0x98: {  	_ =	sfence.sel $0x180000  }
0x99: {  	[bflag:$0x0] =	sbarrier.arrive $0xFFFF  }
0x9a: {  	_ =	strace $0x9000004D  }
0x9b: {  	[bflag:$0x2] =	sbarrier.arrive $0xFFFF  }
0x9c: {  	s0 =	rddreg [dreg:$0x2]  }
0x9d: {  	s0 =	sadd.s32 @!p0 $0x100000, s0  }
0x9e: {  	[sflag:s0] =	ssyncadd.tile.s32 @!p0 $0x1;
	_ =	shalt  }
.Lfunc_end2:
_tile_overlayer_lowered:
.L_overlay_start_2:
0x9f: {  	(tag) =	ssettag $0x2  }
0xa0: {  	s0 =	rddreg [dreg:$0x0];
	s2 =	stileid.u32  }
0xa1: {  	s1 =	rddreg [dreg:$0x1];
	p0 =	sne.s32 s2, $0x0  }
0xa2: {  	s3 =	rddreg [dreg:$0x2];
	[bflag:$0x3] =	sbarrier.arrive $0xFFFF;
	s2 =	simm.s32 @!p0 $0x1C05  }
0xa3: {  	[timem:s3], [sflag:s2] =	dma.local @!p0 [hbm:s0], s1  }
0xa4: {  	s0 =	simm.s32 @!p0 $0x5  }
0xa5: {  	_ =	swait.ge @!p0 [sflag:s0], s1  }
0xa6: {  	s1 =	ssub.s32 @!p0 $0x0, s1;
	[sflag:s0] =	ssyncset.done @!p0 $0x0  }
0xa7: {  	[sflag:s0] =	ssyncadd.s32 @!p0 s1  }
0xa8: {  	[bflag:$0x3] =	sbarrier.arrive $0xFFFF  }
0xa9: {  	_ =	shalt  }

// kernel: kernel.30.cloned.1.call-start
scs
__scs_entry_jumppad:
0x0: {  	(pc) =	sbr.rel $0x88, $3  }
0x1: {  	(tag) =	ssettag $0x0;
	lr =	simm.s32 $0x1  }
0x2: {  	[smem:$0x3F7D] =	sst lr;
	_ =	strace $0xD0000000  }
0x3: {  	_ = 	snop  }
0x4: {  	_ = 	snop  }
0x5: {  	_ = 	snop  }
0x6: {  	_ = 	snop  }
0x7: {  	_ = 	snop  }
__scs_overlays_trampoline_lowered:
0x8: {  	[smem:$0x3F8C] =	sst s0  }
0x9: {  	[smem:$0x3F8D] =	sst s1  }
0xa: {  	[smem:$0x3F8E] =	sst s2  }
0xb: {  	[smem:$0x3F8F] =	sst s3  }
0xc: {  	[smem:$0x3F90] =	sst s4  }
0xd: {  	[smem:$0x3F91] =	sst s5  }
0xe: {  	[smem:$0x3F92] =	sst s6  }
0xf: {  	[smem:$0x3F93] =	sst s7  }
0x10: {  	[smem:$0x3F94] =	sst s8  }
0x11: {  	[smem:$0x3F95] =	sst s9;
	s0 =	simm.s32 @!p0 $0x0  }
0x12: {  	s1 =	sld [smem:$0x3F7B];
	s0 =	simm.s32 @p0 $0x1  }
0x13: {  	[smem:$0x3F96] =	sst s0;
	s0 =	simm.s32 @!p1 $0x0  }
0x14: {  	s2 =	sld [smem:$0x3F7A];
	s0 =	simm.s32 @p1 $0x1  }
0x15: {  	[smem:$0x3F97] =	sst s0;
	s0 =	simm.s32 @!p2 $0x0  }
0x16: {  	s3 =	sld [smem:$0x3FDB];
	s0 =	simm.s32 @p2 $0x1  }
0x17: {  	s4 =	simm.s32 $0x1BF5;
	[smem:$0x3F99] =	sst s0  }
0x18: {  	s0 =	sld [smem:$0x3F7C];
	_ =	swait.ge [sflag:s4], $0x0  }
0x19: {  	s7 =	sld [smem:$0x3F7D]  }
0x1a: {  	s8 =	sadd.s32 $0xFFFFE003, lr  }
0x1b: {  	s9 =	sadd.s32 $0xFFFFFEF7, lr;
	s5 =	simm.s32 $0xFFFFFFFF;
	p2 =	slt.u32 s8, $0xFFFFF086  }
0x1c: {  	p1 =	slt.u32 s9, $0xF7A;
	s5 =	simm.s32 @!p2 $0x0  }
0x1d: {  	s5 =	simm.s32 @p1 $0x1;
	p0 =	seq.s32 s7, s2  }
0x1e: {  	s7 =	smul.u32 @!p0 $0xF7A, s2;
	p2 =	seq.s32 @!p0 s5, $0x0  }
0x1f: {  	s9 =	smul.u32 $0xF7A, s1;
	s8 =	simm.s32 @!p0 $0x1BF5;
	p2 =	por !p2, p0  }
0x20: {  	[sflag:s8] =	ssyncset.s32 @!p0 $0xFFFFF086;
	s6 =	sadd.s32 @!p0 s3, s7;
	s7 =	simm.s32 @!p0 $0x108  }
0x21: {  	s3 =	sadd.s32 s3, s9;
	s6 =	sadd.s32 @!p0 $0x88, s6;
	s7 =	simm.s32 @p2 $0x1082  }
0x22: {  	[simem:s7], [sflag:s8] =	dma.local @!p0 [hbm:s6], $0xF7A  }
0x23: {  	s9 =	sor.u32 $0xD0000000, s2;
	s6 =	simm.s32 $0x108;
	_ =	swait.ge @!p0 [sflag:s8], $0x0  }
0x24: {  	s3 =	sadd.s32 $0x88, s3;
	s6 =	simm.s32 @!p1 $0x1082;
	[sflag:s4] =	ssyncset.s32 $0xFFFFF086  }
0x25: {  	[simem:s6], [sflag:s4] =	dma.local [hbm:s3], $0xF7A  }
0x26: {  	[smem:$0x3F7D] =	sst s1;
	(tag) =	ssettag s2;
	_ =	strace s9  }
0x27: {  	s1 =	sld [smem:$0x3F8D]  }
0x28: {  	s2 =	sld [smem:$0x3F8E]  }
0x29: {  	s4 =	sld [smem:$0x3F90]  }
0x2a: {  	p0 =	seq.s32 s5, $0x0;
	s5 =	sld [smem:$0x3F91]  }
0x2b: {  	s6 =	sld [smem:$0x3F92]  }
0x2c: {  	s7 =	sld [smem:$0x3F93]  }
0x2d: {  	s3 =	simm.s32 $0x108;
	s8 =	sld [smem:$0x3F94]  }
0x2e: {  	s3 =	simm.s32 @!p0 $0x1082;
	s9 =	sld [smem:$0x3F95]  }
0x2f: {  	lr =	sadd.s32 s0, s3;
	s0 =	sld [smem:$0x3F8C]  }
0x30: {  	s3 =	sld [smem:$0x3F8F]  }
0x31: {  	[smem:$0x3F98] =	sst s10  }
0x32: {  	s10 =	sld [smem:$0x3F96];
	_ =	sdelay $0x3  }
0x33: {  	p0 =	seq.s32 s10, $0x1;
	s10 =	sld [smem:$0x3F98];
	_ =	sdelay $0x3  }
0x34: {  	[smem:$0x3F98] =	sst s10  }
0x35: {  	s10 =	sld [smem:$0x3F97];
	_ =	sdelay $0x3  }
0x36: {  	p1 =	seq.s32 s10, $0x1;
	s10 =	sld [smem:$0x3F98];
	_ =	sdelay $0x3  }
0x37: {  	[smem:$0x3F98] =	sst s10  }
0x38: {  	s10 =	sld [smem:$0x3F99]  }
0x39: {  	_ = 	snop;
	(pc) =	sbr.ind lr, $3  }
0x3a: {  	_ = 	snop  }
0x3b: {  	_ = 	snop  }
0x3c: {  	p2 =	seq.s32 s10, $0x1;
	s10 =	sld [smem:$0x3F98]  }
0x3d: {  	_ =	shalt  }
0x3e: {  	_ =	shalt  }
0x3f: {  	_ =	shalt  }
0x40: {  	_ =	shalt  }
0x41: {  	_ =	shalt  }
0x42: {  	_ =	shalt  }
0x43: {  	_ =	shalt  }
0x44: {  	_ =	shalt  }
0x45: {  	_ =	shalt  }
0x46: {  	_ =	shalt  }
0x47: {  	_ =	shalt  }
0x48: {  	_ =	shalt  }
0x49: {  	_ =	shalt  }
0x4a: {  	_ =	shalt  }
0x4b: {  	_ =	shalt  }
0x4c: {  	_ =	shalt  }
0x4d: {  	_ =	shalt  }
0x4e: {  	_ =	shalt  }
0x4f: {  	_ =	shalt  }
0x50: {  	_ =	shalt  }
0x51: {  	_ =	shalt  }
0x52: {  	_ =	shalt  }
0x53: {  	_ =	shalt  }
0x54: {  	_ =	shalt  }
0x55: {  	_ =	shalt  }
0x56: {  	_ =	shalt  }
0x57: {  	_ =	shalt  }
0x58: {  	_ =	shalt  }
0x59: {  	_ =	shalt  }
0x5a: {  	_ =	shalt  }
0x5b: {  	_ =	shalt  }
0x5c: {  	_ =	shalt  }
0x5d: {  	_ =	shalt  }
0x5e: {  	_ =	shalt  }
0x5f: {  	_ =	shalt  }
0x60: {  	_ =	shalt  }
0x61: {  	_ =	shalt  }
0x62: {  	_ =	shalt  }
0x63: {  	_ =	shalt  }
0x64: {  	_ =	shalt  }
0x65: {  	_ =	shalt  }
0x66: {  	_ =	shalt  }
0x67: {  	_ =	shalt  }
0x68: {  	_ =	shalt  }
0x69: {  	_ =	shalt  }
0x6a: {  	_ =	shalt  }
0x6b: {  	_ =	shalt  }
0x6c: {  	_ =	shalt  }
0x6d: {  	_ =	shalt  }
0x6e: {  	_ =	shalt  }
0x6f: {  	_ =	shalt  }
0x70: {  	_ =	shalt  }
0x71: {  	_ =	shalt  }
0x72: {  	_ =	shalt  }
0x73: {  	_ =	shalt  }
0x74: {  	_ =	shalt  }
0x75: {  	_ =	shalt  }
0x76: {  	_ =	shalt  }
0x77: {  	_ =	shalt  }
0x78: {  	_ =	shalt  }
0x79: {  	_ =	shalt  }
0x7a: {  	_ =	shalt  }
0x7b: {  	_ =	shalt  }
0x7c: {  	_ =	shalt  }
0x7d: {  	_ =	shalt  }
0x7e: {  	_ =	shalt  }
0x7f: {  	_ =	shalt  }
0x80: {  	_ =	shalt  }
0x81: {  	_ =	shalt  }
0x82: {  	_ =	shalt  }
0x83: {  	_ =	shalt  }
0x84: {  	_ =	shalt  }
0x85: {  	_ =	shalt  }
0x86: {  	_ =	shalt  }
0x87: {  	_ =	shalt  }
.Lfunc_end0:
.L_simem_size_0:
called_computation.4_lowered:
.L_overlay_start_0:
0x88: {  	s2 =	sld [smem:$0x3FD9]  }
0x89: {  	s3 =	sld [smem:$0x3FFE];
	_ =	sdelay $0x1  }
0x8a: {  	s1 =	srdreg.scid  }
0x8b: {  	s0 =	sand.u32 $0x1, s1  }
0x8c: {  	s17 =	sshll.u32 s0, $0xA;
	s2 =	sadd.s32 s3, s2  }
0x8d: {  	s2 =	sadd.s32 s2, s17  }
0x8e: {  	[smem:$0x3FA4] =	sst s2  }
0x8f: {  	_ = 	snop  }
0x90: {  	(tm) =	ssettm $0x1  }
0x91: {  	s18 =	sld [smem:$0x3FFB];
	_ =	sdelay $0x3  }
0x92: {  	_ =	strace s18  }
0x93: {  	s2 =	sld [smem:$0x3FFC];
	_ =	sdelay $0x3  }
0x94: {  	_ =	strace s2  }
0x95: {  	s2 =	sld [smem:$0x3FFD];
	_ =	sdelay $0x3  }
0x96: {  	_ =	strace s2  }
0x97: {  	_ =	strace $0x8FFFFFFF  }
0x98: {  	s19 =	sld [smem:$0x3FDB];
	_ =	sdelay $0x1  }
0x99: {  	s20 =	simm.s32 $_scs_section_size  }
0x9a: {  	s4 =	simm.s32 $_size__tile_overlayer_lowered;
	s5 =	simm.s32 $_tile_overlayer_lowered  }
0x9b: {  	s6 =	simm.s32 $0x1BFF;
	s21 =	sshll.u32 s5, $0x1;
	s3 =	sadd.s32 s20, s19  }
0x9c: {  	s22 =	simm.s32 $0x0;
	s4 =	sshll.u32 s4, $0x1;
	s5 =	sadd.s32 s21, s3  }
0x9d: {  	[timem:s22], [sflag:s6] =	dma.local [hbm:s5], s4  }
0x9e: {  	_ =	swait.ge [sflag:s6], s4  }
0x9f: {  	s4 =	ssub.s32 $0x0, s4;
	[sflag:s6] =	ssyncset.done $0x0  }
0xa0: {  	[sflag:s6] =	ssyncadd.s32 s4;
	_ =	sdelay $0x1  }
0xa1: {  	s23 =	simm.s32 $0x1B8B  }
0xa2: {  	_ =	swait.ge [sflag:s23], $0x1  }
0xa3: {  	[sflag:s23] =	ssyncset.done $0x0  }
0xa4: {  	[sflag:s23] =	ssyncadd.s32 $0xFFFFFFFF  }
0xa5: {  	s4 =	sld [smem:$0x0]  }
0xa6: {  	s5 =	sand.u32 $0xFFFFFFFE, s1  }
0xa7: {  	p0 =	sne.s32 s1, s5  }
0xa8: {  	s5 =	sshll.u32 @p0 s5, $0xE  }
0xa9: {  	s5 =	sadd.s32 @p0 $0x11B8D, s5;
	s6 =	sshll.u32 @p0 s4, $0x11  }
0xaa: {  	s5 =	sor.u32 @p0 s6, s5  }
0xab: {  	[sflag:s5] =	ssyncadd.remote.s32 @p0 $0x1;
	_ =	sdelay $0x1  }
0xac: {  	s5 =	simm.s32 @p0 $0x1B8D  }
0xad: {  	_ =	swait.eq @p0 [sflag:s5], $0x1  }
0xae: {  	[sflag:s5] =	ssyncadd.s32 @p0 $0xFFFFFFFF  }
0xaf: {  	s6 =	sshll.u32 @!p0 s1, $0xE  }
0xb0: {  	s6 =	sor.u32 @!p0 $0x4000, s6;
	s5 =	simm.s32 @!p0 $0x1B8D  }
0xb1: {  	s4 =	sshll.u32 @!p0 s4, $0x11;
	s6 =	sadd.s32 @!p0 $0x11B8D, s6;
	_ =	swait.eq @!p0 [sflag:s5], $0x1  }
0xb2: {  	s4 =	sor.u32 @!p0 s4, s6;
	[sflag:s5] =	ssyncadd.s32 @!p0 $0xFFFFFFFF  }
0xb3: {  	s25 =	simm.s32 $0x1B8E;
	s24 =	sld [smem:$0x3FFE];
	[sflag:s4] =	ssyncadd.remote.s32 @!p0 $0x1  }
0xb4: {  	s26 =	simm.s32 $execute0_lowered;
	[smem:$0x3FD2] =	sst s25  }
0xb5: {  	s5 =	sshll.u32 s26, $0x1;
	_ =	strace $0x80000055;
	[dreg:$0x1] =	wrdreg $0xFFFFFFFF  }
0xb6: {  	s28 =	simm.s32 $_size_execute0_lowered;
	s3 =	sadd.s32 s3, s5;
	[dreg:$0x0] =	wrdreg $0x0  }
0xb7: {  	s5 =	sshll.u32 s28, $0x1;
	[dreg:$0x2] =	wrdreg s3  }
0xb8: {  	[dreg:$0x3] =	wrdreg s5  }
0xb9: {  	[dreg:$0x4] =	wrdreg $0xC0  }
0xba: {  	_ =	task [dreg:s22], $0x5FFFF  }
0xbb: {  	[dreg:$0x1] =	wrdreg $0xFFFFFFFF  }
0xbc: {  	[dreg:$0x0] =	wrdreg $0x60  }
0xbd: {  	[dreg:$0x2] =	wrdreg s24  }
0xbe: {  	[dreg:$0x3] =	wrdreg $0x81000  }
0xbf: {  	[dreg:$0x4] =	wrdreg $0x9  }
0xc0: {  	_ =	task.clear_ibuf [dreg:s22], $0x5FFFF;
	_ =	strace $0x90000055  }
0xc1: {  	s29 =	simm.s32 $0x9;
	_ =	strace $0x80000057  }
0xc2: {  	_ =	swait.ge [sflag:s29], $0x1  }
0xc3: {  	[sflag:s29] =	ssyncadd.s32 $0xFFFFFFFF  }
0xc4: {  	_ =	strace $0x90000057  }
0xc5: {  	_ =	sfence  }
0xc6: {  	s30 =	sld [smem:$0x0];
	_ =	sdelay $0x2  }
0xc7: {  	s31 =	sshll.u32 s1, $0xD;
	s1 =	sshrl.u32 s1, $0x2  }
0xc8: {  	s4 =	sand.u32 $0x4000, s31;
	s1 =	sadd.s32 s1, s30  }
0xc9: {  	s0 =	sor.u32 s4, s0;
	s1 =	sshll.u32 s1, $0x11  }
0xca: {  	s0 =	sor.u32 s1, s0  }
0xcb: {  	s0 =	sadd.s32 $0x8F2B, s0  }
0xcc: {  	[sflag:s0] =	ssyncadd.remote.s32 $0x1  }
0xcd: {  	_ =	sfence.sel $0xFFFF  }
0xce: {  	[dreg:$0x0] =	wrdreg $0xFFFFFFFF;
	(pc) =	sbr.abs _section_cstart, $3  }
0xcf: {  	[dreg:$0x1] =	wrdreg $0xFFFFFFFF  }
0xd0: {  	_ =	task.clear_ibuf [dreg:s22], $0x2FFFF;
	_ =	strace $0x9FFFFFFF  }
0xd1: {  	(tm) =	ssettm $0x7FFFFFFF  }
tec
execute0_lowered:
.L_overlay_start_1:
0x0: {  	(tag) =	ssettag $0x1  }
0x1: {  	s0 =	rddreg [dreg:$0x0]  }
0x2: {  	s1 =	rddreg [dreg:$0x1];
	s2 =	simm.s32 $0x0;
	s4 =	srdreg.scid  }
0x3: {  	s15 =	stileid.u32;
	s22 =	simm.s32 $0x4;
	s23 =	simm.s32 $0x1  }
0x4: {  	s24 =	simm.s32 $0x5;
	s25 =	simm.s32 $0x2;
	s28 =	simm.s32 $0x0  }
0x5: {  	[smem:$0x7FF] =	sst s2;
	s3 =	sadd.s32 $0x1C800, s0;
	s13 =	sadd.s32 $0x8800, s0  }
0x6: {  	s12 =	sand.u32 $0x1, s4;
	s26 =	sshll.u32 s15, $0x1;
	s17 =	smul.u32 $0x500, s15  }
0x7: {  	s14 =	sadd.s32 $0x12800, s0;
	s16 =	sadd.s32 $0x591E00, s0;
	s18 =	smul.u32 $0x140000, s15  }
0x8: {  	s0 =	sadd.s32 $0x811E00, s0;
	p0 =	sne.s32 s15, $0x0;
	s20 =	smul.u32 $0xA0000, s12  }
0x9: {  	_ =	strace $0x80000056;
	s4 =	sor.u32 s12, s26;
	s21 =	smul.u32 $0x280, s12  }
0xa: {  	[dreg:$0x3] =	wrdreg s3;
	s5 =	ssub.s32 $0x2, s12;
	s7 =	smul.u32 $0x280, s4  }
0xb: {  	s26 =	simm.s32 $0x6;
	s6 =	sshrl.u32 s5, $0x1;
	s8 =	smul.u32 $0xA0000, s4  }
0xc: {  	s6 =	ssub.s32 s5, s6;
	s18 =	sadd.s32 s20, s18;
	s20 =	simm.s32 $0x3  }
0xd: {  	s29 =	sadd.s32 s13, s7;
	s5 =	sadd.s32 s14, s7;
	s6 =	smax.u32 s6, $0x1  }
0xe: {  	s9 =	sor.u32 $0x10, s7;
	s10 =	sshrl.u32 s8, $0x3;
	s18 =	sor.u32 $0x4000, s18  }
0xf: {  	[dreg:$0x4] =	wrdreg s29;
	s7 =	sadd.s32 s13, s9;
	s8 =	sadd.s32 s16, s10  }
0x10: {  	s9 =	sadd.s32 s14, s9;
	s19 =	sadd.s32 $0x13800, s10;
	s10 =	sadd.s32 s0, s10  }
0x11: {  	s14 =	sadd.s32 s17, s14;
	s17 =	sadd.s32 s17, s13;
	s31 =	sshrl.u32 s18, $0x3  }
0x12: {  	s18 =	simm.s32 $0x80;
	s11 =	sadd.s32 s16, s19;
	s12 =	sadd.s32 s0, s19  }
0x13: {  	s14 =	sadd.s32 s21, s14;
	s30 =	sadd.s32 s21, s17;
	s0 =	sadd.s32 s31, s0  }
0x14: {  	s16 =	sadd.s32 s31, s16;
	s17 =	simm.s32 $0x7;
	s19 =	simm.s32 $0x100  }
0x15: {  	s21 =	simm.s32 $0x4100;
	s13 =	sadd.s32 $0x20, s14;
	s14 =	sadd.s32 $0x20, s30  }
.LBB2_1:
0x16: {  	s15 =	sshrl.u32 @!p0 s1, $0x3;
	s29 =	simm.s32 @!p0 $0x1C07;
	s3 =	rddreg [dreg:$0x3]  }
0x17: {  	[spmem:s15], [sflag:s29] =	dma.local @!p0 [hbm:s3], $0x27100  }
0x18: {  	s15 =	simm.s32 @!p0 $0x7  }
0x19: {  	_ =	swait.ge @!p0 [sflag:s15], $0x27100  }
0x1a: {  	[sflag:s15] =	ssyncset.done @!p0 $0x0  }
0x1b: {  	[sflag:s15] =	ssyncadd.s32 @!p0 $0xFFFD8F00  }
0x1c: {  	[bflag:$0x0] =	sbarrier.arrive $0xFFFF  }
0x1d: {  	s15 =	rddreg [dreg:$0x4]  }
0x1e: {  	[tilespmem:s2], [sflag:$0x7] =	stream.linear.gather [hbm4b:s15+s2], $0x80, $0x38;
	[tilespmem:$0x1B980] =	vst v63  }
0x1f: {  	_ =	swait.ge [sflag:s17], $0x80  }
0x20: {  	[sflag:s17] =	ssyncset.done $0x0  }
0x21: {  	[sflag:s17] =	ssyncadd.s32 $0xFFFFFF80  }
0x22: {  	[tilespmem:s18], [sflag:$0x7] =	stream.linear.gather [hbm4b:s5+s2], $0x80, $0x38;
	[tilespmem:$0x1B980] =	vst v63  }
0x23: {  	_ =	swait.ge [sflag:s17], $0x80  }
0x24: {  	[sflag:s17] =	ssyncset.done $0x0  }
0x25: {  	[sflag:s17] =	ssyncadd.s32 $0xFFFFFF80  }
0x26: {  	[tilespmem:s19], [sflag:$0x3] =	stream.indirect.gather [spmem:s1], $0x80, s2, s18, $0xb8;
	[tilespmem:$0x1B980] =	vst v63  }
0x27: {  	_ =	swait.ge [sflag:s20], $0x4000  }
0x28: {  	[sflag:s20] =	ssyncset.done $0x0  }
0x29: {  	[sflag:s20] =	ssyncadd.s32 $0xFFFFC000  }
0x2a: {  	[tilespmem:s2], [sflag:$0x1] =	stream.linear.gather [hbm4b:s7+s2], $0x80, $0x38;
	[tilespmem:$0x1B980] =	vst v63  }
0x2b: {  	_ = 	snop  }
0x2c: {  	[hbm4b:s8+s2] =	stream.linear.scatter [tilespmem:s19], [sflag:$0x5], $0x4000, $0x38;
	[tilespmem:$0x1B980] =	vst v63  }
0x2d: {  	_ = 	snop  }
0x2e: {  	[tilespmem:s21], [sflag:$0x4] =	stream.indirect.gather [spmem:s1], $0x80, s18, s18, $0xb8;
	[tilespmem:$0x1B980] =	vst v63  }
0x2f: {  	_ =	swait.ge [sflag:s22], $0x4000  }
0x30: {  	[sflag:s22] =	ssyncset.done $0x0  }
0x31: {  	[sflag:s22] =	ssyncadd.s32 $0xFFFFC000  }
0x32: {  	[tilespmem:s18], [sflag:$0x2] =	stream.linear.gather [hbm4b:s9+s2], $0x80, $0x38;
	[tilespmem:$0x1B980] =	vst v63  }
0x33: {  	_ = 	snop  }
0x34: {  	[hbm4b:s10+s2] =	stream.linear.scatter [tilespmem:s21], [sflag:$0x6], $0x4000, $0x38;
	[tilespmem:$0x1B980] =	vst v63  }
0x35: {  	_ =	swait.ge [sflag:s23], $0x80  }
0x36: {  	[sflag:s23] =	ssyncset.done $0x0  }
0x37: {  	[sflag:s23] =	ssyncadd.s32 $0xFFFFFF80  }
0x38: {  	_ =	swait.ge [sflag:s24], $0x4000  }
0x39: {  	[sflag:s24] =	ssyncset.done $0x0  }
0x3a: {  	[sflag:s24] =	ssyncadd.s32 $0xFFFFC000  }
0x3b: {  	[tilespmem:s19], [sflag:$0x3] =	stream.indirect.gather [spmem:s1], $0x80, s2, s18, $0xb8;
	[tilespmem:$0x1B980] =	vst v63  }
0x3c: {  	_ =	swait.ge [sflag:s20], $0x4000  }
0x3d: {  	[sflag:s20] =	ssyncset.done $0x0  }
0x3e: {  	s3 =	sadd.s32 $0x0, s14;
	[sflag:s20] =	ssyncadd.s32 $0xFFFFC000  }
0x3f: {  	[tilespmem:s2], [sflag:$0x1] =	stream.linear.gather [hbm4b:s3+s2], $0x80, $0x38;
	[tilespmem:$0x1B980] =	vst v63  }
0x40: {  	_ = 	snop  }
0x41: {  	[hbm4b:s16+s2] =	stream.linear.scatter [tilespmem:s19], [sflag:$0x5], $0x4000, $0x38;
	[tilespmem:$0x1B980] =	vst v63  }
0x42: {  	_ =	swait.ge [sflag:s25], $0x80  }
0x43: {  	[sflag:s25] =	ssyncset.done $0x0  }
0x44: {  	[sflag:s25] =	ssyncadd.s32 $0xFFFFFF80  }
0x45: {  	_ =	swait.ge [sflag:s26], $0x4000  }
0x46: {  	[sflag:s26] =	ssyncset.done $0x0  }
0x47: {  	[sflag:s26] =	ssyncadd.s32 $0xFFFFC000  }
0x48: {  	[tilespmem:s21], [sflag:$0x4] =	stream.indirect.gather [spmem:s1], $0x80, s18, s18, $0xb8;
	[tilespmem:$0x1B980] =	vst v63  }
0x49: {  	s4 =	sadd.s32 $0x0, s13;
	_ =	swait.ge [sflag:s22], $0x4000  }
0x4a: {  	s30 =	sadd.s32 $0x800, s0;
	s31 =	sadd.s32 $0x800, s16;
	[sflag:s22] =	ssyncset.done $0x0  }
0x4b: {  	s29 =	simm.s32 $0x10;
	s15 =	smov.u32 s0;
	[sflag:s22] =	ssyncadd.s32 $0xFFFFC000  }
0x4c: {  	[tilespmem:s18], [sflag:$0x2] =	stream.linear.gather [hbm4b:s4+s2], $0x80, $0x38;
	[tilespmem:$0x1B980] =	vst v63  }
.LBB2_2:
0x4d: {  	[hbm4b:s15+s2] =	stream.linear.scatter [tilespmem:s21], [sflag:$0x6], $0x4000, $0x38;
	[tilespmem:$0x1B980] =	vst v63  }
0x4e: {  	s3 =	smov.u32 s29;
	s15 =	smov.u32 s30  }
0x4f: {  	p1 =	sne.s32 s29, $0x250;
	s29 =	sadd.s32 $0x10, s29;
	_ =	swait.ge [sflag:s23], $0x80  }
0x50: {  	[sflag:s23] =	ssyncset.done $0x0  }
0x51: {  	[sflag:s23] =	ssyncadd.s32 $0xFFFFFF80  }
0x52: {  	_ =	swait.ge [sflag:s24], $0x4000  }
0x53: {  	[sflag:s24] =	ssyncset.done $0x0  }
0x54: {  	[sflag:s24] =	ssyncadd.s32 $0xFFFFC000  }
0x55: {  	[tilespmem:s19], [sflag:$0x3] =	stream.indirect.gather [spmem:s1], $0x80, s2, s18, $0xb8;
	[tilespmem:$0x1B980] =	vst v63  }
0x56: {  	_ =	swait.ge [sflag:s20], $0x4000  }
0x57: {  	[sflag:s20] =	ssyncset.done $0x0  }
0x58: {  	s4 =	sadd.s32 s3, s14;
	[sflag:s20] =	ssyncadd.s32 $0xFFFFC000  }
0x59: {  	[tilespmem:s2], [sflag:$0x1] =	stream.linear.gather [hbm4b:s4+s2], $0x80, $0x38;
	[tilespmem:$0x1B980] =	vst v63  }
0x5a: {  	_ = 	snop  }
0x5b: {  	[hbm4b:s31+s2] =	stream.linear.scatter [tilespmem:s19], [sflag:$0x5], $0x4000, $0x38;
	[tilespmem:$0x1B980] =	vst v63  }
0x5c: {  	_ =	swait.ge [sflag:s25], $0x80  }
0x5d: {  	[sflag:s25] =	ssyncset.done $0x0  }
0x5e: {  	[sflag:s25] =	ssyncadd.s32 $0xFFFFFF80  }
0x5f: {  	_ =	swait.ge [sflag:s26], $0x4000  }
0x60: {  	[sflag:s26] =	ssyncset.done $0x0  }
0x61: {  	[sflag:s26] =	ssyncadd.s32 $0xFFFFC000  }
0x62: {  	[tilespmem:s21], [sflag:$0x4] =	stream.indirect.gather [spmem:s1], $0x80, s18, s18, $0xb8;
	[tilespmem:$0x1B980] =	vst v63  }
.Ltmp0:
0x63: {  	_ =	swait.ge [sflag:s22], $0x4000;
	(pc) =	sbr.rel @p1 .LBB2_2-.Ltmp0, $4  }
0x64: {  	[sflag:s22] =	ssyncset.done $0x0  }
0x65: {  	s3 =	sadd.s32 s3, s13;
	[sflag:s22] =	ssyncadd.s32 $0xFFFFC000  }
0x66: {  	[tilespmem:s18], [sflag:$0x2] =	stream.linear.gather [hbm4b:s3+s2], $0x80, $0x38;
	[tilespmem:$0x1B980] =	vst v63  }
0x67: {  	s30 =	sadd.s32 $0x800, s30;
	s31 =	sadd.s32 $0x800, s31  }
0x68: {  	[hbm4b:s15+s2] =	stream.linear.scatter [tilespmem:s21], [sflag:$0x6], $0x4000, $0x38;
	[tilespmem:$0x1B980] =	vst v63  }
0x69: {  	_ =	swait.ge [sflag:s23], $0x80  }
0x6a: {  	[sflag:s23] =	ssyncset.done $0x0  }
0x6b: {  	[sflag:s23] =	ssyncadd.s32 $0xFFFFFF80  }
0x6c: {  	_ =	swait.ge [sflag:s24], $0x4000  }
0x6d: {  	[sflag:s24] =	ssyncset.done $0x0  }
0x6e: {  	[sflag:s24] =	ssyncadd.s32 $0xFFFFC000  }
0x6f: {  	[tilespmem:s19], [sflag:$0x3] =	stream.indirect.gather [spmem:s1], $0x80, s2, s18, $0xb8;
	[tilespmem:$0x1B980] =	vst v63  }
0x70: {  	_ =	swait.ge [sflag:s20], $0x4000  }
0x71: {  	[sflag:s20] =	ssyncset.done $0x0  }
0x72: {  	[sflag:s20] =	ssyncadd.s32 $0xFFFFC000  }
0x73: {  	[hbm4b:s11+s2] =	stream.linear.scatter [tilespmem:s19], [sflag:$0x5], $0x4000, $0x38;
	[tilespmem:$0x1B980] =	vst v63  }
0x74: {  	_ =	swait.ge [sflag:s25], $0x80  }
0x75: {  	[sflag:s25] =	ssyncset.done $0x0  }
0x76: {  	[sflag:s25] =	ssyncadd.s32 $0xFFFFFF80  }
0x77: {  	_ =	swait.ge [sflag:s26], $0x4000  }
0x78: {  	[sflag:s26] =	ssyncset.done $0x0  }
0x79: {  	[sflag:s26] =	ssyncadd.s32 $0xFFFFC000  }
0x7a: {  	[tilespmem:s21], [sflag:$0x4] =	stream.indirect.gather [spmem:s1], $0x80, s18, s18, $0xb8;
	[tilespmem:$0x1B980] =	vst v63  }
0x7b: {  	_ =	swait.ge [sflag:s22], $0x4000  }
0x7c: {  	[sflag:s22] =	ssyncset.done $0x0  }
0x7d: {  	s28 =	sadd.s32 $0x1, s28;
	[sflag:s22] =	ssyncadd.s32 $0xFFFFC000  }
0x7e: {  	[hbm4b:s12+s2] =	stream.linear.scatter [tilespmem:s21], [sflag:$0x6], $0x4000, $0x38;
	[tilespmem:$0x1B980] =	vst v63  }
0x7f: {  	p1 =	sne.s32 s28, s6;
	_ =	swait.ge [sflag:s24], $0x4000  }
.Ltmp1:
0x80: {  	[sflag:s24] =	ssyncset.done $0x0;
	(pc) =	sbr.rel @p1 .LBB2_1-.Ltmp1, $4  }
0x81: {  	[sflag:s24] =	ssyncadd.s32 $0xFFFFC000  }
0x82: {  	_ =	swait.ge [sflag:s26], $0x4000  }
0x83: {  	[sflag:s26] =	ssyncset.done $0x0  }
0x84: {  	[sflag:s26] =	ssyncadd.s32 $0xFFFFC000  }
0x85: {  	_ =	sfence.sel $0x180000  }
0x86: {  	[bflag:$0x0] =	sbarrier.arrive $0xFFFF  }
0x87: {  	_ =	strace $0x90000056  }
0x88: {  	[bflag:$0x2] =	sbarrier.arrive $0xFFFF  }
0x89: {  	s0 =	rddreg [dreg:$0x2]  }
0x8a: {  	s0 =	sadd.s32 @!p0 $0x100000, s0  }
0x8b: {  	[sflag:s0] =	ssyncadd.tile.s32 @!p0 $0x1;
	_ =	shalt  }
.Lfunc_end2:
_tile_overlayer_lowered:
.L_overlay_start_2:
0x8c: {  	(tag) =	ssettag $0x2  }
0x8d: {  	s0 =	rddreg [dreg:$0x0];
	s2 =	stileid.u32  }
0x8e: {  	s1 =	rddreg [dreg:$0x1];
	p0 =	sne.s32 s2, $0x0  }
0x8f: {  	s3 =	rddreg [dreg:$0x2];
	[bflag:$0x3] =	sbarrier.arrive $0xFFFF;
	s2 =	simm.s32 @!p0 $0x1C07  }
0x90: {  	[timem:s3], [sflag:s2] =	dma.local @!p0 [hbm:s0], s1  }
0x91: {  	s0 =	simm.s32 @!p0 $0x7  }
0x92: {  	_ =	swait.ge @!p0 [sflag:s0], s1  }
0x93: {  	s1 =	ssub.s32 @!p0 $0x0, s1;
	[sflag:s0] =	ssyncset.done @!p0 $0x0  }
0x94: {  	[sflag:s0] =	ssyncadd.s32 @!p0 s1  }
0x95: {  	[bflag:$0x3] =	sbarrier.arrive $0xFFFF  }
0x96: {  	_ =	shalt  }

// kernel: kernel.33.cloned.1.call-start
scs
__scs_entry_jumppad:
0x0: {  	(pc) =	sbr.rel $0x88, $3  }
0x1: {  	(tag) =	ssettag $0x0;
	lr =	simm.s32 $0x1  }
0x2: {  	[smem:$0x3F7D] =	sst lr;
	_ =	strace $0xD0000000  }
0x3: {  	_ = 	snop  }
0x4: {  	_ = 	snop  }
0x5: {  	_ = 	snop  }
0x6: {  	_ = 	snop  }
0x7: {  	_ = 	snop  }
__scs_overlays_trampoline_lowered:
0x8: {  	[smem:$0x3F8C] =	sst s0  }
0x9: {  	[smem:$0x3F8D] =	sst s1  }
0xa: {  	[smem:$0x3F8E] =	sst s2  }
0xb: {  	[smem:$0x3F8F] =	sst s3  }
0xc: {  	[smem:$0x3F90] =	sst s4  }
0xd: {  	[smem:$0x3F91] =	sst s5  }
0xe: {  	[smem:$0x3F92] =	sst s6  }
0xf: {  	[smem:$0x3F93] =	sst s7  }
0x10: {  	[smem:$0x3F94] =	sst s8  }
0x11: {  	[smem:$0x3F95] =	sst s9;
	s0 =	simm.s32 @!p0 $0x0  }
0x12: {  	s1 =	sld [smem:$0x3F7B];
	s0 =	simm.s32 @p0 $0x1  }
0x13: {  	[smem:$0x3F96] =	sst s0;
	s0 =	simm.s32 @!p1 $0x0  }
0x14: {  	s2 =	sld [smem:$0x3F7A];
	s0 =	simm.s32 @p1 $0x1  }
0x15: {  	[smem:$0x3F97] =	sst s0;
	s0 =	simm.s32 @!p2 $0x0  }
0x16: {  	s3 =	sld [smem:$0x3FDB];
	s0 =	simm.s32 @p2 $0x1  }
0x17: {  	s4 =	simm.s32 $0x1BF5;
	[smem:$0x3F99] =	sst s0  }
0x18: {  	s0 =	sld [smem:$0x3F7C];
	_ =	swait.ge [sflag:s4], $0x0  }
0x19: {  	s7 =	sld [smem:$0x3F7D]  }
0x1a: {  	s8 =	sadd.s32 $0xFFFFE003, lr  }
0x1b: {  	s9 =	sadd.s32 $0xFFFFFEF7, lr;
	s5 =	simm.s32 $0xFFFFFFFF;
	p2 =	slt.u32 s8, $0xFFFFF086  }
0x1c: {  	p1 =	slt.u32 s9, $0xF7A;
	s5 =	simm.s32 @!p2 $0x0  }
0x1d: {  	s5 =	simm.s32 @p1 $0x1;
	p0 =	seq.s32 s7, s2  }
0x1e: {  	s7 =	smul.u32 @!p0 $0xF7A, s2;
	p2 =	seq.s32 @!p0 s5, $0x0  }
0x1f: {  	s9 =	smul.u32 $0xF7A, s1;
	s8 =	simm.s32 @!p0 $0x1BF5;
	p2 =	por !p2, p0  }
0x20: {  	[sflag:s8] =	ssyncset.s32 @!p0 $0xFFFFF086;
	s6 =	sadd.s32 @!p0 s3, s7;
	s7 =	simm.s32 @!p0 $0x108  }
0x21: {  	s3 =	sadd.s32 s3, s9;
	s6 =	sadd.s32 @!p0 $0x88, s6;
	s7 =	simm.s32 @p2 $0x1082  }
0x22: {  	[simem:s7], [sflag:s8] =	dma.local @!p0 [hbm:s6], $0xF7A  }
0x23: {  	s9 =	sor.u32 $0xD0000000, s2;
	s6 =	simm.s32 $0x108;
	_ =	swait.ge @!p0 [sflag:s8], $0x0  }
0x24: {  	s3 =	sadd.s32 $0x88, s3;
	s6 =	simm.s32 @!p1 $0x1082;
	[sflag:s4] =	ssyncset.s32 $0xFFFFF086  }
0x25: {  	[simem:s6], [sflag:s4] =	dma.local [hbm:s3], $0xF7A  }
0x26: {  	[smem:$0x3F7D] =	sst s1;
	(tag) =	ssettag s2;
	_ =	strace s9  }
0x27: {  	s1 =	sld [smem:$0x3F8D]  }
0x28: {  	s2 =	sld [smem:$0x3F8E]  }
0x29: {  	s4 =	sld [smem:$0x3F90]  }
0x2a: {  	p0 =	seq.s32 s5, $0x0;
	s5 =	sld [smem:$0x3F91]  }
0x2b: {  	s6 =	sld [smem:$0x3F92]  }
0x2c: {  	s7 =	sld [smem:$0x3F93]  }
0x2d: {  	s3 =	simm.s32 $0x108;
	s8 =	sld [smem:$0x3F94]  }
0x2e: {  	s3 =	simm.s32 @!p0 $0x1082;
	s9 =	sld [smem:$0x3F95]  }
0x2f: {  	lr =	sadd.s32 s0, s3;
	s0 =	sld [smem:$0x3F8C]  }
0x30: {  	s3 =	sld [smem:$0x3F8F]  }
0x31: {  	[smem:$0x3F98] =	sst s10  }
0x32: {  	s10 =	sld [smem:$0x3F96];
	_ =	sdelay $0x3  }
0x33: {  	p0 =	seq.s32 s10, $0x1;
	s10 =	sld [smem:$0x3F98];
	_ =	sdelay $0x3  }
0x34: {  	[smem:$0x3F98] =	sst s10  }
0x35: {  	s10 =	sld [smem:$0x3F97];
	_ =	sdelay $0x3  }
0x36: {  	p1 =	seq.s32 s10, $0x1;
	s10 =	sld [smem:$0x3F98];
	_ =	sdelay $0x3  }
0x37: {  	[smem:$0x3F98] =	sst s10  }
0x38: {  	s10 =	sld [smem:$0x3F99]  }
0x39: {  	_ = 	snop;
	(pc) =	sbr.ind lr, $3  }
0x3a: {  	_ = 	snop  }
0x3b: {  	_ = 	snop  }
0x3c: {  	p2 =	seq.s32 s10, $0x1;
	s10 =	sld [smem:$0x3F98]  }
0x3d: {  	_ =	shalt  }
0x3e: {  	_ =	shalt  }
0x3f: {  	_ =	shalt  }
0x40: {  	_ =	shalt  }
0x41: {  	_ =	shalt  }
0x42: {  	_ =	shalt  }
0x43: {  	_ =	shalt  }
0x44: {  	_ =	shalt  }
0x45: {  	_ =	shalt  }
0x46: {  	_ =	shalt  }
0x47: {  	_ =	shalt  }
0x48: {  	_ =	shalt  }
0x49: {  	_ =	shalt  }
0x4a: {  	_ =	shalt  }
0x4b: {  	_ =	shalt  }
0x4c: {  	_ =	shalt  }
0x4d: {  	_ =	shalt  }
0x4e: {  	_ =	shalt  }
0x4f: {  	_ =	shalt  }
0x50: {  	_ =	shalt  }
0x51: {  	_ =	shalt  }
0x52: {  	_ =	shalt  }
0x53: {  	_ =	shalt  }
0x54: {  	_ =	shalt  }
0x55: {  	_ =	shalt  }
0x56: {  	_ =	shalt  }
0x57: {  	_ =	shalt  }
0x58: {  	_ =	shalt  }
0x59: {  	_ =	shalt  }
0x5a: {  	_ =	shalt  }
0x5b: {  	_ =	shalt  }
0x5c: {  	_ =	shalt  }
0x5d: {  	_ =	shalt  }
0x5e: {  	_ =	shalt  }
0x5f: {  	_ =	shalt  }
0x60: {  	_ =	shalt  }
0x61: {  	_ =	shalt  }
0x62: {  	_ =	shalt  }
0x63: {  	_ =	shalt  }
0x64: {  	_ =	shalt  }
0x65: {  	_ =	shalt  }
0x66: {  	_ =	shalt  }
0x67: {  	_ =	shalt  }
0x68: {  	_ =	shalt  }
0x69: {  	_ =	shalt  }
0x6a: {  	_ =	shalt  }
0x6b: {  	_ =	shalt  }
0x6c: {  	_ =	shalt  }
0x6d: {  	_ =	shalt  }
0x6e: {  	_ =	shalt  }
0x6f: {  	_ =	shalt  }
0x70: {  	_ =	shalt  }
0x71: {  	_ =	shalt  }
0x72: {  	_ =	shalt  }
0x73: {  	_ =	shalt  }
0x74: {  	_ =	shalt  }
0x75: {  	_ =	shalt  }
0x76: {  	_ =	shalt  }
0x77: {  	_ =	shalt  }
0x78: {  	_ =	shalt  }
0x79: {  	_ =	shalt  }
0x7a: {  	_ =	shalt  }
0x7b: {  	_ =	shalt  }
0x7c: {  	_ =	shalt  }
0x7d: {  	_ =	shalt  }
0x7e: {  	_ =	shalt  }
0x7f: {  	_ =	shalt  }
0x80: {  	_ =	shalt  }
0x81: {  	_ =	shalt  }
0x82: {  	_ =	shalt  }
0x83: {  	_ =	shalt  }
0x84: {  	_ =	shalt  }
0x85: {  	_ =	shalt  }
0x86: {  	_ =	shalt  }
0x87: {  	_ =	shalt  }
.Lfunc_end0:
.L_simem_size_0:
called_computation.5_lowered:
.L_overlay_start_0:
0x88: {  	s2 =	sld [smem:$0x3FD9]  }
0x89: {  	s3 =	sld [smem:$0x3FFE];
	_ =	sdelay $0x1  }
0x8a: {  	s1 =	srdreg.scid  }
0x8b: {  	s0 =	sand.u32 $0x1, s1  }
0x8c: {  	s17 =	sshll.u32 s0, $0xA;
	s2 =	sadd.s32 s3, s2  }
0x8d: {  	s2 =	sadd.s32 s2, s17  }
0x8e: {  	[smem:$0x3FA4] =	sst s2  }
0x8f: {  	_ = 	snop  }
0x90: {  	(tm) =	ssettm $0x1  }
0x91: {  	s18 =	sld [smem:$0x3FFB];
	_ =	sdelay $0x3  }
0x92: {  	_ =	strace s18  }
0x93: {  	s2 =	sld [smem:$0x3FFC];
	_ =	sdelay $0x3  }
0x94: {  	_ =	strace s2  }
0x95: {  	s2 =	sld [smem:$0x3FFD];
	_ =	sdelay $0x3  }
0x96: {  	_ =	strace s2  }
0x97: {  	_ =	strace $0x8FFFFFFF  }
0x98: {  	s19 =	sld [smem:$0x3FDB];
	_ =	sdelay $0x1  }
0x99: {  	s20 =	simm.s32 $_scs_section_size  }
0x9a: {  	s4 =	simm.s32 $_size__tile_overlayer_lowered;
	s5 =	simm.s32 $_tile_overlayer_lowered  }
0x9b: {  	s6 =	simm.s32 $0x1BFF;
	s21 =	sshll.u32 s5, $0x1;
	s3 =	sadd.s32 s20, s19  }
0x9c: {  	s22 =	simm.s32 $0x0;
	s4 =	sshll.u32 s4, $0x1;
	s5 =	sadd.s32 s21, s3  }
0x9d: {  	[timem:s22], [sflag:s6] =	dma.local [hbm:s5], s4  }
0x9e: {  	_ =	swait.ge [sflag:s6], s4  }
0x9f: {  	s4 =	ssub.s32 $0x0, s4;
	[sflag:s6] =	ssyncset.done $0x0  }
0xa0: {  	[sflag:s6] =	ssyncadd.s32 s4;
	_ =	sdelay $0x1  }
0xa1: {  	s23 =	simm.s32 $0x1B8B  }
0xa2: {  	_ =	swait.ge [sflag:s23], $0x1  }
0xa3: {  	[sflag:s23] =	ssyncset.done $0x0  }
0xa4: {  	[sflag:s23] =	ssyncadd.s32 $0xFFFFFFFF  }
0xa5: {  	s4 =	sld [smem:$0x0]  }
0xa6: {  	s5 =	sand.u32 $0xFFFFFFFE, s1  }
0xa7: {  	p0 =	sne.s32 s1, s5  }
0xa8: {  	s5 =	sshll.u32 @p0 s5, $0xE  }
0xa9: {  	s5 =	sadd.s32 @p0 $0x11B8D, s5;
	s6 =	sshll.u32 @p0 s4, $0x11  }
0xaa: {  	s5 =	sor.u32 @p0 s6, s5  }
0xab: {  	[sflag:s5] =	ssyncadd.remote.s32 @p0 $0x1;
	_ =	sdelay $0x1  }
0xac: {  	s5 =	simm.s32 @p0 $0x1B8D  }
0xad: {  	_ =	swait.eq @p0 [sflag:s5], $0x1  }
0xae: {  	[sflag:s5] =	ssyncadd.s32 @p0 $0xFFFFFFFF  }
0xaf: {  	s6 =	sshll.u32 @!p0 s1, $0xE  }
0xb0: {  	s6 =	sor.u32 @!p0 $0x4000, s6;
	s5 =	simm.s32 @!p0 $0x1B8D  }
0xb1: {  	s4 =	sshll.u32 @!p0 s4, $0x11;
	s6 =	sadd.s32 @!p0 $0x11B8D, s6;
	_ =	swait.eq @!p0 [sflag:s5], $0x1  }
0xb2: {  	s4 =	sor.u32 @!p0 s4, s6;
	[sflag:s5] =	ssyncadd.s32 @!p0 $0xFFFFFFFF  }
0xb3: {  	s25 =	simm.s32 $0x1B8E;
	s24 =	sld [smem:$0x3FFE];
	[sflag:s4] =	ssyncadd.remote.s32 @!p0 $0x1  }
0xb4: {  	s26 =	simm.s32 $execute0_lowered;
	[smem:$0x3FD2] =	sst s25  }
0xb5: {  	s5 =	sshll.u32 s26, $0x1;
	_ =	strace $0x8000005B;
	[dreg:$0x1] =	wrdreg $0xFFFFFFFF  }
0xb6: {  	s28 =	simm.s32 $_size_execute0_lowered;
	s3 =	sadd.s32 s3, s5;
	[dreg:$0x0] =	wrdreg $0x0  }
0xb7: {  	s5 =	sshll.u32 s28, $0x1;
	[dreg:$0x2] =	wrdreg s3  }
0xb8: {  	[dreg:$0x3] =	wrdreg s5  }
0xb9: {  	[dreg:$0x4] =	wrdreg $0xC0  }
0xba: {  	_ =	task [dreg:s22], $0x5FFFF  }
0xbb: {  	[dreg:$0x1] =	wrdreg $0xFFFFFFFF  }
0xbc: {  	[dreg:$0x0] =	wrdreg $0x60  }
0xbd: {  	[dreg:$0x2] =	wrdreg s24  }
0xbe: {  	[dreg:$0x3] =	wrdreg $0x81000  }
0xbf: {  	[dreg:$0x4] =	wrdreg $0x9  }
0xc0: {  	_ =	task.clear_ibuf [dreg:s22], $0x5FFFF;
	_ =	strace $0x9000005B  }
0xc1: {  	s29 =	simm.s32 $0x9;
	_ =	strace $0x8000005D  }
0xc2: {  	_ =	swait.ge [sflag:s29], $0x1  }
0xc3: {  	[sflag:s29] =	ssyncadd.s32 $0xFFFFFFFF  }
0xc4: {  	_ =	strace $0x9000005D  }
0xc5: {  	_ =	sfence  }
0xc6: {  	s30 =	sld [smem:$0x0];
	_ =	sdelay $0x2  }
0xc7: {  	s31 =	sshll.u32 s1, $0xD;
	s1 =	sshrl.u32 s1, $0x2  }
0xc8: {  	s4 =	sand.u32 $0x4000, s31;
	s1 =	sadd.s32 s1, s30  }
0xc9: {  	s0 =	sor.u32 s4, s0;
	s1 =	sshll.u32 s1, $0x11  }
0xca: {  	s0 =	sor.u32 s1, s0  }
0xcb: {  	s0 =	sadd.s32 $0x8F2B, s0  }
0xcc: {  	[sflag:s0] =	ssyncadd.remote.s32 $0x1  }
0xcd: {  	_ =	sfence.sel $0xFFFF  }
0xce: {  	[dreg:$0x0] =	wrdreg $0xFFFFFFFF;
	(pc) =	sbr.abs _section_cstart, $3  }
0xcf: {  	[dreg:$0x1] =	wrdreg $0xFFFFFFFF  }
0xd0: {  	_ =	task.clear_ibuf [dreg:s22], $0x2FFFF;
	_ =	strace $0x9FFFFFFF  }
0xd1: {  	(tm) =	ssettm $0x7FFFFFFF  }
tec
execute0_lowered:
.L_overlay_start_1:
0x0: {  	(tag) =	ssettag $0x1  }
0x1: {  	s0 =	rddreg [dreg:$0x0]  }
0x2: {  	s1 =	rddreg [dreg:$0x1]  }
0x3: {  	s2 =	simm.s32 $0x0;
	s3 =	srdreg.scid;
	s17 =	stileid.u32  }
0x4: {  	s21 =	simm.s32 $0x100;
	s22 =	simm.s32 $0x80;
	s28 =	simm.s32 $0x3  }
0x5: {  	s29 =	simm.s32 $0x0;
	[smem:$0x7FF] =	sst s2;
	s13 =	smul.u32 $0x140000, s17  }
0x6: {  	s14 =	sand.u32 $0x1, s3;
	s23 =	sshll.u32 s17, $0x1;
	s19 =	smul.u32 $0x500, s17  }
0x7: {  	s18 =	sadd.s32 $0xE0000, s0;
	s3 =	sadd.s32 $0x8800, s0;
	s5 =	smul.u32 $0x27100, s14  }
0x8: {  	s4 =	sadd.s32 $0x6AC00, s0;
	p0 =	sne.s32 s17, $0x0;
	s15 =	smul.u32 $0xA0000, s14  }
0x9: {  	_ =	strace $0x8000005C;
	s6 =	sor.u32 s14, s23;
	s20 =	smul.u32 $0x280, s14  }
0xa: {  	[dreg:$0x3] =	wrdreg s4;
	s8 =	ssub.s32 $0x2, s14;
	s7 =	smul.u32 $0x280, s6  }
0xb: {  	s23 =	simm.s32 $0x4100;
	s9 =	smul.u32 $0x14000, s6;
	s24 =	sshrl.u32 s8, $0x1  }
0xc: {  	s10 =	smul.u32 $0xA0000, s6;
	s0 =	sadd.s32 s5, s0;
	s8 =	ssub.s32 s8, s24  }
0xd: {  	s16 =	sadd.s32 s15, s13;
	s24 =	simm.s32 $0x2;
	s5 =	sadd.s32 s3, s7  }
0xe: {  	s25 =	sadd.s32 s18, s9;
	s12 =	sor.u32 $0x8000, s10;
	s26 =	sshrl.u32 s10, $0x3  }
0xf: {  	s0 =	sadd.s32 $0x360000, s0;
	s8 =	smax.u32 s8, $0x1;
	s15 =	sor.u32 $0x10000, s16  }
0x10: {  	s31 =	sor.u32 $0xC000, s16;
	s16 =	sadd.s32 s20, s19;
	[dreg:$0x4] =	wrdreg s25  }
0x11: {  	s19 =	sshrl.u32 @!p0 s1, $0x3;
	s20 =	simm.s32 $0x5;
	[dreg:$0x5] =	wrdreg s0  }
0x12: {  	s30 =	sadd.s32 s18, s26;
	s9 =	sadd.s32 $0x10, s5;
	s11 =	sadd.s32 $0x20, s5  }
0x13: {  	s12 =	sshrl.u32 s12, $0x3;
	s13 =	sadd.s32 $0x270, s5;
	s15 =	sshrl.u32 s15, $0x3  }
0x14: {  	s0 =	sshrl.u32 s31, $0x3;
	s25 =	simm.s32 $0x4;
	s26 =	simm.s32 $0x1  }
0x15: {  	s10 =	sadd.s32 $0x800, s30;
	s12 =	sadd.s32 s18, s12;
	s14 =	sadd.s32 $0x13800, s30  }
0x16: {  	s15 =	sadd.s32 s15, s18;
	s0 =	sadd.s32 s0, s18;
	s18 =	sadd.s32 s3, s16  }
.LBB2_1:
0x17: {  	s17 =	simm.s32 @!p0 $0x1C05;
	s4 =	rddreg [dreg:$0x3]  }
0x18: {  	[spmem:s19], [sflag:s17] =	dma.local @!p0 [hbm:s4], $0x27100  }
0x19: {  	s17 =	simm.s32 @!p0 $0x5  }
0x1a: {  	_ =	swait.ge @!p0 [sflag:s17], $0x27100  }
0x1b: {  	[sflag:s17] =	ssyncset.done @!p0 $0x0  }
0x1c: {  	[sflag:s17] =	ssyncadd.s32 @!p0 $0xFFFD8F00  }
0x1d: {  	[bflag:$0x0] =	sbarrier.arrive $0xFFFF  }
0x1e: {  	[tilespmem:s2], [sflag:$0x5] =	stream.linear.gather [hbm4b:s5+s2], $0x80, $0x38;
	[tilespmem:$0x1B980] =	vst v63  }
0x1f: {  	_ =	swait.ge [sflag:s20], $0x80  }
0x20: {  	[sflag:s20] =	ssyncset.done $0x0  }
0x21: {  	s17 =	rddreg [dreg:$0x4];
	[sflag:s20] =	ssyncadd.s32 $0xFFFFFF80  }
0x22: {  	[tilespmem:s21], [sflag:$0x5] =	stream.linear.gather [hbm4b:s17+s2], $0x4000, $0x38;
	[tilespmem:$0x1B980] =	vst v63  }
0x23: {  	_ =	swait.ge [sflag:s20], $0x4000  }
0x24: {  	[sflag:s20] =	ssyncset.done $0x0  }
0x25: {  	[sflag:s20] =	ssyncadd.s32 $0xFFFFC000  }
0x26: {  	[tilespmem:s22], [sflag:$0x2] =	stream.linear.gather [hbm4b:s9+s2], $0x80, $0x38;
	[tilespmem:$0x1B980] =	vst v63  }
0x27: {  	_ = 	snop  }
0x28: {  	[tilespmem:s23], [sflag:$0x4] =	stream.linear.gather [hbm4b:s10+s2], $0x4000, $0x38;
	[tilespmem:$0x1B980] =	vst v63  }
0x29: {  	_ = 	snop  }
0x2a: {  	[spmem:s1] =	stream.indirect.scatter.add.f32 [tilespmem:s21], [sflag:$0x5], $0x80, s2, s22, $0xb8;
	[tilespmem:$0x1B980] =	vst v63  }
0x2b: {  	_ =	swait.ge [sflag:s20], $0x4000  }
0x2c: {  	[sflag:s20] =	ssyncset.done $0x0  }
0x2d: {  	[sflag:s20] =	ssyncadd.s32 $0xFFFFC000  }
0x2e: {  	_ =	swait.ge [sflag:s24], $0x80  }
0x2f: {  	[sflag:s24] =	ssyncset.done $0x0  }
0x30: {  	[sflag:s24] =	ssyncadd.s32 $0xFFFFFF80  }
0x31: {  	_ =	swait.ge [sflag:s25], $0x4000  }
0x32: {  	[sflag:s25] =	ssyncset.done $0x0  }
0x33: {  	[sflag:s25] =	ssyncadd.s32 $0xFFFFC000  }
0x34: {  	[tilespmem:s2], [sflag:$0x1] =	stream.linear.gather [hbm4b:s11+s2], $0x80, $0x38;
	[tilespmem:$0x1B980] =	vst v63  }
0x35: {  	_ = 	snop  }
0x36: {  	[tilespmem:s21], [sflag:$0x3] =	stream.linear.gather [hbm4b:s12+s2], $0x4000, $0x38;
	[tilespmem:$0x1B980] =	vst v63  }
0x37: {  	_ = 	snop  }
0x38: {  	[spmem:s1] =	stream.indirect.scatter.add.f32 [tilespmem:s23], [sflag:$0x5], $0x80, s22, s22, $0xb8;
	[tilespmem:$0x1B980] =	vst v63  }
0x39: {  	_ =	swait.ge [sflag:s20], $0x4000  }
0x3a: {  	[sflag:s20] =	ssyncset.done $0x0  }
0x3b: {  	[sflag:s20] =	ssyncadd.s32 $0xFFFFC000  }
0x3c: {  	_ =	swait.ge [sflag:s26], $0x80  }
0x3d: {  	s6 =	simm.s32 $0x20;
	[sflag:s26] =	ssyncset.done $0x0  }
0x3e: {  	s30 =	sadd.s32 $0x20, s16;
	s17 =	sand.u32 $0x60, s6;
	[sflag:s26] =	ssyncadd.s32 $0xFFFFFF80  }
0x3f: {  	s30 =	sand.u32 $0xFFFFF80, s30;
	s17 =	sadd.s32 s17, s3;
	_ =	swait.ge [sflag:s28], $0x4000  }
0x40: {  	s17 =	sadd.s32 s30, s17;
	[sflag:s28] =	ssyncset.done $0x0  }
0x41: {  	s17 =	sadd.s32 $0x10, s17;
	[sflag:s28] =	ssyncadd.s32 $0xFFFFC000  }
0x42: {  	[tilespmem:s22], [sflag:$0x2] =	stream.linear.gather [hbm4b:s17+s2], $0x80, $0x38;
	[tilespmem:$0x1B980] =	vst v63  }
0x43: {  	_ = 	snop  }
0x44: {  	[tilespmem:s23], [sflag:$0x4] =	stream.linear.gather [hbm4b:s0+s2], $0x4000, $0x38;
	[tilespmem:$0x1B980] =	vst v63  }
0x45: {  	_ = 	snop  }
0x46: {  	[spmem:s1] =	stream.indirect.scatter.add.f32 [tilespmem:s21], [sflag:$0x5], $0x80, s2, s22, $0xb8;
	[tilespmem:$0x1B980] =	vst v63  }
0x47: {  	_ =	swait.ge [sflag:s20], $0x4000  }
0x48: {  	[sflag:s20] =	ssyncset.done $0x0  }
0x49: {  	[sflag:s20] =	ssyncadd.s32 $0xFFFFC000  }
0x4a: {  	_ =	swait.ge [sflag:s24], $0x80  }
0x4b: {  	[sflag:s24] =	ssyncset.done $0x0  }
0x4c: {  	[sflag:s24] =	ssyncadd.s32 $0xFFFFFF80  }
0x4d: {  	_ =	swait.ge [sflag:s25], $0x4000  }
0x4e: {  	[sflag:s25] =	ssyncset.done $0x0  }
0x4f: {  	s7 =	sadd.s32 $0x40, s18;
	[sflag:s25] =	ssyncadd.s32 $0xFFFFC000  }
0x50: {  	[tilespmem:s2], [sflag:$0x1] =	stream.linear.gather [hbm4b:s7+s2], $0x80, $0x38;
	[tilespmem:$0x1B980] =	vst v63  }
0x51: {  	_ = 	snop  }
0x52: {  	[tilespmem:s21], [sflag:$0x3] =	stream.linear.gather [hbm4b:s15+s2], $0x4000, $0x38;
	[tilespmem:$0x1B980] =	vst v63  }
0x53: {  	_ = 	snop  }
0x54: {  	[spmem:s1] =	stream.indirect.scatter.add.f32 [tilespmem:s23], [sflag:$0x5], $0x80, s22, s22, $0xb8;
	[tilespmem:$0x1B980] =	vst v63  }
0x55: {  	s31 =	smov.u32 s15;
	_ =	swait.ge [sflag:s20], $0x4000  }
0x56: {  	s30 =	simm.s32 $0x60;
	s17 =	smov.u32 s0;
	[sflag:s20] =	ssyncset.done $0x0  }
.LBB2_2:
0x57: {  	[sflag:s20] =	ssyncadd.s32 $0xFFFFC000;
	s31 =	sadd.s32 $0x1000, s31;
	s17 =	sadd.s32 $0x1000, s17  }
0x58: {  	p1 =	sne.s32 s30, $0x260;
	s4 =	smov.u32 s30;
	s30 =	sadd.s32 $0x20, s30  }
0x59: {  	_ =	swait.ge [sflag:s26], $0x80  }
0x5a: {  	s6 =	sadd.s32 $0xFFFFFFE0, s4;
	[sflag:s26] =	ssyncset.done $0x0  }
0x5b: {  	s7 =	sadd.s32 s16, s6;
	s6 =	sand.u32 $0x60, s6;
	[sflag:s26] =	ssyncadd.s32 $0xFFFFFF80  }
0x5c: {  	s7 =	sand.u32 $0xFFFFF80, s7;
	s6 =	sadd.s32 s6, s3;
	_ =	swait.ge [sflag:s28], $0x4000  }
0x5d: {  	s6 =	sadd.s32 s7, s6;
	[sflag:s28] =	ssyncset.done $0x0  }
0x5e: {  	s6 =	sadd.s32 $0x10, s6;
	[sflag:s28] =	ssyncadd.s32 $0xFFFFC000  }
0x5f: {  	[tilespmem:s22], [sflag:$0x2] =	stream.linear.gather [hbm4b:s6+s2], $0x80, $0x38;
	[tilespmem:$0x1B980] =	vst v63  }
0x60: {  	_ = 	snop  }
0x61: {  	[tilespmem:s23], [sflag:$0x4] =	stream.linear.gather [hbm4b:s17+s2], $0x4000, $0x38;
	[tilespmem:$0x1B980] =	vst v63  }
0x62: {  	_ = 	snop  }
0x63: {  	[spmem:s1] =	stream.indirect.scatter.add.f32 [tilespmem:s21], [sflag:$0x5], $0x80, s2, s22, $0xb8;
	[tilespmem:$0x1B980] =	vst v63  }
0x64: {  	_ =	swait.ge [sflag:s20], $0x4000  }
0x65: {  	[sflag:s20] =	ssyncset.done $0x0  }
0x66: {  	[sflag:s20] =	ssyncadd.s32 $0xFFFFC000  }
0x67: {  	_ =	swait.ge [sflag:s24], $0x80  }
0x68: {  	[sflag:s24] =	ssyncset.done $0x0  }
0x69: {  	[sflag:s24] =	ssyncadd.s32 $0xFFFFFF80  }
0x6a: {  	_ =	swait.ge [sflag:s25], $0x4000  }
0x6b: {  	[sflag:s25] =	ssyncset.done $0x0  }
0x6c: {  	s4 =	sadd.s32 s4, s18;
	[sflag:s25] =	ssyncadd.s32 $0xFFFFC000  }
0x6d: {  	[tilespmem:s2], [sflag:$0x1] =	stream.linear.gather [hbm4b:s4+s2], $0x80, $0x38;
	[tilespmem:$0x1B980] =	vst v63  }
0x6e: {  	_ = 	snop  }
0x6f: {  	[tilespmem:s21], [sflag:$0x3] =	stream.linear.gather [hbm4b:s31+s2], $0x4000, $0x38;
	[tilespmem:$0x1B980] =	vst v63  }
.Ltmp0:
0x70: {  	_ = 	snop;
	(pc) =	sbr.rel @p1 .LBB2_2-.Ltmp0, $4  }
0x71: {  	_ = 	snop  }
0x72: {  	[spmem:s1] =	stream.indirect.scatter.add.f32 [tilespmem:s23], [sflag:$0x5], $0x80, s22, s22, $0xb8;
	[tilespmem:$0x1B980] =	vst v63  }
0x73: {  	_ =	swait.ge [sflag:s20], $0x4000  }
0x74: {  	[sflag:s20] =	ssyncset.done $0x0  }
0x75: {  	[sflag:s20] =	ssyncadd.s32 $0xFFFFC000  }
0x76: {  	_ =	swait.ge [sflag:s26], $0x80  }
0x77: {  	[sflag:s26] =	ssyncset.done $0x0  }
0x78: {  	[sflag:s26] =	ssyncadd.s32 $0xFFFFFF80  }
0x79: {  	_ =	swait.ge [sflag:s28], $0x4000  }
0x7a: {  	[sflag:s28] =	ssyncset.done $0x0  }
0x7b: {  	[sflag:s28] =	ssyncadd.s32 $0xFFFFC000  }
0x7c: {  	[tilespmem:s22], [sflag:$0x2] =	stream.linear.gather [hbm4b:s13+s2], $0x80, $0x38;
	[tilespmem:$0x1B980] =	vst v63  }
0x7d: {  	_ = 	snop  }
0x7e: {  	[tilespmem:s23], [sflag:$0x4] =	stream.linear.gather [hbm4b:s14+s2], $0x4000, $0x38;
	[tilespmem:$0x1B980] =	vst v63  }
0x7f: {  	_ = 	snop  }
0x80: {  	[spmem:s1] =	stream.indirect.scatter.add.f32 [tilespmem:s21], [sflag:$0x5], $0x80, s2, s22, $0xb8;
	[tilespmem:$0x1B980] =	vst v63  }
0x81: {  	_ =	swait.ge [sflag:s20], $0x4000  }
0x82: {  	[sflag:s20] =	ssyncset.done $0x0  }
0x83: {  	[sflag:s20] =	ssyncadd.s32 $0xFFFFC000  }
0x84: {  	_ =	swait.ge [sflag:s24], $0x80  }
0x85: {  	[sflag:s24] =	ssyncset.done $0x0  }
0x86: {  	[sflag:s24] =	ssyncadd.s32 $0xFFFFFF80  }
0x87: {  	_ =	swait.ge [sflag:s25], $0x4000  }
0x88: {  	[sflag:s25] =	ssyncset.done $0x0  }
0x89: {  	[sflag:s25] =	ssyncadd.s32 $0xFFFFC000  }
0x8a: {  	[spmem:s1] =	stream.indirect.scatter.add.f32 [tilespmem:s23], [sflag:$0x5], $0x80, s22, s22, $0xb8;
	[tilespmem:$0x1B980] =	vst v63  }
0x8b: {  	_ =	swait.ge [sflag:s20], $0x4000  }
0x8c: {  	[sflag:s20] =	ssyncset.done $0x0  }
0x8d: {  	[sflag:s20] =	ssyncadd.s32 $0xFFFFC000  }
0x8e: {  	s29 =	sadd.s32 $0x1, s29;
	[bflag:$0x0] =	sbarrier.arrive $0xFFFF  }
0x8f: {  	s4 =	simm.s32 @!p0 $0x1C05;
	p1 =	sne.s32 s29, s8;
	s6 =	rddreg [dreg:$0x5]  }
0x90: {  	[hbm:s6], [sflag:s4] =	dma.local @!p0 [spmem:s19], $0x27100  }
.Ltmp1:
0x91: {  	_ = 	snop;
	(pc) =	sbr.rel @p1 .LBB2_1-.Ltmp1, $4  }
0x92: {  	s4 =	simm.s32 @!p0 $0x5  }
0x93: {  	_ =	swait.ge @!p0 [sflag:s4], $0x27100  }
0x94: {  	[sflag:s4] =	ssyncset.done @!p0 $0x0  }
0x95: {  	[sflag:s4] =	ssyncadd.s32 @!p0 $0xFFFD8F00  }
0x96: {  	_ =	sfence.sel $0x180000  }
0x97: {  	[bflag:$0x0] =	sbarrier.arrive $0xFFFF  }
0x98: {  	_ =	strace $0x9000005C  }
0x99: {  	[bflag:$0x2] =	sbarrier.arrive $0xFFFF  }
0x9a: {  	s0 =	rddreg [dreg:$0x2]  }
0x9b: {  	s0 =	sadd.s32 @!p0 $0x100000, s0  }
0x9c: {  	[sflag:s0] =	ssyncadd.tile.s32 @!p0 $0x1;
	_ =	shalt  }
.Lfunc_end2:
_tile_overlayer_lowered:
.L_overlay_start_2:
0x9d: {  	(tag) =	ssettag $0x2  }
0x9e: {  	s0 =	rddreg [dreg:$0x0];
	s2 =	stileid.u32  }
0x9f: {  	s1 =	rddreg [dreg:$0x1];
	p0 =	sne.s32 s2, $0x0  }
0xa0: {  	s3 =	rddreg [dreg:$0x2];
	[bflag:$0x3] =	sbarrier.arrive $0xFFFF;
	s2 =	simm.s32 @!p0 $0x1C05  }
0xa1: {  	[timem:s3], [sflag:s2] =	dma.local @!p0 [hbm:s0], s1  }
0xa2: {  	s0 =	simm.s32 @!p0 $0x5  }
0xa3: {  	_ =	swait.ge @!p0 [sflag:s0], s1  }
0xa4: {  	s1 =	ssub.s32 @!p0 $0x0, s1;
	[sflag:s0] =	ssyncset.done @!p0 $0x0  }
0xa5: {  	[sflag:s0] =	ssyncadd.s32 @!p0 s1  }
0xa6: {  	[bflag:$0x3] =	sbarrier.arrive $0xFFFF  }
0xa7: {  	_ =	shalt  }

// kernel: kernel.36.cloned.1.call-start
scs
__scs_entry_jumppad:
0x0: {  	(pc) =	sbr.rel $0x88, $3  }
0x1: {  	(tag) =	ssettag $0x0;
	lr =	simm.s32 $0x1  }
0x2: {  	[smem:$0x3F7D] =	sst lr;
	_ =	strace $0xD0000000  }
0x3: {  	_ = 	snop  }
0x4: {  	_ = 	snop  }
0x5: {  	_ = 	snop  }
0x6: {  	_ = 	snop  }
0x7: {  	_ = 	snop  }
__scs_overlays_trampoline_lowered:
0x8: {  	[smem:$0x3F8C] =	sst s0  }
0x9: {  	[smem:$0x3F8D] =	sst s1  }
0xa: {  	[smem:$0x3F8E] =	sst s2  }
0xb: {  	[smem:$0x3F8F] =	sst s3  }
0xc: {  	[smem:$0x3F90] =	sst s4  }
0xd: {  	[smem:$0x3F91] =	sst s5  }
0xe: {  	[smem:$0x3F92] =	sst s6  }
0xf: {  	[smem:$0x3F93] =	sst s7  }
0x10: {  	[smem:$0x3F94] =	sst s8  }
0x11: {  	[smem:$0x3F95] =	sst s9;
	s0 =	simm.s32 @!p0 $0x0  }
0x12: {  	s1 =	sld [smem:$0x3F7B];
	s0 =	simm.s32 @p0 $0x1  }
0x13: {  	[smem:$0x3F96] =	sst s0;
	s0 =	simm.s32 @!p1 $0x0  }
0x14: {  	s2 =	sld [smem:$0x3F7A];
	s0 =	simm.s32 @p1 $0x1  }
0x15: {  	[smem:$0x3F97] =	sst s0;
	s0 =	simm.s32 @!p2 $0x0  }
0x16: {  	s3 =	sld [smem:$0x3FDB];
	s0 =	simm.s32 @p2 $0x1  }
0x17: {  	s4 =	simm.s32 $0x1BF5;
	[smem:$0x3F99] =	sst s0  }
0x18: {  	s0 =	sld [smem:$0x3F7C];
	_ =	swait.ge [sflag:s4], $0x0  }
0x19: {  	s7 =	sld [smem:$0x3F7D]  }
0x1a: {  	s8 =	sadd.s32 $0xFFFFE003, lr  }
0x1b: {  	s9 =	sadd.s32 $0xFFFFFEF7, lr;
	s5 =	simm.s32 $0xFFFFFFFF;
	p2 =	slt.u32 s8, $0xFFFFF086  }
0x1c: {  	p1 =	slt.u32 s9, $0xF7A;
	s5 =	simm.s32 @!p2 $0x0  }
0x1d: {  	s5 =	simm.s32 @p1 $0x1;
	p0 =	seq.s32 s7, s2  }
0x1e: {  	s7 =	smul.u32 @!p0 $0xF7A, s2;
	p2 =	seq.s32 @!p0 s5, $0x0  }
0x1f: {  	s9 =	smul.u32 $0xF7A, s1;
	s8 =	simm.s32 @!p0 $0x1BF5;
	p2 =	por !p2, p0  }
0x20: {  	[sflag:s8] =	ssyncset.s32 @!p0 $0xFFFFF086;
	s6 =	sadd.s32 @!p0 s3, s7;
	s7 =	simm.s32 @!p0 $0x108  }
0x21: {  	s3 =	sadd.s32 s3, s9;
	s6 =	sadd.s32 @!p0 $0x88, s6;
	s7 =	simm.s32 @p2 $0x1082  }
0x22: {  	[simem:s7], [sflag:s8] =	dma.local @!p0 [hbm:s6], $0xF7A  }
0x23: {  	s9 =	sor.u32 $0xD0000000, s2;
	s6 =	simm.s32 $0x108;
	_ =	swait.ge @!p0 [sflag:s8], $0x0  }
0x24: {  	s3 =	sadd.s32 $0x88, s3;
	s6 =	simm.s32 @!p1 $0x1082;
	[sflag:s4] =	ssyncset.s32 $0xFFFFF086  }
0x25: {  	[simem:s6], [sflag:s4] =	dma.local [hbm:s3], $0xF7A  }
0x26: {  	[smem:$0x3F7D] =	sst s1;
	(tag) =	ssettag s2;
	_ =	strace s9  }
0x27: {  	s1 =	sld [smem:$0x3F8D]  }
0x28: {  	s2 =	sld [smem:$0x3F8E]  }
0x29: {  	s4 =	sld [smem:$0x3F90]  }
0x2a: {  	p0 =	seq.s32 s5, $0x0;
	s5 =	sld [smem:$0x3F91]  }
0x2b: {  	s6 =	sld [smem:$0x3F92]  }
0x2c: {  	s7 =	sld [smem:$0x3F93]  }
0x2d: {  	s3 =	simm.s32 $0x108;
	s8 =	sld [smem:$0x3F94]  }
0x2e: {  	s3 =	simm.s32 @!p0 $0x1082;
	s9 =	sld [smem:$0x3F95]  }
0x2f: {  	lr =	sadd.s32 s0, s3;
	s0 =	sld [smem:$0x3F8C]  }
0x30: {  	s3 =	sld [smem:$0x3F8F]  }
0x31: {  	[smem:$0x3F98] =	sst s10  }
0x32: {  	s10 =	sld [smem:$0x3F96];
	_ =	sdelay $0x3  }
0x33: {  	p0 =	seq.s32 s10, $0x1;
	s10 =	sld [smem:$0x3F98];
	_ =	sdelay $0x3  }
0x34: {  	[smem:$0x3F98] =	sst s10  }
0x35: {  	s10 =	sld [smem:$0x3F97];
	_ =	sdelay $0x3  }
0x36: {  	p1 =	seq.s32 s10, $0x1;
	s10 =	sld [smem:$0x3F98];
	_ =	sdelay $0x3  }
0x37: {  	[smem:$0x3F98] =	sst s10  }
0x38: {  	s10 =	sld [smem:$0x3F99]  }
0x39: {  	_ = 	snop;
	(pc) =	sbr.ind lr, $3  }
0x3a: {  	_ = 	snop  }
0x3b: {  	_ = 	snop  }
0x3c: {  	p2 =	seq.s32 s10, $0x1;
	s10 =	sld [smem:$0x3F98]  }
0x3d: {  	_ =	shalt  }
0x3e: {  	_ =	shalt  }
0x3f: {  	_ =	shalt  }
0x40: {  	_ =	shalt  }
0x41: {  	_ =	shalt  }
0x42: {  	_ =	shalt  }
0x43: {  	_ =	shalt  }
0x44: {  	_ =	shalt  }
0x45: {  	_ =	shalt  }
0x46: {  	_ =	shalt  }
0x47: {  	_ =	shalt  }
0x48: {  	_ =	shalt  }
0x49: {  	_ =	shalt  }
0x4a: {  	_ =	shalt  }
0x4b: {  	_ =	shalt  }
0x4c: {  	_ =	shalt  }
0x4d: {  	_ =	shalt  }
0x4e: {  	_ =	shalt  }
0x4f: {  	_ =	shalt  }
0x50: {  	_ =	shalt  }
0x51: {  	_ =	shalt  }
0x52: {  	_ =	shalt  }
0x53: {  	_ =	shalt  }
0x54: {  	_ =	shalt  }
0x55: {  	_ =	shalt  }
0x56: {  	_ =	shalt  }
0x57: {  	_ =	shalt  }
0x58: {  	_ =	shalt  }
0x59: {  	_ =	shalt  }
0x5a: {  	_ =	shalt  }
0x5b: {  	_ =	shalt  }
0x5c: {  	_ =	shalt  }
0x5d: {  	_ =	shalt  }
0x5e: {  	_ =	shalt  }
0x5f: {  	_ =	shalt  }
0x60: {  	_ =	shalt  }
0x61: {  	_ =	shalt  }
0x62: {  	_ =	shalt  }
0x63: {  	_ =	shalt  }
0x64: {  	_ =	shalt  }
0x65: {  	_ =	shalt  }
0x66: {  	_ =	shalt  }
0x67: {  	_ =	shalt  }
0x68: {  	_ =	shalt  }
0x69: {  	_ =	shalt  }
0x6a: {  	_ =	shalt  }
0x6b: {  	_ =	shalt  }
0x6c: {  	_ =	shalt  }
0x6d: {  	_ =	shalt  }
0x6e: {  	_ =	shalt  }
0x6f: {  	_ =	shalt  }
0x70: {  	_ =	shalt  }
0x71: {  	_ =	shalt  }
0x72: {  	_ =	shalt  }
0x73: {  	_ =	shalt  }
0x74: {  	_ =	shalt  }
0x75: {  	_ =	shalt  }
0x76: {  	_ =	shalt  }
0x77: {  	_ =	shalt  }
0x78: {  	_ =	shalt  }
0x79: {  	_ =	shalt  }
0x7a: {  	_ =	shalt  }
0x7b: {  	_ =	shalt  }
0x7c: {  	_ =	shalt  }
0x7d: {  	_ =	shalt  }
0x7e: {  	_ =	shalt  }
0x7f: {  	_ =	shalt  }
0x80: {  	_ =	shalt  }
0x81: {  	_ =	shalt  }
0x82: {  	_ =	shalt  }
0x83: {  	_ =	shalt  }
0x84: {  	_ =	shalt  }
0x85: {  	_ =	shalt  }
0x86: {  	_ =	shalt  }
0x87: {  	_ =	shalt  }
.Lfunc_end0:
.L_simem_size_0:
called_computation.6_lowered:
.L_overlay_start_0:
0x88: {  	s2 =	sld [smem:$0x3FD9]  }
0x89: {  	s3 =	sld [smem:$0x3FFE];
	_ =	sdelay $0x1  }
0x8a: {  	s1 =	srdreg.scid  }
0x8b: {  	s0 =	sand.u32 $0x1, s1  }
0x8c: {  	s16 =	sshll.u32 s0, $0xA;
	s2 =	sadd.s32 s3, s2  }
0x8d: {  	s2 =	sadd.s32 s2, s16  }
0x8e: {  	[smem:$0x3FA4] =	sst s2  }
0x8f: {  	_ = 	snop  }
0x90: {  	(tm) =	ssettm $0x1  }
0x91: {  	s17 =	sld [smem:$0x3FFB];
	_ =	sdelay $0x3  }
0x92: {  	_ =	strace s17  }
0x93: {  	s2 =	sld [smem:$0x3FFC];
	_ =	sdelay $0x3  }
0x94: {  	_ =	strace s2  }
0x95: {  	s2 =	sld [smem:$0x3FFD];
	_ =	sdelay $0x3  }
0x96: {  	_ =	strace s2  }
0x97: {  	_ =	strace $0x8FFFFFFF  }
0x98: {  	s18 =	sld [smem:$0x3FDB];
	_ =	sdelay $0x1  }
0x99: {  	s19 =	simm.s32 $_scs_section_size  }
0x9a: {  	s4 =	simm.s32 $_size__tile_overlayer_lowered;
	s5 =	simm.s32 $_tile_overlayer_lowered  }
0x9b: {  	s22 =	simm.s32 $0x1BFF;
	s21 =	sshll.u32 s5, $0x1;
	s2 =	sadd.s32 s19, s18  }
0x9c: {  	s6 =	simm.s32 $0x0;
	s20 =	sshll.u32 s4, $0x1;
	s4 =	sadd.s32 s21, s2  }
0x9d: {  	[timem:s6], [sflag:s22] =	dma.local [hbm:s4], s20  }
0x9e: {  	_ =	swait.ge [sflag:s22], s20  }
0x9f: {  	s3 =	ssub.s32 $0x0, s20;
	[sflag:s22] =	ssyncset.done $0x0  }
0xa0: {  	[sflag:s22] =	ssyncadd.s32 s3;
	_ =	sdelay $0x1  }
0xa1: {  	s23 =	simm.s32 $0x1B8B  }
0xa2: {  	_ =	swait.ge [sflag:s23], $0x1  }
0xa3: {  	[sflag:s23] =	ssyncset.done $0x0  }
0xa4: {  	s25 =	simm.s32 $0x1B8E;
	s24 =	sld [smem:$0x3FFE];
	[sflag:s23] =	ssyncadd.s32 $0xFFFFFFFF  }
0xa5: {  	s26 =	simm.s32 $execute0_lowered;
	[smem:$0x3FD2] =	sst s25  }
0xa6: {  	s4 =	sshll.u32 s26, $0x1;
	_ =	strace $0x80000052;
	[dreg:$0x1] =	wrdreg $0xFFFFFFFF  }
0xa7: {  	s28 =	simm.s32 $_size_execute0_lowered;
	s2 =	sadd.s32 s2, s4;
	[dreg:$0x0] =	wrdreg $0x0  }
0xa8: {  	s4 =	sshll.u32 s28, $0x1;
	[dreg:$0x2] =	wrdreg s2  }
0xa9: {  	[dreg:$0x3] =	wrdreg s4  }
0xaa: {  	[dreg:$0x4] =	wrdreg $0xC0  }
0xab: {  	_ =	task [dreg:s6], $0x5FFFF  }
0xac: {  	[dreg:$0x1] =	wrdreg $0xFFFFFFFF  }
0xad: {  	[dreg:$0x0] =	wrdreg $0x60  }
0xae: {  	[dreg:$0x2] =	wrdreg s24  }
0xaf: {  	[dreg:$0x3] =	wrdreg $0x81000  }
0xb0: {  	[dreg:$0x4] =	wrdreg $0xA  }
0xb1: {  	_ =	task.clear_ibuf [dreg:s6], $0x5FFFF;
	_ =	strace $0x90000052  }
0xb2: {  	s29 =	simm.s32 $0xA;
	_ =	strace $0x80000054  }
0xb3: {  	_ =	swait.ge [sflag:s29], $0x1  }
0xb4: {  	[sflag:s29] =	ssyncadd.s32 $0xFFFFFFFF  }
0xb5: {  	_ =	strace $0x90000054  }
0xb6: {  	_ =	sfence  }
0xb7: {  	s30 =	sld [smem:$0x0];
	_ =	sdelay $0x2  }
0xb8: {  	s31 =	sshll.u32 s1, $0xD;
	s1 =	sshrl.u32 s1, $0x2  }
0xb9: {  	s3 =	sand.u32 $0x4000, s31;
	s1 =	sadd.s32 s1, s30  }
0xba: {  	s0 =	sor.u32 s3, s0;
	s1 =	sshll.u32 s1, $0x11  }
0xbb: {  	s0 =	sor.u32 s1, s0  }
0xbc: {  	s0 =	sadd.s32 $0x8F2B, s0  }
0xbd: {  	[sflag:s0] =	ssyncadd.remote.s32 $0x1  }
0xbe: {  	_ =	sfence.sel $0xFFFF  }
0xbf: {  	[dreg:$0x0] =	wrdreg $0xFFFFFFFF;
	(pc) =	sbr.abs _section_cstart, $3  }
0xc0: {  	[dreg:$0x1] =	wrdreg $0xFFFFFFFF  }
0xc1: {  	_ =	task.clear_ibuf [dreg:s6], $0x2FFFF;
	_ =	strace $0x9FFFFFFF  }
0xc2: {  	(tm) =	ssettm $0x7FFFFFFF  }
0xc3: {  	_ =	shalt  }
tec
execute0_lowered:
.L_overlay_start_1:
0x0: {  	(tag) =	ssettag $0x1  }
0x1: {  	s0 =	rddreg [dreg:$0x0]  }
0x2: {  	s1 =	rddreg [dreg:$0x1];
	s2 =	simm.s32 $0x0;
	s3 =	srdreg.scid  }
0x3: {  	s15 =	stileid.u32;
	s22 =	simm.s32 $0x4;
	s23 =	simm.s32 $0x1  }
0x4: {  	s24 =	simm.s32 $0x5;
	s25 =	simm.s32 $0x2;
	s28 =	simm.s32 $0x0  }
0x5: {  	[smem:$0x7FF] =	sst s2;
	s12 =	sand.u32 $0x1, s3;
	s4 =	sshll.u32 s15, $0x1  }
0x6: {  	s26 =	sadd.s32 $0x1C800, s0;
	s13 =	sadd.s32 $0x8800, s0;
	s17 =	smul.u32 $0x500, s15  }
0x7: {  	s14 =	sadd.s32 $0x12800, s0;
	s16 =	sadd.s32 $0x91E00, s0;
	s18 =	smul.u32 $0x140000, s15  }
0x8: {  	s0 =	sadd.s32 $0x311E00, s0;
	p0 =	sne.s32 s15, $0x0;
	s20 =	smul.u32 $0xA0000, s12  }
0x9: {  	_ =	strace $0x80000053;
	s4 =	sor.u32 s12, s4;
	s21 =	smul.u32 $0x280, s12  }
0xa: {  	[dreg:$0x3] =	wrdreg s26;
	s6 =	ssub.s32 $0x2, s12;
	s5 =	smul.u32 $0x280, s4  }
0xb: {  	s26 =	simm.s32 $0x6;
	s7 =	sshrl.u32 s6, $0x1;
	s8 =	smul.u32 $0xA0000, s4  }
0xc: {  	s6 =	ssub.s32 s6, s7;
	s18 =	sadd.s32 s20, s18;
	s20 =	simm.s32 $0x3  }
0xd: {  	s5 =	sadd.s32 $0x5000, s5;
	s29 =	smax.u32 s6, $0x1;
	s10 =	sshrl.u32 s8, $0x3  }
0xe: {  	s18 =	sor.u32 $0x4000, s18;
	s4 =	sadd.s32 s13, s5;
	s5 =	sadd.s32 s14, s5  }
0xf: {  	[dreg:$0x4] =	wrdreg s29;
	s8 =	sadd.s32 s16, s10;
	s19 =	sadd.s32 $0x13800, s10  }
0x10: {  	s10 =	sadd.s32 s0, s10;
	s14 =	sadd.s32 s17, s14;
	s17 =	sadd.s32 s17, s13  }
0x11: {  	s31 =	sshrl.u32 s18, $0x3;
	s18 =	simm.s32 $0x80;
	s7 =	sadd.s32 $0x10, s4  }
0x12: {  	s9 =	sadd.s32 $0x10, s5;
	s11 =	sadd.s32 s16, s19;
	s12 =	sadd.s32 s0, s19  }
0x13: {  	s14 =	sadd.s32 s21, s14;
	s30 =	sadd.s32 s21, s17;
	s0 =	sadd.s32 s31, s0  }
0x14: {  	s16 =	sadd.s32 s31, s16;
	s17 =	simm.s32 $0x7;
	s19 =	simm.s32 $0x100  }
0x15: {  	s21 =	simm.s32 $0x4100;
	s13 =	sadd.s32 $0x5020, s14;
	s14 =	sadd.s32 $0x5020, s30  }
.LBB2_1:
0x16: {  	s15 =	sshrl.u32 @!p0 s1, $0x3;
	s29 =	simm.s32 @!p0 $0x1C07;
	s3 =	rddreg [dreg:$0x3]  }
0x17: {  	[spmem:s15], [sflag:s29] =	dma.local @!p0 [hbm:s3], $0x27100  }
0x18: {  	s15 =	simm.s32 @!p0 $0x7  }
0x19: {  	_ =	swait.ge @!p0 [sflag:s15], $0x27100  }
0x1a: {  	[sflag:s15] =	ssyncset.done @!p0 $0x0  }
0x1b: {  	[sflag:s15] =	ssyncadd.s32 @!p0 $0xFFFD8F00  }
0x1c: {  	[bflag:$0x0] =	sbarrier.arrive $0xFFFF  }
0x1d: {  	[tilespmem:s2], [sflag:$0x7] =	stream.linear.gather [hbm4b:s4+s2], $0x80, $0x38;
	[tilespmem:$0x1B980] =	vst v63  }
0x1e: {  	_ =	swait.ge [sflag:s17], $0x80  }
0x1f: {  	[sflag:s17] =	ssyncset.done $0x0  }
0x20: {  	[sflag:s17] =	ssyncadd.s32 $0xFFFFFF80  }
0x21: {  	[tilespmem:s18], [sflag:$0x7] =	stream.linear.gather [hbm4b:s5+s2], $0x80, $0x38;
	[tilespmem:$0x1B980] =	vst v63  }
0x22: {  	_ =	swait.ge [sflag:s17], $0x80  }
0x23: {  	[sflag:s17] =	ssyncset.done $0x0  }
0x24: {  	[sflag:s17] =	ssyncadd.s32 $0xFFFFFF80  }
0x25: {  	[tilespmem:s19], [sflag:$0x3] =	stream.indirect.gather [spmem:s1], $0x80, s2, s18, $0xb8;
	[tilespmem:$0x1B980] =	vst v63  }
0x26: {  	_ =	swait.ge [sflag:s20], $0x4000  }
0x27: {  	[sflag:s20] =	ssyncset.done $0x0  }
0x28: {  	[sflag:s20] =	ssyncadd.s32 $0xFFFFC000  }
0x29: {  	[tilespmem:s2], [sflag:$0x1] =	stream.linear.gather [hbm4b:s7+s2], $0x80, $0x38;
	[tilespmem:$0x1B980] =	vst v63  }
0x2a: {  	_ = 	snop  }
0x2b: {  	[hbm4b:s8+s2] =	stream.linear.scatter [tilespmem:s19], [sflag:$0x5], $0x4000, $0x38;
	[tilespmem:$0x1B980] =	vst v63  }
0x2c: {  	_ = 	snop  }
0x2d: {  	[tilespmem:s21], [sflag:$0x4] =	stream.indirect.gather [spmem:s1], $0x80, s18, s18, $0xb8;
	[tilespmem:$0x1B980] =	vst v63  }
0x2e: {  	_ =	swait.ge [sflag:s22], $0x4000  }
0x2f: {  	[sflag:s22] =	ssyncset.done $0x0  }
0x30: {  	[sflag:s22] =	ssyncadd.s32 $0xFFFFC000  }
0x31: {  	[tilespmem:s18], [sflag:$0x2] =	stream.linear.gather [hbm4b:s9+s2], $0x80, $0x38;
	[tilespmem:$0x1B980] =	vst v63  }
0x32: {  	_ = 	snop  }
0x33: {  	[hbm4b:s10+s2] =	stream.linear.scatter [tilespmem:s21], [sflag:$0x6], $0x4000, $0x38;
	[tilespmem:$0x1B980] =	vst v63  }
0x34: {  	_ =	swait.ge [sflag:s23], $0x80  }
0x35: {  	[sflag:s23] =	ssyncset.done $0x0  }
0x36: {  	[sflag:s23] =	ssyncadd.s32 $0xFFFFFF80  }
0x37: {  	_ =	swait.ge [sflag:s24], $0x4000  }
0x38: {  	[sflag:s24] =	ssyncset.done $0x0  }
0x39: {  	[sflag:s24] =	ssyncadd.s32 $0xFFFFC000  }
0x3a: {  	[tilespmem:s19], [sflag:$0x3] =	stream.indirect.gather [spmem:s1], $0x80, s2, s18, $0xb8;
	[tilespmem:$0x1B980] =	vst v63  }
0x3b: {  	_ =	swait.ge [sflag:s20], $0x4000  }
0x3c: {  	[sflag:s20] =	ssyncset.done $0x0  }
0x3d: {  	s3 =	sadd.s32 $0x0, s14;
	[sflag:s20] =	ssyncadd.s32 $0xFFFFC000  }
0x3e: {  	[tilespmem:s2], [sflag:$0x1] =	stream.linear.gather [hbm4b:s3+s2], $0x80, $0x38;
	[tilespmem:$0x1B980] =	vst v63  }
0x3f: {  	_ = 	snop  }
0x40: {  	[hbm4b:s16+s2] =	stream.linear.scatter [tilespmem:s19], [sflag:$0x5], $0x4000, $0x38;
	[tilespmem:$0x1B980] =	vst v63  }
0x41: {  	_ =	swait.ge [sflag:s25], $0x80  }
0x42: {  	[sflag:s25] =	ssyncset.done $0x0  }
0x43: {  	[sflag:s25] =	ssyncadd.s32 $0xFFFFFF80  }
0x44: {  	_ =	swait.ge [sflag:s26], $0x4000  }
0x45: {  	[sflag:s26] =	ssyncset.done $0x0  }
0x46: {  	[sflag:s26] =	ssyncadd.s32 $0xFFFFC000  }
0x47: {  	[tilespmem:s21], [sflag:$0x4] =	stream.indirect.gather [spmem:s1], $0x80, s18, s18, $0xb8;
	[tilespmem:$0x1B980] =	vst v63  }
0x48: {  	s6 =	sadd.s32 $0x0, s13;
	_ =	swait.ge [sflag:s22], $0x4000  }
0x49: {  	s30 =	sadd.s32 $0x800, s0;
	s31 =	sadd.s32 $0x800, s16;
	[sflag:s22] =	ssyncset.done $0x0  }
0x4a: {  	s29 =	simm.s32 $0x10;
	s15 =	smov.u32 s0;
	[sflag:s22] =	ssyncadd.s32 $0xFFFFC000  }
0x4b: {  	[tilespmem:s18], [sflag:$0x2] =	stream.linear.gather [hbm4b:s6+s2], $0x80, $0x38;
	[tilespmem:$0x1B980] =	vst v63  }
.LBB2_2:
0x4c: {  	[hbm4b:s15+s2] =	stream.linear.scatter [tilespmem:s21], [sflag:$0x6], $0x4000, $0x38;
	[tilespmem:$0x1B980] =	vst v63  }
0x4d: {  	s3 =	smov.u32 s29;
	s15 =	smov.u32 s30  }
0x4e: {  	p1 =	sne.s32 s29, $0x250;
	s29 =	sadd.s32 $0x10, s29;
	_ =	swait.ge [sflag:s23], $0x80  }
0x4f: {  	[sflag:s23] =	ssyncset.done $0x0  }
0x50: {  	[sflag:s23] =	ssyncadd.s32 $0xFFFFFF80  }
0x51: {  	_ =	swait.ge [sflag:s24], $0x4000  }
0x52: {  	[sflag:s24] =	ssyncset.done $0x0  }
0x53: {  	[sflag:s24] =	ssyncadd.s32 $0xFFFFC000  }
0x54: {  	[tilespmem:s19], [sflag:$0x3] =	stream.indirect.gather [spmem:s1], $0x80, s2, s18, $0xb8;
	[tilespmem:$0x1B980] =	vst v63  }
0x55: {  	_ =	swait.ge [sflag:s20], $0x4000  }
0x56: {  	[sflag:s20] =	ssyncset.done $0x0  }
0x57: {  	s6 =	sadd.s32 s3, s14;
	[sflag:s20] =	ssyncadd.s32 $0xFFFFC000  }
0x58: {  	[tilespmem:s2], [sflag:$0x1] =	stream.linear.gather [hbm4b:s6+s2], $0x80, $0x38;
	[tilespmem:$0x1B980] =	vst v63  }
0x59: {  	_ = 	snop  }
0x5a: {  	[hbm4b:s31+s2] =	stream.linear.scatter [tilespmem:s19], [sflag:$0x5], $0x4000, $0x38;
	[tilespmem:$0x1B980] =	vst v63  }
0x5b: {  	_ =	swait.ge [sflag:s25], $0x80  }
0x5c: {  	[sflag:s25] =	ssyncset.done $0x0  }
0x5d: {  	[sflag:s25] =	ssyncadd.s32 $0xFFFFFF80  }
0x5e: {  	_ =	swait.ge [sflag:s26], $0x4000  }
0x5f: {  	[sflag:s26] =	ssyncset.done $0x0  }
0x60: {  	[sflag:s26] =	ssyncadd.s32 $0xFFFFC000  }
0x61: {  	[tilespmem:s21], [sflag:$0x4] =	stream.indirect.gather [spmem:s1], $0x80, s18, s18, $0xb8;
	[tilespmem:$0x1B980] =	vst v63  }
.Ltmp0:
0x62: {  	_ =	swait.ge [sflag:s22], $0x4000;
	(pc) =	sbr.rel @p1 .LBB2_2-.Ltmp0, $4  }
0x63: {  	[sflag:s22] =	ssyncset.done $0x0  }
0x64: {  	s3 =	sadd.s32 s3, s13;
	[sflag:s22] =	ssyncadd.s32 $0xFFFFC000  }
0x65: {  	[tilespmem:s18], [sflag:$0x2] =	stream.linear.gather [hbm4b:s3+s2], $0x80, $0x38;
	[tilespmem:$0x1B980] =	vst v63  }
0x66: {  	s30 =	sadd.s32 $0x800, s30;
	s31 =	sadd.s32 $0x800, s31  }
0x67: {  	[hbm4b:s15+s2] =	stream.linear.scatter [tilespmem:s21], [sflag:$0x6], $0x4000, $0x38;
	[tilespmem:$0x1B980] =	vst v63  }
0x68: {  	_ =	swait.ge [sflag:s23], $0x80  }
0x69: {  	[sflag:s23] =	ssyncset.done $0x0  }
0x6a: {  	[sflag:s23] =	ssyncadd.s32 $0xFFFFFF80  }
0x6b: {  	_ =	swait.ge [sflag:s24], $0x4000  }
0x6c: {  	[sflag:s24] =	ssyncset.done $0x0  }
0x6d: {  	[sflag:s24] =	ssyncadd.s32 $0xFFFFC000  }
0x6e: {  	[tilespmem:s19], [sflag:$0x3] =	stream.indirect.gather [spmem:s1], $0x80, s2, s18, $0xb8;
	[tilespmem:$0x1B980] =	vst v63  }
0x6f: {  	_ =	swait.ge [sflag:s20], $0x4000  }
0x70: {  	[sflag:s20] =	ssyncset.done $0x0  }
0x71: {  	[sflag:s20] =	ssyncadd.s32 $0xFFFFC000  }
0x72: {  	[hbm4b:s11+s2] =	stream.linear.scatter [tilespmem:s19], [sflag:$0x5], $0x4000, $0x38;
	[tilespmem:$0x1B980] =	vst v63  }
0x73: {  	_ =	swait.ge [sflag:s25], $0x80  }
0x74: {  	[sflag:s25] =	ssyncset.done $0x0  }
0x75: {  	[sflag:s25] =	ssyncadd.s32 $0xFFFFFF80  }
0x76: {  	_ =	swait.ge [sflag:s26], $0x4000  }
0x77: {  	[sflag:s26] =	ssyncset.done $0x0  }
0x78: {  	[sflag:s26] =	ssyncadd.s32 $0xFFFFC000  }
0x79: {  	[tilespmem:s21], [sflag:$0x4] =	stream.indirect.gather [spmem:s1], $0x80, s18, s18, $0xb8;
	[tilespmem:$0x1B980] =	vst v63  }
0x7a: {  	_ =	swait.ge [sflag:s22], $0x4000  }
0x7b: {  	[sflag:s22] =	ssyncset.done $0x0  }
0x7c: {  	[sflag:s22] =	ssyncadd.s32 $0xFFFFC000  }
0x7d: {  	[hbm4b:s12+s2] =	stream.linear.scatter [tilespmem:s21], [sflag:$0x6], $0x4000, $0x38;
	[tilespmem:$0x1B980] =	vst v63  }
0x7e: {  	_ =	swait.ge [sflag:s24], $0x4000  }
0x7f: {  	[sflag:s24] =	ssyncset.done $0x0  }
0x80: {  	[sflag:s24] =	ssyncadd.s32 $0xFFFFC000  }
0x81: {  	_ =	swait.ge [sflag:s26], $0x4000  }
0x82: {  	s28 =	sadd.s32 $0x1, s28;
	s3 =	rddreg [dreg:$0x4]  }
0x83: {  	p1 =	sne.s32 s28, s3  }
.Ltmp1:
0x84: {  	_ = 	snop;
	(pc) =	sbr.rel @p1 .LBB2_1-.Ltmp1, $3  }
0x85: {  	_ =	sdelay $0x1  }
0x86: {  	[sflag:s26] =	ssyncset.done $0x0  }
0x87: {  	[sflag:s26] =	ssyncadd.s32 $0xFFFFC000  }
0x88: {  	_ =	sfence.sel $0x180000  }
0x89: {  	[bflag:$0x0] =	sbarrier.arrive $0xFFFF  }
0x8a: {  	_ =	strace $0x90000053  }
0x8b: {  	[bflag:$0x2] =	sbarrier.arrive $0xFFFF  }
0x8c: {  	s0 =	rddreg [dreg:$0x2]  }
0x8d: {  	s0 =	sadd.s32 @!p0 $0x100000, s0  }
0x8e: {  	[sflag:s0] =	ssyncadd.tile.s32 @!p0 $0x1;
	_ =	shalt  }
.Lfunc_end2:
_tile_overlayer_lowered:
.L_overlay_start_2:
0x8f: {  	(tag) =	ssettag $0x2  }
0x90: {  	s0 =	rddreg [dreg:$0x0];
	s2 =	stileid.u32  }
0x91: {  	s1 =	rddreg [dreg:$0x1];
	p0 =	sne.s32 s2, $0x0  }
0x92: {  	s3 =	rddreg [dreg:$0x2];
	[bflag:$0x3] =	sbarrier.arrive $0xFFFF;
	s2 =	simm.s32 @!p0 $0x1C07  }
0x93: {  	[timem:s3], [sflag:s2] =	dma.local @!p0 [hbm:s0], s1  }
0x94: {  	s0 =	simm.s32 @!p0 $0x7  }
0x95: {  	_ =	swait.ge @!p0 [sflag:s0], s1  }
0x96: {  	s1 =	ssub.s32 @!p0 $0x0, s1;
	[sflag:s0] =	ssyncset.done @!p0 $0x0  }
0x97: {  	[sflag:s0] =	ssyncadd.s32 @!p0 s1  }
0x98: {  	[bflag:$0x3] =	sbarrier.arrive $0xFFFF  }
0x99: {  	_ =	shalt  }

// kernel: kernel.39.cloned.1.call-start
scs
__scs_entry_jumppad:
0x0: {  	(pc) =	sbr.rel $0x88, $3  }
0x1: {  	(tag) =	ssettag $0x0;
	lr =	simm.s32 $0x1  }
0x2: {  	[smem:$0x3F7D] =	sst lr;
	_ =	strace $0xD0000000  }
0x3: {  	_ = 	snop  }
0x4: {  	_ = 	snop  }
0x5: {  	_ = 	snop  }
0x6: {  	_ = 	snop  }
0x7: {  	_ = 	snop  }
__scs_overlays_trampoline_lowered:
0x8: {  	[smem:$0x3F8C] =	sst s0  }
0x9: {  	[smem:$0x3F8D] =	sst s1  }
0xa: {  	[smem:$0x3F8E] =	sst s2  }
0xb: {  	[smem:$0x3F8F] =	sst s3  }
0xc: {  	[smem:$0x3F90] =	sst s4  }
0xd: {  	[smem:$0x3F91] =	sst s5  }
0xe: {  	[smem:$0x3F92] =	sst s6  }
0xf: {  	[smem:$0x3F93] =	sst s7  }
0x10: {  	[smem:$0x3F94] =	sst s8  }
0x11: {  	[smem:$0x3F95] =	sst s9;
	s0 =	simm.s32 @!p0 $0x0  }
0x12: {  	s1 =	sld [smem:$0x3F7B];
	s0 =	simm.s32 @p0 $0x1  }
0x13: {  	[smem:$0x3F96] =	sst s0;
	s0 =	simm.s32 @!p1 $0x0  }
0x14: {  	s2 =	sld [smem:$0x3F7A];
	s0 =	simm.s32 @p1 $0x1  }
0x15: {  	[smem:$0x3F97] =	sst s0;
	s0 =	simm.s32 @!p2 $0x0  }
0x16: {  	s3 =	sld [smem:$0x3FDB];
	s0 =	simm.s32 @p2 $0x1  }
0x17: {  	s4 =	simm.s32 $0x1BF5;
	[smem:$0x3F99] =	sst s0  }
0x18: {  	s0 =	sld [smem:$0x3F7C];
	_ =	swait.ge [sflag:s4], $0x0  }
0x19: {  	s7 =	sld [smem:$0x3F7D]  }
0x1a: {  	s8 =	sadd.s32 $0xFFFFE003, lr  }
0x1b: {  	s9 =	sadd.s32 $0xFFFFFEF7, lr;
	s5 =	simm.s32 $0xFFFFFFFF;
	p2 =	slt.u32 s8, $0xFFFFF086  }
0x1c: {  	p1 =	slt.u32 s9, $0xF7A;
	s5 =	simm.s32 @!p2 $0x0  }
0x1d: {  	s5 =	simm.s32 @p1 $0x1;
	p0 =	seq.s32 s7, s2  }
0x1e: {  	s7 =	smul.u32 @!p0 $0xF7A, s2;
	p2 =	seq.s32 @!p0 s5, $0x0  }
0x1f: {  	s9 =	smul.u32 $0xF7A, s1;
	s8 =	simm.s32 @!p0 $0x1BF5;
	p2 =	por !p2, p0  }
0x20: {  	[sflag:s8] =	ssyncset.s32 @!p0 $0xFFFFF086;
	s6 =	sadd.s32 @!p0 s3, s7;
	s7 =	simm.s32 @!p0 $0x108  }
0x21: {  	s3 =	sadd.s32 s3, s9;
	s6 =	sadd.s32 @!p0 $0x88, s6;
	s7 =	simm.s32 @p2 $0x1082  }
0x22: {  	[simem:s7], [sflag:s8] =	dma.local @!p0 [hbm:s6], $0xF7A  }
0x23: {  	s9 =	sor.u32 $0xD0000000, s2;
	s6 =	simm.s32 $0x108;
	_ =	swait.ge @!p0 [sflag:s8], $0x0  }
0x24: {  	s3 =	sadd.s32 $0x88, s3;
	s6 =	simm.s32 @!p1 $0x1082;
	[sflag:s4] =	ssyncset.s32 $0xFFFFF086  }
0x25: {  	[simem:s6], [sflag:s4] =	dma.local [hbm:s3], $0xF7A  }
0x26: {  	[smem:$0x3F7D] =	sst s1;
	(tag) =	ssettag s2;
	_ =	strace s9  }
0x27: {  	s1 =	sld [smem:$0x3F8D]  }
0x28: {  	s2 =	sld [smem:$0x3F8E]  }
0x29: {  	s4 =	sld [smem:$0x3F90]  }
0x2a: {  	p0 =	seq.s32 s5, $0x0;
	s5 =	sld [smem:$0x3F91]  }
0x2b: {  	s6 =	sld [smem:$0x3F92]  }
0x2c: {  	s7 =	sld [smem:$0x3F93]  }
0x2d: {  	s3 =	simm.s32 $0x108;
	s8 =	sld [smem:$0x3F94]  }
0x2e: {  	s3 =	simm.s32 @!p0 $0x1082;
	s9 =	sld [smem:$0x3F95]  }
0x2f: {  	lr =	sadd.s32 s0, s3;
	s0 =	sld [smem:$0x3F8C]  }
0x30: {  	s3 =	sld [smem:$0x3F8F]  }
0x31: {  	[smem:$0x3F98] =	sst s10  }
0x32: {  	s10 =	sld [smem:$0x3F96];
	_ =	sdelay $0x3  }
0x33: {  	p0 =	seq.s32 s10, $0x1;
	s10 =	sld [smem:$0x3F98];
	_ =	sdelay $0x3  }
0x34: {  	[smem:$0x3F98] =	sst s10  }
0x35: {  	s10 =	sld [smem:$0x3F97];
	_ =	sdelay $0x3  }
0x36: {  	p1 =	seq.s32 s10, $0x1;
	s10 =	sld [smem:$0x3F98];
	_ =	sdelay $0x3  }
0x37: {  	[smem:$0x3F98] =	sst s10  }
0x38: {  	s10 =	sld [smem:$0x3F99]  }
0x39: {  	_ = 	snop;
	(pc) =	sbr.ind lr, $3  }
0x3a: {  	_ = 	snop  }
0x3b: {  	_ = 	snop  }
0x3c: {  	p2 =	seq.s32 s10, $0x1;
	s10 =	sld [smem:$0x3F98]  }
0x3d: {  	_ =	shalt  }
0x3e: {  	_ =	shalt  }
0x3f: {  	_ =	shalt  }
0x40: {  	_ =	shalt  }
0x41: {  	_ =	shalt  }
0x42: {  	_ =	shalt  }
0x43: {  	_ =	shalt  }
0x44: {  	_ =	shalt  }
0x45: {  	_ =	shalt  }
0x46: {  	_ =	shalt  }
0x47: {  	_ =	shalt  }
0x48: {  	_ =	shalt  }
0x49: {  	_ =	shalt  }
0x4a: {  	_ =	shalt  }
0x4b: {  	_ =	shalt  }
0x4c: {  	_ =	shalt  }
0x4d: {  	_ =	shalt  }
0x4e: {  	_ =	shalt  }
0x4f: {  	_ =	shalt  }
0x50: {  	_ =	shalt  }
0x51: {  	_ =	shalt  }
0x52: {  	_ =	shalt  }
0x53: {  	_ =	shalt  }
0x54: {  	_ =	shalt  }
0x55: {  	_ =	shalt  }
0x56: {  	_ =	shalt  }
0x57: {  	_ =	shalt  }
0x58: {  	_ =	shalt  }
0x59: {  	_ =	shalt  }
0x5a: {  	_ =	shalt  }
0x5b: {  	_ =	shalt  }
0x5c: {  	_ =	shalt  }
0x5d: {  	_ =	shalt  }
0x5e: {  	_ =	shalt  }
0x5f: {  	_ =	shalt  }
0x60: {  	_ =	shalt  }
0x61: {  	_ =	shalt  }
0x62: {  	_ =	shalt  }
0x63: {  	_ =	shalt  }
0x64: {  	_ =	shalt  }
0x65: {  	_ =	shalt  }
0x66: {  	_ =	shalt  }
0x67: {  	_ =	shalt  }
0x68: {  	_ =	shalt  }
0x69: {  	_ =	shalt  }
0x6a: {  	_ =	shalt  }
0x6b: {  	_ =	shalt  }
0x6c: {  	_ =	shalt  }
0x6d: {  	_ =	shalt  }
0x6e: {  	_ =	shalt  }
0x6f: {  	_ =	shalt  }
0x70: {  	_ =	shalt  }
0x71: {  	_ =	shalt  }
0x72: {  	_ =	shalt  }
0x73: {  	_ =	shalt  }
0x74: {  	_ =	shalt  }
0x75: {  	_ =	shalt  }
0x76: {  	_ =	shalt  }
0x77: {  	_ =	shalt  }
0x78: {  	_ =	shalt  }
0x79: {  	_ =	shalt  }
0x7a: {  	_ =	shalt  }
0x7b: {  	_ =	shalt  }
0x7c: {  	_ =	shalt  }
0x7d: {  	_ =	shalt  }
0x7e: {  	_ =	shalt  }
0x7f: {  	_ =	shalt  }
0x80: {  	_ =	shalt  }
0x81: {  	_ =	shalt  }
0x82: {  	_ =	shalt  }
0x83: {  	_ =	shalt  }
0x84: {  	_ =	shalt  }
0x85: {  	_ =	shalt  }
0x86: {  	_ =	shalt  }
0x87: {  	_ =	shalt  }
.Lfunc_end0:
.L_simem_size_0:
called_computation.7_lowered:
.L_overlay_start_0:
0x88: {  	s2 =	sld [smem:$0x3FD9]  }
0x89: {  	s3 =	sld [smem:$0x3FFE];
	_ =	sdelay $0x1  }
0x8a: {  	s1 =	srdreg.scid  }
0x8b: {  	s0 =	sand.u32 $0x1, s1  }
0x8c: {  	s17 =	sshll.u32 s0, $0xA;
	s2 =	sadd.s32 s3, s2  }
0x8d: {  	s2 =	sadd.s32 s2, s17  }
0x8e: {  	[smem:$0x3FA4] =	sst s2  }
0x8f: {  	_ = 	snop  }
0x90: {  	(tm) =	ssettm $0x1  }
0x91: {  	s18 =	sld [smem:$0x3FFB];
	_ =	sdelay $0x3  }
0x92: {  	_ =	strace s18  }
0x93: {  	s2 =	sld [smem:$0x3FFC];
	_ =	sdelay $0x3  }
0x94: {  	_ =	strace s2  }
0x95: {  	s2 =	sld [smem:$0x3FFD];
	_ =	sdelay $0x3  }
0x96: {  	_ =	strace s2  }
0x97: {  	_ =	strace $0x8FFFFFFF  }
0x98: {  	s19 =	sld [smem:$0x3FDB];
	_ =	sdelay $0x1  }
0x99: {  	s20 =	simm.s32 $_scs_section_size  }
0x9a: {  	s4 =	simm.s32 $_size__tile_overlayer_lowered;
	s5 =	simm.s32 $_tile_overlayer_lowered  }
0x9b: {  	s6 =	simm.s32 $0x1BFF;
	s21 =	sshll.u32 s5, $0x1;
	s3 =	sadd.s32 s20, s19  }
0x9c: {  	s22 =	simm.s32 $0x0;
	s4 =	sshll.u32 s4, $0x1;
	s5 =	sadd.s32 s21, s3  }
0x9d: {  	[timem:s22], [sflag:s6] =	dma.local [hbm:s5], s4  }
0x9e: {  	_ =	swait.ge [sflag:s6], s4  }
0x9f: {  	s4 =	ssub.s32 $0x0, s4;
	[sflag:s6] =	ssyncset.done $0x0  }
0xa0: {  	[sflag:s6] =	ssyncadd.s32 s4;
	_ =	sdelay $0x1  }
0xa1: {  	s23 =	simm.s32 $0x1B8B  }
0xa2: {  	_ =	swait.ge [sflag:s23], $0x1  }
0xa3: {  	[sflag:s23] =	ssyncset.done $0x0  }
0xa4: {  	[sflag:s23] =	ssyncadd.s32 $0xFFFFFFFF  }
0xa5: {  	s4 =	sld [smem:$0x0]  }
0xa6: {  	s5 =	sand.u32 $0xFFFFFFFE, s1  }
0xa7: {  	p0 =	sne.s32 s1, s5  }
0xa8: {  	s5 =	sshll.u32 @p0 s5, $0xE  }
0xa9: {  	s5 =	sadd.s32 @p0 $0x11B8D, s5;
	s6 =	sshll.u32 @p0 s4, $0x11  }
0xaa: {  	s5 =	sor.u32 @p0 s6, s5  }
0xab: {  	[sflag:s5] =	ssyncadd.remote.s32 @p0 $0x1;
	_ =	sdelay $0x1  }
0xac: {  	s5 =	simm.s32 @p0 $0x1B8D  }
0xad: {  	_ =	swait.eq @p0 [sflag:s5], $0x1  }
0xae: {  	[sflag:s5] =	ssyncadd.s32 @p0 $0xFFFFFFFF  }
0xaf: {  	s6 =	sshll.u32 @!p0 s1, $0xE  }
0xb0: {  	s6 =	sor.u32 @!p0 $0x4000, s6;
	s5 =	simm.s32 @!p0 $0x1B8D  }
0xb1: {  	s4 =	sshll.u32 @!p0 s4, $0x11;
	s6 =	sadd.s32 @!p0 $0x11B8D, s6;
	_ =	swait.eq @!p0 [sflag:s5], $0x1  }
0xb2: {  	s4 =	sor.u32 @!p0 s4, s6;
	[sflag:s5] =	ssyncadd.s32 @!p0 $0xFFFFFFFF  }
0xb3: {  	s25 =	simm.s32 $0x1B8E;
	s24 =	sld [smem:$0x3FFE];
	[sflag:s4] =	ssyncadd.remote.s32 @!p0 $0x1  }
0xb4: {  	s26 =	simm.s32 $execute0_lowered;
	[smem:$0x3FD2] =	sst s25  }
0xb5: {  	s5 =	sshll.u32 s26, $0x1;
	_ =	strace $0x80000058;
	[dreg:$0x1] =	wrdreg $0xFFFFFFFF  }
0xb6: {  	s28 =	simm.s32 $_size_execute0_lowered;
	s3 =	sadd.s32 s3, s5;
	[dreg:$0x0] =	wrdreg $0x0  }
0xb7: {  	s5 =	sshll.u32 s28, $0x1;
	[dreg:$0x2] =	wrdreg s3  }
0xb8: {  	[dreg:$0x3] =	wrdreg s5  }
0xb9: {  	[dreg:$0x4] =	wrdreg $0xC0  }
0xba: {  	_ =	task [dreg:s22], $0x5FFFF  }
0xbb: {  	[dreg:$0x1] =	wrdreg $0xFFFFFFFF  }
0xbc: {  	[dreg:$0x0] =	wrdreg $0x60  }
0xbd: {  	[dreg:$0x2] =	wrdreg s24  }
0xbe: {  	[dreg:$0x3] =	wrdreg $0x81000  }
0xbf: {  	[dreg:$0x4] =	wrdreg $0xA  }
0xc0: {  	_ =	task.clear_ibuf [dreg:s22], $0x5FFFF;
	_ =	strace $0x90000058  }
0xc1: {  	s29 =	simm.s32 $0xA;
	_ =	strace $0x8000005A  }
0xc2: {  	_ =	swait.ge [sflag:s29], $0x1  }
0xc3: {  	[sflag:s29] =	ssyncadd.s32 $0xFFFFFFFF  }
0xc4: {  	_ =	strace $0x9000005A  }
0xc5: {  	_ =	sfence  }
0xc6: {  	s30 =	sld [smem:$0x0];
	_ =	sdelay $0x2  }
0xc7: {  	s31 =	sshll.u32 s1, $0xD;
	s1 =	sshrl.u32 s1, $0x2  }
0xc8: {  	s4 =	sand.u32 $0x4000, s31;
	s1 =	sadd.s32 s1, s30  }
0xc9: {  	s0 =	sor.u32 s4, s0;
	s1 =	sshll.u32 s1, $0x11  }
0xca: {  	s0 =	sor.u32 s1, s0  }
0xcb: {  	s0 =	sadd.s32 $0x8F2B, s0  }
0xcc: {  	[sflag:s0] =	ssyncadd.remote.s32 $0x1  }
0xcd: {  	_ =	sfence.sel $0xFFFF  }
0xce: {  	[dreg:$0x0] =	wrdreg $0xFFFFFFFF;
	(pc) =	sbr.abs _section_cstart, $3  }
0xcf: {  	[dreg:$0x1] =	wrdreg $0xFFFFFFFF  }
0xd0: {  	_ =	task.clear_ibuf [dreg:s22], $0x2FFFF;
	_ =	strace $0x9FFFFFFF  }
0xd1: {  	(tm) =	ssettm $0x7FFFFFFF  }
tec
execute0_lowered:
.L_overlay_start_1:
0x0: {  	(tag) =	ssettag $0x1  }
0x1: {  	s0 =	rddreg [dreg:$0x0]  }
0x2: {  	s1 =	rddreg [dreg:$0x1];
	s2 =	simm.s32 $0x0  }
0x3: {  	s3 =	srdreg.scid;
	s19 =	stileid.u32;
	s28 =	simm.s32 $0x0  }
0x4: {  	[smem:$0x7FF] =	sst s2;
	s13 =	sand.u32 $0x1, s3;
	s16 =	smul.u32 $0x140000, s19  }
0x5: {  	s22 =	sshll.u32 s19, $0x1;
	s17 =	sadd.s32 $0xA91E00, s0;
	s26 =	smul.u32 $0x500, s19  }
0x6: {  	s3 =	sadd.s32 $0x8800, s0;
	s4 =	sadd.s32 $0x6AC00, s0;
	s5 =	smul.u32 $0x27100, s13  }
0x7: {  	p0 =	sne.s32 s19, $0x0;
	s19 =	simm.s32 $0x5;
	s18 =	smul.u32 $0xA0000, s13  }
0x8: {  	_ =	strace $0x80000059;
	s6 =	sor.u32 s13, s22;
	s29 =	smul.u32 $0x280, s13  }
0x9: {  	[dreg:$0x3] =	wrdreg s4;
	s23 =	ssub.s32 $0x2, s13;
	s14 =	smul.u32 $0x280, s6  }
0xa: {  	s22 =	simm.s32 $0x4100;
	s8 =	smul.u32 $0x14000, s6;
	s9 =	sshrl.u32 s23, $0x1  }
0xb: {  	s11 =	smul.u32 $0xA0000, s6;
	s7 =	sadd.s32 s5, s0;
	s9 =	ssub.s32 s23, s9  }
0xc: {  	s0 =	sadd.s32 $0x8810, s0;
	s16 =	sadd.s32 s18, s16;
	s23 =	simm.s32 $0x2  }
0xd: {  	s10 =	sadd.s32 $0x5000, s14;
	s25 =	sadd.s32 s17, s8;
	s12 =	sor.u32 $0x8000, s11  }
0xe: {  	s11 =	sshrl.u32 s11, $0x3;
	s7 =	sadd.s32 $0x91E00, s7;
	s8 =	smax.u32 s9, $0x1  }
0xf: {  	s30 =	sor.u32 $0x10000, s16;
	s21 =	sor.u32 $0xC000, s16;
	s24 =	sadd.s32 s3, s10  }
0x10: {  	[dreg:$0x5] =	wrdreg s25;
	s15 =	sadd.s32 s17, s11;
	s9 =	sadd.s32 s10, s0  }
0x11: {  	s0 =	sadd.s32 s0, s14;
	s12 =	sshrl.u32 s12, $0x3;
	s14 =	sadd.s32 s14, s3  }
0x12: {  	s20 =	sshrl.u32 s30, $0x3;
	s31 =	sshrl.u32 s21, $0x3;
	s21 =	simm.s32 $0x80  }
0x13: {  	s25 =	simm.s32 $0x1;
	[dreg:$0x4] =	wrdreg s24;
	s10 =	sadd.s32 $0x800, s15  }
0x14: {  	s11 =	sadd.s32 $0x5010, s0;
	s12 =	sadd.s32 s17, s12;
	s13 =	sadd.s32 $0x5270, s14  }
0x15: {  	s14 =	sadd.s32 $0x13800, s15;
	s15 =	sadd.s32 s29, s26;
	s16 =	sadd.s32 s20, s17  }
0x16: {  	s17 =	sadd.s32 s31, s17;
	s20 =	simm.s32 $0x100;
	s18 =	sadd.s32 s3, s15  }
0x17: {  	s24 =	simm.s32 $0x4;
	s26 =	simm.s32 $0x3;
	s18 =	sadd.s32 $0x5040, s18  }
.LBB2_1:
0x18: {  	s29 =	sshrl.u32 @!p0 s1, $0x3;
	s0 =	simm.s32 @!p0 $0x1C05;
	s4 =	rddreg [dreg:$0x3]  }
0x19: {  	[spmem:s29], [sflag:s0] =	dma.local @!p0 [hbm:s4], $0x27100  }
0x1a: {  	s0 =	simm.s32 @!p0 $0x5  }
0x1b: {  	_ =	swait.ge @!p0 [sflag:s0], $0x27100  }
0x1c: {  	[sflag:s0] =	ssyncset.done @!p0 $0x0  }
0x1d: {  	[sflag:s0] =	ssyncadd.s32 @!p0 $0xFFFD8F00  }
0x1e: {  	[bflag:$0x0] =	sbarrier.arrive $0xFFFF  }
0x1f: {  	s5 =	rddreg [dreg:$0x4]  }
0x20: {  	[tilespmem:s2], [sflag:$0x5] =	stream.linear.gather [hbm4b:s5+s2], $0x80, $0x38;
	[tilespmem:$0x1B980] =	vst v63  }
0x21: {  	_ =	swait.ge [sflag:s19], $0x80  }
0x22: {  	[sflag:s19] =	ssyncset.done $0x0  }
0x23: {  	s6 =	rddreg [dreg:$0x5];
	[sflag:s19] =	ssyncadd.s32 $0xFFFFFF80  }
0x24: {  	[tilespmem:s20], [sflag:$0x5] =	stream.linear.gather [hbm4b:s6+s2], $0x4000, $0x38;
	[tilespmem:$0x1B980] =	vst v63  }
0x25: {  	_ =	swait.ge [sflag:s19], $0x4000  }
0x26: {  	[sflag:s19] =	ssyncset.done $0x0  }
0x27: {  	[sflag:s19] =	ssyncadd.s32 $0xFFFFC000  }
0x28: {  	[tilespmem:s21], [sflag:$0x2] =	stream.linear.gather [hbm4b:s9+s2], $0x80, $0x38;
	[tilespmem:$0x1B980] =	vst v63  }
0x29: {  	_ = 	snop  }
0x2a: {  	[tilespmem:s22], [sflag:$0x4] =	stream.linear.gather [hbm4b:s10+s2], $0x4000, $0x38;
	[tilespmem:$0x1B980] =	vst v63  }
0x2b: {  	_ = 	snop  }
0x2c: {  	[spmem:s1] =	stream.indirect.scatter.add.f32 [tilespmem:s20], [sflag:$0x5], $0x80, s2, s21, $0xb8;
	[tilespmem:$0x1B980] =	vst v63  }
0x2d: {  	_ =	swait.ge [sflag:s19], $0x4000  }
0x2e: {  	[sflag:s19] =	ssyncset.done $0x0  }
0x2f: {  	[sflag:s19] =	ssyncadd.s32 $0xFFFFC000  }
0x30: {  	_ =	swait.ge [sflag:s23], $0x80  }
0x31: {  	[sflag:s23] =	ssyncset.done $0x0  }
0x32: {  	[sflag:s23] =	ssyncadd.s32 $0xFFFFFF80  }
0x33: {  	_ =	swait.ge [sflag:s24], $0x4000  }
0x34: {  	[sflag:s24] =	ssyncset.done $0x0  }
0x35: {  	[sflag:s24] =	ssyncadd.s32 $0xFFFFC000  }
0x36: {  	[tilespmem:s2], [sflag:$0x1] =	stream.linear.gather [hbm4b:s11+s2], $0x80, $0x38;
	[tilespmem:$0x1B980] =	vst v63  }
0x37: {  	_ = 	snop  }
0x38: {  	[tilespmem:s20], [sflag:$0x3] =	stream.linear.gather [hbm4b:s12+s2], $0x4000, $0x38;
	[tilespmem:$0x1B980] =	vst v63  }
0x39: {  	_ = 	snop  }
0x3a: {  	[spmem:s1] =	stream.indirect.scatter.add.f32 [tilespmem:s22], [sflag:$0x5], $0x80, s21, s21, $0xb8;
	[tilespmem:$0x1B980] =	vst v63  }
0x3b: {  	_ =	swait.ge [sflag:s19], $0x4000  }
0x3c: {  	[sflag:s19] =	ssyncset.done $0x0  }
0x3d: {  	[sflag:s19] =	ssyncadd.s32 $0xFFFFC000  }
0x3e: {  	_ =	swait.ge [sflag:s25], $0x80  }
0x3f: {  	s30 =	sadd.s32 $0x0, s15;
	s0 =	simm.s32 $0x20;
	[sflag:s25] =	ssyncset.done $0x0  }
0x40: {  	s30 =	sadd.s32 $0x5020, s30;
	s31 =	sand.u32 $0x60, s0;
	[sflag:s25] =	ssyncadd.s32 $0xFFFFFF80  }
0x41: {  	s30 =	sand.u32 $0xFFFFF80, s30;
	s31 =	sadd.s32 s31, s3;
	_ =	swait.ge [sflag:s26], $0x4000  }
0x42: {  	s30 =	sadd.s32 s30, s31;
	[sflag:s26] =	ssyncset.done $0x0  }
0x43: {  	s30 =	sadd.s32 $0x10, s30;
	[sflag:s26] =	ssyncadd.s32 $0xFFFFC000  }
0x44: {  	[tilespmem:s21], [sflag:$0x2] =	stream.linear.gather [hbm4b:s30+s2], $0x80, $0x38;
	[tilespmem:$0x1B980] =	vst v63  }
0x45: {  	_ = 	snop  }
0x46: {  	[tilespmem:s22], [sflag:$0x4] =	stream.linear.gather [hbm4b:s17+s2], $0x4000, $0x38;
	[tilespmem:$0x1B980] =	vst v63  }
0x47: {  	_ = 	snop  }
0x48: {  	[spmem:s1] =	stream.indirect.scatter.add.f32 [tilespmem:s20], [sflag:$0x5], $0x80, s2, s21, $0xb8;
	[tilespmem:$0x1B980] =	vst v63  }
0x49: {  	_ =	swait.ge [sflag:s19], $0x4000  }
0x4a: {  	[sflag:s19] =	ssyncset.done $0x0  }
0x4b: {  	[sflag:s19] =	ssyncadd.s32 $0xFFFFC000  }
0x4c: {  	_ =	swait.ge [sflag:s23], $0x80  }
0x4d: {  	[sflag:s23] =	ssyncset.done $0x0  }
0x4e: {  	[sflag:s23] =	ssyncadd.s32 $0xFFFFFF80  }
0x4f: {  	_ =	swait.ge [sflag:s24], $0x4000  }
0x50: {  	[sflag:s24] =	ssyncset.done $0x0  }
0x51: {  	s30 =	sadd.s32 $0x0, s18;
	[sflag:s24] =	ssyncadd.s32 $0xFFFFC000  }
0x52: {  	[tilespmem:s2], [sflag:$0x1] =	stream.linear.gather [hbm4b:s30+s2], $0x80, $0x38;
	[tilespmem:$0x1B980] =	vst v63  }
0x53: {  	_ = 	snop  }
0x54: {  	[tilespmem:s20], [sflag:$0x3] =	stream.linear.gather [hbm4b:s16+s2], $0x4000, $0x38;
	[tilespmem:$0x1B980] =	vst v63  }
0x55: {  	_ = 	snop  }
0x56: {  	[spmem:s1] =	stream.indirect.scatter.add.f32 [tilespmem:s22], [sflag:$0x5], $0x80, s21, s21, $0xb8;
	[tilespmem:$0x1B980] =	vst v63  }
0x57: {  	_ =	swait.ge [sflag:s19], $0x4000  }
0x58: {  	s31 =	smov.u32 s16;
	s30 =	sadd.s32 $0x1000, s17;
	[sflag:s19] =	ssyncset.done $0x0  }
.LBB2_2:
0x59: {  	[sflag:s19] =	ssyncadd.s32 $0xFFFFC000  }
0x5a: {  	s31 =	sadd.s32 $0x1000, s31;
	s4 =	smov.u32 s0;
	s5 =	sadd.s32 $0x20, s0  }
0x5b: {  	p1 =	sne.s32 s0, $0x220;
	s6 =	sand.u32 $0x60, s5  }
0x5c: {  	_ =	swait.ge [sflag:s25], $0x80  }
0x5d: {  	s0 =	sadd.s32 s4, s15;
	[sflag:s25] =	ssyncset.done $0x0  }
0x5e: {  	s0 =	sadd.s32 $0x5020, s0;
	[sflag:s25] =	ssyncadd.s32 $0xFFFFFF80  }
0x5f: {  	s6 =	sadd.s32 s6, s3;
	s0 =	sand.u32 $0xFFFFF80, s0;
	_ =	swait.ge [sflag:s26], $0x4000  }
0x60: {  	s0 =	sadd.s32 s0, s6;
	[sflag:s26] =	ssyncset.done $0x0  }
0x61: {  	s0 =	sadd.s32 $0x10, s0;
	[sflag:s26] =	ssyncadd.s32 $0xFFFFC000  }
0x62: {  	[tilespmem:s21], [sflag:$0x2] =	stream.linear.gather [hbm4b:s0+s2], $0x80, $0x38;
	[tilespmem:$0x1B980] =	vst v63  }
0x63: {  	_ = 	snop  }
0x64: {  	[tilespmem:s22], [sflag:$0x4] =	stream.linear.gather [hbm4b:s30+s2], $0x4000, $0x38;
	[tilespmem:$0x1B980] =	vst v63  }
0x65: {  	_ = 	snop  }
0x66: {  	[spmem:s1] =	stream.indirect.scatter.add.f32 [tilespmem:s20], [sflag:$0x5], $0x80, s2, s21, $0xb8;
	[tilespmem:$0x1B980] =	vst v63  }
0x67: {  	_ =	swait.ge [sflag:s19], $0x4000  }
0x68: {  	[sflag:s19] =	ssyncset.done $0x0  }
0x69: {  	[sflag:s19] =	ssyncadd.s32 $0xFFFFC000  }
0x6a: {  	_ =	swait.ge [sflag:s23], $0x80  }
0x6b: {  	[sflag:s23] =	ssyncset.done $0x0  }
0x6c: {  	[sflag:s23] =	ssyncadd.s32 $0xFFFFFF80  }
0x6d: {  	_ =	swait.ge [sflag:s24], $0x4000  }
0x6e: {  	[sflag:s24] =	ssyncset.done $0x0  }
0x6f: {  	s0 =	sadd.s32 s4, s18;
	[sflag:s24] =	ssyncadd.s32 $0xFFFFC000  }
0x70: {  	[tilespmem:s2], [sflag:$0x1] =	stream.linear.gather [hbm4b:s0+s2], $0x80, $0x38;
	[tilespmem:$0x1B980] =	vst v63  }
0x71: {  	_ = 	snop  }
0x72: {  	[tilespmem:s20], [sflag:$0x3] =	stream.linear.gather [hbm4b:s31+s2], $0x4000, $0x38;
	[tilespmem:$0x1B980] =	vst v63  }
.Ltmp0:
0x73: {  	_ = 	snop;
	(pc) =	sbr.rel @p1 .LBB2_2-.Ltmp0, $4  }
0x74: {  	_ = 	snop  }
0x75: {  	[spmem:s1] =	stream.indirect.scatter.add.f32 [tilespmem:s22], [sflag:$0x5], $0x80, s21, s21, $0xb8;
	[tilespmem:$0x1B980] =	vst v63  }
0x76: {  	_ =	swait.ge [sflag:s19], $0x4000  }
0x77: {  	s30 =	sadd.s32 $0x1000, s30;
	s0 =	smov.u32 s5;
	[sflag:s19] =	ssyncset.done $0x0  }
0x78: {  	[sflag:s19] =	ssyncadd.s32 $0xFFFFC000  }
0x79: {  	_ =	swait.ge [sflag:s25], $0x80  }
0x7a: {  	[sflag:s25] =	ssyncset.done $0x0  }
0x7b: {  	[sflag:s25] =	ssyncadd.s32 $0xFFFFFF80  }
0x7c: {  	_ =	swait.ge [sflag:s26], $0x4000  }
0x7d: {  	[sflag:s26] =	ssyncset.done $0x0  }
0x7e: {  	[sflag:s26] =	ssyncadd.s32 $0xFFFFC000  }
0x7f: {  	[tilespmem:s21], [sflag:$0x2] =	stream.linear.gather [hbm4b:s13+s2], $0x80, $0x38;
	[tilespmem:$0x1B980] =	vst v63  }
0x80: {  	_ = 	snop  }
0x81: {  	[tilespmem:s22], [sflag:$0x4] =	stream.linear.gather [hbm4b:s14+s2], $0x4000, $0x38;
	[tilespmem:$0x1B980] =	vst v63  }
0x82: {  	_ = 	snop  }
0x83: {  	[spmem:s1] =	stream.indirect.scatter.add.f32 [tilespmem:s20], [sflag:$0x5], $0x80, s2, s21, $0xb8;
	[tilespmem:$0x1B980] =	vst v63  }
0x84: {  	_ =	swait.ge [sflag:s19], $0x4000  }
0x85: {  	[sflag:s19] =	ssyncset.done $0x0  }
0x86: {  	[sflag:s19] =	ssyncadd.s32 $0xFFFFC000  }
0x87: {  	_ =	swait.ge [sflag:s23], $0x80  }
0x88: {  	[sflag:s23] =	ssyncset.done $0x0  }
0x89: {  	[sflag:s23] =	ssyncadd.s32 $0xFFFFFF80  }
0x8a: {  	_ =	swait.ge [sflag:s24], $0x4000  }
0x8b: {  	[sflag:s24] =	ssyncset.done $0x0  }
0x8c: {  	[sflag:s24] =	ssyncadd.s32 $0xFFFFC000  }
0x8d: {  	[spmem:s1] =	stream.indirect.scatter.add.f32 [tilespmem:s22], [sflag:$0x5], $0x80, s21, s21, $0xb8;
	[tilespmem:$0x1B980] =	vst v63  }
0x8e: {  	_ =	swait.ge [sflag:s19], $0x4000  }
0x8f: {  	[sflag:s19] =	ssyncset.done $0x0  }
0x90: {  	s28 =	sadd.s32 $0x1, s28;
	[sflag:s19] =	ssyncadd.s32 $0xFFFFC000  }
0x91: {  	s0 =	simm.s32 @!p0 $0x1C05;
	p1 =	sne.s32 s28, s8;
	[bflag:$0x0] =	sbarrier.arrive $0xFFFF  }
0x92: {  	[hbm:s7], [sflag:s0] =	dma.local @!p0 [spmem:s29], $0x27100  }
.Ltmp1:
0x93: {  	_ = 	snop;
	(pc) =	sbr.rel @p1 .LBB2_1-.Ltmp1, $4  }
0x94: {  	s0 =	simm.s32 @!p0 $0x5  }
0x95: {  	_ =	swait.ge @!p0 [sflag:s0], $0x27100  }
0x96: {  	[sflag:s0] =	ssyncset.done @!p0 $0x0  }
0x97: {  	[sflag:s0] =	ssyncadd.s32 @!p0 $0xFFFD8F00  }
0x98: {  	_ =	sfence.sel $0x180000  }
0x99: {  	[bflag:$0x0] =	sbarrier.arrive $0xFFFF  }
0x9a: {  	_ =	strace $0x90000059  }
0x9b: {  	[bflag:$0x2] =	sbarrier.arrive $0xFFFF  }
0x9c: {  	s0 =	rddreg [dreg:$0x2]  }
0x9d: {  	s0 =	sadd.s32 @!p0 $0x100000, s0  }
0x9e: {  	[sflag:s0] =	ssyncadd.tile.s32 @!p0 $0x1;
	_ =	shalt  }
.Lfunc_end2:
_tile_overlayer_lowered:
.L_overlay_start_2:
0x9f: {  	(tag) =	ssettag $0x2  }
0xa0: {  	s0 =	rddreg [dreg:$0x0];
	s2 =	stileid.u32  }
0xa1: {  	s1 =	rddreg [dreg:$0x1];
	p0 =	sne.s32 s2, $0x0  }
0xa2: {  	s3 =	rddreg [dreg:$0x2];
	[bflag:$0x3] =	sbarrier.arrive $0xFFFF;
	s2 =	simm.s32 @!p0 $0x1C05  }
0xa3: {  	[timem:s3], [sflag:s2] =	dma.local @!p0 [hbm:s0], s1  }
0xa4: {  	s0 =	simm.s32 @!p0 $0x5  }
0xa5: {  	_ =	swait.ge @!p0 [sflag:s0], s1  }
0xa6: {  	s1 =	ssub.s32 @!p0 $0x0, s1;
	[sflag:s0] =	ssyncset.done @!p0 $0x0  }
0xa7: {  	[sflag:s0] =	ssyncadd.s32 @!p0 s1  }
0xa8: {  	[bflag:$0x3] =	sbarrier.arrive $0xFFFF  }
0xa9: {  	_ =	shalt  }

</sc_bundles>
